<compile_context>
chip_gen: v7x
topology: tpu7x:2x2x1
jax: 0.10.2.dev20260603
libtpu: 0.0.44.dev20260713+nightly
codegen_flags: <defaults>
</compile_context>

<pallas_src>
import functools

import jax
import jax.numpy as jnp
import numpy as np
from jax import lax
from jax.experimental import pallas as pl
from jax.experimental.pallas import tpu as pltpu
from jax.experimental.pallas import tpu_sc as plsc

N = 10000
E = 320000
NODE_DIM = 128
EDGE_DIM = 16
HIDDEN = 64
OUT_DIM = 21

NC = 2
NS = 16
NW = NC * NS
GROUP = 128
ROWS_PER_SUB = 80
R_PAD = NW * ROWS_PER_SUB
E_PAD = R_PAD * GROUP
N_PAD = 10112
ZROWS = N_PAD // NS
BE = 2560
BN = 2000


def _leaky(v):
    return jnp.where(v > 0, v, 0.2 * v)



def _node_encode_body(x_ref, w_ref, b_ref, wp_ref, bp_ref, o_ref, op_ref):
    x = x_ref[...]
    h = jnp.dot(x, w_ref[...], preferred_element_type=jnp.float32)
    o_ref[...] = _leaky(h + b_ref[...])
    hp = jnp.dot(x, wp_ref[...], preferred_element_type=jnp.float32)
    op_ref[...] = _leaky(hp + bp_ref[...]).astype(jnp.bfloat16)


def _edge_encode_body(ea_ref, we_ref, be_ref, w1_ref, b1_ref, w2_ref, b2_ref,
                      o_ref):
    e = jnp.dot(ea_ref[...], we_ref[...], preferred_element_type=jnp.float32)
    e = _leaky(e + be_ref[...])
    el1 = jnp.dot(e, w1_ref[...], preferred_element_type=jnp.float32) + b1_ref[...]
    el2 = jnp.dot(e, w2_ref[...], preferred_element_type=jnp.float32) + b2_ref[...]
    o_ref[...] = jnp.concatenate([el1, el2], axis=1).astype(jnp.bfloat16)


def _node_mlp_body(h_ref, a0_ref, a1_ref, w1_ref, b1_ref, w2_ref, b2_ref,
                   w2p_ref, b2p_ref, o_ref, op_ref):
    t = h_ref[...] + a0_ref[...] + a1_ref[...]
    t = _leaky(jnp.dot(t, w1_ref[...], preferred_element_type=jnp.float32) + b1_ref[...])
    u = jnp.dot(t, w2_ref[...], preferred_element_type=jnp.float32) + b2_ref[...]
    o_ref[...] = _leaky(u)
    up = jnp.dot(t, w2p_ref[...], preferred_element_type=jnp.float32) + b2p_ref[...]
    op_ref[...] = _leaky(up).astype(jnp.bfloat16)


def _node_mlp_out_body(h_ref, a0_ref, a1_ref, w1_ref, b1_ref, w2_ref, b2_ref,
                       wo_ref, bo_ref, o_ref):
    t = h_ref[...] + a0_ref[...] + a1_ref[...]
    t = _leaky(jnp.dot(t, w1_ref[...], preferred_element_type=jnp.float32) + b1_ref[...])
    t = jnp.dot(t, w2_ref[...], preferred_element_type=jnp.float32) + b2_ref[...]
    t = _leaky(t)
    o_ref[...] = jnp.dot(t, wo_ref[...], preferred_element_type=jnp.float32) + bo_ref[...]


def _full(shape):
    return pl.BlockSpec(shape, lambda i: (0, 0))


def _rows(bs, width):
    return pl.BlockSpec((bs, width), lambda i: (i, 0))


def _node_encode(x, w, b, wp, bp):
    return pl.pallas_call(
        _node_encode_body,
        grid=(N // BN,),
        in_specs=[_rows(BN, NODE_DIM), _full((NODE_DIM, HIDDEN)), _full((1, HIDDEN)),
                  _full((NODE_DIM, HIDDEN)), _full((1, HIDDEN))],
        out_specs=[_rows(BN, HIDDEN), _rows(BN, HIDDEN)],
        out_shape=[jax.ShapeDtypeStruct((N, HIDDEN), jnp.float32),
                   jax.ShapeDtypeStruct((N, HIDDEN), jnp.bfloat16)],
    )(x, w, b, wp, bp)


def _edge_encode(ea, we, be, w1, b1, w2, b2):
    return pl.pallas_call(
        _edge_encode_body,
        grid=(E // BE,),
        in_specs=[_rows(BE, EDGE_DIM), _full((EDGE_DIM, HIDDEN)), _full((1, HIDDEN)),
                  _full((HIDDEN, HIDDEN)), _full((1, HIDDEN)),
                  _full((HIDDEN, HIDDEN)), _full((1, HIDDEN))],
        out_specs=_rows(BE, 2 * HIDDEN),
        out_shape=jax.ShapeDtypeStruct((E, 2 * HIDDEN), jnp.bfloat16),
    )(ea, we, be, w1, b1, w2, b2)


def _node_mlp(h, a0, a1, w1, b1, w2, b2, w2p, b2p):
    return pl.pallas_call(
        _node_mlp_body,
        grid=(N // BN,),
        in_specs=[_rows(BN, HIDDEN)] * 3
        + [_full((HIDDEN, HIDDEN)), _full((1, HIDDEN)),
           _full((HIDDEN, HIDDEN)), _full((1, HIDDEN)),
           _full((HIDDEN, HIDDEN)), _full((1, HIDDEN))],
        out_specs=[_rows(BN, HIDDEN), _rows(BN, HIDDEN)],
        out_shape=[jax.ShapeDtypeStruct((N, HIDDEN), jnp.float32),
                   jax.ShapeDtypeStruct((N, HIDDEN), jnp.bfloat16)],
    )(h, a0, a1, w1, b1, w2, b2, w2p, b2p)


def _node_mlp_out(h, a0, a1, w1, b1, w2, b2, wo, bo):
    return pl.pallas_call(
        _node_mlp_out_body,
        grid=(N // BN,),
        in_specs=[_rows(BN, HIDDEN)] * 3
        + [_full((HIDDEN, HIDDEN)), _full((1, HIDDEN)),
           _full((HIDDEN, HIDDEN)), _full((1, HIDDEN)),
           _full((HIDDEN, 128)), _full((1, 128))],
        out_specs=_rows(BN, 128),
        out_shape=jax.ShapeDtypeStruct((N, 128), jnp.float32),
    )(h, a0, a1, w1, b1, w2, b2, wo, bo)



NB = 4
NSTEP = ROWS_PER_SUB // NB


EDGES_PER_SUB = ROWS_PER_SUB * GROUP
MAX_OFF_G = (E - EDGES_PER_SUB) // GROUP

_PERM = np.empty((HIDDEN,), np.int32)
for _j in range(HIDDEN // 32):
    for _i in range(16):
        _PERM[32 * _j + 2 * _i] = 32 * _j + _i
        _PERM[32 * _j + 2 * _i + 1] = 32 * _j + 16 + _i


def _sc_body(h_hbm, el_hbm, ei_hbm, out_hbm, *scr, half):
    isrc = scr[0]
    idst = scr[1]
    el = scr[2:6]
    gb = scr[6:10]
    g = scr[10:14]
    sem_s = scr[14]
    sem_d = scr[15]
    es = scr[16:20]
    gs = scr[20:24]
    ss = scr[24:28]
    agg = scr[28]

    c = lax.axis_index("c")
    s = lax.axis_index("s")

    base = (c * NS + s) * ROWS_PER_SUB
    off_g = jnp.minimum(base, MAX_OFF_G)
    r0 = base - off_g
    nsteps = (ROWS_PER_SUB - r0) // NB

    pltpu.async_copy(ei_hbm.at[0].at[pl.ds(off_g * GROUP, EDGES_PER_SUB)], isrc, sem_s)
    pltpu.async_copy(ei_hbm.at[1].at[pl.ds(off_g * GROUP, EDGES_PER_SUB)], idst, sem_d)

    zt = g[3]

    def zbody(i, carry):
        for k in range(HIDDEN // 16):
            zt[i, pl.ds(k * 16, 16)] = jnp.zeros((16,), jnp.float32)
        return carry
    lax.fori_loop(0, GROUP, zbody, 0, unroll=2)
    for k in range(ZROWS // GROUP):
        pltpu.sync_copy(zt, agg.at[pl.ds(s * ZROWS + k * GROUP, GROUP)])
    _zrem = ZROWS % GROUP
    if _zrem:
        pltpu.sync_copy(zt.at[pl.ds(0, _zrem)],
                        agg.at[pl.ds(s * ZROWS + (ZROWS // GROUP) * GROUP, _zrem)])

    pltpu.make_async_copy(ei_hbm.at[0].at[pl.ds(0, EDGES_PER_SUB)], isrc, sem_s).wait()
    pltpu.make_async_copy(ei_hbm.at[1].at[pl.ds(0, EDGES_PER_SUB)], idst, sem_d).wait()
    plsc.subcore_barrier()

    hsl = pl.ds(half * HIDDEN, HIDDEN)

    def start(r, bi):
        pltpu.async_copy(el_hbm.at[pl.ds((off_g + r) * GROUP, GROUP), hsl],
                         el[bi], es[bi])
        pltpu.async_copy(h_hbm.at[isrc.at[pl.ds(r * GROUP, GROUP)]], gb[bi], gs[bi])

    def wait_inputs(b):
        pltpu.make_async_copy(el_hbm.at[pl.ds(0, GROUP), hsl], el[b], es[b]).wait()
        pltpu.make_async_copy(h_hbm.at[isrc.at[pl.ds(0, GROUP)]], gb[b], gs[b]).wait()

    def drain_scatter(bb):
        pltpu.make_async_copy(g[bb], agg.at[idst.at[pl.ds(0, GROUP)]], ss[bb]).wait()

    def compute(b):
        def cbody(i, carry):
            for j in range(HIDDEN // 32):
                ve = el[b][i, pl.ds(32 * j, 32)]
                vh = gb[b][i, pl.ds(32 * j, 32)]
                elo, ehi = plsc.unpack(ve, format=plsc.PackFormat.INTERLEAVED,
                                       preferred_element_type=jnp.float32)
                hlo, hhi = plsc.unpack(vh, format=plsc.PackFormat.INTERLEAVED,
                                       preferred_element_type=jnp.float32)
                g[b][i, pl.ds(32 * j, 16)] = jnp.maximum(hlo + elo, 0.0)
                g[b][i, pl.ds(32 * j + 16, 16)] = jnp.maximum(hhi + ehi, 0.0)
            return carry
        lax.fori_loop(0, GROUP, cbody, 0, unroll=2)

    start(r0, 0)
    start(r0 + 1, 1)

    def step_body(t, carry):
        for b in range(NB):
            r = r0 + t * NB + b
            nb = (b + 2) % NB
            wait_inputs(b)
            compute(b)
            pltpu.async_copy(g[b], agg.at[idst.at[pl.ds(r * GROUP, GROUP)]], ss[b],
                             add=True)
            if b >= 2:
                drain_scatter(nb)
                @pl.when(t < nsteps - 1)
                def _():
                    start(r + 2, nb)
            else:
                @pl.when(t > 0)
                def _():
                    drain_scatter(nb)
                start(r + 2, nb)
        return carry

    lax.fori_loop(0, nsteps, step_body, 0, unroll=False)
    drain_scatter(2)
    drain_scatter(3)

    plsc.subcore_barrier()
    pltpu.sync_copy(agg.at[pl.ds(s * ZROWS, ZROWS)],
                    out_hbm.at[pl.ds((c * N_PAD) + s * ZROWS, ZROWS)])


def _sc_aggregate(h, el, edge_index, half):
    return pl.kernel(
        functools.partial(_sc_body, half=half),
        out_type=jax.ShapeDtypeStruct((NC * N_PAD, HIDDEN), jnp.float32),
        mesh=plsc.VectorSubcoreMesh(core_axis_name="c", subcore_axis_name="s"),
        compiler_params=pltpu.CompilerParams(use_tc_tiling_on_sc=False,
                                             needs_layout_passes=False),
        scratch_types=(
            [pltpu.VMEM((EDGES_PER_SUB,), jnp.int32)] * 2
            + [pltpu.VMEM((GROUP, HIDDEN), jnp.bfloat16)] * 4
            + [pltpu.VMEM((GROUP, HIDDEN), jnp.bfloat16)] * 4
            + [pltpu.VMEM((GROUP, HIDDEN), jnp.float32)] * 4
            + [pltpu.SemaphoreType.DMA] * 14
            + [pltpu.VMEM_SHARED((N_PAD, HIDDEN), jnp.float32)]
        ),
    )(h, el, edge_index)



def kernel(x, edge_attr, edge_index, W_node, b_node, W_edge, b_edge,
           c1_lw, c1_lb, c1_w1, c1_b1, c1_w2, c1_b2,
           c2_lw, c2_lb, c2_w1, c2_b1, c2_w2, c2_b2,
           W_out, b_out):
    f32 = jnp.float32
    b_node2 = b_node.reshape(1, HIDDEN)
    b_edge2 = b_edge.reshape(1, HIDDEN)
    wo_p = jnp.zeros((HIDDEN, 128), f32).at[:, :OUT_DIM].set(W_out)
    bo_p = jnp.zeros((1, 128), f32).at[0, :OUT_DIM].set(b_out)

    h0, h0p = _node_encode(x, W_node, b_node2,
                           W_node[:, _PERM], b_node[_PERM].reshape(1, HIDDEN))
    el = _edge_encode(edge_attr, W_edge, b_edge2,
                      c1_lw[:, _PERM], c1_lb[_PERM].reshape(1, HIDDEN),
                      c2_lw[:, _PERM], c2_lb[_PERM].reshape(1, HIDDEN))

    agg = _sc_aggregate(h0p, el, edge_index, 0)
    h1, h1p = _node_mlp(h0, agg[:N], agg[N_PAD:N_PAD + N],
                        c1_w1, c1_b1.reshape(1, HIDDEN), c1_w2, c1_b2.reshape(1, HIDDEN),
                        c1_w2[:, _PERM], c1_b2[_PERM].reshape(1, HIDDEN))

    agg2 = _sc_aggregate(h1p, el, edge_index, 1)
    out_p = _node_mlp_out(h1, agg2[:N], agg2[N_PAD:N_PAD + N],
                          c2_w1, c2_b1.reshape(1, HIDDEN), c2_w2, c2_b2.reshape(1, HIDDEN),
                          wo_p, bo_p)
    return out_p[:, :OUT_DIM]

# --- scband reference (transcript-rebuilt; emitter-appended) ---
"""Pipeline reference for scband-contagion-gnn-26972394618971 (READ-ONLY COPY).

The authoritative reference and input builder live on the scoring server;
editing this copy changes nothing except your own understanding.
"""

import jax, jax.numpy as jnp
import numpy as np

N = 10000
E = 320000
NODE_DIM = 128
EDGE_DIM = 16
HIDDEN = 64
OUT_DIM = 21


def leaky(x):
    return jnp.where(x > 0, x, 0.2 * x)


def gine(x, src, dst, e, lw, lb, w1, b1, w2, b2):
    # GINEConv (eps=0): nn((1+eps)*x + sum_{j->i} relu(x_j + lin(e_ji)))
    m = jax.nn.relu(x[src] + e @ lw + lb)
    agg = jnp.zeros_like(x).at[dst].add(m)
    h = x + agg
    h = leaky(h @ w1 + b1)
    return h @ w2 + b2


def setup_inputs(seed: int = 0) -> dict:
    key = jax.random.key(seed)
    ks = jax.random.split(key, 24)

    def lin(i, fi, fo):
        lim = (1.0 / fi) ** 0.5
        W = jax.random.uniform(ks[i], (fi, fo), jnp.float32, -lim, lim)
        b = jax.random.uniform(ks[i + 1], (fo,), jnp.float32, -lim, lim)
        return W, b

    W_node, b_node = lin(2, NODE_DIM, HIDDEN)
    W_edge, b_edge = lin(4, EDGE_DIM, HIDDEN)
    c1_lw, c1_lb = lin(6, HIDDEN, HIDDEN)
    c1_w1, c1_b1 = lin(8, HIDDEN, HIDDEN)
    c1_w2, c1_b2 = lin(10, HIDDEN, HIDDEN)
    c2_lw, c2_lb = lin(12, HIDDEN, HIDDEN)
    c2_w1, c2_b1 = lin(14, HIDDEN, HIDDEN)
    c2_w2, c2_b2 = lin(16, HIDDEN, HIDDEN)
    W_out, b_out = lin(18, HIDDEN, OUT_DIM)
    return {
        "x": jax.random.normal(ks[0], (N, NODE_DIM), jnp.float32),
        "edge_attr": jax.random.normal(ks[1], (E, EDGE_DIM), jnp.float32),
        "edge_index": jax.random.randint(ks[20], (2, E), 0, N, dtype=jnp.int32),
        "W_node": W_node, "b_node": b_node,
        "W_edge": W_edge, "b_edge": b_edge,
        "c1_lw": c1_lw, "c1_lb": c1_lb, "c1_w1": c1_w1, "c1_b1": c1_b1, "c1_w2": c1_w2, "c1_b2": c1_b2,
        "c2_lw": c2_lw, "c2_lb": c2_lb, "c2_w1": c2_w1, "c2_b1": c2_b1, "c2_w2": c2_w2, "c2_b2": c2_b2,
        "W_out": W_out, "b_out": b_out,
    }


def reference(x, edge_attr, edge_index, W_node, b_node, W_edge, b_edge,
              c1_lw, c1_lb, c1_w1, c1_b1, c1_w2, c1_b2,
              c2_lw, c2_lb, c2_w1, c2_b1, c2_w2, c2_b2,
              W_out, b_out):
    src, dst = edge_index[0], edge_index[1]
    h = leaky(x @ W_node + b_node)
    e = leaky(edge_attr @ W_edge + b_edge)
    h = leaky(gine(h, src, dst, e, c1_lw, c1_lb, c1_w1, c1_b1, c1_w2, c1_b2))
    h = leaky(gine(h, src, dst, e, c2_lw, c2_lb, c2_w1, c2_b1, c2_w2, c2_b2))
    return h @ W_out + b_out

if __name__ == "__main__":
    import jax
    _d = setup_inputs()
    print(jax.jit(kernel)(*tuple(_d.values())))

</pallas_src>

<mosaic_0001>
#map = affine_map<(d0, d1) -> (0, 0)>
module attributes {stable_mosaic.version = 14 : i64} {
  func.func @_sc_body(%arg0: i32, %arg1: i32, %arg2: memref<10000x64xbf16, #tpu.memory_space<hbm>>, %arg3: memref<320000x128xbf16, #tpu.memory_space<hbm>>, %arg4: memref<2x320000xi32, #tpu.memory_space<hbm>>, %arg5: memref<20224x64xf32, #tpu.memory_space<hbm>>, %arg6: memref<10240xi32, #tpu.memory_space<vmem>>, %arg7: memref<10240xi32, #tpu.memory_space<vmem>>, %arg8: memref<128x64xbf16, #tpu.memory_space<vmem>>, %arg9: memref<128x64xbf16, #tpu.memory_space<vmem>>, %arg10: memref<128x64xbf16, #tpu.memory_space<vmem>>, %arg11: memref<128x64xbf16, #tpu.memory_space<vmem>>, %arg12: memref<128x64xbf16, #tpu.memory_space<vmem>>, %arg13: memref<128x64xbf16, #tpu.memory_space<vmem>>, %arg14: memref<128x64xbf16, #tpu.memory_space<vmem>>, %arg15: memref<128x64xbf16, #tpu.memory_space<vmem>>, %arg16: memref<128x64xf32, #tpu.memory_space<vmem>>, %arg17: memref<128x64xf32, #tpu.memory_space<vmem>>, %arg18: memref<128x64xf32, #tpu.memory_space<vmem>>, %arg19: memref<128x64xf32, #tpu.memory_space<vmem>>, %arg20: memref<!tpu.dma_semaphore, #tpu.memory_space<semaphore_mem>>, %arg21: memref<!tpu.dma_semaphore, #tpu.memory_space<semaphore_mem>>, %arg22: memref<!tpu.dma_semaphore, #tpu.memory_space<semaphore_mem>>, %arg23: memref<!tpu.dma_semaphore, #tpu.memory_space<semaphore_mem>>, %arg24: memref<!tpu.dma_semaphore, #tpu.memory_space<semaphore_mem>>, %arg25: memref<!tpu.dma_semaphore, #tpu.memory_space<semaphore_mem>>, %arg26: memref<!tpu.dma_semaphore, #tpu.memory_space<semaphore_mem>>, %arg27: memref<!tpu.dma_semaphore, #tpu.memory_space<semaphore_mem>>, %arg28: memref<!tpu.dma_semaphore, #tpu.memory_space<semaphore_mem>>, %arg29: memref<!tpu.dma_semaphore, #tpu.memory_space<semaphore_mem>>, %arg30: memref<!tpu.dma_semaphore, #tpu.memory_space<semaphore_mem>>, %arg31: memref<!tpu.dma_semaphore, #tpu.memory_space<semaphore_mem>>, %arg32: memref<!tpu.dma_semaphore, #tpu.memory_space<semaphore_mem>>, %arg33: memref<!tpu.dma_semaphore, #tpu.memory_space<semaphore_mem>>, %arg34: memref<10112x64xf32, #tpu.memory_space<vmem_shared>>) attributes {dimension_semantics = [#tpu.dimension_semantics<core_parallel>, #tpu.dimension_semantics<subcore_parallel>], iteration_bounds = array<i64: 2, 16>, scalar_prefetch = 0 : i64, scratch_operands = 29 : i64, tpu.core_type = #tpu.core_type<sc_vector_subcore>, window_params = [{transform_indices = #map}, {transform_indices = #map}, {transform_indices = #map}, {transform_indices = #map}]} {
    %mul3A = arith.constant 16 : i32
    %mul3A_0 = arith.muli %arg0, %mul3A : i32
    %add3A = arith.addi %mul3A_0, %arg1 : i32
    %mul3A_1 = arith.constant 80 : i32
    %mul3A_2 = arith.muli %add3A, %mul3A_1 : i32
    %min3A = arith.constant 2420 : i32
    %min3A_3 = arith.minsi %mul3A_2, %min3A : i32
    %sub3A = arith.subi %mul3A_2, %min3A_3 : i32
    %sub3A_4 = arith.constant 80 : i32
    %sub3A_5 = arith.subi %sub3A_4, %sub3A : i32
    %jit3A = arith.constant 4 : i32
    %div3A = arith.divsi %sub3A_5, %jit3A : i32
    %sign3A = arith.constant 0 : i32
    %sign3A_6 = arith.cmpi sgt, %sub3A_5, %sign3A : i32
    %sign3A_7 = arith.extui %sign3A_6 : i1 to i32
    %sign3A_8 = arith.constant 0 : i32
    %sign3A_9 = arith.cmpi slt, %sub3A_5, %sign3A_8 : i32
    %sign3A_10 = arith.extui %sign3A_9 : i1 to i32
    %sign3A_11 = arith.subi %sign3A_7, %sign3A_10 : i32
    %sign3A_12 = arith.constant 0 : i32
    %sign3A_13 = arith.cmpi sgt, %jit3A, %sign3A_12 : i32
    %sign3A_14 = arith.extui %sign3A_13 : i1 to i32
    %sign3A_15 = arith.constant 0 : i32
    %sign3A_16 = arith.cmpi slt, %jit3A, %sign3A_15 : i32
    %sign3A_17 = arith.extui %sign3A_16 : i1 to i32
    %sign3A_18 = arith.subi %sign3A_14, %sign3A_17 : i32
    %ne3A = arith.cmpi ne, %sign3A_11, %sign3A_18 : i32
    %rem3A = arith.remsi %sub3A_5, %jit3A : i32
    %ne3A_19 = arith.constant 0 : i32
    %ne3A_20 = arith.cmpi ne, %rem3A, %ne3A_19 : i32
    %and3A = arith.andi %ne3A, %ne3A_20 : i1
    %sub3A_21 = arith.constant 1 : i32
    %sub3A_22 = arith.subi %div3A, %sub3A_21 : i32
    %select_n3A = arith.select %and3A, %sub3A_22, %div3A : i32
    %mul3A_23 = arith.constant 128 : i32
    %mul3A_24 = arith.muli %min3A_3, %mul3A_23 : i32
    %dma_start3A = arith.constant 0 : i32
    %dma_start3A_25 = arith.constant 0 : i32
    %dma_start3A_26 = tpu.memref_slice %arg4[%dma_start3A, %dma_start3A_25] : memref<2x320000xi32, #tpu.memory_space<hbm>> -> memref<1x320000xi32, #tpu.memory_space<hbm>>
    %dma_start3A_27 = tpu.memref_squeeze %dma_start3A_26 : memref<1x320000xi32, #tpu.memory_space<hbm>> -> memref<320000xi32, #tpu.memory_space<hbm>>
    %dma_start3A_28 = tpu.memref_slice %dma_start3A_27[%mul3A_24] : memref<320000xi32, #tpu.memory_space<hbm>> -> memref<10240xi32, #tpu.memory_space<hbm>>
    %dma_start3A_29 = arith.constant 0 : i32
    %dma_start3A_30 = tpu.memref_slice %arg4[%dma_start3A, %dma_start3A_29] : memref<2x320000xi32, #tpu.memory_space<hbm>> -> memref<1x320000xi32, #tpu.memory_space<hbm>>
    %dma_start3A_31 = tpu.memref_squeeze %dma_start3A_30 : memref<1x320000xi32, #tpu.memory_space<hbm>> -> memref<320000xi32, #tpu.memory_space<hbm>>
    %dma_start3A_32 = tpu.memref_slice %dma_start3A_31[%mul3A_24] : memref<320000xi32, #tpu.memory_space<hbm>> -> memref<10240xi32, #tpu.memory_space<hbm>>
    tpu.enqueue_dma source(%dma_start3A_32 : memref<10240xi32, #tpu.memory_space<hbm>>) target(%arg6 : memref<10240xi32, #tpu.memory_space<vmem>>) target_semaphore(%arg20 : memref<!tpu.dma_semaphore, #tpu.memory_space<semaphore_mem>>)
    %mul3A_33 = arith.constant 128 : i32
    %mul3A_34 = arith.muli %min3A_3, %mul3A_33 : i32
    %dma_start3A_35 = arith.constant 1 : i32
    %dma_start3A_36 = arith.constant 0 : i32
    %dma_start3A_37 = tpu.memref_slice %arg4[%dma_start3A_35, %dma_start3A_36] : memref<2x320000xi32, #tpu.memory_space<hbm>> -> memref<1x320000xi32, #tpu.memory_space<hbm>>
    %dma_start3A_38 = tpu.memref_squeeze %dma_start3A_37 : memref<1x320000xi32, #tpu.memory_space<hbm>> -> memref<320000xi32, #tpu.memory_space<hbm>>
    %dma_start3A_39 = tpu.memref_slice %dma_start3A_38[%mul3A_34] : memref<320000xi32, #tpu.memory_space<hbm>> -> memref<10240xi32, #tpu.memory_space<hbm>>
    %dma_start3A_40 = arith.constant 0 : i32
    %dma_start3A_41 = tpu.memref_slice %arg4[%dma_start3A_35, %dma_start3A_40] : memref<2x320000xi32, #tpu.memory_space<hbm>> -> memref<1x320000xi32, #tpu.memory_space<hbm>>
    %dma_start3A_42 = tpu.memref_squeeze %dma_start3A_41 : memref<1x320000xi32, #tpu.memory_space<hbm>> -> memref<320000xi32, #tpu.memory_space<hbm>>
    %dma_start3A_43 = tpu.memref_slice %dma_start3A_42[%mul3A_34] : memref<320000xi32, #tpu.memory_space<hbm>> -> memref<10240xi32, #tpu.memory_space<hbm>>
    tpu.enqueue_dma source(%dma_start3A_43 : memref<10240xi32, #tpu.memory_space<hbm>>) target(%arg7 : memref<10240xi32, #tpu.memory_space<vmem>>) target_semaphore(%arg21 : memref<!tpu.dma_semaphore, #tpu.memory_space<semaphore_mem>>)
    %scan3A = arith.constant 0 : i32
    %scan3A_44 = arith.constant 0 : i32
    %scan3A_45 = arith.constant 128 : i32
    %scan3A_46 = arith.addi %scan3A_44, %scan3A_45 : i32
    %scan3A_47 = arith.constant 2 : i32
    scf.for %scan3A_145 = %scan3A_44 to %scan3A_46 step %scan3A_47  : i32 {
      %broadcast_in_dim3A = arith.constant 0.000000e+00 : f32
      %broadcast_in_dim3A_146 = vector.broadcast %broadcast_in_dim3A : f32 to vector<16xf32>
      %swap3A = arith.index_cast %scan3A_145 : i32 to index
      %swap3A_147 = arith.constant 0 : index
      %swap3A_148 = tpu.vector_load %arg19[%swap3A, %swap3A_147] {strides = array<i32>} : memref<128x64xf32, #tpu.memory_space<vmem>>, vector<16xf32>,
      tpu.vector_store %arg19[%swap3A, %swap3A_147], %broadcast_in_dim3A_146 {strides = array<i32>} : memref<128x64xf32, #tpu.memory_space<vmem>>, vector<16xf32>,
      %broadcast_in_dim3A_149 = arith.constant 0.000000e+00 : f32
      %broadcast_in_dim3A_150 = vector.broadcast %broadcast_in_dim3A_149 : f32 to vector<16xf32>
      %swap3A_151 = arith.index_cast %scan3A_145 : i32 to index
      %swap3A_152 = arith.constant 16 : index
      %swap3A_153 = tpu.vector_load %arg19[%swap3A_151, %swap3A_152] {strides = array<i32>} : memref<128x64xf32, #tpu.memory_space<vmem>>, vector<16xf32>,
      tpu.vector_store %arg19[%swap3A_151, %swap3A_152], %broadcast_in_dim3A_150 {strides = array<i32>} : memref<128x64xf32, #tpu.memory_space<vmem>>, vector<16xf32>,
      %broadcast_in_dim3A_154 = arith.constant 0.000000e+00 : f32
      %broadcast_in_dim3A_155 = vector.broadcast %broadcast_in_dim3A_154 : f32 to vector<16xf32>
      %swap3A_156 = arith.index_cast %scan3A_145 : i32 to index
      %swap3A_157 = arith.constant 32 : index
      %swap3A_158 = tpu.vector_load %arg19[%swap3A_156, %swap3A_157] {strides = array<i32>} : memref<128x64xf32, #tpu.memory_space<vmem>>, vector<16xf32>,
      tpu.vector_store %arg19[%swap3A_156, %swap3A_157], %broadcast_in_dim3A_155 {strides = array<i32>} : memref<128x64xf32, #tpu.memory_space<vmem>>, vector<16xf32>,
      %broadcast_in_dim3A_159 = arith.constant 0.000000e+00 : f32
      %broadcast_in_dim3A_160 = vector.broadcast %broadcast_in_dim3A_159 : f32 to vector<16xf32>
      %swap3A_161 = arith.index_cast %scan3A_145 : i32 to index
      %swap3A_162 = arith.constant 48 : index
      %swap3A_163 = tpu.vector_load %arg19[%swap3A_161, %swap3A_162] {strides = array<i32>} : memref<128x64xf32, #tpu.memory_space<vmem>>, vector<16xf32>,
      tpu.vector_store %arg19[%swap3A_161, %swap3A_162], %broadcast_in_dim3A_160 {strides = array<i32>} : memref<128x64xf32, #tpu.memory_space<vmem>>, vector<16xf32>,
      %scan3A_164 = arith.constant 1 : i32
      %scan3A_165 = arith.addi %scan3A_145, %scan3A_164 : i32
      %broadcast_in_dim3A_166 = arith.constant 0.000000e+00 : f32
      %broadcast_in_dim3A_167 = vector.broadcast %broadcast_in_dim3A_166 : f32 to vector<16xf32>
      %swap3A_168 = arith.index_cast %scan3A_165 : i32 to index
      %swap3A_169 = arith.constant 0 : index
      %swap3A_170 = tpu.vector_load %arg19[%swap3A_168, %swap3A_169] {strides = array<i32>} : memref<128x64xf32, #tpu.memory_space<vmem>>, vector<16xf32>,
      tpu.vector_store %arg19[%swap3A_168, %swap3A_169], %broadcast_in_dim3A_167 {strides = array<i32>} : memref<128x64xf32, #tpu.memory_space<vmem>>, vector<16xf32>,
      %broadcast_in_dim3A_171 = arith.constant 0.000000e+00 : f32
      %broadcast_in_dim3A_172 = vector.broadcast %broadcast_in_dim3A_171 : f32 to vector<16xf32>
      %swap3A_173 = arith.index_cast %scan3A_165 : i32 to index
      %swap3A_174 = arith.constant 16 : index
      %swap3A_175 = tpu.vector_load %arg19[%swap3A_173, %swap3A_174] {strides = array<i32>} : memref<128x64xf32, #tpu.memory_space<vmem>>, vector<16xf32>,
      tpu.vector_store %arg19[%swap3A_173, %swap3A_174], %broadcast_in_dim3A_172 {strides = array<i32>} : memref<128x64xf32, #tpu.memory_space<vmem>>, vector<16xf32>,
      %broadcast_in_dim3A_176 = arith.constant 0.000000e+00 : f32
      %broadcast_in_dim3A_177 = vector.broadcast %broadcast_in_dim3A_176 : f32 to vector<16xf32>
      %swap3A_178 = arith.index_cast %scan3A_165 : i32 to index
      %swap3A_179 = arith.constant 32 : index
      %swap3A_180 = tpu.vector_load %arg19[%swap3A_178, %swap3A_179] {strides = array<i32>} : memref<128x64xf32, #tpu.memory_space<vmem>>, vector<16xf32>,
      tpu.vector_store %arg19[%swap3A_178, %swap3A_179], %broadcast_in_dim3A_177 {strides = array<i32>} : memref<128x64xf32, #tpu.memory_space<vmem>>, vector<16xf32>,
      %broadcast_in_dim3A_181 = arith.constant 0.000000e+00 : f32
      %broadcast_in_dim3A_182 = vector.broadcast %broadcast_in_dim3A_181 : f32 to vector<16xf32>
      %swap3A_183 = arith.index_cast %scan3A_165 : i32 to index
      %swap3A_184 = arith.constant 48 : index
      %swap3A_185 = tpu.vector_load %arg19[%swap3A_183, %swap3A_184] {strides = array<i32>} : memref<128x64xf32, #tpu.memory_space<vmem>>, vector<16xf32>,
      tpu.vector_store %arg19[%swap3A_183, %swap3A_184], %broadcast_in_dim3A_182 {strides = array<i32>} : memref<128x64xf32, #tpu.memory_space<vmem>>, vector<16xf32>,
    }
    %scan3A_48 = arith.constant 128 : i32
    %mul3A_49 = arith.constant 632 : i32
    %mul3A_50 = arith.muli %arg1, %mul3A_49 : i32
    %add3A_51 = arith.constant 0 : i32
    %add3A_52 = arith.addi %mul3A_50, %add3A_51 : i32
    "tpu.region"() ({
      %run_scoped3A = tpu.sem_alloc : memref<!tpu.dma_semaphore, #tpu.memory_space<semaphore_mem>>
      %dma_start3A_145 = arith.constant 0 : i32
      %dma_start3A_146 = tpu.memref_slice %arg34[%add3A_52, %dma_start3A_145] : memref<10112x64xf32, #tpu.memory_space<vmem_shared>> -> memref<128x64xf32, #tpu.memory_space<vmem_shared>>
      %dma_start3A_147 = arith.constant 0 : i32
      %dma_start3A_148 = tpu.memref_slice %arg34[%add3A_52, %dma_start3A_147] : memref<10112x64xf32, #tpu.memory_space<vmem_shared>> -> memref<128x64xf32, #tpu.memory_space<vmem_shared>>
      tpu.enqueue_dma source(%arg19 : memref<128x64xf32, #tpu.memory_space<vmem>>) target(%dma_start3A_148 : memref<128x64xf32, #tpu.memory_space<vmem_shared>>) target_semaphore(%run_scoped3A : memref<!tpu.dma_semaphore, #tpu.memory_space<semaphore_mem>>)
      %dma_wait3A_149 = arith.constant 0 : i32
      %dma_wait3A_150 = tpu.memref_slice %arg34[%add3A_52, %dma_wait3A_149] : memref<10112x64xf32, #tpu.memory_space<vmem_shared>> -> memref<128x64xf32, #tpu.memory_space<vmem_shared>>
      %dma_wait3A_151 = arith.constant 0 : i32
      %dma_wait3A_152 = tpu.memref_slice %arg34[%add3A_52, %dma_wait3A_151] : memref<10112x64xf32, #tpu.memory_space<vmem_shared>> -> memref<128x64xf32, #tpu.memory_space<vmem_shared>>
      tpu.wait_dma2 semaphore(%run_scoped3A : memref<!tpu.dma_semaphore, #tpu.memory_space<semaphore_mem>>) src(%arg19 : memref<128x64xf32, #tpu.memory_space<vmem>>) dst(%dma_wait3A_152 : memref<128x64xf32, #tpu.memory_space<vmem_shared>>)
      tpu.yield
    }) : () -> ()
    %mul3A_53 = arith.constant 632 : i32
    %mul3A_54 = arith.muli %arg1, %mul3A_53 : i32
    %add3A_55 = arith.constant 128 : i32
    %add3A_56 = arith.addi %mul3A_54, %add3A_55 : i32
    "tpu.region"() ({
      %run_scoped3A = tpu.sem_alloc : memref<!tpu.dma_semaphore, #tpu.memory_space<semaphore_mem>>
      %dma_start3A_145 = arith.constant 0 : i32
      %dma_start3A_146 = tpu.memref_slice %arg34[%add3A_56, %dma_start3A_145] : memref<10112x64xf32, #tpu.memory_space<vmem_shared>> -> memref<128x64xf32, #tpu.memory_space<vmem_shared>>
      %dma_start3A_147 = arith.constant 0 : i32
      %dma_start3A_148 = tpu.memref_slice %arg34[%add3A_56, %dma_start3A_147] : memref<10112x64xf32, #tpu.memory_space<vmem_shared>> -> memref<128x64xf32, #tpu.memory_space<vmem_shared>>
      tpu.enqueue_dma source(%arg19 : memref<128x64xf32, #tpu.memory_space<vmem>>) target(%dma_start3A_148 : memref<128x64xf32, #tpu.memory_space<vmem_shared>>) target_semaphore(%run_scoped3A : memref<!tpu.dma_semaphore, #tpu.memory_space<semaphore_mem>>)
      %dma_wait3A_149 = arith.constant 0 : i32
      %dma_wait3A_150 = tpu.memref_slice %arg34[%add3A_56, %dma_wait3A_149] : memref<10112x64xf32, #tpu.memory_space<vmem_shared>> -> memref<128x64xf32, #tpu.memory_space<vmem_shared>>
      %dma_wait3A_151 = arith.constant 0 : i32
      %dma_wait3A_152 = tpu.memref_slice %arg34[%add3A_56, %dma_wait3A_151] : memref<10112x64xf32, #tpu.memory_space<vmem_shared>> -> memref<128x64xf32, #tpu.memory_space<vmem_shared>>
      tpu.wait_dma2 semaphore(%run_scoped3A : memref<!tpu.dma_semaphore, #tpu.memory_space<semaphore_mem>>) src(%arg19 : memref<128x64xf32, #tpu.memory_space<vmem>>) dst(%dma_wait3A_152 : memref<128x64xf32, #tpu.memory_space<vmem_shared>>)
      tpu.yield
    }) : () -> ()
    %mul3A_57 = arith.constant 632 : i32
    %mul3A_58 = arith.muli %arg1, %mul3A_57 : i32
    %add3A_59 = arith.constant 256 : i32
    %add3A_60 = arith.addi %mul3A_58, %add3A_59 : i32
    "tpu.region"() ({
      %run_scoped3A = tpu.sem_alloc : memref<!tpu.dma_semaphore, #tpu.memory_space<semaphore_mem>>
      %dma_start3A_145 = arith.constant 0 : i32
      %dma_start3A_146 = tpu.memref_slice %arg34[%add3A_60, %dma_start3A_145] : memref<10112x64xf32, #tpu.memory_space<vmem_shared>> -> memref<128x64xf32, #tpu.memory_space<vmem_shared>>
      %dma_start3A_147 = arith.constant 0 : i32
      %dma_start3A_148 = tpu.memref_slice %arg34[%add3A_60, %dma_start3A_147] : memref<10112x64xf32, #tpu.memory_space<vmem_shared>> -> memref<128x64xf32, #tpu.memory_space<vmem_shared>>
      tpu.enqueue_dma source(%arg19 : memref<128x64xf32, #tpu.memory_space<vmem>>) target(%dma_start3A_148 : memref<128x64xf32, #tpu.memory_space<vmem_shared>>) target_semaphore(%run_scoped3A : memref<!tpu.dma_semaphore, #tpu.memory_space<semaphore_mem>>)
      %dma_wait3A_149 = arith.constant 0 : i32
      %dma_wait3A_150 = tpu.memref_slice %arg34[%add3A_60, %dma_wait3A_149] : memref<10112x64xf32, #tpu.memory_space<vmem_shared>> -> memref<128x64xf32, #tpu.memory_space<vmem_shared>>
      %dma_wait3A_151 = arith.constant 0 : i32
      %dma_wait3A_152 = tpu.memref_slice %arg34[%add3A_60, %dma_wait3A_151] : memref<10112x64xf32, #tpu.memory_space<vmem_shared>> -> memref<128x64xf32, #tpu.memory_space<vmem_shared>>
      tpu.wait_dma2 semaphore(%run_scoped3A : memref<!tpu.dma_semaphore, #tpu.memory_space<semaphore_mem>>) src(%arg19 : memref<128x64xf32, #tpu.memory_space<vmem>>) dst(%dma_wait3A_152 : memref<128x64xf32, #tpu.memory_space<vmem_shared>>)
      tpu.yield
    }) : () -> ()
    %mul3A_61 = arith.constant 632 : i32
    %mul3A_62 = arith.muli %arg1, %mul3A_61 : i32
    %add3A_63 = arith.constant 384 : i32
    %add3A_64 = arith.addi %mul3A_62, %add3A_63 : i32
    "tpu.region"() ({
      %run_scoped3A = tpu.sem_alloc : memref<!tpu.dma_semaphore, #tpu.memory_space<semaphore_mem>>
      %dma_start3A_145 = arith.constant 0 : i32
      %dma_start3A_146 = tpu.memref_slice %arg34[%add3A_64, %dma_start3A_145] : memref<10112x64xf32, #tpu.memory_space<vmem_shared>> -> memref<128x64xf32, #tpu.memory_space<vmem_shared>>
      %dma_start3A_147 = arith.constant 0 : i32
      %dma_start3A_148 = tpu.memref_slice %arg34[%add3A_64, %dma_start3A_147] : memref<10112x64xf32, #tpu.memory_space<vmem_shared>> -> memref<128x64xf32, #tpu.memory_space<vmem_shared>>
      tpu.enqueue_dma source(%arg19 : memref<128x64xf32, #tpu.memory_space<vmem>>) target(%dma_start3A_148 : memref<128x64xf32, #tpu.memory_space<vmem_shared>>) target_semaphore(%run_scoped3A : memref<!tpu.dma_semaphore, #tpu.memory_space<semaphore_mem>>)
      %dma_wait3A_149 = arith.constant 0 : i32
      %dma_wait3A_150 = tpu.memref_slice %arg34[%add3A_64, %dma_wait3A_149] : memref<10112x64xf32, #tpu.memory_space<vmem_shared>> -> memref<128x64xf32, #tpu.memory_space<vmem_shared>>
      %dma_wait3A_151 = arith.constant 0 : i32
      %dma_wait3A_152 = tpu.memref_slice %arg34[%add3A_64, %dma_wait3A_151] : memref<10112x64xf32, #tpu.memory_space<vmem_shared>> -> memref<128x64xf32, #tpu.memory_space<vmem_shared>>
      tpu.wait_dma2 semaphore(%run_scoped3A : memref<!tpu.dma_semaphore, #tpu.memory_space<semaphore_mem>>) src(%arg19 : memref<128x64xf32, #tpu.memory_space<vmem>>) dst(%dma_wait3A_152 : memref<128x64xf32, #tpu.memory_space<vmem_shared>>)
      tpu.yield
    }) : () -> ()
    %mul3A_65 = arith.constant 632 : i32
    %mul3A_66 = arith.muli %arg1, %mul3A_65 : i32
    %add3A_67 = arith.constant 512 : i32
    %add3A_68 = arith.addi %mul3A_66, %add3A_67 : i32
    "tpu.region"() ({
      %run_scoped3A = tpu.sem_alloc : memref<!tpu.dma_semaphore, #tpu.memory_space<semaphore_mem>>
      %dma_start3A_145 = arith.constant 0 : i32
      %dma_start3A_146 = arith.constant 0 : i32
      %dma_start3A_147 = tpu.memref_slice %arg19[%dma_start3A_145, %dma_start3A_146] : memref<128x64xf32, #tpu.memory_space<vmem>> -> memref<120x64xf32, #tpu.memory_space<vmem>>
      %dma_start3A_148 = arith.constant 0 : i32
      %dma_start3A_149 = tpu.memref_slice %arg34[%add3A_68, %dma_start3A_148] : memref<10112x64xf32, #tpu.memory_space<vmem_shared>> -> memref<120x64xf32, #tpu.memory_space<vmem_shared>>
      %dma_start3A_150 = arith.constant 0 : i32
      %dma_start3A_151 = tpu.memref_slice %arg34[%add3A_68, %dma_start3A_150] : memref<10112x64xf32, #tpu.memory_space<vmem_shared>> -> memref<120x64xf32, #tpu.memory_space<vmem_shared>>
      %dma_start3A_152 = arith.constant 0 : i32
      %dma_start3A_153 = arith.constant 0 : i32
      %dma_start3A_154 = tpu.memref_slice %arg19[%dma_start3A_152, %dma_start3A_153] : memref<128x64xf32, #tpu.memory_space<vmem>> -> memref<120x64xf32, #tpu.memory_space<vmem>>
      tpu.enqueue_dma source(%dma_start3A_154 : memref<120x64xf32, #tpu.memory_space<vmem>>) target(%dma_start3A_151 : memref<120x64xf32, #tpu.memory_space<vmem_shared>>) target_semaphore(%run_scoped3A : memref<!tpu.dma_semaphore, #tpu.memory_space<semaphore_mem>>)
      %dma_wait3A_155 = arith.constant 0 : i32
      %dma_wait3A_156 = arith.constant 0 : i32
      %dma_wait3A_157 = tpu.memref_slice %arg19[%dma_wait3A_155, %dma_wait3A_156] : memref<128x64xf32, #tpu.memory_space<vmem>> -> memref<120x64xf32, #tpu.memory_space<vmem>>
      %dma_wait3A_158 = arith.constant 0 : i32
      %dma_wait3A_159 = tpu.memref_slice %arg34[%add3A_68, %dma_wait3A_158] : memref<10112x64xf32, #tpu.memory_space<vmem_shared>> -> memref<120x64xf32, #tpu.memory_space<vmem_shared>>
      %dma_wait3A_160 = arith.constant 0 : i32
      %dma_wait3A_161 = tpu.memref_slice %arg34[%add3A_68, %dma_wait3A_160] : memref<10112x64xf32, #tpu.memory_space<vmem_shared>> -> memref<120x64xf32, #tpu.memory_space<vmem_shared>>
      %dma_wait3A_162 = arith.constant 0 : i32
      %dma_wait3A_163 = arith.constant 0 : i32
      %dma_wait3A_164 = tpu.memref_slice %arg19[%dma_wait3A_162, %dma_wait3A_163] : memref<128x64xf32, #tpu.memory_space<vmem>> -> memref<120x64xf32, #tpu.memory_space<vmem>>
      tpu.wait_dma2 semaphore(%run_scoped3A : memref<!tpu.dma_semaphore, #tpu.memory_space<semaphore_mem>>) src(%dma_wait3A_164 : memref<120x64xf32, #tpu.memory_space<vmem>>) dst(%dma_wait3A_161 : memref<120x64xf32, #tpu.memory_space<vmem_shared>>)
      tpu.yield
    }) : () -> ()
    %dma_wait3A = arith.constant 0 : i32
    %dma_wait3A_69 = arith.constant 0 : i32
    %dma_wait3A_70 = tpu.memref_slice %arg4[%dma_wait3A, %dma_wait3A_69] : memref<2x320000xi32, #tpu.memory_space<hbm>> -> memref<1x320000xi32, #tpu.memory_space<hbm>>
    %dma_wait3A_71 = tpu.memref_squeeze %dma_wait3A_70 : memref<1x320000xi32, #tpu.memory_space<hbm>> -> memref<320000xi32, #tpu.memory_space<hbm>>
    %dma_wait3A_72 = arith.constant 0 : i32
    %dma_wait3A_73 = tpu.memref_slice %dma_wait3A_71[%dma_wait3A_72] : memref<320000xi32, #tpu.memory_space<hbm>> -> memref<10240xi32, #tpu.memory_space<hbm>>
    %dma_wait3A_74 = arith.constant 0 : i32
    %dma_wait3A_75 = tpu.memref_slice %arg4[%dma_wait3A, %dma_wait3A_74] : memref<2x320000xi32, #tpu.memory_space<hbm>> -> memref<1x320000xi32, #tpu.memory_space<hbm>>
    %dma_wait3A_76 = tpu.memref_squeeze %dma_wait3A_75 : memref<1x320000xi32, #tpu.memory_space<hbm>> -> memref<320000xi32, #tpu.memory_space<hbm>>
    %dma_wait3A_77 = arith.constant 0 : i32
    %dma_wait3A_78 = tpu.memref_slice %dma_wait3A_76[%dma_wait3A_77] : memref<320000xi32, #tpu.memory_space<hbm>> -> memref<10240xi32, #tpu.memory_space<hbm>>
    tpu.wait_dma2 semaphore(%arg20 : memref<!tpu.dma_semaphore, #tpu.memory_space<semaphore_mem>>) src(%dma_wait3A_78 : memref<10240xi32, #tpu.memory_space<hbm>>) dst(%arg6 : memref<10240xi32, #tpu.memory_space<vmem>>)
    %dma_wait3A_79 = arith.constant 1 : i32
    %dma_wait3A_80 = arith.constant 0 : i32
    %dma_wait3A_81 = tpu.memref_slice %arg4[%dma_wait3A_79, %dma_wait3A_80] : memref<2x320000xi32, #tpu.memory_space<hbm>> -> memref<1x320000xi32, #tpu.memory_space<hbm>>
    %dma_wait3A_82 = tpu.memref_squeeze %dma_wait3A_81 : memref<1x320000xi32, #tpu.memory_space<hbm>> -> memref<320000xi32, #tpu.memory_space<hbm>>
    %dma_wait3A_83 = arith.constant 0 : i32
    %dma_wait3A_84 = tpu.memref_slice %dma_wait3A_82[%dma_wait3A_83] : memref<320000xi32, #tpu.memory_space<hbm>> -> memref<10240xi32, #tpu.memory_space<hbm>>
    %dma_wait3A_85 = arith.constant 0 : i32
    %dma_wait3A_86 = tpu.memref_slice %arg4[%dma_wait3A_79, %dma_wait3A_85] : memref<2x320000xi32, #tpu.memory_space<hbm>> -> memref<1x320000xi32, #tpu.memory_space<hbm>>
    %dma_wait3A_87 = tpu.memref_squeeze %dma_wait3A_86 : memref<1x320000xi32, #tpu.memory_space<hbm>> -> memref<320000xi32, #tpu.memory_space<hbm>>
    %dma_wait3A_88 = arith.constant 0 : i32
    %dma_wait3A_89 = tpu.memref_slice %dma_wait3A_87[%dma_wait3A_88] : memref<320000xi32, #tpu.memory_space<hbm>> -> memref<10240xi32, #tpu.memory_space<hbm>>
    tpu.wait_dma2 semaphore(%arg21 : memref<!tpu.dma_semaphore, #tpu.memory_space<semaphore_mem>>) src(%dma_wait3A_89 : memref<10240xi32, #tpu.memory_space<hbm>>) dst(%arg7 : memref<10240xi32, #tpu.memory_space<vmem>>)
    %barrier3A = arith.constant 0 : index
    tpu.barrier barrier_id(%barrier3A)
    %add3A_90 = arith.addi %min3A_3, %sub3A : i32
    %mul3A_91 = arith.constant 128 : i32
    %mul3A_92 = arith.muli %add3A_90, %mul3A_91 : i32
    %dma_start3A_93 = arith.constant 0 : i32
    %dma_start3A_94 = tpu.memref_slice %arg3[%mul3A_92, %dma_start3A_93] : memref<320000x128xbf16, #tpu.memory_space<hbm>> -> memref<128x64xbf16, #tpu.memory_space<hbm>>
    %dma_start3A_95 = arith.constant 0 : i32
    %dma_start3A_96 = tpu.memref_slice %arg3[%mul3A_92, %dma_start3A_95] : memref<320000x128xbf16, #tpu.memory_space<hbm>> -> memref<128x64xbf16, #tpu.memory_space<hbm>>
    tpu.enqueue_dma source(%dma_start3A_96 : memref<128x64xbf16, #tpu.memory_space<hbm>>) target(%arg8 : memref<128x64xbf16, #tpu.memory_space<vmem>>) target_semaphore(%arg22 : memref<!tpu.dma_semaphore, #tpu.memory_space<semaphore_mem>>)
    %mul3A_97 = arith.constant 128 : i32
    %mul3A_98 = arith.muli %sub3A, %mul3A_97 : i32
    %dma_start3A_99 = tpu.memref_slice %arg6[%mul3A_98] : memref<10240xi32, #tpu.memory_space<vmem>> -> memref<128xi32, #tpu.memory_space<vmem>>
    %dma_start3A_100 = arith.constant 0 : i32
    %dma_start3A_101 = arith.constant 0 : i32
    %dma_start3A_102 = tpu.memref_slice %arg2[%dma_start3A_100, %dma_start3A_101] : memref<10000x64xbf16, #tpu.memory_space<hbm>> -> memref<10000x64xbf16, #tpu.memory_space<hbm>>
    tpu.enqueue_indirect_dma source(%dma_start3A_102 : memref<10000x64xbf16, #tpu.memory_space<hbm>>) target(%arg12 : memref<128x64xbf16, #tpu.memory_space<vmem>>) offsets(%dma_start3A_99 : memref<128xi32, #tpu.memory_space<vmem>>) semaphore(%arg26 : memref<!tpu.dma_semaphore, #tpu.memory_space<semaphore_mem>>)
    %add3A_103 = arith.constant 1 : i32
    %add3A_104 = arith.addi %sub3A, %add3A_103 : i32
    %add3A_105 = arith.addi %min3A_3, %add3A_104 : i32
    %mul3A_106 = arith.constant 128 : i32
    %mul3A_107 = arith.muli %add3A_105, %mul3A_106 : i32
    %dma_start3A_108 = arith.constant 0 : i32
    %dma_start3A_109 = tpu.memref_slice %arg3[%mul3A_107, %dma_start3A_108] : memref<320000x128xbf16, #tpu.memory_space<hbm>> -> memref<128x64xbf16, #tpu.memory_space<hbm>>
    %dma_start3A_110 = arith.constant 0 : i32
    %dma_start3A_111 = tpu.memref_slice %arg3[%mul3A_107, %dma_start3A_110] : memref<320000x128xbf16, #tpu.memory_space<hbm>> -> memref<128x64xbf16, #tpu.memory_space<hbm>>
    tpu.enqueue_dma source(%dma_start3A_111 : memref<128x64xbf16, #tpu.memory_space<hbm>>) target(%arg9 : memref<128x64xbf16, #tpu.memory_space<vmem>>) target_semaphore(%arg23 : memref<!tpu.dma_semaphore, #tpu.memory_space<semaphore_mem>>)
    %mul3A_112 = arith.constant 128 : i32
    %mul3A_113 = arith.muli %add3A_104, %mul3A_112 : i32
    %dma_start3A_114 = tpu.memref_slice %arg6[%mul3A_113] : memref<10240xi32, #tpu.memory_space<vmem>> -> memref<128xi32, #tpu.memory_space<vmem>>
    %dma_start3A_115 = arith.constant 0 : i32
    %dma_start3A_116 = arith.constant 0 : i32
    %dma_start3A_117 = tpu.memref_slice %arg2[%dma_start3A_115, %dma_start3A_116] : memref<10000x64xbf16, #tpu.memory_space<hbm>> -> memref<10000x64xbf16, #tpu.memory_space<hbm>>
    tpu.enqueue_indirect_dma source(%dma_start3A_117 : memref<10000x64xbf16, #tpu.memory_space<hbm>>) target(%arg13 : memref<128x64xbf16, #tpu.memory_space<vmem>>) offsets(%dma_start3A_114 : memref<128xi32, #tpu.memory_space<vmem>>) semaphore(%arg27 : memref<!tpu.dma_semaphore, #tpu.memory_space<semaphore_mem>>)
    %while3A = arith.constant 0 : i32
    %while3A_118 = arith.constant 0 : i32
    %while3A_119 = arith.subi %select_n3A, %while3A_118 : i32
    %while3A_120 = arith.addi %while3A_118, %while3A_119 : i32
    %while3A_121 = arith.constant 1 : i32
    %while3A_122 = arith.divsi %while3A_119, %while3A_121 : i32
    %while3A_123 = arith.muli %while3A_122, %while3A_121 : i32
    %while3A_124 = arith.addi %while3A_118, %while3A_123 : i32
    %while3A_125 = arith.constant 1 : i32
    scf.for %while3A_145 = %while3A_118 to %while3A_124 step %while3A_125  : i32 {
      %mul3A_146 = arith.constant 4 : i32
      %mul3A_147 = arith.muli %while3A_145, %mul3A_146 : i32
      %add3A_148 = arith.addi %sub3A, %mul3A_147 : i32
      %add3A_149 = arith.constant 0 : i32
      %add3A_150 = arith.addi %add3A_148, %add3A_149 : i32
      %dma_wait3A_151 = arith.constant 0 : i32
      %dma_wait3A_152 = arith.constant 0 : i32
      %dma_wait3A_153 = tpu.memref_slice %arg3[%dma_wait3A_151, %dma_wait3A_152] : memref<320000x128xbf16, #tpu.memory_space<hbm>> -> memref<128x64xbf16, #tpu.memory_space<hbm>>
      %dma_wait3A_154 = arith.constant 0 : i32
      %dma_wait3A_155 = arith.constant 0 : i32
      %dma_wait3A_156 = tpu.memref_slice %arg3[%dma_wait3A_154, %dma_wait3A_155] : memref<320000x128xbf16, #tpu.memory_space<hbm>> -> memref<128x64xbf16, #tpu.memory_space<hbm>>
      tpu.wait_dma2 semaphore(%arg22 : memref<!tpu.dma_semaphore, #tpu.memory_space<semaphore_mem>>) src(%dma_wait3A_156 : memref<128x64xbf16, #tpu.memory_space<hbm>>) dst(%arg8 : memref<128x64xbf16, #tpu.memory_space<vmem>>)
      %dma_wait3A_157 = arith.constant 0 : i32
      %dma_wait3A_158 = tpu.memref_slice %arg6[%dma_wait3A_157] : memref<10240xi32, #tpu.memory_space<vmem>> -> memref<128xi32, #tpu.memory_space<vmem>>
      %dma_wait3A_159 = arith.constant 0 : i32
      %dma_wait3A_160 = arith.constant 0 : i32
      %dma_wait3A_161 = tpu.memref_slice %arg2[%dma_wait3A_159, %dma_wait3A_160] : memref<10000x64xbf16, #tpu.memory_space<hbm>> -> memref<10000x64xbf16, #tpu.memory_space<hbm>>
      tpu.wait_indirect_dma semaphore(%arg26 : memref<!tpu.dma_semaphore, #tpu.memory_space<semaphore_mem>>) src(%dma_wait3A_161 : memref<10000x64xbf16, #tpu.memory_space<hbm>>) dst(%arg12 : memref<128x64xbf16, #tpu.memory_space<vmem>>)
      %scan3A_162 = arith.constant 0 : i32
      %scan3A_163 = arith.constant 0 : i32
      %scan3A_164 = arith.constant 128 : i32
      %scan3A_165 = arith.addi %scan3A_163, %scan3A_164 : i32
      %scan3A_166 = arith.constant 2 : i32
      scf.for %scan3A_316 = %scan3A_163 to %scan3A_165 step %scan3A_166  : i32 {
        %get3A = arith.index_cast %scan3A_316 : i32 to index
        %get3A_317 = arith.constant 0 : index
        %get3A_318 = tpu.vector_load %arg8[%get3A, %get3A_317] {strides = array<i32>} : memref<128x64xbf16, #tpu.memory_space<vmem>>, vector<32xbf16>,
        %get3A_319 = arith.index_cast %scan3A_316 : i32 to index
        %get3A_320 = arith.constant 0 : index
        %get3A_321 = tpu.vector_load %arg12[%get3A_319, %get3A_320] {strides = array<i32>} : memref<128x64xbf16, #tpu.memory_space<vmem>>, vector<32xbf16>,
        %unpack3A = tpu.unpack_subelements %get3A_318, 0 {pack_format = #tpu.pack_format<interleaved>} : vector<32xbf16> -> vector<16xf32>
        %unpack3A_322 = tpu.unpack_subelements %get3A_318, 1 {pack_format = #tpu.pack_format<interleaved>} : vector<32xbf16> -> vector<16xf32>
        %unpack3A_323 = tpu.unpack_subelements %get3A_321, 0 {pack_format = #tpu.pack_format<interleaved>} : vector<32xbf16> -> vector<16xf32>
        %unpack3A_324 = tpu.unpack_subelements %get3A_321, 1 {pack_format = #tpu.pack_format<interleaved>} : vector<32xbf16> -> vector<16xf32>
        %add3A_325 = arith.addf %unpack3A_323, %unpack3A : vector<16xf32>
        %max3A = arith.constant 0.000000e+00 : f32
        %max3A_326 = vector.broadcast %max3A : f32 to vector<16xf32>
        %max3A_327 = arith.maximumf %add3A_325, %max3A_326 : vector<16xf32>
        %swap3A = arith.index_cast %scan3A_316 : i32 to index
        %swap3A_328 = arith.constant 0 : index
        %swap3A_329 = tpu.vector_load %arg16[%swap3A, %swap3A_328] {strides = array<i32>} : memref<128x64xf32, #tpu.memory_space<vmem>>, vector<16xf32>,
        tpu.vector_store %arg16[%swap3A, %swap3A_328], %max3A_327 {strides = array<i32>} : memref<128x64xf32, #tpu.memory_space<vmem>>, vector<16xf32>,
        %add3A_330 = arith.addf %unpack3A_324, %unpack3A_322 : vector<16xf32>
        %max3A_331 = arith.constant 0.000000e+00 : f32
        %max3A_332 = vector.broadcast %max3A_331 : f32 to vector<16xf32>
        %max3A_333 = arith.maximumf %add3A_330, %max3A_332 : vector<16xf32>
        %swap3A_334 = arith.index_cast %scan3A_316 : i32 to index
        %swap3A_335 = arith.constant 16 : index
        %swap3A_336 = tpu.vector_load %arg16[%swap3A_334, %swap3A_335] {strides = array<i32>} : memref<128x64xf32, #tpu.memory_space<vmem>>, vector<16xf32>,
        tpu.vector_store %arg16[%swap3A_334, %swap3A_335], %max3A_333 {strides = array<i32>} : memref<128x64xf32, #tpu.memory_space<vmem>>, vector<16xf32>,
        %get3A_337 = arith.index_cast %scan3A_316 : i32 to index
        %get3A_338 = arith.constant 32 : index
        %get3A_339 = tpu.vector_load %arg8[%get3A_337, %get3A_338] {strides = array<i32>} : memref<128x64xbf16, #tpu.memory_space<vmem>>, vector<32xbf16>,
        %get3A_340 = arith.index_cast %scan3A_316 : i32 to index
        %get3A_341 = arith.constant 32 : index
        %get3A_342 = tpu.vector_load %arg12[%get3A_340, %get3A_341] {strides = array<i32>} : memref<128x64xbf16, #tpu.memory_space<vmem>>, vector<32xbf16>,
        %unpack3A_343 = tpu.unpack_subelements %get3A_339, 0 {pack_format = #tpu.pack_format<interleaved>} : vector<32xbf16> -> vector<16xf32>
        %unpack3A_344 = tpu.unpack_subelements %get3A_339, 1 {pack_format = #tpu.pack_format<interleaved>} : vector<32xbf16> -> vector<16xf32>
        %unpack3A_345 = tpu.unpack_subelements %get3A_342, 0 {pack_format = #tpu.pack_format<interleaved>} : vector<32xbf16> -> vector<16xf32>
        %unpack3A_346 = tpu.unpack_subelements %get3A_342, 1 {pack_format = #tpu.pack_format<interleaved>} : vector<32xbf16> -> vector<16xf32>
        %add3A_347 = arith.addf %unpack3A_345, %unpack3A_343 : vector<16xf32>
        %max3A_348 = arith.constant 0.000000e+00 : f32
        %max3A_349 = vector.broadcast %max3A_348 : f32 to vector<16xf32>
        %max3A_350 = arith.maximumf %add3A_347, %max3A_349 : vector<16xf32>
        %swap3A_351 = arith.index_cast %scan3A_316 : i32 to index
        %swap3A_352 = arith.constant 32 : index
        %swap3A_353 = tpu.vector_load %arg16[%swap3A_351, %swap3A_352] {strides = array<i32>} : memref<128x64xf32, #tpu.memory_space<vmem>>, vector<16xf32>,
        tpu.vector_store %arg16[%swap3A_351, %swap3A_352], %max3A_350 {strides = array<i32>} : memref<128x64xf32, #tpu.memory_space<vmem>>, vector<16xf32>,
        %add3A_354 = arith.addf %unpack3A_346, %unpack3A_344 : vector<16xf32>
        %max3A_355 = arith.constant 0.000000e+00 : f32
        %max3A_356 = vector.broadcast %max3A_355 : f32 to vector<16xf32>
        %max3A_357 = arith.maximumf %add3A_354, %max3A_356 : vector<16xf32>
        %swap3A_358 = arith.index_cast %scan3A_316 : i32 to index
        %swap3A_359 = arith.constant 48 : index
        %swap3A_360 = tpu.vector_load %arg16[%swap3A_358, %swap3A_359] {strides = array<i32>} : memref<128x64xf32, #tpu.memory_space<vmem>>, vector<16xf32>,
        tpu.vector_store %arg16[%swap3A_358, %swap3A_359], %max3A_357 {strides = array<i32>} : memref<128x64xf32, #tpu.memory_space<vmem>>, vector<16xf32>,
        %scan3A_361 = arith.constant 1 : i32
        %scan3A_362 = arith.addi %scan3A_316, %scan3A_361 : i32
        %get3A_363 = arith.index_cast %scan3A_362 : i32 to index
        %get3A_364 = arith.constant 0 : index
        %get3A_365 = tpu.vector_load %arg8[%get3A_363, %get3A_364] {strides = array<i32>} : memref<128x64xbf16, #tpu.memory_space<vmem>>, vector<32xbf16>,
        %get3A_366 = arith.index_cast %scan3A_362 : i32 to index
        %get3A_367 = arith.constant 0 : index
        %get3A_368 = tpu.vector_load %arg12[%get3A_366, %get3A_367] {strides = array<i32>} : memref<128x64xbf16, #tpu.memory_space<vmem>>, vector<32xbf16>,
        %unpack3A_369 = tpu.unpack_subelements %get3A_365, 0 {pack_format = #tpu.pack_format<interleaved>} : vector<32xbf16> -> vector<16xf32>
        %unpack3A_370 = tpu.unpack_subelements %get3A_365, 1 {pack_format = #tpu.pack_format<interleaved>} : vector<32xbf16> -> vector<16xf32>
        %unpack3A_371 = tpu.unpack_subelements %get3A_368, 0 {pack_format = #tpu.pack_format<interleaved>} : vector<32xbf16> -> vector<16xf32>
        %unpack3A_372 = tpu.unpack_subelements %get3A_368, 1 {pack_format = #tpu.pack_format<interleaved>} : vector<32xbf16> -> vector<16xf32>
        %add3A_373 = arith.addf %unpack3A_371, %unpack3A_369 : vector<16xf32>
        %max3A_374 = arith.constant 0.000000e+00 : f32
        %max3A_375 = vector.broadcast %max3A_374 : f32 to vector<16xf32>
        %max3A_376 = arith.maximumf %add3A_373, %max3A_375 : vector<16xf32>
        %swap3A_377 = arith.index_cast %scan3A_362 : i32 to index
        %swap3A_378 = arith.constant 0 : index
        %swap3A_379 = tpu.vector_load %arg16[%swap3A_377, %swap3A_378] {strides = array<i32>} : memref<128x64xf32, #tpu.memory_space<vmem>>, vector<16xf32>,
        tpu.vector_store %arg16[%swap3A_377, %swap3A_378], %max3A_376 {strides = array<i32>} : memref<128x64xf32, #tpu.memory_space<vmem>>, vector<16xf32>,
        %add3A_380 = arith.addf %unpack3A_372, %unpack3A_370 : vector<16xf32>
        %max3A_381 = arith.constant 0.000000e+00 : f32
        %max3A_382 = vector.broadcast %max3A_381 : f32 to vector<16xf32>
        %max3A_383 = arith.maximumf %add3A_380, %max3A_382 : vector<16xf32>
        %swap3A_384 = arith.index_cast %scan3A_362 : i32 to index
        %swap3A_385 = arith.constant 16 : index
        %swap3A_386 = tpu.vector_load %arg16[%swap3A_384, %swap3A_385] {strides = array<i32>} : memref<128x64xf32, #tpu.memory_space<vmem>>, vector<16xf32>,
        tpu.vector_store %arg16[%swap3A_384, %swap3A_385], %max3A_383 {strides = array<i32>} : memref<128x64xf32, #tpu.memory_space<vmem>>, vector<16xf32>,
        %get3A_387 = arith.index_cast %scan3A_362 : i32 to index
        %get3A_388 = arith.constant 32 : index
        %get3A_389 = tpu.vector_load %arg8[%get3A_387, %get3A_388] {strides = array<i32>} : memref<128x64xbf16, #tpu.memory_space<vmem>>, vector<32xbf16>,
        %get3A_390 = arith.index_cast %scan3A_362 : i32 to index
        %get3A_391 = arith.constant 32 : index
        %get3A_392 = tpu.vector_load %arg12[%get3A_390, %get3A_391] {strides = array<i32>} : memref<128x64xbf16, #tpu.memory_space<vmem>>, vector<32xbf16>,
        %unpack3A_393 = tpu.unpack_subelements %get3A_389, 0 {pack_format = #tpu.pack_format<interleaved>} : vector<32xbf16> -> vector<16xf32>
        %unpack3A_394 = tpu.unpack_subelements %get3A_389, 1 {pack_format = #tpu.pack_format<interleaved>} : vector<32xbf16> -> vector<16xf32>
        %unpack3A_395 = tpu.unpack_subelements %get3A_392, 0 {pack_format = #tpu.pack_format<interleaved>} : vector<32xbf16> -> vector<16xf32>
        %unpack3A_396 = tpu.unpack_subelements %get3A_392, 1 {pack_format = #tpu.pack_format<interleaved>} : vector<32xbf16> -> vector<16xf32>
        %add3A_397 = arith.addf %unpack3A_395, %unpack3A_393 : vector<16xf32>
        %max3A_398 = arith.constant 0.000000e+00 : f32
        %max3A_399 = vector.broadcast %max3A_398 : f32 to vector<16xf32>
        %max3A_400 = arith.maximumf %add3A_397, %max3A_399 : vector<16xf32>
        %swap3A_401 = arith.index_cast %scan3A_362 : i32 to index
        %swap3A_402 = arith.constant 32 : index
        %swap3A_403 = tpu.vector_load %arg16[%swap3A_401, %swap3A_402] {strides = array<i32>} : memref<128x64xf32, #tpu.memory_space<vmem>>, vector<16xf32>,
        tpu.vector_store %arg16[%swap3A_401, %swap3A_402], %max3A_400 {strides = array<i32>} : memref<128x64xf32, #tpu.memory_space<vmem>>, vector<16xf32>,
        %add3A_404 = arith.addf %unpack3A_396, %unpack3A_394 : vector<16xf32>
        %max3A_405 = arith.constant 0.000000e+00 : f32
        %max3A_406 = vector.broadcast %max3A_405 : f32 to vector<16xf32>
        %max3A_407 = arith.maximumf %add3A_404, %max3A_406 : vector<16xf32>
        %swap3A_408 = arith.index_cast %scan3A_362 : i32 to index
        %swap3A_409 = arith.constant 48 : index
        %swap3A_410 = tpu.vector_load %arg16[%swap3A_408, %swap3A_409] {strides = array<i32>} : memref<128x64xf32, #tpu.memory_space<vmem>>, vector<16xf32>,
        tpu.vector_store %arg16[%swap3A_408, %swap3A_409], %max3A_407 {strides = array<i32>} : memref<128x64xf32, #tpu.memory_space<vmem>>, vector<16xf32>,
      }
      %scan3A_167 = arith.constant 128 : i32
      %mul3A_168 = arith.constant 128 : i32
      %mul3A_169 = arith.muli %add3A_150, %mul3A_168 : i32
      %dma_start3A_170 = tpu.memref_slice %arg7[%mul3A_169] : memref<10240xi32, #tpu.memory_space<vmem>> -> memref<128xi32, #tpu.memory_space<vmem>>
      %dma_start3A_171 = arith.constant 0 : i32
      %dma_start3A_172 = arith.constant 0 : i32
      %dma_start3A_173 = tpu.memref_slice %arg34[%dma_start3A_171, %dma_start3A_172] : memref<10112x64xf32, #tpu.memory_space<vmem_shared>> -> memref<10112x64xf32, #tpu.memory_space<vmem_shared>>
      tpu.enqueue_indirect_dma source(%arg16 : memref<128x64xf32, #tpu.memory_space<vmem>>) target(%dma_start3A_173 : memref<10112x64xf32, #tpu.memory_space<vmem_shared>>) offsets(%dma_start3A_170 : memref<128xi32, #tpu.memory_space<vmem>>) semaphore(%arg30 : memref<!tpu.dma_semaphore, #tpu.memory_space<semaphore_mem>>) {add = true}
      %gt3A = arith.constant 0 : i32
      %gt3A_174 = arith.cmpi sgt, %while3A_145, %gt3A : i32
      %convert_element_type3A = arith.extui %gt3A_174 : i1 to i32
      %cond3A = arith.constant 0 : i32
      %cond3A_175 = arith.cmpi ne, %convert_element_type3A, %cond3A : i32
      scf.if %cond3A_175 {
        %dma_wait3A_316 = arith.constant 0 : i32
        %dma_wait3A_317 = tpu.memref_slice %arg7[%dma_wait3A_316] : memref<10240xi32, #tpu.memory_space<vmem>> -> memref<128xi32, #tpu.memory_space<vmem>>
        %dma_wait3A_318 = arith.constant 0 : i32
        %dma_wait3A_319 = arith.constant 0 : i32
        %dma_wait3A_320 = tpu.memref_slice %arg34[%dma_wait3A_318, %dma_wait3A_319] : memref<10112x64xf32, #tpu.memory_space<vmem_shared>> -> memref<10112x64xf32, #tpu.memory_space<vmem_shared>>
        tpu.wait_indirect_dma semaphore(%arg32 : memref<!tpu.dma_semaphore, #tpu.memory_space<semaphore_mem>>) src(%arg18 : memref<128x64xf32, #tpu.memory_space<vmem>>) dst(%dma_wait3A_320 : memref<10112x64xf32, #tpu.memory_space<vmem_shared>>)
      } else {
      }
      %add3A_176 = arith.constant 2 : i32
      %add3A_177 = arith.addi %add3A_150, %add3A_176 : i32
      %add3A_178 = arith.addi %min3A_3, %add3A_177 : i32
      %mul3A_179 = arith.constant 128 : i32
      %mul3A_180 = arith.muli %add3A_178, %mul3A_179 : i32
      %dma_start3A_181 = arith.constant 0 : i32
      %dma_start3A_182 = tpu.memref_slice %arg3[%mul3A_180, %dma_start3A_181] : memref<320000x128xbf16, #tpu.memory_space<hbm>> -> memref<128x64xbf16, #tpu.memory_space<hbm>>
      %dma_start3A_183 = arith.constant 0 : i32
      %dma_start3A_184 = tpu.memref_slice %arg3[%mul3A_180, %dma_start3A_183] : memref<320000x128xbf16, #tpu.memory_space<hbm>> -> memref<128x64xbf16, #tpu.memory_space<hbm>>
      tpu.enqueue_dma source(%dma_start3A_184 : memref<128x64xbf16, #tpu.memory_space<hbm>>) target(%arg10 : memref<128x64xbf16, #tpu.memory_space<vmem>>) target_semaphore(%arg24 : memref<!tpu.dma_semaphore, #tpu.memory_space<semaphore_mem>>)
      %mul3A_185 = arith.constant 128 : i32
      %mul3A_186 = arith.muli %add3A_177, %mul3A_185 : i32
      %dma_start3A_187 = tpu.memref_slice %arg6[%mul3A_186] : memref<10240xi32, #tpu.memory_space<vmem>> -> memref<128xi32, #tpu.memory_space<vmem>>
      %dma_start3A_188 = arith.constant 0 : i32
      %dma_start3A_189 = arith.constant 0 : i32
      %dma_start3A_190 = tpu.memref_slice %arg2[%dma_start3A_188, %dma_start3A_189] : memref<10000x64xbf16, #tpu.memory_space<hbm>> -> memref<10000x64xbf16, #tpu.memory_space<hbm>>
      tpu.enqueue_indirect_dma source(%dma_start3A_190 : memref<10000x64xbf16, #tpu.memory_space<hbm>>) target(%arg14 : memref<128x64xbf16, #tpu.memory_space<vmem>>) offsets(%dma_start3A_187 : memref<128xi32, #tpu.memory_space<vmem>>) semaphore(%arg28 : memref<!tpu.dma_semaphore, #tpu.memory_space<semaphore_mem>>)
      %mul3A_191 = arith.constant 4 : i32
      %mul3A_192 = arith.muli %while3A_145, %mul3A_191 : i32
      %add3A_193 = arith.addi %sub3A, %mul3A_192 : i32
      %add3A_194 = arith.constant 1 : i32
      %add3A_195 = arith.addi %add3A_193, %add3A_194 : i32
      %dma_wait3A_196 = arith.constant 0 : i32
      %dma_wait3A_197 = arith.constant 0 : i32
      %dma_wait3A_198 = tpu.memref_slice %arg3[%dma_wait3A_196, %dma_wait3A_197] : memref<320000x128xbf16, #tpu.memory_space<hbm>> -> memref<128x64xbf16, #tpu.memory_space<hbm>>
      %dma_wait3A_199 = arith.constant 0 : i32
      %dma_wait3A_200 = arith.constant 0 : i32
      %dma_wait3A_201 = tpu.memref_slice %arg3[%dma_wait3A_199, %dma_wait3A_200] : memref<320000x128xbf16, #tpu.memory_space<hbm>> -> memref<128x64xbf16, #tpu.memory_space<hbm>>
      tpu.wait_dma2 semaphore(%arg23 : memref<!tpu.dma_semaphore, #tpu.memory_space<semaphore_mem>>) src(%dma_wait3A_201 : memref<128x64xbf16, #tpu.memory_space<hbm>>) dst(%arg9 : memref<128x64xbf16, #tpu.memory_space<vmem>>)
      %dma_wait3A_202 = arith.constant 0 : i32
      %dma_wait3A_203 = tpu.memref_slice %arg6[%dma_wait3A_202] : memref<10240xi32, #tpu.memory_space<vmem>> -> memref<128xi32, #tpu.memory_space<vmem>>
      %dma_wait3A_204 = arith.constant 0 : i32
      %dma_wait3A_205 = arith.constant 0 : i32
      %dma_wait3A_206 = tpu.memref_slice %arg2[%dma_wait3A_204, %dma_wait3A_205] : memref<10000x64xbf16, #tpu.memory_space<hbm>> -> memref<10000x64xbf16, #tpu.memory_space<hbm>>
      tpu.wait_indirect_dma semaphore(%arg27 : memref<!tpu.dma_semaphore, #tpu.memory_space<semaphore_mem>>) src(%dma_wait3A_206 : memref<10000x64xbf16, #tpu.memory_space<hbm>>) dst(%arg13 : memref<128x64xbf16, #tpu.memory_space<vmem>>)
      %scan3A_207 = arith.constant 0 : i32
      %scan3A_208 = arith.constant 0 : i32
      %scan3A_209 = arith.constant 128 : i32
      %scan3A_210 = arith.addi %scan3A_208, %scan3A_209 : i32
      %scan3A_211 = arith.constant 2 : i32
      scf.for %scan3A_316 = %scan3A_208 to %scan3A_210 step %scan3A_211  : i32 {
        %get3A = arith.index_cast %scan3A_316 : i32 to index
        %get3A_317 = arith.constant 0 : index
        %get3A_318 = tpu.vector_load %arg9[%get3A, %get3A_317] {strides = array<i32>} : memref<128x64xbf16, #tpu.memory_space<vmem>>, vector<32xbf16>,
        %get3A_319 = arith.index_cast %scan3A_316 : i32 to index
        %get3A_320 = arith.constant 0 : index
        %get3A_321 = tpu.vector_load %arg13[%get3A_319, %get3A_320] {strides = array<i32>} : memref<128x64xbf16, #tpu.memory_space<vmem>>, vector<32xbf16>,
        %unpack3A = tpu.unpack_subelements %get3A_318, 0 {pack_format = #tpu.pack_format<interleaved>} : vector<32xbf16> -> vector<16xf32>
        %unpack3A_322 = tpu.unpack_subelements %get3A_318, 1 {pack_format = #tpu.pack_format<interleaved>} : vector<32xbf16> -> vector<16xf32>
        %unpack3A_323 = tpu.unpack_subelements %get3A_321, 0 {pack_format = #tpu.pack_format<interleaved>} : vector<32xbf16> -> vector<16xf32>
        %unpack3A_324 = tpu.unpack_subelements %get3A_321, 1 {pack_format = #tpu.pack_format<interleaved>} : vector<32xbf16> -> vector<16xf32>
        %add3A_325 = arith.addf %unpack3A_323, %unpack3A : vector<16xf32>
        %max3A = arith.constant 0.000000e+00 : f32
        %max3A_326 = vector.broadcast %max3A : f32 to vector<16xf32>
        %max3A_327 = arith.maximumf %add3A_325, %max3A_326 : vector<16xf32>
        %swap3A = arith.index_cast %scan3A_316 : i32 to index
        %swap3A_328 = arith.constant 0 : index
        %swap3A_329 = tpu.vector_load %arg17[%swap3A, %swap3A_328] {strides = array<i32>} : memref<128x64xf32, #tpu.memory_space<vmem>>, vector<16xf32>,
        tpu.vector_store %arg17[%swap3A, %swap3A_328], %max3A_327 {strides = array<i32>} : memref<128x64xf32, #tpu.memory_space<vmem>>, vector<16xf32>,
        %add3A_330 = arith.addf %unpack3A_324, %unpack3A_322 : vector<16xf32>
        %max3A_331 = arith.constant 0.000000e+00 : f32
        %max3A_332 = vector.broadcast %max3A_331 : f32 to vector<16xf32>
        %max3A_333 = arith.maximumf %add3A_330, %max3A_332 : vector<16xf32>
        %swap3A_334 = arith.index_cast %scan3A_316 : i32 to index
        %swap3A_335 = arith.constant 16 : index
        %swap3A_336 = tpu.vector_load %arg17[%swap3A_334, %swap3A_335] {strides = array<i32>} : memref<128x64xf32, #tpu.memory_space<vmem>>, vector<16xf32>,
        tpu.vector_store %arg17[%swap3A_334, %swap3A_335], %max3A_333 {strides = array<i32>} : memref<128x64xf32, #tpu.memory_space<vmem>>, vector<16xf32>,
        %get3A_337 = arith.index_cast %scan3A_316 : i32 to index
        %get3A_338 = arith.constant 32 : index
        %get3A_339 = tpu.vector_load %arg9[%get3A_337, %get3A_338] {strides = array<i32>} : memref<128x64xbf16, #tpu.memory_space<vmem>>, vector<32xbf16>,
        %get3A_340 = arith.index_cast %scan3A_316 : i32 to index
        %get3A_341 = arith.constant 32 : index
        %get3A_342 = tpu.vector_load %arg13[%get3A_340, %get3A_341] {strides = array<i32>} : memref<128x64xbf16, #tpu.memory_space<vmem>>, vector<32xbf16>,
        %unpack3A_343 = tpu.unpack_subelements %get3A_339, 0 {pack_format = #tpu.pack_format<interleaved>} : vector<32xbf16> -> vector<16xf32>
        %unpack3A_344 = tpu.unpack_subelements %get3A_339, 1 {pack_format = #tpu.pack_format<interleaved>} : vector<32xbf16> -> vector<16xf32>
        %unpack3A_345 = tpu.unpack_subelements %get3A_342, 0 {pack_format = #tpu.pack_format<interleaved>} : vector<32xbf16> -> vector<16xf32>
        %unpack3A_346 = tpu.unpack_subelements %get3A_342, 1 {pack_format = #tpu.pack_format<interleaved>} : vector<32xbf16> -> vector<16xf32>
        %add3A_347 = arith.addf %unpack3A_345, %unpack3A_343 : vector<16xf32>
        %max3A_348 = arith.constant 0.000000e+00 : f32
        %max3A_349 = vector.broadcast %max3A_348 : f32 to vector<16xf32>
        %max3A_350 = arith.maximumf %add3A_347, %max3A_349 : vector<16xf32>
        %swap3A_351 = arith.index_cast %scan3A_316 : i32 to index
        %swap3A_352 = arith.constant 32 : index
        %swap3A_353 = tpu.vector_load %arg17[%swap3A_351, %swap3A_352] {strides = array<i32>} : memref<128x64xf32, #tpu.memory_space<vmem>>, vector<16xf32>,
        tpu.vector_store %arg17[%swap3A_351, %swap3A_352], %max3A_350 {strides = array<i32>} : memref<128x64xf32, #tpu.memory_space<vmem>>, vector<16xf32>,
        %add3A_354 = arith.addf %unpack3A_346, %unpack3A_344 : vector<16xf32>
        %max3A_355 = arith.constant 0.000000e+00 : f32
        %max3A_356 = vector.broadcast %max3A_355 : f32 to vector<16xf32>
        %max3A_357 = arith.maximumf %add3A_354, %max3A_356 : vector<16xf32>
        %swap3A_358 = arith.index_cast %scan3A_316 : i32 to index
        %swap3A_359 = arith.constant 48 : index
        %swap3A_360 = tpu.vector_load %arg17[%swap3A_358, %swap3A_359] {strides = array<i32>} : memref<128x64xf32, #tpu.memory_space<vmem>>, vector<16xf32>,
        tpu.vector_store %arg17[%swap3A_358, %swap3A_359], %max3A_357 {strides = array<i32>} : memref<128x64xf32, #tpu.memory_space<vmem>>, vector<16xf32>,
        %scan3A_361 = arith.constant 1 : i32
        %scan3A_362 = arith.addi %scan3A_316, %scan3A_361 : i32
        %get3A_363 = arith.index_cast %scan3A_362 : i32 to index
        %get3A_364 = arith.constant 0 : index
        %get3A_365 = tpu.vector_load %arg9[%get3A_363, %get3A_364] {strides = array<i32>} : memref<128x64xbf16, #tpu.memory_space<vmem>>, vector<32xbf16>,
        %get3A_366 = arith.index_cast %scan3A_362 : i32 to index
        %get3A_367 = arith.constant 0 : index
        %get3A_368 = tpu.vector_load %arg13[%get3A_366, %get3A_367] {strides = array<i32>} : memref<128x64xbf16, #tpu.memory_space<vmem>>, vector<32xbf16>,
        %unpack3A_369 = tpu.unpack_subelements %get3A_365, 0 {pack_format = #tpu.pack_format<interleaved>} : vector<32xbf16> -> vector<16xf32>
        %unpack3A_370 = tpu.unpack_subelements %get3A_365, 1 {pack_format = #tpu.pack_format<interleaved>} : vector<32xbf16> -> vector<16xf32>
        %unpack3A_371 = tpu.unpack_subelements %get3A_368, 0 {pack_format = #tpu.pack_format<interleaved>} : vector<32xbf16> -> vector<16xf32>
        %unpack3A_372 = tpu.unpack_subelements %get3A_368, 1 {pack_format = #tpu.pack_format<interleaved>} : vector<32xbf16> -> vector<16xf32>
        %add3A_373 = arith.addf %unpack3A_371, %unpack3A_369 : vector<16xf32>
        %max3A_374 = arith.constant 0.000000e+00 : f32
        %max3A_375 = vector.broadcast %max3A_374 : f32 to vector<16xf32>
        %max3A_376 = arith.maximumf %add3A_373, %max3A_375 : vector<16xf32>
        %swap3A_377 = arith.index_cast %scan3A_362 : i32 to index
        %swap3A_378 = arith.constant 0 : index
        %swap3A_379 = tpu.vector_load %arg17[%swap3A_377, %swap3A_378] {strides = array<i32>} : memref<128x64xf32, #tpu.memory_space<vmem>>, vector<16xf32>,
        tpu.vector_store %arg17[%swap3A_377, %swap3A_378], %max3A_376 {strides = array<i32>} : memref<128x64xf32, #tpu.memory_space<vmem>>, vector<16xf32>,
        %add3A_380 = arith.addf %unpack3A_372, %unpack3A_370 : vector<16xf32>
        %max3A_381 = arith.constant 0.000000e+00 : f32
        %max3A_382 = vector.broadcast %max3A_381 : f32 to vector<16xf32>
        %max3A_383 = arith.maximumf %add3A_380, %max3A_382 : vector<16xf32>
        %swap3A_384 = arith.index_cast %scan3A_362 : i32 to index
        %swap3A_385 = arith.constant 16 : index
        %swap3A_386 = tpu.vector_load %arg17[%swap3A_384, %swap3A_385] {strides = array<i32>} : memref<128x64xf32, #tpu.memory_space<vmem>>, vector<16xf32>,
        tpu.vector_store %arg17[%swap3A_384, %swap3A_385], %max3A_383 {strides = array<i32>} : memref<128x64xf32, #tpu.memory_space<vmem>>, vector<16xf32>,
        %get3A_387 = arith.index_cast %scan3A_362 : i32 to index
        %get3A_388 = arith.constant 32 : index
        %get3A_389 = tpu.vector_load %arg9[%get3A_387, %get3A_388] {strides = array<i32>} : memref<128x64xbf16, #tpu.memory_space<vmem>>, vector<32xbf16>,
        %get3A_390 = arith.index_cast %scan3A_362 : i32 to index
        %get3A_391 = arith.constant 32 : index
        %get3A_392 = tpu.vector_load %arg13[%get3A_390, %get3A_391] {strides = array<i32>} : memref<128x64xbf16, #tpu.memory_space<vmem>>, vector<32xbf16>,
        %unpack3A_393 = tpu.unpack_subelements %get3A_389, 0 {pack_format = #tpu.pack_format<interleaved>} : vector<32xbf16> -> vector<16xf32>
        %unpack3A_394 = tpu.unpack_subelements %get3A_389, 1 {pack_format = #tpu.pack_format<interleaved>} : vector<32xbf16> -> vector<16xf32>
        %unpack3A_395 = tpu.unpack_subelements %get3A_392, 0 {pack_format = #tpu.pack_format<interleaved>} : vector<32xbf16> -> vector<16xf32>
        %unpack3A_396 = tpu.unpack_subelements %get3A_392, 1 {pack_format = #tpu.pack_format<interleaved>} : vector<32xbf16> -> vector<16xf32>
        %add3A_397 = arith.addf %unpack3A_395, %unpack3A_393 : vector<16xf32>
        %max3A_398 = arith.constant 0.000000e+00 : f32
        %max3A_399 = vector.broadcast %max3A_398 : f32 to vector<16xf32>
        %max3A_400 = arith.maximumf %add3A_397, %max3A_399 : vector<16xf32>
        %swap3A_401 = arith.index_cast %scan3A_362 : i32 to index
        %swap3A_402 = arith.constant 32 : index
        %swap3A_403 = tpu.vector_load %arg17[%swap3A_401, %swap3A_402] {strides = array<i32>} : memref<128x64xf32, #tpu.memory_space<vmem>>, vector<16xf32>,
        tpu.vector_store %arg17[%swap3A_401, %swap3A_402], %max3A_400 {strides = array<i32>} : memref<128x64xf32, #tpu.memory_space<vmem>>, vector<16xf32>,
        %add3A_404 = arith.addf %unpack3A_396, %unpack3A_394 : vector<16xf32>
        %max3A_405 = arith.constant 0.000000e+00 : f32
        %max3A_406 = vector.broadcast %max3A_405 : f32 to vector<16xf32>
        %max3A_407 = arith.maximumf %add3A_404, %max3A_406 : vector<16xf32>
        %swap3A_408 = arith.index_cast %scan3A_362 : i32 to index
        %swap3A_409 = arith.constant 48 : index
        %swap3A_410 = tpu.vector_load %arg17[%swap3A_408, %swap3A_409] {strides = array<i32>} : memref<128x64xf32, #tpu.memory_space<vmem>>, vector<16xf32>,
        tpu.vector_store %arg17[%swap3A_408, %swap3A_409], %max3A_407 {strides = array<i32>} : memref<128x64xf32, #tpu.memory_space<vmem>>, vector<16xf32>,
      }
      %scan3A_212 = arith.constant 128 : i32
      %mul3A_213 = arith.constant 128 : i32
      %mul3A_214 = arith.muli %add3A_195, %mul3A_213 : i32
      %dma_start3A_215 = tpu.memref_slice %arg7[%mul3A_214] : memref<10240xi32, #tpu.memory_space<vmem>> -> memref<128xi32, #tpu.memory_space<vmem>>
      %dma_start3A_216 = arith.constant 0 : i32
      %dma_start3A_217 = arith.constant 0 : i32
      %dma_start3A_218 = tpu.memref_slice %arg34[%dma_start3A_216, %dma_start3A_217] : memref<10112x64xf32, #tpu.memory_space<vmem_shared>> -> memref<10112x64xf32, #tpu.memory_space<vmem_shared>>
      tpu.enqueue_indirect_dma source(%arg17 : memref<128x64xf32, #tpu.memory_space<vmem>>) target(%dma_start3A_218 : memref<10112x64xf32, #tpu.memory_space<vmem_shared>>) offsets(%dma_start3A_215 : memref<128xi32, #tpu.memory_space<vmem>>) semaphore(%arg31 : memref<!tpu.dma_semaphore, #tpu.memory_space<semaphore_mem>>) {add = true}
      %gt3A_219 = arith.constant 0 : i32
      %gt3A_220 = arith.cmpi sgt, %while3A_145, %gt3A_219 : i32
      %convert_element_type3A_221 = arith.extui %gt3A_220 : i1 to i32
      %cond3A_222 = arith.constant 0 : i32
      %cond3A_223 = arith.cmpi ne, %convert_element_type3A_221, %cond3A_222 : i32
      scf.if %cond3A_223 {
        %dma_wait3A_316 = arith.constant 0 : i32
        %dma_wait3A_317 = tpu.memref_slice %arg7[%dma_wait3A_316] : memref<10240xi32, #tpu.memory_space<vmem>> -> memref<128xi32, #tpu.memory_space<vmem>>
        %dma_wait3A_318 = arith.constant 0 : i32
        %dma_wait3A_319 = arith.constant 0 : i32
        %dma_wait3A_320 = tpu.memref_slice %arg34[%dma_wait3A_318, %dma_wait3A_319] : memref<10112x64xf32, #tpu.memory_space<vmem_shared>> -> memref<10112x64xf32, #tpu.memory_space<vmem_shared>>
        tpu.wait_indirect_dma semaphore(%arg33 : memref<!tpu.dma_semaphore, #tpu.memory_space<semaphore_mem>>) src(%arg19 : memref<128x64xf32, #tpu.memory_space<vmem>>) dst(%dma_wait3A_320 : memref<10112x64xf32, #tpu.memory_space<vmem_shared>>)
      } else {
      }
      %add3A_224 = arith.constant 2 : i32
      %add3A_225 = arith.addi %add3A_195, %add3A_224 : i32
      %add3A_226 = arith.addi %min3A_3, %add3A_225 : i32
      %mul3A_227 = arith.constant 128 : i32
      %mul3A_228 = arith.muli %add3A_226, %mul3A_227 : i32
      %dma_start3A_229 = arith.constant 0 : i32
      %dma_start3A_230 = tpu.memref_slice %arg3[%mul3A_228, %dma_start3A_229] : memref<320000x128xbf16, #tpu.memory_space<hbm>> -> memref<128x64xbf16, #tpu.memory_space<hbm>>
      %dma_start3A_231 = arith.constant 0 : i32
      %dma_start3A_232 = tpu.memref_slice %arg3[%mul3A_228, %dma_start3A_231] : memref<320000x128xbf16, #tpu.memory_space<hbm>> -> memref<128x64xbf16, #tpu.memory_space<hbm>>
      tpu.enqueue_dma source(%dma_start3A_232 : memref<128x64xbf16, #tpu.memory_space<hbm>>) target(%arg11 : memref<128x64xbf16, #tpu.memory_space<vmem>>) target_semaphore(%arg25 : memref<!tpu.dma_semaphore, #tpu.memory_space<semaphore_mem>>)
      %mul3A_233 = arith.constant 128 : i32
      %mul3A_234 = arith.muli %add3A_225, %mul3A_233 : i32
      %dma_start3A_235 = tpu.memref_slice %arg6[%mul3A_234] : memref<10240xi32, #tpu.memory_space<vmem>> -> memref<128xi32, #tpu.memory_space<vmem>>
      %dma_start3A_236 = arith.constant 0 : i32
      %dma_start3A_237 = arith.constant 0 : i32
      %dma_start3A_238 = tpu.memref_slice %arg2[%dma_start3A_236, %dma_start3A_237] : memref<10000x64xbf16, #tpu.memory_space<hbm>> -> memref<10000x64xbf16, #tpu.memory_space<hbm>>
      tpu.enqueue_indirect_dma source(%dma_start3A_238 : memref<10000x64xbf16, #tpu.memory_space<hbm>>) target(%arg15 : memref<128x64xbf16, #tpu.memory_space<vmem>>) offsets(%dma_start3A_235 : memref<128xi32, #tpu.memory_space<vmem>>) semaphore(%arg29 : memref<!tpu.dma_semaphore, #tpu.memory_space<semaphore_mem>>)
      %mul3A_239 = arith.constant 4 : i32
      %mul3A_240 = arith.muli %while3A_145, %mul3A_239 : i32
      %add3A_241 = arith.addi %sub3A, %mul3A_240 : i32
      %add3A_242 = arith.constant 2 : i32
      %add3A_243 = arith.addi %add3A_241, %add3A_242 : i32
      %dma_wait3A_244 = arith.constant 0 : i32
      %dma_wait3A_245 = arith.constant 0 : i32
      %dma_wait3A_246 = tpu.memref_slice %arg3[%dma_wait3A_244, %dma_wait3A_245] : memref<320000x128xbf16, #tpu.memory_space<hbm>> -> memref<128x64xbf16, #tpu.memory_space<hbm>>
      %dma_wait3A_247 = arith.constant 0 : i32
      %dma_wait3A_248 = arith.constant 0 : i32
      %dma_wait3A_249 = tpu.memref_slice %arg3[%dma_wait3A_247, %dma_wait3A_248] : memref<320000x128xbf16, #tpu.memory_space<hbm>> -> memref<128x64xbf16, #tpu.memory_space<hbm>>
      tpu.wait_dma2 semaphore(%arg24 : memref<!tpu.dma_semaphore, #tpu.memory_space<semaphore_mem>>) src(%dma_wait3A_249 : memref<128x64xbf16, #tpu.memory_space<hbm>>) dst(%arg10 : memref<128x64xbf16, #tpu.memory_space<vmem>>)
      %dma_wait3A_250 = arith.constant 0 : i32
      %dma_wait3A_251 = tpu.memref_slice %arg6[%dma_wait3A_250] : memref<10240xi32, #tpu.memory_space<vmem>> -> memref<128xi32, #tpu.memory_space<vmem>>
      %dma_wait3A_252 = arith.constant 0 : i32
      %dma_wait3A_253 = arith.constant 0 : i32
      %dma_wait3A_254 = tpu.memref_slice %arg2[%dma_wait3A_252, %dma_wait3A_253] : memref<10000x64xbf16, #tpu.memory_space<hbm>> -> memref<10000x64xbf16, #tpu.memory_space<hbm>>
      tpu.wait_indirect_dma semaphore(%arg28 : memref<!tpu.dma_semaphore, #tpu.memory_space<semaphore_mem>>) src(%dma_wait3A_254 : memref<10000x64xbf16, #tpu.memory_space<hbm>>) dst(%arg14 : memref<128x64xbf16, #tpu.memory_space<vmem>>)
      %scan3A_255 = arith.constant 0 : i32
      %scan3A_256 = arith.constant 0 : i32
      %scan3A_257 = arith.constant 128 : i32
      %scan3A_258 = arith.addi %scan3A_256, %scan3A_257 : i32
      %scan3A_259 = arith.constant 2 : i32
      scf.for %scan3A_316 = %scan3A_256 to %scan3A_258 step %scan3A_259  : i32 {
        %get3A = arith.index_cast %scan3A_316 : i32 to index
        %get3A_317 = arith.constant 0 : index
        %get3A_318 = tpu.vector_load %arg10[%get3A, %get3A_317] {strides = array<i32>} : memref<128x64xbf16, #tpu.memory_space<vmem>>, vector<32xbf16>,
        %get3A_319 = arith.index_cast %scan3A_316 : i32 to index
        %get3A_320 = arith.constant 0 : index
        %get3A_321 = tpu.vector_load %arg14[%get3A_319, %get3A_320] {strides = array<i32>} : memref<128x64xbf16, #tpu.memory_space<vmem>>, vector<32xbf16>,
        %unpack3A = tpu.unpack_subelements %get3A_318, 0 {pack_format = #tpu.pack_format<interleaved>} : vector<32xbf16> -> vector<16xf32>
        %unpack3A_322 = tpu.unpack_subelements %get3A_318, 1 {pack_format = #tpu.pack_format<interleaved>} : vector<32xbf16> -> vector<16xf32>
        %unpack3A_323 = tpu.unpack_subelements %get3A_321, 0 {pack_format = #tpu.pack_format<interleaved>} : vector<32xbf16> -> vector<16xf32>
        %unpack3A_324 = tpu.unpack_subelements %get3A_321, 1 {pack_format = #tpu.pack_format<interleaved>} : vector<32xbf16> -> vector<16xf32>
        %add3A_325 = arith.addf %unpack3A_323, %unpack3A : vector<16xf32>
        %max3A = arith.constant 0.000000e+00 : f32
        %max3A_326 = vector.broadcast %max3A : f32 to vector<16xf32>
        %max3A_327 = arith.maximumf %add3A_325, %max3A_326 : vector<16xf32>
        %swap3A = arith.index_cast %scan3A_316 : i32 to index
        %swap3A_328 = arith.constant 0 : index
        %swap3A_329 = tpu.vector_load %arg18[%swap3A, %swap3A_328] {strides = array<i32>} : memref<128x64xf32, #tpu.memory_space<vmem>>, vector<16xf32>,
        tpu.vector_store %arg18[%swap3A, %swap3A_328], %max3A_327 {strides = array<i32>} : memref<128x64xf32, #tpu.memory_space<vmem>>, vector<16xf32>,
        %add3A_330 = arith.addf %unpack3A_324, %unpack3A_322 : vector<16xf32>
        %max3A_331 = arith.constant 0.000000e+00 : f32
        %max3A_332 = vector.broadcast %max3A_331 : f32 to vector<16xf32>
        %max3A_333 = arith.maximumf %add3A_330, %max3A_332 : vector<16xf32>
        %swap3A_334 = arith.index_cast %scan3A_316 : i32 to index
        %swap3A_335 = arith.constant 16 : index
        %swap3A_336 = tpu.vector_load %arg18[%swap3A_334, %swap3A_335] {strides = array<i32>} : memref<128x64xf32, #tpu.memory_space<vmem>>, vector<16xf32>,
        tpu.vector_store %arg18[%swap3A_334, %swap3A_335], %max3A_333 {strides = array<i32>} : memref<128x64xf32, #tpu.memory_space<vmem>>, vector<16xf32>,
        %get3A_337 = arith.index_cast %scan3A_316 : i32 to index
        %get3A_338 = arith.constant 32 : index
        %get3A_339 = tpu.vector_load %arg10[%get3A_337, %get3A_338] {strides = array<i32>} : memref<128x64xbf16, #tpu.memory_space<vmem>>, vector<32xbf16>,
        %get3A_340 = arith.index_cast %scan3A_316 : i32 to index
        %get3A_341 = arith.constant 32 : index
        %get3A_342 = tpu.vector_load %arg14[%get3A_340, %get3A_341] {strides = array<i32>} : memref<128x64xbf16, #tpu.memory_space<vmem>>, vector<32xbf16>,
        %unpack3A_343 = tpu.unpack_subelements %get3A_339, 0 {pack_format = #tpu.pack_format<interleaved>} : vector<32xbf16> -> vector<16xf32>
        %unpack3A_344 = tpu.unpack_subelements %get3A_339, 1 {pack_format = #tpu.pack_format<interleaved>} : vector<32xbf16> -> vector<16xf32>
        %unpack3A_345 = tpu.unpack_subelements %get3A_342, 0 {pack_format = #tpu.pack_format<interleaved>} : vector<32xbf16> -> vector<16xf32>
        %unpack3A_346 = tpu.unpack_subelements %get3A_342, 1 {pack_format = #tpu.pack_format<interleaved>} : vector<32xbf16> -> vector<16xf32>
        %add3A_347 = arith.addf %unpack3A_345, %unpack3A_343 : vector<16xf32>
        %max3A_348 = arith.constant 0.000000e+00 : f32
        %max3A_349 = vector.broadcast %max3A_348 : f32 to vector<16xf32>
        %max3A_350 = arith.maximumf %add3A_347, %max3A_349 : vector<16xf32>
        %swap3A_351 = arith.index_cast %scan3A_316 : i32 to index
        %swap3A_352 = arith.constant 32 : index
        %swap3A_353 = tpu.vector_load %arg18[%swap3A_351, %swap3A_352] {strides = array<i32>} : memref<128x64xf32, #tpu.memory_space<vmem>>, vector<16xf32>,
        tpu.vector_store %arg18[%swap3A_351, %swap3A_352], %max3A_350 {strides = array<i32>} : memref<128x64xf32, #tpu.memory_space<vmem>>, vector<16xf32>,
        %add3A_354 = arith.addf %unpack3A_346, %unpack3A_344 : vector<16xf32>
        %max3A_355 = arith.constant 0.000000e+00 : f32
        %max3A_356 = vector.broadcast %max3A_355 : f32 to vector<16xf32>
        %max3A_357 = arith.maximumf %add3A_354, %max3A_356 : vector<16xf32>
        %swap3A_358 = arith.index_cast %scan3A_316 : i32 to index
        %swap3A_359 = arith.constant 48 : index
        %swap3A_360 = tpu.vector_load %arg18[%swap3A_358, %swap3A_359] {strides = array<i32>} : memref<128x64xf32, #tpu.memory_space<vmem>>, vector<16xf32>,
        tpu.vector_store %arg18[%swap3A_358, %swap3A_359], %max3A_357 {strides = array<i32>} : memref<128x64xf32, #tpu.memory_space<vmem>>, vector<16xf32>,
        %scan3A_361 = arith.constant 1 : i32
        %scan3A_362 = arith.addi %scan3A_316, %scan3A_361 : i32
        %get3A_363 = arith.index_cast %scan3A_362 : i32 to index
        %get3A_364 = arith.constant 0 : index
        %get3A_365 = tpu.vector_load %arg10[%get3A_363, %get3A_364] {strides = array<i32>} : memref<128x64xbf16, #tpu.memory_space<vmem>>, vector<32xbf16>,
        %get3A_366 = arith.index_cast %scan3A_362 : i32 to index
        %get3A_367 = arith.constant 0 : index
        %get3A_368 = tpu.vector_load %arg14[%get3A_366, %get3A_367] {strides = array<i32>} : memref<128x64xbf16, #tpu.memory_space<vmem>>, vector<32xbf16>,
        %unpack3A_369 = tpu.unpack_subelements %get3A_365, 0 {pack_format = #tpu.pack_format<interleaved>} : vector<32xbf16> -> vector<16xf32>
        %unpack3A_370 = tpu.unpack_subelements %get3A_365, 1 {pack_format = #tpu.pack_format<interleaved>} : vector<32xbf16> -> vector<16xf32>
        %unpack3A_371 = tpu.unpack_subelements %get3A_368, 0 {pack_format = #tpu.pack_format<interleaved>} : vector<32xbf16> -> vector<16xf32>
        %unpack3A_372 = tpu.unpack_subelements %get3A_368, 1 {pack_format = #tpu.pack_format<interleaved>} : vector<32xbf16> -> vector<16xf32>
        %add3A_373 = arith.addf %unpack3A_371, %unpack3A_369 : vector<16xf32>
        %max3A_374 = arith.constant 0.000000e+00 : f32
        %max3A_375 = vector.broadcast %max3A_374 : f32 to vector<16xf32>
        %max3A_376 = arith.maximumf %add3A_373, %max3A_375 : vector<16xf32>
        %swap3A_377 = arith.index_cast %scan3A_362 : i32 to index
        %swap3A_378 = arith.constant 0 : index
        %swap3A_379 = tpu.vector_load %arg18[%swap3A_377, %swap3A_378] {strides = array<i32>} : memref<128x64xf32, #tpu.memory_space<vmem>>, vector<16xf32>,
        tpu.vector_store %arg18[%swap3A_377, %swap3A_378], %max3A_376 {strides = array<i32>} : memref<128x64xf32, #tpu.memory_space<vmem>>, vector<16xf32>,
        %add3A_380 = arith.addf %unpack3A_372, %unpack3A_370 : vector<16xf32>
        %max3A_381 = arith.constant 0.000000e+00 : f32
        %max3A_382 = vector.broadcast %max3A_381 : f32 to vector<16xf32>
        %max3A_383 = arith.maximumf %add3A_380, %max3A_382 : vector<16xf32>
        %swap3A_384 = arith.index_cast %scan3A_362 : i32 to index
        %swap3A_385 = arith.constant 16 : index
        %swap3A_386 = tpu.vector_load %arg18[%swap3A_384, %swap3A_385] {strides = array<i32>} : memref<128x64xf32, #tpu.memory_space<vmem>>, vector<16xf32>,
        tpu.vector_store %arg18[%swap3A_384, %swap3A_385], %max3A_383 {strides = array<i32>} : memref<128x64xf32, #tpu.memory_space<vmem>>, vector<16xf32>,
        %get3A_387 = arith.index_cast %scan3A_362 : i32 to index
        %get3A_388 = arith.constant 32 : index
        %get3A_389 = tpu.vector_load %arg10[%get3A_387, %get3A_388] {strides = array<i32>} : memref<128x64xbf16, #tpu.memory_space<vmem>>, vector<32xbf16>,
        %get3A_390 = arith.index_cast %scan3A_362 : i32 to index
        %get3A_391 = arith.constant 32 : index
        %get3A_392 = tpu.vector_load %arg14[%get3A_390, %get3A_391] {strides = array<i32>} : memref<128x64xbf16, #tpu.memory_space<vmem>>, vector<32xbf16>,
        %unpack3A_393 = tpu.unpack_subelements %get3A_389, 0 {pack_format = #tpu.pack_format<interleaved>} : vector<32xbf16> -> vector<16xf32>
        %unpack3A_394 = tpu.unpack_subelements %get3A_389, 1 {pack_format = #tpu.pack_format<interleaved>} : vector<32xbf16> -> vector<16xf32>
        %unpack3A_395 = tpu.unpack_subelements %get3A_392, 0 {pack_format = #tpu.pack_format<interleaved>} : vector<32xbf16> -> vector<16xf32>
        %unpack3A_396 = tpu.unpack_subelements %get3A_392, 1 {pack_format = #tpu.pack_format<interleaved>} : vector<32xbf16> -> vector<16xf32>
        %add3A_397 = arith.addf %unpack3A_395, %unpack3A_393 : vector<16xf32>
        %max3A_398 = arith.constant 0.000000e+00 : f32
        %max3A_399 = vector.broadcast %max3A_398 : f32 to vector<16xf32>
        %max3A_400 = arith.maximumf %add3A_397, %max3A_399 : vector<16xf32>
        %swap3A_401 = arith.index_cast %scan3A_362 : i32 to index
        %swap3A_402 = arith.constant 32 : index
        %swap3A_403 = tpu.vector_load %arg18[%swap3A_401, %swap3A_402] {strides = array<i32>} : memref<128x64xf32, #tpu.memory_space<vmem>>, vector<16xf32>,
        tpu.vector_store %arg18[%swap3A_401, %swap3A_402], %max3A_400 {strides = array<i32>} : memref<128x64xf32, #tpu.memory_space<vmem>>, vector<16xf32>,
        %add3A_404 = arith.addf %unpack3A_396, %unpack3A_394 : vector<16xf32>
        %max3A_405 = arith.constant 0.000000e+00 : f32
        %max3A_406 = vector.broadcast %max3A_405 : f32 to vector<16xf32>
        %max3A_407 = arith.maximumf %add3A_404, %max3A_406 : vector<16xf32>
        %swap3A_408 = arith.index_cast %scan3A_362 : i32 to index
        %swap3A_409 = arith.constant 48 : index
        %swap3A_410 = tpu.vector_load %arg18[%swap3A_408, %swap3A_409] {strides = array<i32>} : memref<128x64xf32, #tpu.memory_space<vmem>>, vector<16xf32>,
        tpu.vector_store %arg18[%swap3A_408, %swap3A_409], %max3A_407 {strides = array<i32>} : memref<128x64xf32, #tpu.memory_space<vmem>>, vector<16xf32>,
      }
      %scan3A_260 = arith.constant 128 : i32
      %mul3A_261 = arith.constant 128 : i32
      %mul3A_262 = arith.muli %add3A_243, %mul3A_261 : i32
      %dma_start3A_263 = tpu.memref_slice %arg7[%mul3A_262] : memref<10240xi32, #tpu.memory_space<vmem>> -> memref<128xi32, #tpu.memory_space<vmem>>
      %dma_start3A_264 = arith.constant 0 : i32
      %dma_start3A_265 = arith.constant 0 : i32
      %dma_start3A_266 = tpu.memref_slice %arg34[%dma_start3A_264, %dma_start3A_265] : memref<10112x64xf32, #tpu.memory_space<vmem_shared>> -> memref<10112x64xf32, #tpu.memory_space<vmem_shared>>
      tpu.enqueue_indirect_dma source(%arg18 : memref<128x64xf32, #tpu.memory_space<vmem>>) target(%dma_start3A_266 : memref<10112x64xf32, #tpu.memory_space<vmem_shared>>) offsets(%dma_start3A_263 : memref<128xi32, #tpu.memory_space<vmem>>) semaphore(%arg32 : memref<!tpu.dma_semaphore, #tpu.memory_space<semaphore_mem>>) {add = true}
      %dma_wait3A_267 = arith.constant 0 : i32
      %dma_wait3A_268 = tpu.memref_slice %arg7[%dma_wait3A_267] : memref<10240xi32, #tpu.memory_space<vmem>> -> memref<128xi32, #tpu.memory_space<vmem>>
      %dma_wait3A_269 = arith.constant 0 : i32
      %dma_wait3A_270 = arith.constant 0 : i32
      %dma_wait3A_271 = tpu.memref_slice %arg34[%dma_wait3A_269, %dma_wait3A_270] : memref<10112x64xf32, #tpu.memory_space<vmem_shared>> -> memref<10112x64xf32, #tpu.memory_space<vmem_shared>>
      tpu.wait_indirect_dma semaphore(%arg30 : memref<!tpu.dma_semaphore, #tpu.memory_space<semaphore_mem>>) src(%arg16 : memref<128x64xf32, #tpu.memory_space<vmem>>) dst(%dma_wait3A_271 : memref<10112x64xf32, #tpu.memory_space<vmem_shared>>)
      %sub3A_272 = arith.constant 1 : i32
      %sub3A_273 = arith.subi %select_n3A, %sub3A_272 : i32
      %lt3A = arith.cmpi slt, %while3A_145, %sub3A_273 : i32
      %convert_element_type3A_274 = arith.extui %lt3A : i1 to i32
      %cond3A_275 = arith.constant 0 : i32
      %cond3A_276 = arith.cmpi ne, %convert_element_type3A_274, %cond3A_275 : i32
      scf.if %cond3A_276 {
        %add3A_316 = arith.constant 2 : i32
        %add3A_317 = arith.addi %add3A_243, %add3A_316 : i32
        %add3A_318 = arith.addi %min3A_3, %add3A_317 : i32
        %mul3A_319 = arith.constant 128 : i32
        %mul3A_320 = arith.muli %add3A_318, %mul3A_319 : i32
        %dma_start3A_321 = arith.constant 0 : i32
        %dma_start3A_322 = tpu.memref_slice %arg3[%mul3A_320, %dma_start3A_321] : memref<320000x128xbf16, #tpu.memory_space<hbm>> -> memref<128x64xbf16, #tpu.memory_space<hbm>>
        %dma_start3A_323 = arith.constant 0 : i32
        %dma_start3A_324 = tpu.memref_slice %arg3[%mul3A_320, %dma_start3A_323] : memref<320000x128xbf16, #tpu.memory_space<hbm>> -> memref<128x64xbf16, #tpu.memory_space<hbm>>
        tpu.enqueue_dma source(%dma_start3A_324 : memref<128x64xbf16, #tpu.memory_space<hbm>>) target(%arg8 : memref<128x64xbf16, #tpu.memory_space<vmem>>) target_semaphore(%arg22 : memref<!tpu.dma_semaphore, #tpu.memory_space<semaphore_mem>>)
        %mul3A_325 = arith.constant 128 : i32
        %mul3A_326 = arith.muli %add3A_317, %mul3A_325 : i32
        %dma_start3A_327 = tpu.memref_slice %arg6[%mul3A_326] : memref<10240xi32, #tpu.memory_space<vmem>> -> memref<128xi32, #tpu.memory_space<vmem>>
        %dma_start3A_328 = arith.constant 0 : i32
        %dma_start3A_329 = arith.constant 0 : i32
        %dma_start3A_330 = tpu.memref_slice %arg2[%dma_start3A_328, %dma_start3A_329] : memref<10000x64xbf16, #tpu.memory_space<hbm>> -> memref<10000x64xbf16, #tpu.memory_space<hbm>>
        tpu.enqueue_indirect_dma source(%dma_start3A_330 : memref<10000x64xbf16, #tpu.memory_space<hbm>>) target(%arg12 : memref<128x64xbf16, #tpu.memory_space<vmem>>) offsets(%dma_start3A_327 : memref<128xi32, #tpu.memory_space<vmem>>) semaphore(%arg26 : memref<!tpu.dma_semaphore, #tpu.memory_space<semaphore_mem>>)
      } else {
      }
      %mul3A_277 = arith.constant 4 : i32
      %mul3A_278 = arith.muli %while3A_145, %mul3A_277 : i32
      %add3A_279 = arith.addi %sub3A, %mul3A_278 : i32
      %add3A_280 = arith.constant 3 : i32
      %add3A_281 = arith.addi %add3A_279, %add3A_280 : i32
      %dma_wait3A_282 = arith.constant 0 : i32
      %dma_wait3A_283 = arith.constant 0 : i32
      %dma_wait3A_284 = tpu.memref_slice %arg3[%dma_wait3A_282, %dma_wait3A_283] : memref<320000x128xbf16, #tpu.memory_space<hbm>> -> memref<128x64xbf16, #tpu.memory_space<hbm>>
      %dma_wait3A_285 = arith.constant 0 : i32
      %dma_wait3A_286 = arith.constant 0 : i32
      %dma_wait3A_287 = tpu.memref_slice %arg3[%dma_wait3A_285, %dma_wait3A_286] : memref<320000x128xbf16, #tpu.memory_space<hbm>> -> memref<128x64xbf16, #tpu.memory_space<hbm>>
      tpu.wait_dma2 semaphore(%arg25 : memref<!tpu.dma_semaphore, #tpu.memory_space<semaphore_mem>>) src(%dma_wait3A_287 : memref<128x64xbf16, #tpu.memory_space<hbm>>) dst(%arg11 : memref<128x64xbf16, #tpu.memory_space<vmem>>)
      %dma_wait3A_288 = arith.constant 0 : i32
      %dma_wait3A_289 = tpu.memref_slice %arg6[%dma_wait3A_288] : memref<10240xi32, #tpu.memory_space<vmem>> -> memref<128xi32, #tpu.memory_space<vmem>>
      %dma_wait3A_290 = arith.constant 0 : i32
      %dma_wait3A_291 = arith.constant 0 : i32
      %dma_wait3A_292 = tpu.memref_slice %arg2[%dma_wait3A_290, %dma_wait3A_291] : memref<10000x64xbf16, #tpu.memory_space<hbm>> -> memref<10000x64xbf16, #tpu.memory_space<hbm>>
      tpu.wait_indirect_dma semaphore(%arg29 : memref<!tpu.dma_semaphore, #tpu.memory_space<semaphore_mem>>) src(%dma_wait3A_292 : memref<10000x64xbf16, #tpu.memory_space<hbm>>) dst(%arg15 : memref<128x64xbf16, #tpu.memory_space<vmem>>)
      %scan3A_293 = arith.constant 0 : i32
      %scan3A_294 = arith.constant 0 : i32
      %scan3A_295 = arith.constant 128 : i32
      %scan3A_296 = arith.addi %scan3A_294, %scan3A_295 : i32
      %scan3A_297 = arith.constant 2 : i32
      scf.for %scan3A_316 = %scan3A_294 to %scan3A_296 step %scan3A_297  : i32 {
        %get3A = arith.index_cast %scan3A_316 : i32 to index
        %get3A_317 = arith.constant 0 : index
        %get3A_318 = tpu.vector_load %arg11[%get3A, %get3A_317] {strides = array<i32>} : memref<128x64xbf16, #tpu.memory_space<vmem>>, vector<32xbf16>,
        %get3A_319 = arith.index_cast %scan3A_316 : i32 to index
        %get3A_320 = arith.constant 0 : index
        %get3A_321 = tpu.vector_load %arg15[%get3A_319, %get3A_320] {strides = array<i32>} : memref<128x64xbf16, #tpu.memory_space<vmem>>, vector<32xbf16>,
        %unpack3A = tpu.unpack_subelements %get3A_318, 0 {pack_format = #tpu.pack_format<interleaved>} : vector<32xbf16> -> vector<16xf32>
        %unpack3A_322 = tpu.unpack_subelements %get3A_318, 1 {pack_format = #tpu.pack_format<interleaved>} : vector<32xbf16> -> vector<16xf32>
        %unpack3A_323 = tpu.unpack_subelements %get3A_321, 0 {pack_format = #tpu.pack_format<interleaved>} : vector<32xbf16> -> vector<16xf32>
        %unpack3A_324 = tpu.unpack_subelements %get3A_321, 1 {pack_format = #tpu.pack_format<interleaved>} : vector<32xbf16> -> vector<16xf32>
        %add3A_325 = arith.addf %unpack3A_323, %unpack3A : vector<16xf32>
        %max3A = arith.constant 0.000000e+00 : f32
        %max3A_326 = vector.broadcast %max3A : f32 to vector<16xf32>
        %max3A_327 = arith.maximumf %add3A_325, %max3A_326 : vector<16xf32>
        %swap3A = arith.index_cast %scan3A_316 : i32 to index
        %swap3A_328 = arith.constant 0 : index
        %swap3A_329 = tpu.vector_load %arg19[%swap3A, %swap3A_328] {strides = array<i32>} : memref<128x64xf32, #tpu.memory_space<vmem>>, vector<16xf32>,
        tpu.vector_store %arg19[%swap3A, %swap3A_328], %max3A_327 {strides = array<i32>} : memref<128x64xf32, #tpu.memory_space<vmem>>, vector<16xf32>,
        %add3A_330 = arith.addf %unpack3A_324, %unpack3A_322 : vector<16xf32>
        %max3A_331 = arith.constant 0.000000e+00 : f32
        %max3A_332 = vector.broadcast %max3A_331 : f32 to vector<16xf32>
        %max3A_333 = arith.maximumf %add3A_330, %max3A_332 : vector<16xf32>
        %swap3A_334 = arith.index_cast %scan3A_316 : i32 to index
        %swap3A_335 = arith.constant 16 : index
        %swap3A_336 = tpu.vector_load %arg19[%swap3A_334, %swap3A_335] {strides = array<i32>} : memref<128x64xf32, #tpu.memory_space<vmem>>, vector<16xf32>,
        tpu.vector_store %arg19[%swap3A_334, %swap3A_335], %max3A_333 {strides = array<i32>} : memref<128x64xf32, #tpu.memory_space<vmem>>, vector<16xf32>,
        %get3A_337 = arith.index_cast %scan3A_316 : i32 to index
        %get3A_338 = arith.constant 32 : index
        %get3A_339 = tpu.vector_load %arg11[%get3A_337, %get3A_338] {strides = array<i32>} : memref<128x64xbf16, #tpu.memory_space<vmem>>, vector<32xbf16>,
        %get3A_340 = arith.index_cast %scan3A_316 : i32 to index
        %get3A_341 = arith.constant 32 : index
        %get3A_342 = tpu.vector_load %arg15[%get3A_340, %get3A_341] {strides = array<i32>} : memref<128x64xbf16, #tpu.memory_space<vmem>>, vector<32xbf16>,
        %unpack3A_343 = tpu.unpack_subelements %get3A_339, 0 {pack_format = #tpu.pack_format<interleaved>} : vector<32xbf16> -> vector<16xf32>
        %unpack3A_344 = tpu.unpack_subelements %get3A_339, 1 {pack_format = #tpu.pack_format<interleaved>} : vector<32xbf16> -> vector<16xf32>
        %unpack3A_345 = tpu.unpack_subelements %get3A_342, 0 {pack_format = #tpu.pack_format<interleaved>} : vector<32xbf16> -> vector<16xf32>
        %unpack3A_346 = tpu.unpack_subelements %get3A_342, 1 {pack_format = #tpu.pack_format<interleaved>} : vector<32xbf16> -> vector<16xf32>
        %add3A_347 = arith.addf %unpack3A_345, %unpack3A_343 : vector<16xf32>
        %max3A_348 = arith.constant 0.000000e+00 : f32
        %max3A_349 = vector.broadcast %max3A_348 : f32 to vector<16xf32>
        %max3A_350 = arith.maximumf %add3A_347, %max3A_349 : vector<16xf32>
        %swap3A_351 = arith.index_cast %scan3A_316 : i32 to index
        %swap3A_352 = arith.constant 32 : index
        %swap3A_353 = tpu.vector_load %arg19[%swap3A_351, %swap3A_352] {strides = array<i32>} : memref<128x64xf32, #tpu.memory_space<vmem>>, vector<16xf32>,
        tpu.vector_store %arg19[%swap3A_351, %swap3A_352], %max3A_350 {strides = array<i32>} : memref<128x64xf32, #tpu.memory_space<vmem>>, vector<16xf32>,
        %add3A_354 = arith.addf %unpack3A_346, %unpack3A_344 : vector<16xf32>
        %max3A_355 = arith.constant 0.000000e+00 : f32
        %max3A_356 = vector.broadcast %max3A_355 : f32 to vector<16xf32>
        %max3A_357 = arith.maximumf %add3A_354, %max3A_356 : vector<16xf32>
        %swap3A_358 = arith.index_cast %scan3A_316 : i32 to index
        %swap3A_359 = arith.constant 48 : index
        %swap3A_360 = tpu.vector_load %arg19[%swap3A_358, %swap3A_359] {strides = array<i32>} : memref<128x64xf32, #tpu.memory_space<vmem>>, vector<16xf32>,
        tpu.vector_store %arg19[%swap3A_358, %swap3A_359], %max3A_357 {strides = array<i32>} : memref<128x64xf32, #tpu.memory_space<vmem>>, vector<16xf32>,
        %scan3A_361 = arith.constant 1 : i32
        %scan3A_362 = arith.addi %scan3A_316, %scan3A_361 : i32
        %get3A_363 = arith.index_cast %scan3A_362 : i32 to index
        %get3A_364 = arith.constant 0 : index
        %get3A_365 = tpu.vector_load %arg11[%get3A_363, %get3A_364] {strides = array<i32>} : memref<128x64xbf16, #tpu.memory_space<vmem>>, vector<32xbf16>,
        %get3A_366 = arith.index_cast %scan3A_362 : i32 to index
        %get3A_367 = arith.constant 0 : index
        %get3A_368 = tpu.vector_load %arg15[%get3A_366, %get3A_367] {strides = array<i32>} : memref<128x64xbf16, #tpu.memory_space<vmem>>, vector<32xbf16>,
        %unpack3A_369 = tpu.unpack_subelements %get3A_365, 0 {pack_format = #tpu.pack_format<interleaved>} : vector<32xbf16> -> vector<16xf32>
        %unpack3A_370 = tpu.unpack_subelements %get3A_365, 1 {pack_format = #tpu.pack_format<interleaved>} : vector<32xbf16> -> vector<16xf32>
        %unpack3A_371 = tpu.unpack_subelements %get3A_368, 0 {pack_format = #tpu.pack_format<interleaved>} : vector<32xbf16> -> vector<16xf32>
        %unpack3A_372 = tpu.unpack_subelements %get3A_368, 1 {pack_format = #tpu.pack_format<interleaved>} : vector<32xbf16> -> vector<16xf32>
        %add3A_373 = arith.addf %unpack3A_371, %unpack3A_369 : vector<16xf32>
        %max3A_374 = arith.constant 0.000000e+00 : f32
        %max3A_375 = vector.broadcast %max3A_374 : f32 to vector<16xf32>
        %max3A_376 = arith.maximumf %add3A_373, %max3A_375 : vector<16xf32>
        %swap3A_377 = arith.index_cast %scan3A_362 : i32 to index
        %swap3A_378 = arith.constant 0 : index
        %swap3A_379 = tpu.vector_load %arg19[%swap3A_377, %swap3A_378] {strides = array<i32>} : memref<128x64xf32, #tpu.memory_space<vmem>>, vector<16xf32>,
        tpu.vector_store %arg19[%swap3A_377, %swap3A_378], %max3A_376 {strides = array<i32>} : memref<128x64xf32, #tpu.memory_space<vmem>>, vector<16xf32>,
        %add3A_380 = arith.addf %unpack3A_372, %unpack3A_370 : vector<16xf32>
        %max3A_381 = arith.constant 0.000000e+00 : f32
        %max3A_382 = vector.broadcast %max3A_381 : f32 to vector<16xf32>
        %max3A_383 = arith.maximumf %add3A_380, %max3A_382 : vector<16xf32>
        %swap3A_384 = arith.index_cast %scan3A_362 : i32 to index
        %swap3A_385 = arith.constant 16 : index
        %swap3A_386 = tpu.vector_load %arg19[%swap3A_384, %swap3A_385] {strides = array<i32>} : memref<128x64xf32, #tpu.memory_space<vmem>>, vector<16xf32>,
        tpu.vector_store %arg19[%swap3A_384, %swap3A_385], %max3A_383 {strides = array<i32>} : memref<128x64xf32, #tpu.memory_space<vmem>>, vector<16xf32>,
        %get3A_387 = arith.index_cast %scan3A_362 : i32 to index
        %get3A_388 = arith.constant 32 : index
        %get3A_389 = tpu.vector_load %arg11[%get3A_387, %get3A_388] {strides = array<i32>} : memref<128x64xbf16, #tpu.memory_space<vmem>>, vector<32xbf16>,
        %get3A_390 = arith.index_cast %scan3A_362 : i32 to index
        %get3A_391 = arith.constant 32 : index
        %get3A_392 = tpu.vector_load %arg15[%get3A_390, %get3A_391] {strides = array<i32>} : memref<128x64xbf16, #tpu.memory_space<vmem>>, vector<32xbf16>,
        %unpack3A_393 = tpu.unpack_subelements %get3A_389, 0 {pack_format = #tpu.pack_format<interleaved>} : vector<32xbf16> -> vector<16xf32>
        %unpack3A_394 = tpu.unpack_subelements %get3A_389, 1 {pack_format = #tpu.pack_format<interleaved>} : vector<32xbf16> -> vector<16xf32>
        %unpack3A_395 = tpu.unpack_subelements %get3A_392, 0 {pack_format = #tpu.pack_format<interleaved>} : vector<32xbf16> -> vector<16xf32>
        %unpack3A_396 = tpu.unpack_subelements %get3A_392, 1 {pack_format = #tpu.pack_format<interleaved>} : vector<32xbf16> -> vector<16xf32>
        %add3A_397 = arith.addf %unpack3A_395, %unpack3A_393 : vector<16xf32>
        %max3A_398 = arith.constant 0.000000e+00 : f32
        %max3A_399 = vector.broadcast %max3A_398 : f32 to vector<16xf32>
        %max3A_400 = arith.maximumf %add3A_397, %max3A_399 : vector<16xf32>
        %swap3A_401 = arith.index_cast %scan3A_362 : i32 to index
        %swap3A_402 = arith.constant 32 : index
        %swap3A_403 = tpu.vector_load %arg19[%swap3A_401, %swap3A_402] {strides = array<i32>} : memref<128x64xf32, #tpu.memory_space<vmem>>, vector<16xf32>,
        tpu.vector_store %arg19[%swap3A_401, %swap3A_402], %max3A_400 {strides = array<i32>} : memref<128x64xf32, #tpu.memory_space<vmem>>, vector<16xf32>,
        %add3A_404 = arith.addf %unpack3A_396, %unpack3A_394 : vector<16xf32>
        %max3A_405 = arith.constant 0.000000e+00 : f32
        %max3A_406 = vector.broadcast %max3A_405 : f32 to vector<16xf32>
        %max3A_407 = arith.maximumf %add3A_404, %max3A_406 : vector<16xf32>
        %swap3A_408 = arith.index_cast %scan3A_362 : i32 to index
        %swap3A_409 = arith.constant 48 : index
        %swap3A_410 = tpu.vector_load %arg19[%swap3A_408, %swap3A_409] {strides = array<i32>} : memref<128x64xf32, #tpu.memory_space<vmem>>, vector<16xf32>,
        tpu.vector_store %arg19[%swap3A_408, %swap3A_409], %max3A_407 {strides = array<i32>} : memref<128x64xf32, #tpu.memory_space<vmem>>, vector<16xf32>,
      }
      %scan3A_298 = arith.constant 128 : i32
      %mul3A_299 = arith.constant 128 : i32
      %mul3A_300 = arith.muli %add3A_281, %mul3A_299 : i32
      %dma_start3A_301 = tpu.memref_slice %arg7[%mul3A_300] : memref<10240xi32, #tpu.memory_space<vmem>> -> memref<128xi32, #tpu.memory_space<vmem>>
      %dma_start3A_302 = arith.constant 0 : i32
      %dma_start3A_303 = arith.constant 0 : i32
      %dma_start3A_304 = tpu.memref_slice %arg34[%dma_start3A_302, %dma_start3A_303] : memref<10112x64xf32, #tpu.memory_space<vmem_shared>> -> memref<10112x64xf32, #tpu.memory_space<vmem_shared>>
      tpu.enqueue_indirect_dma source(%arg19 : memref<128x64xf32, #tpu.memory_space<vmem>>) target(%dma_start3A_304 : memref<10112x64xf32, #tpu.memory_space<vmem_shared>>) offsets(%dma_start3A_301 : memref<128xi32, #tpu.memory_space<vmem>>) semaphore(%arg33 : memref<!tpu.dma_semaphore, #tpu.memory_space<semaphore_mem>>) {add = true}
      %dma_wait3A_305 = arith.constant 0 : i32
      %dma_wait3A_306 = tpu.memref_slice %arg7[%dma_wait3A_305] : memref<10240xi32, #tpu.memory_space<vmem>> -> memref<128xi32, #tpu.memory_space<vmem>>
      %dma_wait3A_307 = arith.constant 0 : i32
      %dma_wait3A_308 = arith.constant 0 : i32
      %dma_wait3A_309 = tpu.memref_slice %arg34[%dma_wait3A_307, %dma_wait3A_308] : memref<10112x64xf32, #tpu.memory_space<vmem_shared>> -> memref<10112x64xf32, #tpu.memory_space<vmem_shared>>
      tpu.wait_indirect_dma semaphore(%arg31 : memref<!tpu.dma_semaphore, #tpu.memory_space<semaphore_mem>>) src(%arg17 : memref<128x64xf32, #tpu.memory_space<vmem>>) dst(%dma_wait3A_309 : memref<10112x64xf32, #tpu.memory_space<vmem_shared>>)
      %sub3A_310 = arith.constant 1 : i32
      %sub3A_311 = arith.subi %select_n3A, %sub3A_310 : i32
      %lt3A_312 = arith.cmpi slt, %while3A_145, %sub3A_311 : i32
      %convert_element_type3A_313 = arith.extui %lt3A_312 : i1 to i32
      %cond3A_314 = arith.constant 0 : i32
      %cond3A_315 = arith.cmpi ne, %convert_element_type3A_313, %cond3A_314 : i32
      scf.if %cond3A_315 {
        %add3A_316 = arith.constant 2 : i32
        %add3A_317 = arith.addi %add3A_281, %add3A_316 : i32
        %add3A_318 = arith.addi %min3A_3, %add3A_317 : i32
        %mul3A_319 = arith.constant 128 : i32
        %mul3A_320 = arith.muli %add3A_318, %mul3A_319 : i32
        %dma_start3A_321 = arith.constant 0 : i32
        %dma_start3A_322 = tpu.memref_slice %arg3[%mul3A_320, %dma_start3A_321] : memref<320000x128xbf16, #tpu.memory_space<hbm>> -> memref<128x64xbf16, #tpu.memory_space<hbm>>
        %dma_start3A_323 = arith.constant 0 : i32
        %dma_start3A_324 = tpu.memref_slice %arg3[%mul3A_320, %dma_start3A_323] : memref<320000x128xbf16, #tpu.memory_space<hbm>> -> memref<128x64xbf16, #tpu.memory_space<hbm>>
        tpu.enqueue_dma source(%dma_start3A_324 : memref<128x64xbf16, #tpu.memory_space<hbm>>) target(%arg9 : memref<128x64xbf16, #tpu.memory_space<vmem>>) target_semaphore(%arg23 : memref<!tpu.dma_semaphore, #tpu.memory_space<semaphore_mem>>)
        %mul3A_325 = arith.constant 128 : i32
        %mul3A_326 = arith.muli %add3A_317, %mul3A_325 : i32
        %dma_start3A_327 = tpu.memref_slice %arg6[%mul3A_326] : memref<10240xi32, #tpu.memory_space<vmem>> -> memref<128xi32, #tpu.memory_space<vmem>>
        %dma_start3A_328 = arith.constant 0 : i32
        %dma_start3A_329 = arith.constant 0 : i32
        %dma_start3A_330 = tpu.memref_slice %arg2[%dma_start3A_328, %dma_start3A_329] : memref<10000x64xbf16, #tpu.memory_space<hbm>> -> memref<10000x64xbf16, #tpu.memory_space<hbm>>
        tpu.enqueue_indirect_dma source(%dma_start3A_330 : memref<10000x64xbf16, #tpu.memory_space<hbm>>) target(%arg13 : memref<128x64xbf16, #tpu.memory_space<vmem>>) offsets(%dma_start3A_327 : memref<128xi32, #tpu.memory_space<vmem>>) semaphore(%arg27 : memref<!tpu.dma_semaphore, #tpu.memory_space<semaphore_mem>>)
      } else {
      }
    }
    %while3A_126 = arith.constant 1 : i32
    scf.for %while3A_145 = %while3A_124 to %while3A_120 step %while3A_126  : i32 {
      %mul3A_146 = arith.constant 4 : i32
      %mul3A_147 = arith.muli %while3A_145, %mul3A_146 : i32
      %add3A_148 = arith.addi %sub3A, %mul3A_147 : i32
      %add3A_149 = arith.constant 0 : i32
      %add3A_150 = arith.addi %add3A_148, %add3A_149 : i32
      %dma_wait3A_151 = arith.constant 0 : i32
      %dma_wait3A_152 = arith.constant 0 : i32
      %dma_wait3A_153 = tpu.memref_slice %arg3[%dma_wait3A_151, %dma_wait3A_152] : memref<320000x128xbf16, #tpu.memory_space<hbm>> -> memref<128x64xbf16, #tpu.memory_space<hbm>>
      %dma_wait3A_154 = arith.constant 0 : i32
      %dma_wait3A_155 = arith.constant 0 : i32
      %dma_wait3A_156 = tpu.memref_slice %arg3[%dma_wait3A_154, %dma_wait3A_155] : memref<320000x128xbf16, #tpu.memory_space<hbm>> -> memref<128x64xbf16, #tpu.memory_space<hbm>>
      tpu.wait_dma2 semaphore(%arg22 : memref<!tpu.dma_semaphore, #tpu.memory_space<semaphore_mem>>) src(%dma_wait3A_156 : memref<128x64xbf16, #tpu.memory_space<hbm>>) dst(%arg8 : memref<128x64xbf16, #tpu.memory_space<vmem>>)
      %dma_wait3A_157 = arith.constant 0 : i32
      %dma_wait3A_158 = tpu.memref_slice %arg6[%dma_wait3A_157] : memref<10240xi32, #tpu.memory_space<vmem>> -> memref<128xi32, #tpu.memory_space<vmem>>
      %dma_wait3A_159 = arith.constant 0 : i32
      %dma_wait3A_160 = arith.constant 0 : i32
      %dma_wait3A_161 = tpu.memref_slice %arg2[%dma_wait3A_159, %dma_wait3A_160] : memref<10000x64xbf16, #tpu.memory_space<hbm>> -> memref<10000x64xbf16, #tpu.memory_space<hbm>>
      tpu.wait_indirect_dma semaphore(%arg26 : memref<!tpu.dma_semaphore, #tpu.memory_space<semaphore_mem>>) src(%dma_wait3A_161 : memref<10000x64xbf16, #tpu.memory_space<hbm>>) dst(%arg12 : memref<128x64xbf16, #tpu.memory_space<vmem>>)
      %scan3A_162 = arith.constant 0 : i32
      %scan3A_163 = arith.constant 0 : i32
      %scan3A_164 = arith.constant 128 : i32
      %scan3A_165 = arith.addi %scan3A_163, %scan3A_164 : i32
      %scan3A_166 = arith.constant 2 : i32
      scf.for %scan3A_316 = %scan3A_163 to %scan3A_165 step %scan3A_166  : i32 {
        %get3A = arith.index_cast %scan3A_316 : i32 to index
        %get3A_317 = arith.constant 0 : index
        %get3A_318 = tpu.vector_load %arg8[%get3A, %get3A_317] {strides = array<i32>} : memref<128x64xbf16, #tpu.memory_space<vmem>>, vector<32xbf16>,
        %get3A_319 = arith.index_cast %scan3A_316 : i32 to index
        %get3A_320 = arith.constant 0 : index
        %get3A_321 = tpu.vector_load %arg12[%get3A_319, %get3A_320] {strides = array<i32>} : memref<128x64xbf16, #tpu.memory_space<vmem>>, vector<32xbf16>,
        %unpack3A = tpu.unpack_subelements %get3A_318, 0 {pack_format = #tpu.pack_format<interleaved>} : vector<32xbf16> -> vector<16xf32>
        %unpack3A_322 = tpu.unpack_subelements %get3A_318, 1 {pack_format = #tpu.pack_format<interleaved>} : vector<32xbf16> -> vector<16xf32>
        %unpack3A_323 = tpu.unpack_subelements %get3A_321, 0 {pack_format = #tpu.pack_format<interleaved>} : vector<32xbf16> -> vector<16xf32>
        %unpack3A_324 = tpu.unpack_subelements %get3A_321, 1 {pack_format = #tpu.pack_format<interleaved>} : vector<32xbf16> -> vector<16xf32>
        %add3A_325 = arith.addf %unpack3A_323, %unpack3A : vector<16xf32>
        %max3A = arith.constant 0.000000e+00 : f32
        %max3A_326 = vector.broadcast %max3A : f32 to vector<16xf32>
        %max3A_327 = arith.maximumf %add3A_325, %max3A_326 : vector<16xf32>
        %swap3A = arith.index_cast %scan3A_316 : i32 to index
        %swap3A_328 = arith.constant 0 : index
        %swap3A_329 = tpu.vector_load %arg16[%swap3A, %swap3A_328] {strides = array<i32>} : memref<128x64xf32, #tpu.memory_space<vmem>>, vector<16xf32>,
        tpu.vector_store %arg16[%swap3A, %swap3A_328], %max3A_327 {strides = array<i32>} : memref<128x64xf32, #tpu.memory_space<vmem>>, vector<16xf32>,
        %add3A_330 = arith.addf %unpack3A_324, %unpack3A_322 : vector<16xf32>
        %max3A_331 = arith.constant 0.000000e+00 : f32
        %max3A_332 = vector.broadcast %max3A_331 : f32 to vector<16xf32>
        %max3A_333 = arith.maximumf %add3A_330, %max3A_332 : vector<16xf32>
        %swap3A_334 = arith.index_cast %scan3A_316 : i32 to index
        %swap3A_335 = arith.constant 16 : index
        %swap3A_336 = tpu.vector_load %arg16[%swap3A_334, %swap3A_335] {strides = array<i32>} : memref<128x64xf32, #tpu.memory_space<vmem>>, vector<16xf32>,
        tpu.vector_store %arg16[%swap3A_334, %swap3A_335], %max3A_333 {strides = array<i32>} : memref<128x64xf32, #tpu.memory_space<vmem>>, vector<16xf32>,
        %get3A_337 = arith.index_cast %scan3A_316 : i32 to index
        %get3A_338 = arith.constant 32 : index
        %get3A_339 = tpu.vector_load %arg8[%get3A_337, %get3A_338] {strides = array<i32>} : memref<128x64xbf16, #tpu.memory_space<vmem>>, vector<32xbf16>,
        %get3A_340 = arith.index_cast %scan3A_316 : i32 to index
        %get3A_341 = arith.constant 32 : index
        %get3A_342 = tpu.vector_load %arg12[%get3A_340, %get3A_341] {strides = array<i32>} : memref<128x64xbf16, #tpu.memory_space<vmem>>, vector<32xbf16>,
        %unpack3A_343 = tpu.unpack_subelements %get3A_339, 0 {pack_format = #tpu.pack_format<interleaved>} : vector<32xbf16> -> vector<16xf32>
        %unpack3A_344 = tpu.unpack_subelements %get3A_339, 1 {pack_format = #tpu.pack_format<interleaved>} : vector<32xbf16> -> vector<16xf32>
        %unpack3A_345 = tpu.unpack_subelements %get3A_342, 0 {pack_format = #tpu.pack_format<interleaved>} : vector<32xbf16> -> vector<16xf32>
        %unpack3A_346 = tpu.unpack_subelements %get3A_342, 1 {pack_format = #tpu.pack_format<interleaved>} : vector<32xbf16> -> vector<16xf32>
        %add3A_347 = arith.addf %unpack3A_345, %unpack3A_343 : vector<16xf32>
        %max3A_348 = arith.constant 0.000000e+00 : f32
        %max3A_349 = vector.broadcast %max3A_348 : f32 to vector<16xf32>
        %max3A_350 = arith.maximumf %add3A_347, %max3A_349 : vector<16xf32>
        %swap3A_351 = arith.index_cast %scan3A_316 : i32 to index
        %swap3A_352 = arith.constant 32 : index
        %swap3A_353 = tpu.vector_load %arg16[%swap3A_351, %swap3A_352] {strides = array<i32>} : memref<128x64xf32, #tpu.memory_space<vmem>>, vector<16xf32>,
        tpu.vector_store %arg16[%swap3A_351, %swap3A_352], %max3A_350 {strides = array<i32>} : memref<128x64xf32, #tpu.memory_space<vmem>>, vector<16xf32>,
        %add3A_354 = arith.addf %unpack3A_346, %unpack3A_344 : vector<16xf32>
        %max3A_355 = arith.constant 0.000000e+00 : f32
        %max3A_356 = vector.broadcast %max3A_355 : f32 to vector<16xf32>
        %max3A_357 = arith.maximumf %add3A_354, %max3A_356 : vector<16xf32>
        %swap3A_358 = arith.index_cast %scan3A_316 : i32 to index
        %swap3A_359 = arith.constant 48 : index
        %swap3A_360 = tpu.vector_load %arg16[%swap3A_358, %swap3A_359] {strides = array<i32>} : memref<128x64xf32, #tpu.memory_space<vmem>>, vector<16xf32>,
        tpu.vector_store %arg16[%swap3A_358, %swap3A_359], %max3A_357 {strides = array<i32>} : memref<128x64xf32, #tpu.memory_space<vmem>>, vector<16xf32>,
        %scan3A_361 = arith.constant 1 : i32
        %scan3A_362 = arith.addi %scan3A_316, %scan3A_361 : i32
        %get3A_363 = arith.index_cast %scan3A_362 : i32 to index
        %get3A_364 = arith.constant 0 : index
        %get3A_365 = tpu.vector_load %arg8[%get3A_363, %get3A_364] {strides = array<i32>} : memref<128x64xbf16, #tpu.memory_space<vmem>>, vector<32xbf16>,
        %get3A_366 = arith.index_cast %scan3A_362 : i32 to index
        %get3A_367 = arith.constant 0 : index
        %get3A_368 = tpu.vector_load %arg12[%get3A_366, %get3A_367] {strides = array<i32>} : memref<128x64xbf16, #tpu.memory_space<vmem>>, vector<32xbf16>,
        %unpack3A_369 = tpu.unpack_subelements %get3A_365, 0 {pack_format = #tpu.pack_format<interleaved>} : vector<32xbf16> -> vector<16xf32>
        %unpack3A_370 = tpu.unpack_subelements %get3A_365, 1 {pack_format = #tpu.pack_format<interleaved>} : vector<32xbf16> -> vector<16xf32>
        %unpack3A_371 = tpu.unpack_subelements %get3A_368, 0 {pack_format = #tpu.pack_format<interleaved>} : vector<32xbf16> -> vector<16xf32>
        %unpack3A_372 = tpu.unpack_subelements %get3A_368, 1 {pack_format = #tpu.pack_format<interleaved>} : vector<32xbf16> -> vector<16xf32>
        %add3A_373 = arith.addf %unpack3A_371, %unpack3A_369 : vector<16xf32>
        %max3A_374 = arith.constant 0.000000e+00 : f32
        %max3A_375 = vector.broadcast %max3A_374 : f32 to vector<16xf32>
        %max3A_376 = arith.maximumf %add3A_373, %max3A_375 : vector<16xf32>
        %swap3A_377 = arith.index_cast %scan3A_362 : i32 to index
        %swap3A_378 = arith.constant 0 : index
        %swap3A_379 = tpu.vector_load %arg16[%swap3A_377, %swap3A_378] {strides = array<i32>} : memref<128x64xf32, #tpu.memory_space<vmem>>, vector<16xf32>,
        tpu.vector_store %arg16[%swap3A_377, %swap3A_378], %max3A_376 {strides = array<i32>} : memref<128x64xf32, #tpu.memory_space<vmem>>, vector<16xf32>,
        %add3A_380 = arith.addf %unpack3A_372, %unpack3A_370 : vector<16xf32>
        %max3A_381 = arith.constant 0.000000e+00 : f32
        %max3A_382 = vector.broadcast %max3A_381 : f32 to vector<16xf32>
        %max3A_383 = arith.maximumf %add3A_380, %max3A_382 : vector<16xf32>
        %swap3A_384 = arith.index_cast %scan3A_362 : i32 to index
        %swap3A_385 = arith.constant 16 : index
        %swap3A_386 = tpu.vector_load %arg16[%swap3A_384, %swap3A_385] {strides = array<i32>} : memref<128x64xf32, #tpu.memory_space<vmem>>, vector<16xf32>,
        tpu.vector_store %arg16[%swap3A_384, %swap3A_385], %max3A_383 {strides = array<i32>} : memref<128x64xf32, #tpu.memory_space<vmem>>, vector<16xf32>,
        %get3A_387 = arith.index_cast %scan3A_362 : i32 to index
        %get3A_388 = arith.constant 32 : index
        %get3A_389 = tpu.vector_load %arg8[%get3A_387, %get3A_388] {strides = array<i32>} : memref<128x64xbf16, #tpu.memory_space<vmem>>, vector<32xbf16>,
        %get3A_390 = arith.index_cast %scan3A_362 : i32 to index
        %get3A_391 = arith.constant 32 : index
        %get3A_392 = tpu.vector_load %arg12[%get3A_390, %get3A_391] {strides = array<i32>} : memref<128x64xbf16, #tpu.memory_space<vmem>>, vector<32xbf16>,
        %unpack3A_393 = tpu.unpack_subelements %get3A_389, 0 {pack_format = #tpu.pack_format<interleaved>} : vector<32xbf16> -> vector<16xf32>
        %unpack3A_394 = tpu.unpack_subelements %get3A_389, 1 {pack_format = #tpu.pack_format<interleaved>} : vector<32xbf16> -> vector<16xf32>
        %unpack3A_395 = tpu.unpack_subelements %get3A_392, 0 {pack_format = #tpu.pack_format<interleaved>} : vector<32xbf16> -> vector<16xf32>
        %unpack3A_396 = tpu.unpack_subelements %get3A_392, 1 {pack_format = #tpu.pack_format<interleaved>} : vector<32xbf16> -> vector<16xf32>
        %add3A_397 = arith.addf %unpack3A_395, %unpack3A_393 : vector<16xf32>
        %max3A_398 = arith.constant 0.000000e+00 : f32
        %max3A_399 = vector.broadcast %max3A_398 : f32 to vector<16xf32>
        %max3A_400 = arith.maximumf %add3A_397, %max3A_399 : vector<16xf32>
        %swap3A_401 = arith.index_cast %scan3A_362 : i32 to index
        %swap3A_402 = arith.constant 32 : index
        %swap3A_403 = tpu.vector_load %arg16[%swap3A_401, %swap3A_402] {strides = array<i32>} : memref<128x64xf32, #tpu.memory_space<vmem>>, vector<16xf32>,
        tpu.vector_store %arg16[%swap3A_401, %swap3A_402], %max3A_400 {strides = array<i32>} : memref<128x64xf32, #tpu.memory_space<vmem>>, vector<16xf32>,
        %add3A_404 = arith.addf %unpack3A_396, %unpack3A_394 : vector<16xf32>
        %max3A_405 = arith.constant 0.000000e+00 : f32
        %max3A_406 = vector.broadcast %max3A_405 : f32 to vector<16xf32>
        %max3A_407 = arith.maximumf %add3A_404, %max3A_406 : vector<16xf32>
        %swap3A_408 = arith.index_cast %scan3A_362 : i32 to index
        %swap3A_409 = arith.constant 48 : index
        %swap3A_410 = tpu.vector_load %arg16[%swap3A_408, %swap3A_409] {strides = array<i32>} : memref<128x64xf32, #tpu.memory_space<vmem>>, vector<16xf32>,
        tpu.vector_store %arg16[%swap3A_408, %swap3A_409], %max3A_407 {strides = array<i32>} : memref<128x64xf32, #tpu.memory_space<vmem>>, vector<16xf32>,
      }
      %scan3A_167 = arith.constant 128 : i32
      %mul3A_168 = arith.constant 128 : i32
      %mul3A_169 = arith.muli %add3A_150, %mul3A_168 : i32
      %dma_start3A_170 = tpu.memref_slice %arg7[%mul3A_169] : memref<10240xi32, #tpu.memory_space<vmem>> -> memref<128xi32, #tpu.memory_space<vmem>>
      %dma_start3A_171 = arith.constant 0 : i32
      %dma_start3A_172 = arith.constant 0 : i32
      %dma_start3A_173 = tpu.memref_slice %arg34[%dma_start3A_171, %dma_start3A_172] : memref<10112x64xf32, #tpu.memory_space<vmem_shared>> -> memref<10112x64xf32, #tpu.memory_space<vmem_shared>>
      tpu.enqueue_indirect_dma source(%arg16 : memref<128x64xf32, #tpu.memory_space<vmem>>) target(%dma_start3A_173 : memref<10112x64xf32, #tpu.memory_space<vmem_shared>>) offsets(%dma_start3A_170 : memref<128xi32, #tpu.memory_space<vmem>>) semaphore(%arg30 : memref<!tpu.dma_semaphore, #tpu.memory_space<semaphore_mem>>) {add = true}
      %gt3A = arith.constant 0 : i32
      %gt3A_174 = arith.cmpi sgt, %while3A_145, %gt3A : i32
      %convert_element_type3A = arith.extui %gt3A_174 : i1 to i32
      %cond3A = arith.constant 0 : i32
      %cond3A_175 = arith.cmpi ne, %convert_element_type3A, %cond3A : i32
      scf.if %cond3A_175 {
        %dma_wait3A_316 = arith.constant 0 : i32
        %dma_wait3A_317 = tpu.memref_slice %arg7[%dma_wait3A_316] : memref<10240xi32, #tpu.memory_space<vmem>> -> memref<128xi32, #tpu.memory_space<vmem>>
        %dma_wait3A_318 = arith.constant 0 : i32
        %dma_wait3A_319 = arith.constant 0 : i32
        %dma_wait3A_320 = tpu.memref_slice %arg34[%dma_wait3A_318, %dma_wait3A_319] : memref<10112x64xf32, #tpu.memory_space<vmem_shared>> -> memref<10112x64xf32, #tpu.memory_space<vmem_shared>>
        tpu.wait_indirect_dma semaphore(%arg32 : memref<!tpu.dma_semaphore, #tpu.memory_space<semaphore_mem>>) src(%arg18 : memref<128x64xf32, #tpu.memory_space<vmem>>) dst(%dma_wait3A_320 : memref<10112x64xf32, #tpu.memory_space<vmem_shared>>)
      } else {
      }
      %add3A_176 = arith.constant 2 : i32
      %add3A_177 = arith.addi %add3A_150, %add3A_176 : i32
      %add3A_178 = arith.addi %min3A_3, %add3A_177 : i32
      %mul3A_179 = arith.constant 128 : i32
      %mul3A_180 = arith.muli %add3A_178, %mul3A_179 : i32
      %dma_start3A_181 = arith.constant 0 : i32
      %dma_start3A_182 = tpu.memref_slice %arg3[%mul3A_180, %dma_start3A_181] : memref<320000x128xbf16, #tpu.memory_space<hbm>> -> memref<128x64xbf16, #tpu.memory_space<hbm>>
      %dma_start3A_183 = arith.constant 0 : i32
      %dma_start3A_184 = tpu.memref_slice %arg3[%mul3A_180, %dma_start3A_183] : memref<320000x128xbf16, #tpu.memory_space<hbm>> -> memref<128x64xbf16, #tpu.memory_space<hbm>>
      tpu.enqueue_dma source(%dma_start3A_184 : memref<128x64xbf16, #tpu.memory_space<hbm>>) target(%arg10 : memref<128x64xbf16, #tpu.memory_space<vmem>>) target_semaphore(%arg24 : memref<!tpu.dma_semaphore, #tpu.memory_space<semaphore_mem>>)
      %mul3A_185 = arith.constant 128 : i32
      %mul3A_186 = arith.muli %add3A_177, %mul3A_185 : i32
      %dma_start3A_187 = tpu.memref_slice %arg6[%mul3A_186] : memref<10240xi32, #tpu.memory_space<vmem>> -> memref<128xi32, #tpu.memory_space<vmem>>
      %dma_start3A_188 = arith.constant 0 : i32
      %dma_start3A_189 = arith.constant 0 : i32
      %dma_start3A_190 = tpu.memref_slice %arg2[%dma_start3A_188, %dma_start3A_189] : memref<10000x64xbf16, #tpu.memory_space<hbm>> -> memref<10000x64xbf16, #tpu.memory_space<hbm>>
      tpu.enqueue_indirect_dma source(%dma_start3A_190 : memref<10000x64xbf16, #tpu.memory_space<hbm>>) target(%arg14 : memref<128x64xbf16, #tpu.memory_space<vmem>>) offsets(%dma_start3A_187 : memref<128xi32, #tpu.memory_space<vmem>>) semaphore(%arg28 : memref<!tpu.dma_semaphore, #tpu.memory_space<semaphore_mem>>)
      %mul3A_191 = arith.constant 4 : i32
      %mul3A_192 = arith.muli %while3A_145, %mul3A_191 : i32
      %add3A_193 = arith.addi %sub3A, %mul3A_192 : i32
      %add3A_194 = arith.constant 1 : i32
      %add3A_195 = arith.addi %add3A_193, %add3A_194 : i32
      %dma_wait3A_196 = arith.constant 0 : i32
      %dma_wait3A_197 = arith.constant 0 : i32
      %dma_wait3A_198 = tpu.memref_slice %arg3[%dma_wait3A_196, %dma_wait3A_197] : memref<320000x128xbf16, #tpu.memory_space<hbm>> -> memref<128x64xbf16, #tpu.memory_space<hbm>>
      %dma_wait3A_199 = arith.constant 0 : i32
      %dma_wait3A_200 = arith.constant 0 : i32
      %dma_wait3A_201 = tpu.memref_slice %arg3[%dma_wait3A_199, %dma_wait3A_200] : memref<320000x128xbf16, #tpu.memory_space<hbm>> -> memref<128x64xbf16, #tpu.memory_space<hbm>>
      tpu.wait_dma2 semaphore(%arg23 : memref<!tpu.dma_semaphore, #tpu.memory_space<semaphore_mem>>) src(%dma_wait3A_201 : memref<128x64xbf16, #tpu.memory_space<hbm>>) dst(%arg9 : memref<128x64xbf16, #tpu.memory_space<vmem>>)
      %dma_wait3A_202 = arith.constant 0 : i32
      %dma_wait3A_203 = tpu.memref_slice %arg6[%dma_wait3A_202] : memref<10240xi32, #tpu.memory_space<vmem>> -> memref<128xi32, #tpu.memory_space<vmem>>
      %dma_wait3A_204 = arith.constant 0 : i32
      %dma_wait3A_205 = arith.constant 0 : i32
      %dma_wait3A_206 = tpu.memref_slice %arg2[%dma_wait3A_204, %dma_wait3A_205] : memref<10000x64xbf16, #tpu.memory_space<hbm>> -> memref<10000x64xbf16, #tpu.memory_space<hbm>>
      tpu.wait_indirect_dma semaphore(%arg27 : memref<!tpu.dma_semaphore, #tpu.memory_space<semaphore_mem>>) src(%dma_wait3A_206 : memref<10000x64xbf16, #tpu.memory_space<hbm>>) dst(%arg13 : memref<128x64xbf16, #tpu.memory_space<vmem>>)
      %scan3A_207 = arith.constant 0 : i32
      %scan3A_208 = arith.constant 0 : i32
      %scan3A_209 = arith.constant 128 : i32
      %scan3A_210 = arith.addi %scan3A_208, %scan3A_209 : i32
      %scan3A_211 = arith.constant 2 : i32
      scf.for %scan3A_316 = %scan3A_208 to %scan3A_210 step %scan3A_211  : i32 {
        %get3A = arith.index_cast %scan3A_316 : i32 to index
        %get3A_317 = arith.constant 0 : index
        %get3A_318 = tpu.vector_load %arg9[%get3A, %get3A_317] {strides = array<i32>} : memref<128x64xbf16, #tpu.memory_space<vmem>>, vector<32xbf16>,
        %get3A_319 = arith.index_cast %scan3A_316 : i32 to index
        %get3A_320 = arith.constant 0 : index
        %get3A_321 = tpu.vector_load %arg13[%get3A_319, %get3A_320] {strides = array<i32>} : memref<128x64xbf16, #tpu.memory_space<vmem>>, vector<32xbf16>,
        %unpack3A = tpu.unpack_subelements %get3A_318, 0 {pack_format = #tpu.pack_format<interleaved>} : vector<32xbf16> -> vector<16xf32>
        %unpack3A_322 = tpu.unpack_subelements %get3A_318, 1 {pack_format = #tpu.pack_format<interleaved>} : vector<32xbf16> -> vector<16xf32>
        %unpack3A_323 = tpu.unpack_subelements %get3A_321, 0 {pack_format = #tpu.pack_format<interleaved>} : vector<32xbf16> -> vector<16xf32>
        %unpack3A_324 = tpu.unpack_subelements %get3A_321, 1 {pack_format = #tpu.pack_format<interleaved>} : vector<32xbf16> -> vector<16xf32>
        %add3A_325 = arith.addf %unpack3A_323, %unpack3A : vector<16xf32>
        %max3A = arith.constant 0.000000e+00 : f32
        %max3A_326 = vector.broadcast %max3A : f32 to vector<16xf32>
        %max3A_327 = arith.maximumf %add3A_325, %max3A_326 : vector<16xf32>
        %swap3A = arith.index_cast %scan3A_316 : i32 to index
        %swap3A_328 = arith.constant 0 : index
        %swap3A_329 = tpu.vector_load %arg17[%swap3A, %swap3A_328] {strides = array<i32>} : memref<128x64xf32, #tpu.memory_space<vmem>>, vector<16xf32>,
        tpu.vector_store %arg17[%swap3A, %swap3A_328], %max3A_327 {strides = array<i32>} : memref<128x64xf32, #tpu.memory_space<vmem>>, vector<16xf32>,
        %add3A_330 = arith.addf %unpack3A_324, %unpack3A_322 : vector<16xf32>
        %max3A_331 = arith.constant 0.000000e+00 : f32
        %max3A_332 = vector.broadcast %max3A_331 : f32 to vector<16xf32>
        %max3A_333 = arith.maximumf %add3A_330, %max3A_332 : vector<16xf32>
        %swap3A_334 = arith.index_cast %scan3A_316 : i32 to index
        %swap3A_335 = arith.constant 16 : index
        %swap3A_336 = tpu.vector_load %arg17[%swap3A_334, %swap3A_335] {strides = array<i32>} : memref<128x64xf32, #tpu.memory_space<vmem>>, vector<16xf32>,
        tpu.vector_store %arg17[%swap3A_334, %swap3A_335], %max3A_333 {strides = array<i32>} : memref<128x64xf32, #tpu.memory_space<vmem>>, vector<16xf32>,
        %get3A_337 = arith.index_cast %scan3A_316 : i32 to index
        %get3A_338 = arith.constant 32 : index
        %get3A_339 = tpu.vector_load %arg9[%get3A_337, %get3A_338] {strides = array<i32>} : memref<128x64xbf16, #tpu.memory_space<vmem>>, vector<32xbf16>,
        %get3A_340 = arith.index_cast %scan3A_316 : i32 to index
        %get3A_341 = arith.constant 32 : index
        %get3A_342 = tpu.vector_load %arg13[%get3A_340, %get3A_341] {strides = array<i32>} : memref<128x64xbf16, #tpu.memory_space<vmem>>, vector<32xbf16>,
        %unpack3A_343 = tpu.unpack_subelements %get3A_339, 0 {pack_format = #tpu.pack_format<interleaved>} : vector<32xbf16> -> vector<16xf32>
        %unpack3A_344 = tpu.unpack_subelements %get3A_339, 1 {pack_format = #tpu.pack_format<interleaved>} : vector<32xbf16> -> vector<16xf32>
        %unpack3A_345 = tpu.unpack_subelements %get3A_342, 0 {pack_format = #tpu.pack_format<interleaved>} : vector<32xbf16> -> vector<16xf32>
        %unpack3A_346 = tpu.unpack_subelements %get3A_342, 1 {pack_format = #tpu.pack_format<interleaved>} : vector<32xbf16> -> vector<16xf32>
        %add3A_347 = arith.addf %unpack3A_345, %unpack3A_343 : vector<16xf32>
        %max3A_348 = arith.constant 0.000000e+00 : f32
        %max3A_349 = vector.broadcast %max3A_348 : f32 to vector<16xf32>
        %max3A_350 = arith.maximumf %add3A_347, %max3A_349 : vector<16xf32>
        %swap3A_351 = arith.index_cast %scan3A_316 : i32 to index
        %swap3A_352 = arith.constant 32 : index
        %swap3A_353 = tpu.vector_load %arg17[%swap3A_351, %swap3A_352] {strides = array<i32>} : memref<128x64xf32, #tpu.memory_space<vmem>>, vector<16xf32>,
        tpu.vector_store %arg17[%swap3A_351, %swap3A_352], %max3A_350 {strides = array<i32>} : memref<128x64xf32, #tpu.memory_space<vmem>>, vector<16xf32>,
        %add3A_354 = arith.addf %unpack3A_346, %unpack3A_344 : vector<16xf32>
        %max3A_355 = arith.constant 0.000000e+00 : f32
        %max3A_356 = vector.broadcast %max3A_355 : f32 to vector<16xf32>
        %max3A_357 = arith.maximumf %add3A_354, %max3A_356 : vector<16xf32>
        %swap3A_358 = arith.index_cast %scan3A_316 : i32 to index
        %swap3A_359 = arith.constant 48 : index
        %swap3A_360 = tpu.vector_load %arg17[%swap3A_358, %swap3A_359] {strides = array<i32>} : memref<128x64xf32, #tpu.memory_space<vmem>>, vector<16xf32>,
        tpu.vector_store %arg17[%swap3A_358, %swap3A_359], %max3A_357 {strides = array<i32>} : memref<128x64xf32, #tpu.memory_space<vmem>>, vector<16xf32>,
        %scan3A_361 = arith.constant 1 : i32
        %scan3A_362 = arith.addi %scan3A_316, %scan3A_361 : i32
        %get3A_363 = arith.index_cast %scan3A_362 : i32 to index
        %get3A_364 = arith.constant 0 : index
        %get3A_365 = tpu.vector_load %arg9[%get3A_363, %get3A_364] {strides = array<i32>} : memref<128x64xbf16, #tpu.memory_space<vmem>>, vector<32xbf16>,
        %get3A_366 = arith.index_cast %scan3A_362 : i32 to index
        %get3A_367 = arith.constant 0 : index
        %get3A_368 = tpu.vector_load %arg13[%get3A_366, %get3A_367] {strides = array<i32>} : memref<128x64xbf16, #tpu.memory_space<vmem>>, vector<32xbf16>,
        %unpack3A_369 = tpu.unpack_subelements %get3A_365, 0 {pack_format = #tpu.pack_format<interleaved>} : vector<32xbf16> -> vector<16xf32>
        %unpack3A_370 = tpu.unpack_subelements %get3A_365, 1 {pack_format = #tpu.pack_format<interleaved>} : vector<32xbf16> -> vector<16xf32>
        %unpack3A_371 = tpu.unpack_subelements %get3A_368, 0 {pack_format = #tpu.pack_format<interleaved>} : vector<32xbf16> -> vector<16xf32>
        %unpack3A_372 = tpu.unpack_subelements %get3A_368, 1 {pack_format = #tpu.pack_format<interleaved>} : vector<32xbf16> -> vector<16xf32>
        %add3A_373 = arith.addf %unpack3A_371, %unpack3A_369 : vector<16xf32>
        %max3A_374 = arith.constant 0.000000e+00 : f32
        %max3A_375 = vector.broadcast %max3A_374 : f32 to vector<16xf32>
        %max3A_376 = arith.maximumf %add3A_373, %max3A_375 : vector<16xf32>
        %swap3A_377 = arith.index_cast %scan3A_362 : i32 to index
        %swap3A_378 = arith.constant 0 : index
        %swap3A_379 = tpu.vector_load %arg17[%swap3A_377, %swap3A_378] {strides = array<i32>} : memref<128x64xf32, #tpu.memory_space<vmem>>, vector<16xf32>,
        tpu.vector_store %arg17[%swap3A_377, %swap3A_378], %max3A_376 {strides = array<i32>} : memref<128x64xf32, #tpu.memory_space<vmem>>, vector<16xf32>,
        %add3A_380 = arith.addf %unpack3A_372, %unpack3A_370 : vector<16xf32>
        %max3A_381 = arith.constant 0.000000e+00 : f32
        %max3A_382 = vector.broadcast %max3A_381 : f32 to vector<16xf32>
        %max3A_383 = arith.maximumf %add3A_380, %max3A_382 : vector<16xf32>
        %swap3A_384 = arith.index_cast %scan3A_362 : i32 to index
        %swap3A_385 = arith.constant 16 : index
        %swap3A_386 = tpu.vector_load %arg17[%swap3A_384, %swap3A_385] {strides = array<i32>} : memref<128x64xf32, #tpu.memory_space<vmem>>, vector<16xf32>,
        tpu.vector_store %arg17[%swap3A_384, %swap3A_385], %max3A_383 {strides = array<i32>} : memref<128x64xf32, #tpu.memory_space<vmem>>, vector<16xf32>,
        %get3A_387 = arith.index_cast %scan3A_362 : i32 to index
        %get3A_388 = arith.constant 32 : index
        %get3A_389 = tpu.vector_load %arg9[%get3A_387, %get3A_388] {strides = array<i32>} : memref<128x64xbf16, #tpu.memory_space<vmem>>, vector<32xbf16>,
        %get3A_390 = arith.index_cast %scan3A_362 : i32 to index
        %get3A_391 = arith.constant 32 : index
        %get3A_392 = tpu.vector_load %arg13[%get3A_390, %get3A_391] {strides = array<i32>} : memref<128x64xbf16, #tpu.memory_space<vmem>>, vector<32xbf16>,
        %unpack3A_393 = tpu.unpack_subelements %get3A_389, 0 {pack_format = #tpu.pack_format<interleaved>} : vector<32xbf16> -> vector<16xf32>
        %unpack3A_394 = tpu.unpack_subelements %get3A_389, 1 {pack_format = #tpu.pack_format<interleaved>} : vector<32xbf16> -> vector<16xf32>
        %unpack3A_395 = tpu.unpack_subelements %get3A_392, 0 {pack_format = #tpu.pack_format<interleaved>} : vector<32xbf16> -> vector<16xf32>
        %unpack3A_396 = tpu.unpack_subelements %get3A_392, 1 {pack_format = #tpu.pack_format<interleaved>} : vector<32xbf16> -> vector<16xf32>
        %add3A_397 = arith.addf %unpack3A_395, %unpack3A_393 : vector<16xf32>
        %max3A_398 = arith.constant 0.000000e+00 : f32
        %max3A_399 = vector.broadcast %max3A_398 : f32 to vector<16xf32>
        %max3A_400 = arith.maximumf %add3A_397, %max3A_399 : vector<16xf32>
        %swap3A_401 = arith.index_cast %scan3A_362 : i32 to index
        %swap3A_402 = arith.constant 32 : index
        %swap3A_403 = tpu.vector_load %arg17[%swap3A_401, %swap3A_402] {strides = array<i32>} : memref<128x64xf32, #tpu.memory_space<vmem>>, vector<16xf32>,
        tpu.vector_store %arg17[%swap3A_401, %swap3A_402], %max3A_400 {strides = array<i32>} : memref<128x64xf32, #tpu.memory_space<vmem>>, vector<16xf32>,
        %add3A_404 = arith.addf %unpack3A_396, %unpack3A_394 : vector<16xf32>
        %max3A_405 = arith.constant 0.000000e+00 : f32
        %max3A_406 = vector.broadcast %max3A_405 : f32 to vector<16xf32>
        %max3A_407 = arith.maximumf %add3A_404, %max3A_406 : vector<16xf32>
        %swap3A_408 = arith.index_cast %scan3A_362 : i32 to index
        %swap3A_409 = arith.constant 48 : index
        %swap3A_410 = tpu.vector_load %arg17[%swap3A_408, %swap3A_409] {strides = array<i32>} : memref<128x64xf32, #tpu.memory_space<vmem>>, vector<16xf32>,
        tpu.vector_store %arg17[%swap3A_408, %swap3A_409], %max3A_407 {strides = array<i32>} : memref<128x64xf32, #tpu.memory_space<vmem>>, vector<16xf32>,
      }
      %scan3A_212 = arith.constant 128 : i32
      %mul3A_213 = arith.constant 128 : i32
      %mul3A_214 = arith.muli %add3A_195, %mul3A_213 : i32
      %dma_start3A_215 = tpu.memref_slice %arg7[%mul3A_214] : memref<10240xi32, #tpu.memory_space<vmem>> -> memref<128xi32, #tpu.memory_space<vmem>>
      %dma_start3A_216 = arith.constant 0 : i32
      %dma_start3A_217 = arith.constant 0 : i32
      %dma_start3A_218 = tpu.memref_slice %arg34[%dma_start3A_216, %dma_start3A_217] : memref<10112x64xf32, #tpu.memory_space<vmem_shared>> -> memref<10112x64xf32, #tpu.memory_space<vmem_shared>>
      tpu.enqueue_indirect_dma source(%arg17 : memref<128x64xf32, #tpu.memory_space<vmem>>) target(%dma_start3A_218 : memref<10112x64xf32, #tpu.memory_space<vmem_shared>>) offsets(%dma_start3A_215 : memref<128xi32, #tpu.memory_space<vmem>>) semaphore(%arg31 : memref<!tpu.dma_semaphore, #tpu.memory_space<semaphore_mem>>) {add = true}
      %gt3A_219 = arith.constant 0 : i32
      %gt3A_220 = arith.cmpi sgt, %while3A_145, %gt3A_219 : i32
      %convert_element_type3A_221 = arith.extui %gt3A_220 : i1 to i32
      %cond3A_222 = arith.constant 0 : i32
      %cond3A_223 = arith.cmpi ne, %convert_element_type3A_221, %cond3A_222 : i32
      scf.if %cond3A_223 {
        %dma_wait3A_316 = arith.constant 0 : i32
        %dma_wait3A_317 = tpu.memref_slice %arg7[%dma_wait3A_316] : memref<10240xi32, #tpu.memory_space<vmem>> -> memref<128xi32, #tpu.memory_space<vmem>>
        %dma_wait3A_318 = arith.constant 0 : i32
        %dma_wait3A_319 = arith.constant 0 : i32
        %dma_wait3A_320 = tpu.memref_slice %arg34[%dma_wait3A_318, %dma_wait3A_319] : memref<10112x64xf32, #tpu.memory_space<vmem_shared>> -> memref<10112x64xf32, #tpu.memory_space<vmem_shared>>
        tpu.wait_indirect_dma semaphore(%arg33 : memref<!tpu.dma_semaphore, #tpu.memory_space<semaphore_mem>>) src(%arg19 : memref<128x64xf32, #tpu.memory_space<vmem>>) dst(%dma_wait3A_320 : memref<10112x64xf32, #tpu.memory_space<vmem_shared>>)
      } else {
      }
      %add3A_224 = arith.constant 2 : i32
      %add3A_225 = arith.addi %add3A_195, %add3A_224 : i32
      %add3A_226 = arith.addi %min3A_3, %add3A_225 : i32
      %mul3A_227 = arith.constant 128 : i32
      %mul3A_228 = arith.muli %add3A_226, %mul3A_227 : i32
      %dma_start3A_229 = arith.constant 0 : i32
      %dma_start3A_230 = tpu.memref_slice %arg3[%mul3A_228, %dma_start3A_229] : memref<320000x128xbf16, #tpu.memory_space<hbm>> -> memref<128x64xbf16, #tpu.memory_space<hbm>>
      %dma_start3A_231 = arith.constant 0 : i32
      %dma_start3A_232 = tpu.memref_slice %arg3[%mul3A_228, %dma_start3A_231] : memref<320000x128xbf16, #tpu.memory_space<hbm>> -> memref<128x64xbf16, #tpu.memory_space<hbm>>
      tpu.enqueue_dma source(%dma_start3A_232 : memref<128x64xbf16, #tpu.memory_space<hbm>>) target(%arg11 : memref<128x64xbf16, #tpu.memory_space<vmem>>) target_semaphore(%arg25 : memref<!tpu.dma_semaphore, #tpu.memory_space<semaphore_mem>>)
      %mul3A_233 = arith.constant 128 : i32
      %mul3A_234 = arith.muli %add3A_225, %mul3A_233 : i32
      %dma_start3A_235 = tpu.memref_slice %arg6[%mul3A_234] : memref<10240xi32, #tpu.memory_space<vmem>> -> memref<128xi32, #tpu.memory_space<vmem>>
      %dma_start3A_236 = arith.constant 0 : i32
      %dma_start3A_237 = arith.constant 0 : i32
      %dma_start3A_238 = tpu.memref_slice %arg2[%dma_start3A_236, %dma_start3A_237] : memref<10000x64xbf16, #tpu.memory_space<hbm>> -> memref<10000x64xbf16, #tpu.memory_space<hbm>>
      tpu.enqueue_indirect_dma source(%dma_start3A_238 : memref<10000x64xbf16, #tpu.memory_space<hbm>>) target(%arg15 : memref<128x64xbf16, #tpu.memory_space<vmem>>) offsets(%dma_start3A_235 : memref<128xi32, #tpu.memory_space<vmem>>) semaphore(%arg29 : memref<!tpu.dma_semaphore, #tpu.memory_space<semaphore_mem>>)
      %mul3A_239 = arith.constant 4 : i32
      %mul3A_240 = arith.muli %while3A_145, %mul3A_239 : i32
      %add3A_241 = arith.addi %sub3A, %mul3A_240 : i32
      %add3A_242 = arith.constant 2 : i32
      %add3A_243 = arith.addi %add3A_241, %add3A_242 : i32
      %dma_wait3A_244 = arith.constant 0 : i32
      %dma_wait3A_245 = arith.constant 0 : i32
      %dma_wait3A_246 = tpu.memref_slice %arg3[%dma_wait3A_244, %dma_wait3A_245] : memref<320000x128xbf16, #tpu.memory_space<hbm>> -> memref<128x64xbf16, #tpu.memory_space<hbm>>
      %dma_wait3A_247 = arith.constant 0 : i32
      %dma_wait3A_248 = arith.constant 0 : i32
      %dma_wait3A_249 = tpu.memref_slice %arg3[%dma_wait3A_247, %dma_wait3A_248] : memref<320000x128xbf16, #tpu.memory_space<hbm>> -> memref<128x64xbf16, #tpu.memory_space<hbm>>
      tpu.wait_dma2 semaphore(%arg24 : memref<!tpu.dma_semaphore, #tpu.memory_space<semaphore_mem>>) src(%dma_wait3A_249 : memref<128x64xbf16, #tpu.memory_space<hbm>>) dst(%arg10 : memref<128x64xbf16, #tpu.memory_space<vmem>>)
      %dma_wait3A_250 = arith.constant 0 : i32
      %dma_wait3A_251 = tpu.memref_slice %arg6[%dma_wait3A_250] : memref<10240xi32, #tpu.memory_space<vmem>> -> memref<128xi32, #tpu.memory_space<vmem>>
      %dma_wait3A_252 = arith.constant 0 : i32
      %dma_wait3A_253 = arith.constant 0 : i32
      %dma_wait3A_254 = tpu.memref_slice %arg2[%dma_wait3A_252, %dma_wait3A_253] : memref<10000x64xbf16, #tpu.memory_space<hbm>> -> memref<10000x64xbf16, #tpu.memory_space<hbm>>
      tpu.wait_indirect_dma semaphore(%arg28 : memref<!tpu.dma_semaphore, #tpu.memory_space<semaphore_mem>>) src(%dma_wait3A_254 : memref<10000x64xbf16, #tpu.memory_space<hbm>>) dst(%arg14 : memref<128x64xbf16, #tpu.memory_space<vmem>>)
      %scan3A_255 = arith.constant 0 : i32
      %scan3A_256 = arith.constant 0 : i32
      %scan3A_257 = arith.constant 128 : i32
      %scan3A_258 = arith.addi %scan3A_256, %scan3A_257 : i32
      %scan3A_259 = arith.constant 2 : i32
      scf.for %scan3A_316 = %scan3A_256 to %scan3A_258 step %scan3A_259  : i32 {
        %get3A = arith.index_cast %scan3A_316 : i32 to index
        %get3A_317 = arith.constant 0 : index
        %get3A_318 = tpu.vector_load %arg10[%get3A, %get3A_317] {strides = array<i32>} : memref<128x64xbf16, #tpu.memory_space<vmem>>, vector<32xbf16>,
        %get3A_319 = arith.index_cast %scan3A_316 : i32 to index
        %get3A_320 = arith.constant 0 : index
        %get3A_321 = tpu.vector_load %arg14[%get3A_319, %get3A_320] {strides = array<i32>} : memref<128x64xbf16, #tpu.memory_space<vmem>>, vector<32xbf16>,
        %unpack3A = tpu.unpack_subelements %get3A_318, 0 {pack_format = #tpu.pack_format<interleaved>} : vector<32xbf16> -> vector<16xf32>
        %unpack3A_322 = tpu.unpack_subelements %get3A_318, 1 {pack_format = #tpu.pack_format<interleaved>} : vector<32xbf16> -> vector<16xf32>
        %unpack3A_323 = tpu.unpack_subelements %get3A_321, 0 {pack_format = #tpu.pack_format<interleaved>} : vector<32xbf16> -> vector<16xf32>
        %unpack3A_324 = tpu.unpack_subelements %get3A_321, 1 {pack_format = #tpu.pack_format<interleaved>} : vector<32xbf16> -> vector<16xf32>
        %add3A_325 = arith.addf %unpack3A_323, %unpack3A : vector<16xf32>
        %max3A = arith.constant 0.000000e+00 : f32
        %max3A_326 = vector.broadcast %max3A : f32 to vector<16xf32>
        %max3A_327 = arith.maximumf %add3A_325, %max3A_326 : vector<16xf32>
        %swap3A = arith.index_cast %scan3A_316 : i32 to index
        %swap3A_328 = arith.constant 0 : index
        %swap3A_329 = tpu.vector_load %arg18[%swap3A, %swap3A_328] {strides = array<i32>} : memref<128x64xf32, #tpu.memory_space<vmem>>, vector<16xf32>,
        tpu.vector_store %arg18[%swap3A, %swap3A_328], %max3A_327 {strides = array<i32>} : memref<128x64xf32, #tpu.memory_space<vmem>>, vector<16xf32>,
        %add3A_330 = arith.addf %unpack3A_324, %unpack3A_322 : vector<16xf32>
        %max3A_331 = arith.constant 0.000000e+00 : f32
        %max3A_332 = vector.broadcast %max3A_331 : f32 to vector<16xf32>
        %max3A_333 = arith.maximumf %add3A_330, %max3A_332 : vector<16xf32>
        %swap3A_334 = arith.index_cast %scan3A_316 : i32 to index
        %swap3A_335 = arith.constant 16 : index
        %swap3A_336 = tpu.vector_load %arg18[%swap3A_334, %swap3A_335] {strides = array<i32>} : memref<128x64xf32, #tpu.memory_space<vmem>>, vector<16xf32>,
        tpu.vector_store %arg18[%swap3A_334, %swap3A_335], %max3A_333 {strides = array<i32>} : memref<128x64xf32, #tpu.memory_space<vmem>>, vector<16xf32>,
        %get3A_337 = arith.index_cast %scan3A_316 : i32 to index
        %get3A_338 = arith.constant 32 : index
        %get3A_339 = tpu.vector_load %arg10[%get3A_337, %get3A_338] {strides = array<i32>} : memref<128x64xbf16, #tpu.memory_space<vmem>>, vector<32xbf16>,
        %get3A_340 = arith.index_cast %scan3A_316 : i32 to index
        %get3A_341 = arith.constant 32 : index
        %get3A_342 = tpu.vector_load %arg14[%get3A_340, %get3A_341] {strides = array<i32>} : memref<128x64xbf16, #tpu.memory_space<vmem>>, vector<32xbf16>,
        %unpack3A_343 = tpu.unpack_subelements %get3A_339, 0 {pack_format = #tpu.pack_format<interleaved>} : vector<32xbf16> -> vector<16xf32>
        %unpack3A_344 = tpu.unpack_subelements %get3A_339, 1 {pack_format = #tpu.pack_format<interleaved>} : vector<32xbf16> -> vector<16xf32>
        %unpack3A_345 = tpu.unpack_subelements %get3A_342, 0 {pack_format = #tpu.pack_format<interleaved>} : vector<32xbf16> -> vector<16xf32>
        %unpack3A_346 = tpu.unpack_subelements %get3A_342, 1 {pack_format = #tpu.pack_format<interleaved>} : vector<32xbf16> -> vector<16xf32>
        %add3A_347 = arith.addf %unpack3A_345, %unpack3A_343 : vector<16xf32>
        %max3A_348 = arith.constant 0.000000e+00 : f32
        %max3A_349 = vector.broadcast %max3A_348 : f32 to vector<16xf32>
        %max3A_350 = arith.maximumf %add3A_347, %max3A_349 : vector<16xf32>
        %swap3A_351 = arith.index_cast %scan3A_316 : i32 to index
        %swap3A_352 = arith.constant 32 : index
        %swap3A_353 = tpu.vector_load %arg18[%swap3A_351, %swap3A_352] {strides = array<i32>} : memref<128x64xf32, #tpu.memory_space<vmem>>, vector<16xf32>,
        tpu.vector_store %arg18[%swap3A_351, %swap3A_352], %max3A_350 {strides = array<i32>} : memref<128x64xf32, #tpu.memory_space<vmem>>, vector<16xf32>,
        %add3A_354 = arith.addf %unpack3A_346, %unpack3A_344 : vector<16xf32>
        %max3A_355 = arith.constant 0.000000e+00 : f32
        %max3A_356 = vector.broadcast %max3A_355 : f32 to vector<16xf32>
        %max3A_357 = arith.maximumf %add3A_354, %max3A_356 : vector<16xf32>
        %swap3A_358 = arith.index_cast %scan3A_316 : i32 to index
        %swap3A_359 = arith.constant 48 : index
        %swap3A_360 = tpu.vector_load %arg18[%swap3A_358, %swap3A_359] {strides = array<i32>} : memref<128x64xf32, #tpu.memory_space<vmem>>, vector<16xf32>,
        tpu.vector_store %arg18[%swap3A_358, %swap3A_359], %max3A_357 {strides = array<i32>} : memref<128x64xf32, #tpu.memory_space<vmem>>, vector<16xf32>,
        %scan3A_361 = arith.constant 1 : i32
        %scan3A_362 = arith.addi %scan3A_316, %scan3A_361 : i32
        %get3A_363 = arith.index_cast %scan3A_362 : i32 to index
        %get3A_364 = arith.constant 0 : index
        %get3A_365 = tpu.vector_load %arg10[%get3A_363, %get3A_364] {strides = array<i32>} : memref<128x64xbf16, #tpu.memory_space<vmem>>, vector<32xbf16>,
        %get3A_366 = arith.index_cast %scan3A_362 : i32 to index
        %get3A_367 = arith.constant 0 : index
        %get3A_368 = tpu.vector_load %arg14[%get3A_366, %get3A_367] {strides = array<i32>} : memref<128x64xbf16, #tpu.memory_space<vmem>>, vector<32xbf16>,
        %unpack3A_369 = tpu.unpack_subelements %get3A_365, 0 {pack_format = #tpu.pack_format<interleaved>} : vector<32xbf16> -> vector<16xf32>
        %unpack3A_370 = tpu.unpack_subelements %get3A_365, 1 {pack_format = #tpu.pack_format<interleaved>} : vector<32xbf16> -> vector<16xf32>
        %unpack3A_371 = tpu.unpack_subelements %get3A_368, 0 {pack_format = #tpu.pack_format<interleaved>} : vector<32xbf16> -> vector<16xf32>
        %unpack3A_372 = tpu.unpack_subelements %get3A_368, 1 {pack_format = #tpu.pack_format<interleaved>} : vector<32xbf16> -> vector<16xf32>
        %add3A_373 = arith.addf %unpack3A_371, %unpack3A_369 : vector<16xf32>
        %max3A_374 = arith.constant 0.000000e+00 : f32
        %max3A_375 = vector.broadcast %max3A_374 : f32 to vector<16xf32>
        %max3A_376 = arith.maximumf %add3A_373, %max3A_375 : vector<16xf32>
        %swap3A_377 = arith.index_cast %scan3A_362 : i32 to index
        %swap3A_378 = arith.constant 0 : index
        %swap3A_379 = tpu.vector_load %arg18[%swap3A_377, %swap3A_378] {strides = array<i32>} : memref<128x64xf32, #tpu.memory_space<vmem>>, vector<16xf32>,
        tpu.vector_store %arg18[%swap3A_377, %swap3A_378], %max3A_376 {strides = array<i32>} : memref<128x64xf32, #tpu.memory_space<vmem>>, vector<16xf32>,
        %add3A_380 = arith.addf %unpack3A_372, %unpack3A_370 : vector<16xf32>
        %max3A_381 = arith.constant 0.000000e+00 : f32
        %max3A_382 = vector.broadcast %max3A_381 : f32 to vector<16xf32>
        %max3A_383 = arith.maximumf %add3A_380, %max3A_382 : vector<16xf32>
        %swap3A_384 = arith.index_cast %scan3A_362 : i32 to index
        %swap3A_385 = arith.constant 16 : index
        %swap3A_386 = tpu.vector_load %arg18[%swap3A_384, %swap3A_385] {strides = array<i32>} : memref<128x64xf32, #tpu.memory_space<vmem>>, vector<16xf32>,
        tpu.vector_store %arg18[%swap3A_384, %swap3A_385], %max3A_383 {strides = array<i32>} : memref<128x64xf32, #tpu.memory_space<vmem>>, vector<16xf32>,
        %get3A_387 = arith.index_cast %scan3A_362 : i32 to index
        %get3A_388 = arith.constant 32 : index
        %get3A_389 = tpu.vector_load %arg10[%get3A_387, %get3A_388] {strides = array<i32>} : memref<128x64xbf16, #tpu.memory_space<vmem>>, vector<32xbf16>,
        %get3A_390 = arith.index_cast %scan3A_362 : i32 to index
        %get3A_391 = arith.constant 32 : index
        %get3A_392 = tpu.vector_load %arg14[%get3A_390, %get3A_391] {strides = array<i32>} : memref<128x64xbf16, #tpu.memory_space<vmem>>, vector<32xbf16>,
        %unpack3A_393 = tpu.unpack_subelements %get3A_389, 0 {pack_format = #tpu.pack_format<interleaved>} : vector<32xbf16> -> vector<16xf32>
        %unpack3A_394 = tpu.unpack_subelements %get3A_389, 1 {pack_format = #tpu.pack_format<interleaved>} : vector<32xbf16> -> vector<16xf32>
        %unpack3A_395 = tpu.unpack_subelements %get3A_392, 0 {pack_format = #tpu.pack_format<interleaved>} : vector<32xbf16> -> vector<16xf32>
        %unpack3A_396 = tpu.unpack_subelements %get3A_392, 1 {pack_format = #tpu.pack_format<interleaved>} : vector<32xbf16> -> vector<16xf32>
        %add3A_397 = arith.addf %unpack3A_395, %unpack3A_393 : vector<16xf32>
        %max3A_398 = arith.constant 0.000000e+00 : f32
        %max3A_399 = vector.broadcast %max3A_398 : f32 to vector<16xf32>
        %max3A_400 = arith.maximumf %add3A_397, %max3A_399 : vector<16xf32>
        %swap3A_401 = arith.index_cast %scan3A_362 : i32 to index
        %swap3A_402 = arith.constant 32 : index
        %swap3A_403 = tpu.vector_load %arg18[%swap3A_401, %swap3A_402] {strides = array<i32>} : memref<128x64xf32, #tpu.memory_space<vmem>>, vector<16xf32>,
        tpu.vector_store %arg18[%swap3A_401, %swap3A_402], %max3A_400 {strides = array<i32>} : memref<128x64xf32, #tpu.memory_space<vmem>>, vector<16xf32>,
        %add3A_404 = arith.addf %unpack3A_396, %unpack3A_394 : vector<16xf32>
        %max3A_405 = arith.constant 0.000000e+00 : f32
        %max3A_406 = vector.broadcast %max3A_405 : f32 to vector<16xf32>
        %max3A_407 = arith.maximumf %add3A_404, %max3A_406 : vector<16xf32>
        %swap3A_408 = arith.index_cast %scan3A_362 : i32 to index
        %swap3A_409 = arith.constant 48 : index
        %swap3A_410 = tpu.vector_load %arg18[%swap3A_408, %swap3A_409] {strides = array<i32>} : memref<128x64xf32, #tpu.memory_space<vmem>>, vector<16xf32>,
        tpu.vector_store %arg18[%swap3A_408, %swap3A_409], %max3A_407 {strides = array<i32>} : memref<128x64xf32, #tpu.memory_space<vmem>>, vector<16xf32>,
      }
      %scan3A_260 = arith.constant 128 : i32
      %mul3A_261 = arith.constant 128 : i32
      %mul3A_262 = arith.muli %add3A_243, %mul3A_261 : i32
      %dma_start3A_263 = tpu.memref_slice %arg7[%mul3A_262] : memref<10240xi32, #tpu.memory_space<vmem>> -> memref<128xi32, #tpu.memory_space<vmem>>
      %dma_start3A_264 = arith.constant 0 : i32
      %dma_start3A_265 = arith.constant 0 : i32
      %dma_start3A_266 = tpu.memref_slice %arg34[%dma_start3A_264, %dma_start3A_265] : memref<10112x64xf32, #tpu.memory_space<vmem_shared>> -> memref<10112x64xf32, #tpu.memory_space<vmem_shared>>
      tpu.enqueue_indirect_dma source(%arg18 : memref<128x64xf32, #tpu.memory_space<vmem>>) target(%dma_start3A_266 : memref<10112x64xf32, #tpu.memory_space<vmem_shared>>) offsets(%dma_start3A_263 : memref<128xi32, #tpu.memory_space<vmem>>) semaphore(%arg32 : memref<!tpu.dma_semaphore, #tpu.memory_space<semaphore_mem>>) {add = true}
      %dma_wait3A_267 = arith.constant 0 : i32
      %dma_wait3A_268 = tpu.memref_slice %arg7[%dma_wait3A_267] : memref<10240xi32, #tpu.memory_space<vmem>> -> memref<128xi32, #tpu.memory_space<vmem>>
      %dma_wait3A_269 = arith.constant 0 : i32
      %dma_wait3A_270 = arith.constant 0 : i32
      %dma_wait3A_271 = tpu.memref_slice %arg34[%dma_wait3A_269, %dma_wait3A_270] : memref<10112x64xf32, #tpu.memory_space<vmem_shared>> -> memref<10112x64xf32, #tpu.memory_space<vmem_shared>>
      tpu.wait_indirect_dma semaphore(%arg30 : memref<!tpu.dma_semaphore, #tpu.memory_space<semaphore_mem>>) src(%arg16 : memref<128x64xf32, #tpu.memory_space<vmem>>) dst(%dma_wait3A_271 : memref<10112x64xf32, #tpu.memory_space<vmem_shared>>)
      %sub3A_272 = arith.constant 1 : i32
      %sub3A_273 = arith.subi %select_n3A, %sub3A_272 : i32
      %lt3A = arith.cmpi slt, %while3A_145, %sub3A_273 : i32
      %convert_element_type3A_274 = arith.extui %lt3A : i1 to i32
      %cond3A_275 = arith.constant 0 : i32
      %cond3A_276 = arith.cmpi ne, %convert_element_type3A_274, %cond3A_275 : i32
      scf.if %cond3A_276 {
        %add3A_316 = arith.constant 2 : i32
        %add3A_317 = arith.addi %add3A_243, %add3A_316 : i32
        %add3A_318 = arith.addi %min3A_3, %add3A_317 : i32
        %mul3A_319 = arith.constant 128 : i32
        %mul3A_320 = arith.muli %add3A_318, %mul3A_319 : i32
        %dma_start3A_321 = arith.constant 0 : i32
        %dma_start3A_322 = tpu.memref_slice %arg3[%mul3A_320, %dma_start3A_321] : memref<320000x128xbf16, #tpu.memory_space<hbm>> -> memref<128x64xbf16, #tpu.memory_space<hbm>>
        %dma_start3A_323 = arith.constant 0 : i32
        %dma_start3A_324 = tpu.memref_slice %arg3[%mul3A_320, %dma_start3A_323] : memref<320000x128xbf16, #tpu.memory_space<hbm>> -> memref<128x64xbf16, #tpu.memory_space<hbm>>
        tpu.enqueue_dma source(%dma_start3A_324 : memref<128x64xbf16, #tpu.memory_space<hbm>>) target(%arg8 : memref<128x64xbf16, #tpu.memory_space<vmem>>) target_semaphore(%arg22 : memref<!tpu.dma_semaphore, #tpu.memory_space<semaphore_mem>>)
        %mul3A_325 = arith.constant 128 : i32
        %mul3A_326 = arith.muli %add3A_317, %mul3A_325 : i32
        %dma_start3A_327 = tpu.memref_slice %arg6[%mul3A_326] : memref<10240xi32, #tpu.memory_space<vmem>> -> memref<128xi32, #tpu.memory_space<vmem>>
        %dma_start3A_328 = arith.constant 0 : i32
        %dma_start3A_329 = arith.constant 0 : i32
        %dma_start3A_330 = tpu.memref_slice %arg2[%dma_start3A_328, %dma_start3A_329] : memref<10000x64xbf16, #tpu.memory_space<hbm>> -> memref<10000x64xbf16, #tpu.memory_space<hbm>>
        tpu.enqueue_indirect_dma source(%dma_start3A_330 : memref<10000x64xbf16, #tpu.memory_space<hbm>>) target(%arg12 : memref<128x64xbf16, #tpu.memory_space<vmem>>) offsets(%dma_start3A_327 : memref<128xi32, #tpu.memory_space<vmem>>) semaphore(%arg26 : memref<!tpu.dma_semaphore, #tpu.memory_space<semaphore_mem>>)
      } else {
      }
      %mul3A_277 = arith.constant 4 : i32
      %mul3A_278 = arith.muli %while3A_145, %mul3A_277 : i32
      %add3A_279 = arith.addi %sub3A, %mul3A_278 : i32
      %add3A_280 = arith.constant 3 : i32
      %add3A_281 = arith.addi %add3A_279, %add3A_280 : i32
      %dma_wait3A_282 = arith.constant 0 : i32
      %dma_wait3A_283 = arith.constant 0 : i32
      %dma_wait3A_284 = tpu.memref_slice %arg3[%dma_wait3A_282, %dma_wait3A_283] : memref<320000x128xbf16, #tpu.memory_space<hbm>> -> memref<128x64xbf16, #tpu.memory_space<hbm>>
      %dma_wait3A_285 = arith.constant 0 : i32
      %dma_wait3A_286 = arith.constant 0 : i32
      %dma_wait3A_287 = tpu.memref_slice %arg3[%dma_wait3A_285, %dma_wait3A_286] : memref<320000x128xbf16, #tpu.memory_space<hbm>> -> memref<128x64xbf16, #tpu.memory_space<hbm>>
      tpu.wait_dma2 semaphore(%arg25 : memref<!tpu.dma_semaphore, #tpu.memory_space<semaphore_mem>>) src(%dma_wait3A_287 : memref<128x64xbf16, #tpu.memory_space<hbm>>) dst(%arg11 : memref<128x64xbf16, #tpu.memory_space<vmem>>)
      %dma_wait3A_288 = arith.constant 0 : i32
      %dma_wait3A_289 = tpu.memref_slice %arg6[%dma_wait3A_288] : memref<10240xi32, #tpu.memory_space<vmem>> -> memref<128xi32, #tpu.memory_space<vmem>>
      %dma_wait3A_290 = arith.constant 0 : i32
      %dma_wait3A_291 = arith.constant 0 : i32
      %dma_wait3A_292 = tpu.memref_slice %arg2[%dma_wait3A_290, %dma_wait3A_291] : memref<10000x64xbf16, #tpu.memory_space<hbm>> -> memref<10000x64xbf16, #tpu.memory_space<hbm>>
      tpu.wait_indirect_dma semaphore(%arg29 : memref<!tpu.dma_semaphore, #tpu.memory_space<semaphore_mem>>) src(%dma_wait3A_292 : memref<10000x64xbf16, #tpu.memory_space<hbm>>) dst(%arg15 : memref<128x64xbf16, #tpu.memory_space<vmem>>)
      %scan3A_293 = arith.constant 0 : i32
      %scan3A_294 = arith.constant 0 : i32
      %scan3A_295 = arith.constant 128 : i32
      %scan3A_296 = arith.addi %scan3A_294, %scan3A_295 : i32
      %scan3A_297 = arith.constant 2 : i32
      scf.for %scan3A_316 = %scan3A_294 to %scan3A_296 step %scan3A_297  : i32 {
        %get3A = arith.index_cast %scan3A_316 : i32 to index
        %get3A_317 = arith.constant 0 : index
        %get3A_318 = tpu.vector_load %arg11[%get3A, %get3A_317] {strides = array<i32>} : memref<128x64xbf16, #tpu.memory_space<vmem>>, vector<32xbf16>,
        %get3A_319 = arith.index_cast %scan3A_316 : i32 to index
        %get3A_320 = arith.constant 0 : index
        %get3A_321 = tpu.vector_load %arg15[%get3A_319, %get3A_320] {strides = array<i32>} : memref<128x64xbf16, #tpu.memory_space<vmem>>, vector<32xbf16>,
        %unpack3A = tpu.unpack_subelements %get3A_318, 0 {pack_format = #tpu.pack_format<interleaved>} : vector<32xbf16> -> vector<16xf32>
        %unpack3A_322 = tpu.unpack_subelements %get3A_318, 1 {pack_format = #tpu.pack_format<interleaved>} : vector<32xbf16> -> vector<16xf32>
        %unpack3A_323 = tpu.unpack_subelements %get3A_321, 0 {pack_format = #tpu.pack_format<interleaved>} : vector<32xbf16> -> vector<16xf32>
        %unpack3A_324 = tpu.unpack_subelements %get3A_321, 1 {pack_format = #tpu.pack_format<interleaved>} : vector<32xbf16> -> vector<16xf32>
        %add3A_325 = arith.addf %unpack3A_323, %unpack3A : vector<16xf32>
        %max3A = arith.constant 0.000000e+00 : f32
        %max3A_326 = vector.broadcast %max3A : f32 to vector<16xf32>
        %max3A_327 = arith.maximumf %add3A_325, %max3A_326 : vector<16xf32>
        %swap3A = arith.index_cast %scan3A_316 : i32 to index
        %swap3A_328 = arith.constant 0 : index
        %swap3A_329 = tpu.vector_load %arg19[%swap3A, %swap3A_328] {strides = array<i32>} : memref<128x64xf32, #tpu.memory_space<vmem>>, vector<16xf32>,
        tpu.vector_store %arg19[%swap3A, %swap3A_328], %max3A_327 {strides = array<i32>} : memref<128x64xf32, #tpu.memory_space<vmem>>, vector<16xf32>,
        %add3A_330 = arith.addf %unpack3A_324, %unpack3A_322 : vector<16xf32>
        %max3A_331 = arith.constant 0.000000e+00 : f32
        %max3A_332 = vector.broadcast %max3A_331 : f32 to vector<16xf32>
        %max3A_333 = arith.maximumf %add3A_330, %max3A_332 : vector<16xf32>
        %swap3A_334 = arith.index_cast %scan3A_316 : i32 to index
        %swap3A_335 = arith.constant 16 : index
        %swap3A_336 = tpu.vector_load %arg19[%swap3A_334, %swap3A_335] {strides = array<i32>} : memref<128x64xf32, #tpu.memory_space<vmem>>, vector<16xf32>,
        tpu.vector_store %arg19[%swap3A_334, %swap3A_335], %max3A_333 {strides = array<i32>} : memref<128x64xf32, #tpu.memory_space<vmem>>, vector<16xf32>,
        %get3A_337 = arith.index_cast %scan3A_316 : i32 to index
        %get3A_338 = arith.constant 32 : index
        %get3A_339 = tpu.vector_load %arg11[%get3A_337, %get3A_338] {strides = array<i32>} : memref<128x64xbf16, #tpu.memory_space<vmem>>, vector<32xbf16>,
        %get3A_340 = arith.index_cast %scan3A_316 : i32 to index
        %get3A_341 = arith.constant 32 : index
        %get3A_342 = tpu.vector_load %arg15[%get3A_340, %get3A_341] {strides = array<i32>} : memref<128x64xbf16, #tpu.memory_space<vmem>>, vector<32xbf16>,
        %unpack3A_343 = tpu.unpack_subelements %get3A_339, 0 {pack_format = #tpu.pack_format<interleaved>} : vector<32xbf16> -> vector<16xf32>
        %unpack3A_344 = tpu.unpack_subelements %get3A_339, 1 {pack_format = #tpu.pack_format<interleaved>} : vector<32xbf16> -> vector<16xf32>
        %unpack3A_345 = tpu.unpack_subelements %get3A_342, 0 {pack_format = #tpu.pack_format<interleaved>} : vector<32xbf16> -> vector<16xf32>
        %unpack3A_346 = tpu.unpack_subelements %get3A_342, 1 {pack_format = #tpu.pack_format<interleaved>} : vector<32xbf16> -> vector<16xf32>
        %add3A_347 = arith.addf %unpack3A_345, %unpack3A_343 : vector<16xf32>
        %max3A_348 = arith.constant 0.000000e+00 : f32
        %max3A_349 = vector.broadcast %max3A_348 : f32 to vector<16xf32>
        %max3A_350 = arith.maximumf %add3A_347, %max3A_349 : vector<16xf32>
        %swap3A_351 = arith.index_cast %scan3A_316 : i32 to index
        %swap3A_352 = arith.constant 32 : index
        %swap3A_353 = tpu.vector_load %arg19[%swap3A_351, %swap3A_352] {strides = array<i32>} : memref<128x64xf32, #tpu.memory_space<vmem>>, vector<16xf32>,
        tpu.vector_store %arg19[%swap3A_351, %swap3A_352], %max3A_350 {strides = array<i32>} : memref<128x64xf32, #tpu.memory_space<vmem>>, vector<16xf32>,
        %add3A_354 = arith.addf %unpack3A_346, %unpack3A_344 : vector<16xf32>
        %max3A_355 = arith.constant 0.000000e+00 : f32
        %max3A_356 = vector.broadcast %max3A_355 : f32 to vector<16xf32>
        %max3A_357 = arith.maximumf %add3A_354, %max3A_356 : vector<16xf32>
        %swap3A_358 = arith.index_cast %scan3A_316 : i32 to index
        %swap3A_359 = arith.constant 48 : index
        %swap3A_360 = tpu.vector_load %arg19[%swap3A_358, %swap3A_359] {strides = array<i32>} : memref<128x64xf32, #tpu.memory_space<vmem>>, vector<16xf32>,
        tpu.vector_store %arg19[%swap3A_358, %swap3A_359], %max3A_357 {strides = array<i32>} : memref<128x64xf32, #tpu.memory_space<vmem>>, vector<16xf32>,
        %scan3A_361 = arith.constant 1 : i32
        %scan3A_362 = arith.addi %scan3A_316, %scan3A_361 : i32
        %get3A_363 = arith.index_cast %scan3A_362 : i32 to index
        %get3A_364 = arith.constant 0 : index
        %get3A_365 = tpu.vector_load %arg11[%get3A_363, %get3A_364] {strides = array<i32>} : memref<128x64xbf16, #tpu.memory_space<vmem>>, vector<32xbf16>,
        %get3A_366 = arith.index_cast %scan3A_362 : i32 to index
        %get3A_367 = arith.constant 0 : index
        %get3A_368 = tpu.vector_load %arg15[%get3A_366, %get3A_367] {strides = array<i32>} : memref<128x64xbf16, #tpu.memory_space<vmem>>, vector<32xbf16>,
        %unpack3A_369 = tpu.unpack_subelements %get3A_365, 0 {pack_format = #tpu.pack_format<interleaved>} : vector<32xbf16> -> vector<16xf32>
        %unpack3A_370 = tpu.unpack_subelements %get3A_365, 1 {pack_format = #tpu.pack_format<interleaved>} : vector<32xbf16> -> vector<16xf32>
        %unpack3A_371 = tpu.unpack_subelements %get3A_368, 0 {pack_format = #tpu.pack_format<interleaved>} : vector<32xbf16> -> vector<16xf32>
        %unpack3A_372 = tpu.unpack_subelements %get3A_368, 1 {pack_format = #tpu.pack_format<interleaved>} : vector<32xbf16> -> vector<16xf32>
        %add3A_373 = arith.addf %unpack3A_371, %unpack3A_369 : vector<16xf32>
        %max3A_374 = arith.constant 0.000000e+00 : f32
        %max3A_375 = vector.broadcast %max3A_374 : f32 to vector<16xf32>
        %max3A_376 = arith.maximumf %add3A_373, %max3A_375 : vector<16xf32>
        %swap3A_377 = arith.index_cast %scan3A_362 : i32 to index
        %swap3A_378 = arith.constant 0 : index
        %swap3A_379 = tpu.vector_load %arg19[%swap3A_377, %swap3A_378] {strides = array<i32>} : memref<128x64xf32, #tpu.memory_space<vmem>>, vector<16xf32>,
        tpu.vector_store %arg19[%swap3A_377, %swap3A_378], %max3A_376 {strides = array<i32>} : memref<128x64xf32, #tpu.memory_space<vmem>>, vector<16xf32>,
        %add3A_380 = arith.addf %unpack3A_372, %unpack3A_370 : vector<16xf32>
        %max3A_381 = arith.constant 0.000000e+00 : f32
        %max3A_382 = vector.broadcast %max3A_381 : f32 to vector<16xf32>
        %max3A_383 = arith.maximumf %add3A_380, %max3A_382 : vector<16xf32>
        %swap3A_384 = arith.index_cast %scan3A_362 : i32 to index
        %swap3A_385 = arith.constant 16 : index
        %swap3A_386 = tpu.vector_load %arg19[%swap3A_384, %swap3A_385] {strides = array<i32>} : memref<128x64xf32, #tpu.memory_space<vmem>>, vector<16xf32>,
        tpu.vector_store %arg19[%swap3A_384, %swap3A_385], %max3A_383 {strides = array<i32>} : memref<128x64xf32, #tpu.memory_space<vmem>>, vector<16xf32>,
        %get3A_387 = arith.index_cast %scan3A_362 : i32 to index
        %get3A_388 = arith.constant 32 : index
        %get3A_389 = tpu.vector_load %arg11[%get3A_387, %get3A_388] {strides = array<i32>} : memref<128x64xbf16, #tpu.memory_space<vmem>>, vector<32xbf16>,
        %get3A_390 = arith.index_cast %scan3A_362 : i32 to index
        %get3A_391 = arith.constant 32 : index
        %get3A_392 = tpu.vector_load %arg15[%get3A_390, %get3A_391] {strides = array<i32>} : memref<128x64xbf16, #tpu.memory_space<vmem>>, vector<32xbf16>,
        %unpack3A_393 = tpu.unpack_subelements %get3A_389, 0 {pack_format = #tpu.pack_format<interleaved>} : vector<32xbf16> -> vector<16xf32>
        %unpack3A_394 = tpu.unpack_subelements %get3A_389, 1 {pack_format = #tpu.pack_format<interleaved>} : vector<32xbf16> -> vector<16xf32>
        %unpack3A_395 = tpu.unpack_subelements %get3A_392, 0 {pack_format = #tpu.pack_format<interleaved>} : vector<32xbf16> -> vector<16xf32>
        %unpack3A_396 = tpu.unpack_subelements %get3A_392, 1 {pack_format = #tpu.pack_format<interleaved>} : vector<32xbf16> -> vector<16xf32>
        %add3A_397 = arith.addf %unpack3A_395, %unpack3A_393 : vector<16xf32>
        %max3A_398 = arith.constant 0.000000e+00 : f32
        %max3A_399 = vector.broadcast %max3A_398 : f32 to vector<16xf32>
        %max3A_400 = arith.maximumf %add3A_397, %max3A_399 : vector<16xf32>
        %swap3A_401 = arith.index_cast %scan3A_362 : i32 to index
        %swap3A_402 = arith.constant 32 : index
        %swap3A_403 = tpu.vector_load %arg19[%swap3A_401, %swap3A_402] {strides = array<i32>} : memref<128x64xf32, #tpu.memory_space<vmem>>, vector<16xf32>,
        tpu.vector_store %arg19[%swap3A_401, %swap3A_402], %max3A_400 {strides = array<i32>} : memref<128x64xf32, #tpu.memory_space<vmem>>, vector<16xf32>,
        %add3A_404 = arith.addf %unpack3A_396, %unpack3A_394 : vector<16xf32>
        %max3A_405 = arith.constant 0.000000e+00 : f32
        %max3A_406 = vector.broadcast %max3A_405 : f32 to vector<16xf32>
        %max3A_407 = arith.maximumf %add3A_404, %max3A_406 : vector<16xf32>
        %swap3A_408 = arith.index_cast %scan3A_362 : i32 to index
        %swap3A_409 = arith.constant 48 : index
        %swap3A_410 = tpu.vector_load %arg19[%swap3A_408, %swap3A_409] {strides = array<i32>} : memref<128x64xf32, #tpu.memory_space<vmem>>, vector<16xf32>,
        tpu.vector_store %arg19[%swap3A_408, %swap3A_409], %max3A_407 {strides = array<i32>} : memref<128x64xf32, #tpu.memory_space<vmem>>, vector<16xf32>,
      }
      %scan3A_298 = arith.constant 128 : i32
      %mul3A_299 = arith.constant 128 : i32
      %mul3A_300 = arith.muli %add3A_281, %mul3A_299 : i32
      %dma_start3A_301 = tpu.memref_slice %arg7[%mul3A_300] : memref<10240xi32, #tpu.memory_space<vmem>> -> memref<128xi32, #tpu.memory_space<vmem>>
      %dma_start3A_302 = arith.constant 0 : i32
      %dma_start3A_303 = arith.constant 0 : i32
      %dma_start3A_304 = tpu.memref_slice %arg34[%dma_start3A_302, %dma_start3A_303] : memref<10112x64xf32, #tpu.memory_space<vmem_shared>> -> memref<10112x64xf32, #tpu.memory_space<vmem_shared>>
      tpu.enqueue_indirect_dma source(%arg19 : memref<128x64xf32, #tpu.memory_space<vmem>>) target(%dma_start3A_304 : memref<10112x64xf32, #tpu.memory_space<vmem_shared>>) offsets(%dma_start3A_301 : memref<128xi32, #tpu.memory_space<vmem>>) semaphore(%arg33 : memref<!tpu.dma_semaphore, #tpu.memory_space<semaphore_mem>>) {add = true}
      %dma_wait3A_305 = arith.constant 0 : i32
      %dma_wait3A_306 = tpu.memref_slice %arg7[%dma_wait3A_305] : memref<10240xi32, #tpu.memory_space<vmem>> -> memref<128xi32, #tpu.memory_space<vmem>>
      %dma_wait3A_307 = arith.constant 0 : i32
      %dma_wait3A_308 = arith.constant 0 : i32
      %dma_wait3A_309 = tpu.memref_slice %arg34[%dma_wait3A_307, %dma_wait3A_308] : memref<10112x64xf32, #tpu.memory_space<vmem_shared>> -> memref<10112x64xf32, #tpu.memory_space<vmem_shared>>
      tpu.wait_indirect_dma semaphore(%arg31 : memref<!tpu.dma_semaphore, #tpu.memory_space<semaphore_mem>>) src(%arg17 : memref<128x64xf32, #tpu.memory_space<vmem>>) dst(%dma_wait3A_309 : memref<10112x64xf32, #tpu.memory_space<vmem_shared>>)
      %sub3A_310 = arith.constant 1 : i32
      %sub3A_311 = arith.subi %select_n3A, %sub3A_310 : i32
      %lt3A_312 = arith.cmpi slt, %while3A_145, %sub3A_311 : i32
      %convert_element_type3A_313 = arith.extui %lt3A_312 : i1 to i32
      %cond3A_314 = arith.constant 0 : i32
      %cond3A_315 = arith.cmpi ne, %convert_element_type3A_313, %cond3A_314 : i32
      scf.if %cond3A_315 {
        %add3A_316 = arith.constant 2 : i32
        %add3A_317 = arith.addi %add3A_281, %add3A_316 : i32
        %add3A_318 = arith.addi %min3A_3, %add3A_317 : i32
        %mul3A_319 = arith.constant 128 : i32
        %mul3A_320 = arith.muli %add3A_318, %mul3A_319 : i32
        %dma_start3A_321 = arith.constant 0 : i32
        %dma_start3A_322 = tpu.memref_slice %arg3[%mul3A_320, %dma_start3A_321] : memref<320000x128xbf16, #tpu.memory_space<hbm>> -> memref<128x64xbf16, #tpu.memory_space<hbm>>
        %dma_start3A_323 = arith.constant 0 : i32
        %dma_start3A_324 = tpu.memref_slice %arg3[%mul3A_320, %dma_start3A_323] : memref<320000x128xbf16, #tpu.memory_space<hbm>> -> memref<128x64xbf16, #tpu.memory_space<hbm>>
        tpu.enqueue_dma source(%dma_start3A_324 : memref<128x64xbf16, #tpu.memory_space<hbm>>) target(%arg9 : memref<128x64xbf16, #tpu.memory_space<vmem>>) target_semaphore(%arg23 : memref<!tpu.dma_semaphore, #tpu.memory_space<semaphore_mem>>)
        %mul3A_325 = arith.constant 128 : i32
        %mul3A_326 = arith.muli %add3A_317, %mul3A_325 : i32
        %dma_start3A_327 = tpu.memref_slice %arg6[%mul3A_326] : memref<10240xi32, #tpu.memory_space<vmem>> -> memref<128xi32, #tpu.memory_space<vmem>>
        %dma_start3A_328 = arith.constant 0 : i32
        %dma_start3A_329 = arith.constant 0 : i32
        %dma_start3A_330 = tpu.memref_slice %arg2[%dma_start3A_328, %dma_start3A_329] : memref<10000x64xbf16, #tpu.memory_space<hbm>> -> memref<10000x64xbf16, #tpu.memory_space<hbm>>
        tpu.enqueue_indirect_dma source(%dma_start3A_330 : memref<10000x64xbf16, #tpu.memory_space<hbm>>) target(%arg13 : memref<128x64xbf16, #tpu.memory_space<vmem>>) offsets(%dma_start3A_327 : memref<128xi32, #tpu.memory_space<vmem>>) semaphore(%arg27 : memref<!tpu.dma_semaphore, #tpu.memory_space<semaphore_mem>>)
      } else {
      }
    }
    %dma_wait3A_127 = arith.constant 0 : i32
    %dma_wait3A_128 = tpu.memref_slice %arg7[%dma_wait3A_127] : memref<10240xi32, #tpu.memory_space<vmem>> -> memref<128xi32, #tpu.memory_space<vmem>>
    %dma_wait3A_129 = arith.constant 0 : i32
    %dma_wait3A_130 = arith.constant 0 : i32
    %dma_wait3A_131 = tpu.memref_slice %arg34[%dma_wait3A_129, %dma_wait3A_130] : memref<10112x64xf32, #tpu.memory_space<vmem_shared>> -> memref<10112x64xf32, #tpu.memory_space<vmem_shared>>
    tpu.wait_indirect_dma semaphore(%arg32 : memref<!tpu.dma_semaphore, #tpu.memory_space<semaphore_mem>>) src(%arg18 : memref<128x64xf32, #tpu.memory_space<vmem>>) dst(%dma_wait3A_131 : memref<10112x64xf32, #tpu.memory_space<vmem_shared>>)
    %dma_wait3A_132 = arith.constant 0 : i32
    %dma_wait3A_133 = tpu.memref_slice %arg7[%dma_wait3A_132] : memref<10240xi32, #tpu.memory_space<vmem>> -> memref<128xi32, #tpu.memory_space<vmem>>
    %dma_wait3A_134 = arith.constant 0 : i32
    %dma_wait3A_135 = arith.constant 0 : i32
    %dma_wait3A_136 = tpu.memref_slice %arg34[%dma_wait3A_134, %dma_wait3A_135] : memref<10112x64xf32, #tpu.memory_space<vmem_shared>> -> memref<10112x64xf32, #tpu.memory_space<vmem_shared>>
    tpu.wait_indirect_dma semaphore(%arg33 : memref<!tpu.dma_semaphore, #tpu.memory_space<semaphore_mem>>) src(%arg19 : memref<128x64xf32, #tpu.memory_space<vmem>>) dst(%dma_wait3A_136 : memref<10112x64xf32, #tpu.memory_space<vmem_shared>>)
    %barrier3A_137 = arith.constant 0 : index
    tpu.barrier barrier_id(%barrier3A_137)
    %mul3A_138 = arith.constant 632 : i32
    %mul3A_139 = arith.muli %arg1, %mul3A_138 : i32
    %mul3A_140 = arith.constant 10112 : i32
    %mul3A_141 = arith.muli %arg0, %mul3A_140 : i32
    %mul3A_142 = arith.constant 632 : i32
    %mul3A_143 = arith.muli %arg1, %mul3A_142 : i32
    %add3A_144 = arith.addi %mul3A_141, %mul3A_143 : i32
    "tpu.region"() ({
      %run_scoped3A = tpu.sem_alloc : memref<!tpu.dma_semaphore, #tpu.memory_space<semaphore_mem>>
      %dma_start3A_145 = arith.constant 0 : i32
      %dma_start3A_146 = tpu.memref_slice %arg5[%add3A_144, %dma_start3A_145] : memref<20224x64xf32, #tpu.memory_space<hbm>> -> memref<632x64xf32, #tpu.memory_space<hbm>>
      %dma_start3A_147 = arith.constant 0 : i32
      %dma_start3A_148 = tpu.memref_slice %arg34[%mul3A_139, %dma_start3A_147] : memref<10112x64xf32, #tpu.memory_space<vmem_shared>> -> memref<632x64xf32, #tpu.memory_space<vmem_shared>>
      tpu.enqueue_dma source(%dma_start3A_148 : memref<632x64xf32, #tpu.memory_space<vmem_shared>>) target(%dma_start3A_146 : memref<632x64xf32, #tpu.memory_space<hbm>>) target_semaphore(%run_scoped3A : memref<!tpu.dma_semaphore, #tpu.memory_space<semaphore_mem>>)
      %dma_wait3A_149 = arith.constant 0 : i32
      %dma_wait3A_150 = tpu.memref_slice %arg5[%add3A_144, %dma_wait3A_149] : memref<20224x64xf32, #tpu.memory_space<hbm>> -> memref<632x64xf32, #tpu.memory_space<hbm>>
      %dma_wait3A_151 = arith.constant 0 : i32
      %dma_wait3A_152 = tpu.memref_slice %arg34[%mul3A_139, %dma_wait3A_151] : memref<10112x64xf32, #tpu.memory_space<vmem_shared>> -> memref<632x64xf32, #tpu.memory_space<vmem_shared>>
      tpu.wait_dma2 semaphore(%run_scoped3A : memref<!tpu.dma_semaphore, #tpu.memory_space<semaphore_mem>>) src(%dma_wait3A_152 : memref<632x64xf32, #tpu.memory_space<vmem_shared>>) dst(%dma_wait3A_150 : memref<632x64xf32, #tpu.memory_space<hbm>>)
      tpu.yield
    }) : () -> ()
    return
  }
}

#map = affine_map<(d0, d1) -> (0, 0)>
module attributes {stable_mosaic.version = 14 : i64} {
  func.func @_sc_body(%arg0: i32, %arg1: i32, %arg2: memref<10000x64xbf16, #tpu.memory_space<hbm>>, %arg3: memref<320000x128xbf16, #tpu.memory_space<hbm>>, %arg4: memref<2x320000xi32, #tpu.memory_space<hbm>>, %arg5: memref<20224x64xf32, #tpu.memory_space<hbm>>, %arg6: memref<10240xi32, #tpu.memory_space<vmem>>, %arg7: memref<10240xi32, #tpu.memory_space<vmem>>, %arg8: memref<128x64xbf16, #tpu.memory_space<vmem>>, %arg9: memref<128x64xbf16, #tpu.memory_space<vmem>>, %arg10: memref<128x64xbf16, #tpu.memory_space<vmem>>, %arg11: memref<128x64xbf16, #tpu.memory_space<vmem>>, %arg12: memref<128x64xbf16, #tpu.memory_space<vmem>>, %arg13: memref<128x64xbf16, #tpu.memory_space<vmem>>, %arg14: memref<128x64xbf16, #tpu.memory_space<vmem>>, %arg15: memref<128x64xbf16, #tpu.memory_space<vmem>>, %arg16: memref<128x64xf32, #tpu.memory_space<vmem>>, %arg17: memref<128x64xf32, #tpu.memory_space<vmem>>, %arg18: memref<128x64xf32, #tpu.memory_space<vmem>>, %arg19: memref<128x64xf32, #tpu.memory_space<vmem>>, %arg20: memref<!tpu.dma_semaphore, #tpu.memory_space<semaphore_mem>>, %arg21: memref<!tpu.dma_semaphore, #tpu.memory_space<semaphore_mem>>, %arg22: memref<!tpu.dma_semaphore, #tpu.memory_space<semaphore_mem>>, %arg23: memref<!tpu.dma_semaphore, #tpu.memory_space<semaphore_mem>>, %arg24: memref<!tpu.dma_semaphore, #tpu.memory_space<semaphore_mem>>, %arg25: memref<!tpu.dma_semaphore, #tpu.memory_space<semaphore_mem>>, %arg26: memref<!tpu.dma_semaphore, #tpu.memory_space<semaphore_mem>>, %arg27: memref<!tpu.dma_semaphore, #tpu.memory_space<semaphore_mem>>, %arg28: memref<!tpu.dma_semaphore, #tpu.memory_space<semaphore_mem>>, %arg29: memref<!tpu.dma_semaphore, #tpu.memory_space<semaphore_mem>>, %arg30: memref<!tpu.dma_semaphore, #tpu.memory_space<semaphore_mem>>, %arg31: memref<!tpu.dma_semaphore, #tpu.memory_space<semaphore_mem>>, %arg32: memref<!tpu.dma_semaphore, #tpu.memory_space<semaphore_mem>>, %arg33: memref<!tpu.dma_semaphore, #tpu.memory_space<semaphore_mem>>, %arg34: memref<10112x64xf32, #tpu.memory_space<vmem_shared>>) attributes {dimension_semantics = [#tpu.dimension_semantics<core_parallel>, #tpu.dimension_semantics<subcore_parallel>], iteration_bounds = array<i64: 2, 16>, scalar_prefetch = 0 : i64, scratch_operands = 29 : i64, tpu.core_type = #tpu.core_type<sc_vector_subcore>, window_params = [{transform_indices = #map}, {transform_indices = #map}, {transform_indices = #map}, {transform_indices = #map}]} {
    %mul3A = arith.constant 16 : i32
    %mul3A_0 = arith.muli %arg0, %mul3A : i32
    %add3A = arith.addi %mul3A_0, %arg1 : i32
    %mul3A_1 = arith.constant 80 : i32
    %mul3A_2 = arith.muli %add3A, %mul3A_1 : i32
    %min3A = arith.constant 2420 : i32
    %min3A_3 = arith.minsi %mul3A_2, %min3A : i32
    %sub3A = arith.subi %mul3A_2, %min3A_3 : i32
    %sub3A_4 = arith.constant 80 : i32
    %sub3A_5 = arith.subi %sub3A_4, %sub3A : i32
    %jit3A = arith.constant 4 : i32
    %div3A = arith.divsi %sub3A_5, %jit3A : i32
    %sign3A = arith.constant 0 : i32
    %sign3A_6 = arith.cmpi sgt, %sub3A_5, %sign3A : i32
    %sign3A_7 = arith.extui %sign3A_6 : i1 to i32
    %sign3A_8 = arith.constant 0 : i32
    %sign3A_9 = arith.cmpi slt, %sub3A_5, %sign3A_8 : i32
    %sign3A_10 = arith.extui %sign3A_9 : i1 to i32
    %sign3A_11 = arith.subi %sign3A_7, %sign3A_10 : i32
    %sign3A_12 = arith.constant 0 : i32
    %sign3A_13 = arith.cmpi sgt, %jit3A, %sign3A_12 : i32
    %sign3A_14 = arith.extui %sign3A_13 : i1 to i32
    %sign3A_15 = arith.constant 0 : i32
    %sign3A_16 = arith.cmpi slt, %jit3A, %sign3A_15 : i32
    %sign3A_17 = arith.extui %sign3A_16 : i1 to i32
    %sign3A_18 = arith.subi %sign3A_14, %sign3A_17 : i32
    %ne3A = arith.cmpi ne, %sign3A_11, %sign3A_18 : i32
    %rem3A = arith.remsi %sub3A_5, %jit3A : i32
    %ne3A_19 = arith.constant 0 : i32
    %ne3A_20 = arith.cmpi ne, %rem3A, %ne3A_19 : i32
    %and3A = arith.andi %ne3A, %ne3A_20 : i1
    %sub3A_21 = arith.constant 1 : i32
    %sub3A_22 = arith.subi %div3A, %sub3A_21 : i32
    %select_n3A = arith.select %and3A, %sub3A_22, %div3A : i32
    %mul3A_23 = arith.constant 128 : i32
    %mul3A_24 = arith.muli %min3A_3, %mul3A_23 : i32
    %dma_start3A = arith.constant 0 : i32
    %dma_start3A_25 = arith.constant 0 : i32
    %dma_start3A_26 = tpu.memref_slice %arg4[%dma_start3A, %dma_start3A_25] : memref<2x320000xi32, #tpu.memory_space<hbm>> -> memref<1x320000xi32, #tpu.memory_space<hbm>>
    %dma_start3A_27 = tpu.memref_squeeze %dma_start3A_26 : memref<1x320000xi32, #tpu.memory_space<hbm>> -> memref<320000xi32, #tpu.memory_space<hbm>>
    %dma_start3A_28 = tpu.memref_slice %dma_start3A_27[%mul3A_24] : memref<320000xi32, #tpu.memory_space<hbm>> -> memref<10240xi32, #tpu.memory_space<hbm>>
    %dma_start3A_29 = arith.constant 0 : i32
    %dma_start3A_30 = tpu.memref_slice %arg4[%dma_start3A, %dma_start3A_29] : memref<2x320000xi32, #tpu.memory_space<hbm>> -> memref<1x320000xi32, #tpu.memory_space<hbm>>
    %dma_start3A_31 = tpu.memref_squeeze %dma_start3A_30 : memref<1x320000xi32, #tpu.memory_space<hbm>> -> memref<320000xi32, #tpu.memory_space<hbm>>
    %dma_start3A_32 = tpu.memref_slice %dma_start3A_31[%mul3A_24] : memref<320000xi32, #tpu.memory_space<hbm>> -> memref<10240xi32, #tpu.memory_space<hbm>>
    tpu.enqueue_dma source(%dma_start3A_32 : memref<10240xi32, #tpu.memory_space<hbm>>) target(%arg6 : memref<10240xi32, #tpu.memory_space<vmem>>) target_semaphore(%arg20 : memref<!tpu.dma_semaphore, #tpu.memory_space<semaphore_mem>>)
    %mul3A_33 = arith.constant 128 : i32
    %mul3A_34 = arith.muli %min3A_3, %mul3A_33 : i32
    %dma_start3A_35 = arith.constant 1 : i32
    %dma_start3A_36 = arith.constant 0 : i32
    %dma_start3A_37 = tpu.memref_slice %arg4[%dma_start3A_35, %dma_start3A_36] : memref<2x320000xi32, #tpu.memory_space<hbm>> -> memref<1x320000xi32, #tpu.memory_space<hbm>>
    %dma_start3A_38 = tpu.memref_squeeze %dma_start3A_37 : memref<1x320000xi32, #tpu.memory_space<hbm>> -> memref<320000xi32, #tpu.memory_space<hbm>>
    %dma_start3A_39 = tpu.memref_slice %dma_start3A_38[%mul3A_34] : memref<320000xi32, #tpu.memory_space<hbm>> -> memref<10240xi32, #tpu.memory_space<hbm>>
    %dma_start3A_40 = arith.constant 0 : i32
    %dma_start3A_41 = tpu.memref_slice %arg4[%dma_start3A_35, %dma_start3A_40] : memref<2x320000xi32, #tpu.memory_space<hbm>> -> memref<1x320000xi32, #tpu.memory_space<hbm>>
    %dma_start3A_42 = tpu.memref_squeeze %dma_start3A_41 : memref<1x320000xi32, #tpu.memory_space<hbm>> -> memref<320000xi32, #tpu.memory_space<hbm>>
    %dma_start3A_43 = tpu.memref_slice %dma_start3A_42[%mul3A_34] : memref<320000xi32, #tpu.memory_space<hbm>> -> memref<10240xi32, #tpu.memory_space<hbm>>
    tpu.enqueue_dma source(%dma_start3A_43 : memref<10240xi32, #tpu.memory_space<hbm>>) target(%arg7 : memref<10240xi32, #tpu.memory_space<vmem>>) target_semaphore(%arg21 : memref<!tpu.dma_semaphore, #tpu.memory_space<semaphore_mem>>)
    %scan3A = arith.constant 0 : i32
    %scan3A_44 = arith.constant 0 : i32
    %scan3A_45 = arith.constant 128 : i32
    %scan3A_46 = arith.addi %scan3A_44, %scan3A_45 : i32
    %scan3A_47 = arith.constant 2 : i32
    scf.for %scan3A_145 = %scan3A_44 to %scan3A_46 step %scan3A_47  : i32 {
      %broadcast_in_dim3A = arith.constant 0.000000e+00 : f32
      %broadcast_in_dim3A_146 = vector.broadcast %broadcast_in_dim3A : f32 to vector<16xf32>
      %swap3A = arith.index_cast %scan3A_145 : i32 to index
      %swap3A_147 = arith.constant 0 : index
      %swap3A_148 = tpu.vector_load %arg19[%swap3A, %swap3A_147] {strides = array<i32>} : memref<128x64xf32, #tpu.memory_space<vmem>>, vector<16xf32>,
      tpu.vector_store %arg19[%swap3A, %swap3A_147], %broadcast_in_dim3A_146 {strides = array<i32>} : memref<128x64xf32, #tpu.memory_space<vmem>>, vector<16xf32>,
      %broadcast_in_dim3A_149 = arith.constant 0.000000e+00 : f32
      %broadcast_in_dim3A_150 = vector.broadcast %broadcast_in_dim3A_149 : f32 to vector<16xf32>
      %swap3A_151 = arith.index_cast %scan3A_145 : i32 to index
      %swap3A_152 = arith.constant 16 : index
      %swap3A_153 = tpu.vector_load %arg19[%swap3A_151, %swap3A_152] {strides = array<i32>} : memref<128x64xf32, #tpu.memory_space<vmem>>, vector<16xf32>,
      tpu.vector_store %arg19[%swap3A_151, %swap3A_152], %broadcast_in_dim3A_150 {strides = array<i32>} : memref<128x64xf32, #tpu.memory_space<vmem>>, vector<16xf32>,
      %broadcast_in_dim3A_154 = arith.constant 0.000000e+00 : f32
      %broadcast_in_dim3A_155 = vector.broadcast %broadcast_in_dim3A_154 : f32 to vector<16xf32>
      %swap3A_156 = arith.index_cast %scan3A_145 : i32 to index
      %swap3A_157 = arith.constant 32 : index
      %swap3A_158 = tpu.vector_load %arg19[%swap3A_156, %swap3A_157] {strides = array<i32>} : memref<128x64xf32, #tpu.memory_space<vmem>>, vector<16xf32>,
      tpu.vector_store %arg19[%swap3A_156, %swap3A_157], %broadcast_in_dim3A_155 {strides = array<i32>} : memref<128x64xf32, #tpu.memory_space<vmem>>, vector<16xf32>,
      %broadcast_in_dim3A_159 = arith.constant 0.000000e+00 : f32
      %broadcast_in_dim3A_160 = vector.broadcast %broadcast_in_dim3A_159 : f32 to vector<16xf32>
      %swap3A_161 = arith.index_cast %scan3A_145 : i32 to index
      %swap3A_162 = arith.constant 48 : index
      %swap3A_163 = tpu.vector_load %arg19[%swap3A_161, %swap3A_162] {strides = array<i32>} : memref<128x64xf32, #tpu.memory_space<vmem>>, vector<16xf32>,
      tpu.vector_store %arg19[%swap3A_161, %swap3A_162], %broadcast_in_dim3A_160 {strides = array<i32>} : memref<128x64xf32, #tpu.memory_space<vmem>>, vector<16xf32>,
      %scan3A_164 = arith.constant 1 : i32
      %scan3A_165 = arith.addi %scan3A_145, %scan3A_164 : i32
      %broadcast_in_dim3A_166 = arith.constant 0.000000e+00 : f32
      %broadcast_in_dim3A_167 = vector.broadcast %broadcast_in_dim3A_166 : f32 to vector<16xf32>
      %swap3A_168 = arith.index_cast %scan3A_165 : i32 to index
      %swap3A_169 = arith.constant 0 : index
      %swap3A_170 = tpu.vector_load %arg19[%swap3A_168, %swap3A_169] {strides = array<i32>} : memref<128x64xf32, #tpu.memory_space<vmem>>, vector<16xf32>,
      tpu.vector_store %arg19[%swap3A_168, %swap3A_169], %broadcast_in_dim3A_167 {strides = array<i32>} : memref<128x64xf32, #tpu.memory_space<vmem>>, vector<16xf32>,
      %broadcast_in_dim3A_171 = arith.constant 0.000000e+00 : f32
      %broadcast_in_dim3A_172 = vector.broadcast %broadcast_in_dim3A_171 : f32 to vector<16xf32>
      %swap3A_173 = arith.index_cast %scan3A_165 : i32 to index
      %swap3A_174 = arith.constant 16 : index
      %swap3A_175 = tpu.vector_load %arg19[%swap3A_173, %swap3A_174] {strides = array<i32>} : memref<128x64xf32, #tpu.memory_space<vmem>>, vector<16xf32>,
      tpu.vector_store %arg19[%swap3A_173, %swap3A_174], %broadcast_in_dim3A_172 {strides = array<i32>} : memref<128x64xf32, #tpu.memory_space<vmem>>, vector<16xf32>,
      %broadcast_in_dim3A_176 = arith.constant 0.000000e+00 : f32
      %broadcast_in_dim3A_177 = vector.broadcast %broadcast_in_dim3A_176 : f32 to vector<16xf32>
      %swap3A_178 = arith.index_cast %scan3A_165 : i32 to index
      %swap3A_179 = arith.constant 32 : index
      %swap3A_180 = tpu.vector_load %arg19[%swap3A_178, %swap3A_179] {strides = array<i32>} : memref<128x64xf32, #tpu.memory_space<vmem>>, vector<16xf32>,
      tpu.vector_store %arg19[%swap3A_178, %swap3A_179], %broadcast_in_dim3A_177 {strides = array<i32>} : memref<128x64xf32, #tpu.memory_space<vmem>>, vector<16xf32>,
      %broadcast_in_dim3A_181 = arith.constant 0.000000e+00 : f32
      %broadcast_in_dim3A_182 = vector.broadcast %broadcast_in_dim3A_181 : f32 to vector<16xf32>
      %swap3A_183 = arith.index_cast %scan3A_165 : i32 to index
      %swap3A_184 = arith.constant 48 : index
      %swap3A_185 = tpu.vector_load %arg19[%swap3A_183, %swap3A_184] {strides = array<i32>} : memref<128x64xf32, #tpu.memory_space<vmem>>, vector<16xf32>,
      tpu.vector_store %arg19[%swap3A_183, %swap3A_184], %broadcast_in_dim3A_182 {strides = array<i32>} : memref<128x64xf32, #tpu.memory_space<vmem>>, vector<16xf32>,
    }
    %scan3A_48 = arith.constant 128 : i32
    %mul3A_49 = arith.constant 632 : i32
    %mul3A_50 = arith.muli %arg1, %mul3A_49 : i32
    %add3A_51 = arith.constant 0 : i32
    %add3A_52 = arith.addi %mul3A_50, %add3A_51 : i32
    "tpu.region"() ({
      %run_scoped3A = tpu.sem_alloc : memref<!tpu.dma_semaphore, #tpu.memory_space<semaphore_mem>>
      %dma_start3A_145 = arith.constant 0 : i32
      %dma_start3A_146 = tpu.memref_slice %arg34[%add3A_52, %dma_start3A_145] : memref<10112x64xf32, #tpu.memory_space<vmem_shared>> -> memref<128x64xf32, #tpu.memory_space<vmem_shared>>
      %dma_start3A_147 = arith.constant 0 : i32
      %dma_start3A_148 = tpu.memref_slice %arg34[%add3A_52, %dma_start3A_147] : memref<10112x64xf32, #tpu.memory_space<vmem_shared>> -> memref<128x64xf32, #tpu.memory_space<vmem_shared>>
      tpu.enqueue_dma source(%arg19 : memref<128x64xf32, #tpu.memory_space<vmem>>) target(%dma_start3A_148 : memref<128x64xf32, #tpu.memory_space<vmem_shared>>) target_semaphore(%run_scoped3A : memref<!tpu.dma_semaphore, #tpu.memory_space<semaphore_mem>>)
      %dma_wait3A_149 = arith.constant 0 : i32
      %dma_wait3A_150 = tpu.memref_slice %arg34[%add3A_52, %dma_wait3A_149] : memref<10112x64xf32, #tpu.memory_space<vmem_shared>> -> memref<128x64xf32, #tpu.memory_space<vmem_shared>>
      %dma_wait3A_151 = arith.constant 0 : i32
      %dma_wait3A_152 = tpu.memref_slice %arg34[%add3A_52, %dma_wait3A_151] : memref<10112x64xf32, #tpu.memory_space<vmem_shared>> -> memref<128x64xf32, #tpu.memory_space<vmem_shared>>
      tpu.wait_dma2 semaphore(%run_scoped3A : memref<!tpu.dma_semaphore, #tpu.memory_space<semaphore_mem>>) src(%arg19 : memref<128x64xf32, #tpu.memory_space<vmem>>) dst(%dma_wait3A_152 : memref<128x64xf32, #tpu.memory_space<vmem_shared>>)
      tpu.yield
    }) : () -> ()
    %mul3A_53 = arith.constant 632 : i32
    %mul3A_54 = arith.muli %arg1, %mul3A_53 : i32
    %add3A_55 = arith.constant 128 : i32
    %add3A_56 = arith.addi %mul3A_54, %add3A_55 : i32
    "tpu.region"() ({
      %run_scoped3A = tpu.sem_alloc : memref<!tpu.dma_semaphore, #tpu.memory_space<semaphore_mem>>
      %dma_start3A_145 = arith.constant 0 : i32
      %dma_start3A_146 = tpu.memref_slice %arg34[%add3A_56, %dma_start3A_145] : memref<10112x64xf32, #tpu.memory_space<vmem_shared>> -> memref<128x64xf32, #tpu.memory_space<vmem_shared>>
      %dma_start3A_147 = arith.constant 0 : i32
      %dma_start3A_148 = tpu.memref_slice %arg34[%add3A_56, %dma_start3A_147] : memref<10112x64xf32, #tpu.memory_space<vmem_shared>> -> memref<128x64xf32, #tpu.memory_space<vmem_shared>>
      tpu.enqueue_dma source(%arg19 : memref<128x64xf32, #tpu.memory_space<vmem>>) target(%dma_start3A_148 : memref<128x64xf32, #tpu.memory_space<vmem_shared>>) target_semaphore(%run_scoped3A : memref<!tpu.dma_semaphore, #tpu.memory_space<semaphore_mem>>)
      %dma_wait3A_149 = arith.constant 0 : i32
      %dma_wait3A_150 = tpu.memref_slice %arg34[%add3A_56, %dma_wait3A_149] : memref<10112x64xf32, #tpu.memory_space<vmem_shared>> -> memref<128x64xf32, #tpu.memory_space<vmem_shared>>
      %dma_wait3A_151 = arith.constant 0 : i32
      %dma_wait3A_152 = tpu.memref_slice %arg34[%add3A_56, %dma_wait3A_151] : memref<10112x64xf32, #tpu.memory_space<vmem_shared>> -> memref<128x64xf32, #tpu.memory_space<vmem_shared>>
      tpu.wait_dma2 semaphore(%run_scoped3A : memref<!tpu.dma_semaphore, #tpu.memory_space<semaphore_mem>>) src(%arg19 : memref<128x64xf32, #tpu.memory_space<vmem>>) dst(%dma_wait3A_152 : memref<128x64xf32, #tpu.memory_space<vmem_shared>>)
      tpu.yield
    }) : () -> ()
    %mul3A_57 = arith.constant 632 : i32
    %mul3A_58 = arith.muli %arg1, %mul3A_57 : i32
    %add3A_59 = arith.constant 256 : i32
    %add3A_60 = arith.addi %mul3A_58, %add3A_59 : i32
    "tpu.region"() ({
      %run_scoped3A = tpu.sem_alloc : memref<!tpu.dma_semaphore, #tpu.memory_space<semaphore_mem>>
      %dma_start3A_145 = arith.constant 0 : i32
      %dma_start3A_146 = tpu.memref_slice %arg34[%add3A_60, %dma_start3A_145] : memref<10112x64xf32, #tpu.memory_space<vmem_shared>> -> memref<128x64xf32, #tpu.memory_space<vmem_shared>>
      %dma_start3A_147 = arith.constant 0 : i32
      %dma_start3A_148 = tpu.memref_slice %arg34[%add3A_60, %dma_start3A_147] : memref<10112x64xf32, #tpu.memory_space<vmem_shared>> -> memref<128x64xf32, #tpu.memory_space<vmem_shared>>
      tpu.enqueue_dma source(%arg19 : memref<128x64xf32, #tpu.memory_space<vmem>>) target(%dma_start3A_148 : memref<128x64xf32, #tpu.memory_space<vmem_shared>>) target_semaphore(%run_scoped3A : memref<!tpu.dma_semaphore, #tpu.memory_space<semaphore_mem>>)
      %dma_wait3A_149 = arith.constant 0 : i32
      %dma_wait3A_150 = tpu.memref_slice %arg34[%add3A_60, %dma_wait3A_149] : memref<10112x64xf32, #tpu.memory_space<vmem_shared>> -> memref<128x64xf32, #tpu.memory_space<vmem_shared>>
      %dma_wait3A_151 = arith.constant 0 : i32
      %dma_wait3A_152 = tpu.memref_slice %arg34[%add3A_60, %dma_wait3A_151] : memref<10112x64xf32, #tpu.memory_space<vmem_shared>> -> memref<128x64xf32, #tpu.memory_space<vmem_shared>>
      tpu.wait_dma2 semaphore(%run_scoped3A : memref<!tpu.dma_semaphore, #tpu.memory_space<semaphore_mem>>) src(%arg19 : memref<128x64xf32, #tpu.memory_space<vmem>>) dst(%dma_wait3A_152 : memref<128x64xf32, #tpu.memory_space<vmem_shared>>)
      tpu.yield
    }) : () -> ()
    %mul3A_61 = arith.constant 632 : i32
    %mul3A_62 = arith.muli %arg1, %mul3A_61 : i32
    %add3A_63 = arith.constant 384 : i32
    %add3A_64 = arith.addi %mul3A_62, %add3A_63 : i32
    "tpu.region"() ({
      %run_scoped3A = tpu.sem_alloc : memref<!tpu.dma_semaphore, #tpu.memory_space<semaphore_mem>>
      %dma_start3A_145 = arith.constant 0 : i32
      %dma_start3A_146 = tpu.memref_slice %arg34[%add3A_64, %dma_start3A_145] : memref<10112x64xf32, #tpu.memory_space<vmem_shared>> -> memref<128x64xf32, #tpu.memory_space<vmem_shared>>
      %dma_start3A_147 = arith.constant 0 : i32
      %dma_start3A_148 = tpu.memref_slice %arg34[%add3A_64, %dma_start3A_147] : memref<10112x64xf32, #tpu.memory_space<vmem_shared>> -> memref<128x64xf32, #tpu.memory_space<vmem_shared>>
      tpu.enqueue_dma source(%arg19 : memref<128x64xf32, #tpu.memory_space<vmem>>) target(%dma_start3A_148 : memref<128x64xf32, #tpu.memory_space<vmem_shared>>) target_semaphore(%run_scoped3A : memref<!tpu.dma_semaphore, #tpu.memory_space<semaphore_mem>>)
      %dma_wait3A_149 = arith.constant 0 : i32
      %dma_wait3A_150 = tpu.memref_slice %arg34[%add3A_64, %dma_wait3A_149] : memref<10112x64xf32, #tpu.memory_space<vmem_shared>> -> memref<128x64xf32, #tpu.memory_space<vmem_shared>>
      %dma_wait3A_151 = arith.constant 0 : i32
      %dma_wait3A_152 = tpu.memref_slice %arg34[%add3A_64, %dma_wait3A_151] : memref<10112x64xf32, #tpu.memory_space<vmem_shared>> -> memref<128x64xf32, #tpu.memory_space<vmem_shared>>
      tpu.wait_dma2 semaphore(%run_scoped3A : memref<!tpu.dma_semaphore, #tpu.memory_space<semaphore_mem>>) src(%arg19 : memref<128x64xf32, #tpu.memory_space<vmem>>) dst(%dma_wait3A_152 : memref<128x64xf32, #tpu.memory_space<vmem_shared>>)
      tpu.yield
    }) : () -> ()
    %mul3A_65 = arith.constant 632 : i32
    %mul3A_66 = arith.muli %arg1, %mul3A_65 : i32
    %add3A_67 = arith.constant 512 : i32
    %add3A_68 = arith.addi %mul3A_66, %add3A_67 : i32
    "tpu.region"() ({
      %run_scoped3A = tpu.sem_alloc : memref<!tpu.dma_semaphore, #tpu.memory_space<semaphore_mem>>
      %dma_start3A_145 = arith.constant 0 : i32
      %dma_start3A_146 = arith.constant 0 : i32
      %dma_start3A_147 = tpu.memref_slice %arg19[%dma_start3A_145, %dma_start3A_146] : memref<128x64xf32, #tpu.memory_space<vmem>> -> memref<120x64xf32, #tpu.memory_space<vmem>>
      %dma_start3A_148 = arith.constant 0 : i32
      %dma_start3A_149 = tpu.memref_slice %arg34[%add3A_68, %dma_start3A_148] : memref<10112x64xf32, #tpu.memory_space<vmem_shared>> -> memref<120x64xf32, #tpu.memory_space<vmem_shared>>
      %dma_start3A_150 = arith.constant 0 : i32
      %dma_start3A_151 = tpu.memref_slice %arg34[%add3A_68, %dma_start3A_150] : memref<10112x64xf32, #tpu.memory_space<vmem_shared>> -> memref<120x64xf32, #tpu.memory_space<vmem_shared>>
      %dma_start3A_152 = arith.constant 0 : i32
      %dma_start3A_153 = arith.constant 0 : i32
      %dma_start3A_154 = tpu.memref_slice %arg19[%dma_start3A_152, %dma_start3A_153] : memref<128x64xf32, #tpu.memory_space<vmem>> -> memref<120x64xf32, #tpu.memory_space<vmem>>
      tpu.enqueue_dma source(%dma_start3A_154 : memref<120x64xf32, #tpu.memory_space<vmem>>) target(%dma_start3A_151 : memref<120x64xf32, #tpu.memory_space<vmem_shared>>) target_semaphore(%run_scoped3A : memref<!tpu.dma_semaphore, #tpu.memory_space<semaphore_mem>>)
      %dma_wait3A_155 = arith.constant 0 : i32
      %dma_wait3A_156 = arith.constant 0 : i32
      %dma_wait3A_157 = tpu.memref_slice %arg19[%dma_wait3A_155, %dma_wait3A_156] : memref<128x64xf32, #tpu.memory_space<vmem>> -> memref<120x64xf32, #tpu.memory_space<vmem>>
      %dma_wait3A_158 = arith.constant 0 : i32
      %dma_wait3A_159 = tpu.memref_slice %arg34[%add3A_68, %dma_wait3A_158] : memref<10112x64xf32, #tpu.memory_space<vmem_shared>> -> memref<120x64xf32, #tpu.memory_space<vmem_shared>>
      %dma_wait3A_160 = arith.constant 0 : i32
      %dma_wait3A_161 = tpu.memref_slice %arg34[%add3A_68, %dma_wait3A_160] : memref<10112x64xf32, #tpu.memory_space<vmem_shared>> -> memref<120x64xf32, #tpu.memory_space<vmem_shared>>
      %dma_wait3A_162 = arith.constant 0 : i32
      %dma_wait3A_163 = arith.constant 0 : i32
      %dma_wait3A_164 = tpu.memref_slice %arg19[%dma_wait3A_162, %dma_wait3A_163] : memref<128x64xf32, #tpu.memory_space<vmem>> -> memref<120x64xf32, #tpu.memory_space<vmem>>
      tpu.wait_dma2 semaphore(%run_scoped3A : memref<!tpu.dma_semaphore, #tpu.memory_space<semaphore_mem>>) src(%dma_wait3A_164 : memref<120x64xf32, #tpu.memory_space<vmem>>) dst(%dma_wait3A_161 : memref<120x64xf32, #tpu.memory_space<vmem_shared>>)
      tpu.yield
    }) : () -> ()
    %dma_wait3A = arith.constant 0 : i32
    %dma_wait3A_69 = arith.constant 0 : i32
    %dma_wait3A_70 = tpu.memref_slice %arg4[%dma_wait3A, %dma_wait3A_69] : memref<2x320000xi32, #tpu.memory_space<hbm>> -> memref<1x320000xi32, #tpu.memory_space<hbm>>
    %dma_wait3A_71 = tpu.memref_squeeze %dma_wait3A_70 : memref<1x320000xi32, #tpu.memory_space<hbm>> -> memref<320000xi32, #tpu.memory_space<hbm>>
    %dma_wait3A_72 = arith.constant 0 : i32
    %dma_wait3A_73 = tpu.memref_slice %dma_wait3A_71[%dma_wait3A_72] : memref<320000xi32, #tpu.memory_space<hbm>> -> memref<10240xi32, #tpu.memory_space<hbm>>
    %dma_wait3A_74 = arith.constant 0 : i32
    %dma_wait3A_75 = tpu.memref_slice %arg4[%dma_wait3A, %dma_wait3A_74] : memref<2x320000xi32, #tpu.memory_space<hbm>> -> memref<1x320000xi32, #tpu.memory_space<hbm>>
    %dma_wait3A_76 = tpu.memref_squeeze %dma_wait3A_75 : memref<1x320000xi32, #tpu.memory_space<hbm>> -> memref<320000xi32, #tpu.memory_space<hbm>>
    %dma_wait3A_77 = arith.constant 0 : i32
    %dma_wait3A_78 = tpu.memref_slice %dma_wait3A_76[%dma_wait3A_77] : memref<320000xi32, #tpu.memory_space<hbm>> -> memref<10240xi32, #tpu.memory_space<hbm>>
    tpu.wait_dma2 semaphore(%arg20 : memref<!tpu.dma_semaphore, #tpu.memory_space<semaphore_mem>>) src(%dma_wait3A_78 : memref<10240xi32, #tpu.memory_space<hbm>>) dst(%arg6 : memref<10240xi32, #tpu.memory_space<vmem>>)
    %dma_wait3A_79 = arith.constant 1 : i32
    %dma_wait3A_80 = arith.constant 0 : i32
    %dma_wait3A_81 = tpu.memref_slice %arg4[%dma_wait3A_79, %dma_wait3A_80] : memref<2x320000xi32, #tpu.memory_space<hbm>> -> memref<1x320000xi32, #tpu.memory_space<hbm>>
    %dma_wait3A_82 = tpu.memref_squeeze %dma_wait3A_81 : memref<1x320000xi32, #tpu.memory_space<hbm>> -> memref<320000xi32, #tpu.memory_space<hbm>>
    %dma_wait3A_83 = arith.constant 0 : i32
    %dma_wait3A_84 = tpu.memref_slice %dma_wait3A_82[%dma_wait3A_83] : memref<320000xi32, #tpu.memory_space<hbm>> -> memref<10240xi32, #tpu.memory_space<hbm>>
    %dma_wait3A_85 = arith.constant 0 : i32
    %dma_wait3A_86 = tpu.memref_slice %arg4[%dma_wait3A_79, %dma_wait3A_85] : memref<2x320000xi32, #tpu.memory_space<hbm>> -> memref<1x320000xi32, #tpu.memory_space<hbm>>
    %dma_wait3A_87 = tpu.memref_squeeze %dma_wait3A_86 : memref<1x320000xi32, #tpu.memory_space<hbm>> -> memref<320000xi32, #tpu.memory_space<hbm>>
    %dma_wait3A_88 = arith.constant 0 : i32
    %dma_wait3A_89 = tpu.memref_slice %dma_wait3A_87[%dma_wait3A_88] : memref<320000xi32, #tpu.memory_space<hbm>> -> memref<10240xi32, #tpu.memory_space<hbm>>
    tpu.wait_dma2 semaphore(%arg21 : memref<!tpu.dma_semaphore, #tpu.memory_space<semaphore_mem>>) src(%dma_wait3A_89 : memref<10240xi32, #tpu.memory_space<hbm>>) dst(%arg7 : memref<10240xi32, #tpu.memory_space<vmem>>)
    %barrier3A = arith.constant 0 : index
    tpu.barrier barrier_id(%barrier3A)
    %add3A_90 = arith.addi %min3A_3, %sub3A : i32
    %mul3A_91 = arith.constant 128 : i32
    %mul3A_92 = arith.muli %add3A_90, %mul3A_91 : i32
    %dma_start3A_93 = arith.constant 64 : i32
    %dma_start3A_94 = tpu.memref_slice %arg3[%mul3A_92, %dma_start3A_93] : memref<320000x128xbf16, #tpu.memory_space<hbm>> -> memref<128x64xbf16, #tpu.memory_space<hbm>>
    %dma_start3A_95 = arith.constant 64 : i32
    %dma_start3A_96 = tpu.memref_slice %arg3[%mul3A_92, %dma_start3A_95] : memref<320000x128xbf16, #tpu.memory_space<hbm>> -> memref<128x64xbf16, #tpu.memory_space<hbm>>
    tpu.enqueue_dma source(%dma_start3A_96 : memref<128x64xbf16, #tpu.memory_space<hbm>>) target(%arg8 : memref<128x64xbf16, #tpu.memory_space<vmem>>) target_semaphore(%arg22 : memref<!tpu.dma_semaphore, #tpu.memory_space<semaphore_mem>>)
    %mul3A_97 = arith.constant 128 : i32
    %mul3A_98 = arith.muli %sub3A, %mul3A_97 : i32
    %dma_start3A_99 = tpu.memref_slice %arg6[%mul3A_98] : memref<10240xi32, #tpu.memory_space<vmem>> -> memref<128xi32, #tpu.memory_space<vmem>>
    %dma_start3A_100 = arith.constant 0 : i32
    %dma_start3A_101 = arith.constant 0 : i32
    %dma_start3A_102 = tpu.memref_slice %arg2[%dma_start3A_100, %dma_start3A_101] : memref<10000x64xbf16, #tpu.memory_space<hbm>> -> memref<10000x64xbf16, #tpu.memory_space<hbm>>
    tpu.enqueue_indirect_dma source(%dma_start3A_102 : memref<10000x64xbf16, #tpu.memory_space<hbm>>) target(%arg12 : memref<128x64xbf16, #tpu.memory_space<vmem>>) offsets(%dma_start3A_99 : memref<128xi32, #tpu.memory_space<vmem>>) semaphore(%arg26 : memref<!tpu.dma_semaphore, #tpu.memory_space<semaphore_mem>>)
    %add3A_103 = arith.constant 1 : i32
    %add3A_104 = arith.addi %sub3A, %add3A_103 : i32
    %add3A_105 = arith.addi %min3A_3, %add3A_104 : i32
    %mul3A_106 = arith.constant 128 : i32
    %mul3A_107 = arith.muli %add3A_105, %mul3A_106 : i32
    %dma_start3A_108 = arith.constant 64 : i32
    %dma_start3A_109 = tpu.memref_slice %arg3[%mul3A_107, %dma_start3A_108] : memref<320000x128xbf16, #tpu.memory_space<hbm>> -> memref<128x64xbf16, #tpu.memory_space<hbm>>
    %dma_start3A_110 = arith.constant 64 : i32
    %dma_start3A_111 = tpu.memref_slice %arg3[%mul3A_107, %dma_start3A_110] : memref<320000x128xbf16, #tpu.memory_space<hbm>> -> memref<128x64xbf16, #tpu.memory_space<hbm>>
    tpu.enqueue_dma source(%dma_start3A_111 : memref<128x64xbf16, #tpu.memory_space<hbm>>) target(%arg9 : memref<128x64xbf16, #tpu.memory_space<vmem>>) target_semaphore(%arg23 : memref<!tpu.dma_semaphore, #tpu.memory_space<semaphore_mem>>)
    %mul3A_112 = arith.constant 128 : i32
    %mul3A_113 = arith.muli %add3A_104, %mul3A_112 : i32
    %dma_start3A_114 = tpu.memref_slice %arg6[%mul3A_113] : memref<10240xi32, #tpu.memory_space<vmem>> -> memref<128xi32, #tpu.memory_space<vmem>>
    %dma_start3A_115 = arith.constant 0 : i32
    %dma_start3A_116 = arith.constant 0 : i32
    %dma_start3A_117 = tpu.memref_slice %arg2[%dma_start3A_115, %dma_start3A_116] : memref<10000x64xbf16, #tpu.memory_space<hbm>> -> memref<10000x64xbf16, #tpu.memory_space<hbm>>
    tpu.enqueue_indirect_dma source(%dma_start3A_117 : memref<10000x64xbf16, #tpu.memory_space<hbm>>) target(%arg13 : memref<128x64xbf16, #tpu.memory_space<vmem>>) offsets(%dma_start3A_114 : memref<128xi32, #tpu.memory_space<vmem>>) semaphore(%arg27 : memref<!tpu.dma_semaphore, #tpu.memory_space<semaphore_mem>>)
    %while3A = arith.constant 0 : i32
    %while3A_118 = arith.constant 0 : i32
    %while3A_119 = arith.subi %select_n3A, %while3A_118 : i32
    %while3A_120 = arith.addi %while3A_118, %while3A_119 : i32
    %while3A_121 = arith.constant 1 : i32
    %while3A_122 = arith.divsi %while3A_119, %while3A_121 : i32
    %while3A_123 = arith.muli %while3A_122, %while3A_121 : i32
    %while3A_124 = arith.addi %while3A_118, %while3A_123 : i32
    %while3A_125 = arith.constant 1 : i32
    scf.for %while3A_145 = %while3A_118 to %while3A_124 step %while3A_125  : i32 {
      %mul3A_146 = arith.constant 4 : i32
      %mul3A_147 = arith.muli %while3A_145, %mul3A_146 : i32
      %add3A_148 = arith.addi %sub3A, %mul3A_147 : i32
      %add3A_149 = arith.constant 0 : i32
      %add3A_150 = arith.addi %add3A_148, %add3A_149 : i32
      %dma_wait3A_151 = arith.constant 0 : i32
      %dma_wait3A_152 = arith.constant 64 : i32
      %dma_wait3A_153 = tpu.memref_slice %arg3[%dma_wait3A_151, %dma_wait3A_152] : memref<320000x128xbf16, #tpu.memory_space<hbm>> -> memref<128x64xbf16, #tpu.memory_space<hbm>>
      %dma_wait3A_154 = arith.constant 0 : i32
      %dma_wait3A_155 = arith.constant 64 : i32
      %dma_wait3A_156 = tpu.memref_slice %arg3[%dma_wait3A_154, %dma_wait3A_155] : memref<320000x128xbf16, #tpu.memory_space<hbm>> -> memref<128x64xbf16, #tpu.memory_space<hbm>>
      tpu.wait_dma2 semaphore(%arg22 : memref<!tpu.dma_semaphore, #tpu.memory_space<semaphore_mem>>) src(%dma_wait3A_156 : memref<128x64xbf16, #tpu.memory_space<hbm>>) dst(%arg8 : memref<128x64xbf16, #tpu.memory_space<vmem>>)
      %dma_wait3A_157 = arith.constant 0 : i32
      %dma_wait3A_158 = tpu.memref_slice %arg6[%dma_wait3A_157] : memref<10240xi32, #tpu.memory_space<vmem>> -> memref<128xi32, #tpu.memory_space<vmem>>
      %dma_wait3A_159 = arith.constant 0 : i32
      %dma_wait3A_160 = arith.constant 0 : i32
      %dma_wait3A_161 = tpu.memref_slice %arg2[%dma_wait3A_159, %dma_wait3A_160] : memref<10000x64xbf16, #tpu.memory_space<hbm>> -> memref<10000x64xbf16, #tpu.memory_space<hbm>>
      tpu.wait_indirect_dma semaphore(%arg26 : memref<!tpu.dma_semaphore, #tpu.memory_space<semaphore_mem>>) src(%dma_wait3A_161 : memref<10000x64xbf16, #tpu.memory_space<hbm>>) dst(%arg12 : memref<128x64xbf16, #tpu.memory_space<vmem>>)
      %scan3A_162 = arith.constant 0 : i32
      %scan3A_163 = arith.constant 0 : i32
      %scan3A_164 = arith.constant 128 : i32
      %scan3A_165 = arith.addi %scan3A_163, %scan3A_164 : i32
      %scan3A_166 = arith.constant 2 : i32
      scf.for %scan3A_316 = %scan3A_163 to %scan3A_165 step %scan3A_166  : i32 {
        %get3A = arith.index_cast %scan3A_316 : i32 to index
        %get3A_317 = arith.constant 0 : index
        %get3A_318 = tpu.vector_load %arg8[%get3A, %get3A_317] {strides = array<i32>} : memref<128x64xbf16, #tpu.memory_space<vmem>>, vector<32xbf16>,
        %get3A_319 = arith.index_cast %scan3A_316 : i32 to index
        %get3A_320 = arith.constant 0 : index
        %get3A_321 = tpu.vector_load %arg12[%get3A_319, %get3A_320] {strides = array<i32>} : memref<128x64xbf16, #tpu.memory_space<vmem>>, vector<32xbf16>,
        %unpack3A = tpu.unpack_subelements %get3A_318, 0 {pack_format = #tpu.pack_format<interleaved>} : vector<32xbf16> -> vector<16xf32>
        %unpack3A_322 = tpu.unpack_subelements %get3A_318, 1 {pack_format = #tpu.pack_format<interleaved>} : vector<32xbf16> -> vector<16xf32>
        %unpack3A_323 = tpu.unpack_subelements %get3A_321, 0 {pack_format = #tpu.pack_format<interleaved>} : vector<32xbf16> -> vector<16xf32>
        %unpack3A_324 = tpu.unpack_subelements %get3A_321, 1 {pack_format = #tpu.pack_format<interleaved>} : vector<32xbf16> -> vector<16xf32>
        %add3A_325 = arith.addf %unpack3A_323, %unpack3A : vector<16xf32>
        %max3A = arith.constant 0.000000e+00 : f32
        %max3A_326 = vector.broadcast %max3A : f32 to vector<16xf32>
        %max3A_327 = arith.maximumf %add3A_325, %max3A_326 : vector<16xf32>
        %swap3A = arith.index_cast %scan3A_316 : i32 to index
        %swap3A_328 = arith.constant 0 : index
        %swap3A_329 = tpu.vector_load %arg16[%swap3A, %swap3A_328] {strides = array<i32>} : memref<128x64xf32, #tpu.memory_space<vmem>>, vector<16xf32>,
        tpu.vector_store %arg16[%swap3A, %swap3A_328], %max3A_327 {strides = array<i32>} : memref<128x64xf32, #tpu.memory_space<vmem>>, vector<16xf32>,
        %add3A_330 = arith.addf %unpack3A_324, %unpack3A_322 : vector<16xf32>
        %max3A_331 = arith.constant 0.000000e+00 : f32
        %max3A_332 = vector.broadcast %max3A_331 : f32 to vector<16xf32>
        %max3A_333 = arith.maximumf %add3A_330, %max3A_332 : vector<16xf32>
        %swap3A_334 = arith.index_cast %scan3A_316 : i32 to index
        %swap3A_335 = arith.constant 16 : index
        %swap3A_336 = tpu.vector_load %arg16[%swap3A_334, %swap3A_335] {strides = array<i32>} : memref<128x64xf32, #tpu.memory_space<vmem>>, vector<16xf32>,
        tpu.vector_store %arg16[%swap3A_334, %swap3A_335], %max3A_333 {strides = array<i32>} : memref<128x64xf32, #tpu.memory_space<vmem>>, vector<16xf32>,
        %get3A_337 = arith.index_cast %scan3A_316 : i32 to index
        %get3A_338 = arith.constant 32 : index
        %get3A_339 = tpu.vector_load %arg8[%get3A_337, %get3A_338] {strides = array<i32>} : memref<128x64xbf16, #tpu.memory_space<vmem>>, vector<32xbf16>,
        %get3A_340 = arith.index_cast %scan3A_316 : i32 to index
        %get3A_341 = arith.constant 32 : index
        %get3A_342 = tpu.vector_load %arg12[%get3A_340, %get3A_341] {strides = array<i32>} : memref<128x64xbf16, #tpu.memory_space<vmem>>, vector<32xbf16>,
        %unpack3A_343 = tpu.unpack_subelements %get3A_339, 0 {pack_format = #tpu.pack_format<interleaved>} : vector<32xbf16> -> vector<16xf32>
        %unpack3A_344 = tpu.unpack_subelements %get3A_339, 1 {pack_format = #tpu.pack_format<interleaved>} : vector<32xbf16> -> vector<16xf32>
        %unpack3A_345 = tpu.unpack_subelements %get3A_342, 0 {pack_format = #tpu.pack_format<interleaved>} : vector<32xbf16> -> vector<16xf32>
        %unpack3A_346 = tpu.unpack_subelements %get3A_342, 1 {pack_format = #tpu.pack_format<interleaved>} : vector<32xbf16> -> vector<16xf32>
        %add3A_347 = arith.addf %unpack3A_345, %unpack3A_343 : vector<16xf32>
        %max3A_348 = arith.constant 0.000000e+00 : f32
        %max3A_349 = vector.broadcast %max3A_348 : f32 to vector<16xf32>
        %max3A_350 = arith.maximumf %add3A_347, %max3A_349 : vector<16xf32>
        %swap3A_351 = arith.index_cast %scan3A_316 : i32 to index
        %swap3A_352 = arith.constant 32 : index
        %swap3A_353 = tpu.vector_load %arg16[%swap3A_351, %swap3A_352] {strides = array<i32>} : memref<128x64xf32, #tpu.memory_space<vmem>>, vector<16xf32>,
        tpu.vector_store %arg16[%swap3A_351, %swap3A_352], %max3A_350 {strides = array<i32>} : memref<128x64xf32, #tpu.memory_space<vmem>>, vector<16xf32>,
        %add3A_354 = arith.addf %unpack3A_346, %unpack3A_344 : vector<16xf32>
        %max3A_355 = arith.constant 0.000000e+00 : f32
        %max3A_356 = vector.broadcast %max3A_355 : f32 to vector<16xf32>
        %max3A_357 = arith.maximumf %add3A_354, %max3A_356 : vector<16xf32>
        %swap3A_358 = arith.index_cast %scan3A_316 : i32 to index
        %swap3A_359 = arith.constant 48 : index
        %swap3A_360 = tpu.vector_load %arg16[%swap3A_358, %swap3A_359] {strides = array<i32>} : memref<128x64xf32, #tpu.memory_space<vmem>>, vector<16xf32>,
        tpu.vector_store %arg16[%swap3A_358, %swap3A_359], %max3A_357 {strides = array<i32>} : memref<128x64xf32, #tpu.memory_space<vmem>>, vector<16xf32>,
        %scan3A_361 = arith.constant 1 : i32
        %scan3A_362 = arith.addi %scan3A_316, %scan3A_361 : i32
        %get3A_363 = arith.index_cast %scan3A_362 : i32 to index
        %get3A_364 = arith.constant 0 : index
        %get3A_365 = tpu.vector_load %arg8[%get3A_363, %get3A_364] {strides = array<i32>} : memref<128x64xbf16, #tpu.memory_space<vmem>>, vector<32xbf16>,
        %get3A_366 = arith.index_cast %scan3A_362 : i32 to index
        %get3A_367 = arith.constant 0 : index
        %get3A_368 = tpu.vector_load %arg12[%get3A_366, %get3A_367] {strides = array<i32>} : memref<128x64xbf16, #tpu.memory_space<vmem>>, vector<32xbf16>,
        %unpack3A_369 = tpu.unpack_subelements %get3A_365, 0 {pack_format = #tpu.pack_format<interleaved>} : vector<32xbf16> -> vector<16xf32>
        %unpack3A_370 = tpu.unpack_subelements %get3A_365, 1 {pack_format = #tpu.pack_format<interleaved>} : vector<32xbf16> -> vector<16xf32>
        %unpack3A_371 = tpu.unpack_subelements %get3A_368, 0 {pack_format = #tpu.pack_format<interleaved>} : vector<32xbf16> -> vector<16xf32>
        %unpack3A_372 = tpu.unpack_subelements %get3A_368, 1 {pack_format = #tpu.pack_format<interleaved>} : vector<32xbf16> -> vector<16xf32>
        %add3A_373 = arith.addf %unpack3A_371, %unpack3A_369 : vector<16xf32>
        %max3A_374 = arith.constant 0.000000e+00 : f32
        %max3A_375 = vector.broadcast %max3A_374 : f32 to vector<16xf32>
        %max3A_376 = arith.maximumf %add3A_373, %max3A_375 : vector<16xf32>
        %swap3A_377 = arith.index_cast %scan3A_362 : i32 to index
        %swap3A_378 = arith.constant 0 : index
        %swap3A_379 = tpu.vector_load %arg16[%swap3A_377, %swap3A_378] {strides = array<i32>} : memref<128x64xf32, #tpu.memory_space<vmem>>, vector<16xf32>,
        tpu.vector_store %arg16[%swap3A_377, %swap3A_378], %max3A_376 {strides = array<i32>} : memref<128x64xf32, #tpu.memory_space<vmem>>, vector<16xf32>,
        %add3A_380 = arith.addf %unpack3A_372, %unpack3A_370 : vector<16xf32>
        %max3A_381 = arith.constant 0.000000e+00 : f32
        %max3A_382 = vector.broadcast %max3A_381 : f32 to vector<16xf32>
        %max3A_383 = arith.maximumf %add3A_380, %max3A_382 : vector<16xf32>
        %swap3A_384 = arith.index_cast %scan3A_362 : i32 to index
        %swap3A_385 = arith.constant 16 : index
        %swap3A_386 = tpu.vector_load %arg16[%swap3A_384, %swap3A_385] {strides = array<i32>} : memref<128x64xf32, #tpu.memory_space<vmem>>, vector<16xf32>,
        tpu.vector_store %arg16[%swap3A_384, %swap3A_385], %max3A_383 {strides = array<i32>} : memref<128x64xf32, #tpu.memory_space<vmem>>, vector<16xf32>,
        %get3A_387 = arith.index_cast %scan3A_362 : i32 to index
        %get3A_388 = arith.constant 32 : index
        %get3A_389 = tpu.vector_load %arg8[%get3A_387, %get3A_388] {strides = array<i32>} : memref<128x64xbf16, #tpu.memory_space<vmem>>, vector<32xbf16>,
        %get3A_390 = arith.index_cast %scan3A_362 : i32 to index
        %get3A_391 = arith.constant 32 : index
        %get3A_392 = tpu.vector_load %arg12[%get3A_390, %get3A_391] {strides = array<i32>} : memref<128x64xbf16, #tpu.memory_space<vmem>>, vector<32xbf16>,
        %unpack3A_393 = tpu.unpack_subelements %get3A_389, 0 {pack_format = #tpu.pack_format<interleaved>} : vector<32xbf16> -> vector<16xf32>
        %unpack3A_394 = tpu.unpack_subelements %get3A_389, 1 {pack_format = #tpu.pack_format<interleaved>} : vector<32xbf16> -> vector<16xf32>
        %unpack3A_395 = tpu.unpack_subelements %get3A_392, 0 {pack_format = #tpu.pack_format<interleaved>} : vector<32xbf16> -> vector<16xf32>
        %unpack3A_396 = tpu.unpack_subelements %get3A_392, 1 {pack_format = #tpu.pack_format<interleaved>} : vector<32xbf16> -> vector<16xf32>
        %add3A_397 = arith.addf %unpack3A_395, %unpack3A_393 : vector<16xf32>
        %max3A_398 = arith.constant 0.000000e+00 : f32
        %max3A_399 = vector.broadcast %max3A_398 : f32 to vector<16xf32>
        %max3A_400 = arith.maximumf %add3A_397, %max3A_399 : vector<16xf32>
        %swap3A_401 = arith.index_cast %scan3A_362 : i32 to index
        %swap3A_402 = arith.constant 32 : index
        %swap3A_403 = tpu.vector_load %arg16[%swap3A_401, %swap3A_402] {strides = array<i32>} : memref<128x64xf32, #tpu.memory_space<vmem>>, vector<16xf32>,
        tpu.vector_store %arg16[%swap3A_401, %swap3A_402], %max3A_400 {strides = array<i32>} : memref<128x64xf32, #tpu.memory_space<vmem>>, vector<16xf32>,
        %add3A_404 = arith.addf %unpack3A_396, %unpack3A_394 : vector<16xf32>
        %max3A_405 = arith.constant 0.000000e+00 : f32
        %max3A_406 = vector.broadcast %max3A_405 : f32 to vector<16xf32>
        %max3A_407 = arith.maximumf %add3A_404, %max3A_406 : vector<16xf32>
        %swap3A_408 = arith.index_cast %scan3A_362 : i32 to index
        %swap3A_409 = arith.constant 48 : index
        %swap3A_410 = tpu.vector_load %arg16[%swap3A_408, %swap3A_409] {strides = array<i32>} : memref<128x64xf32, #tpu.memory_space<vmem>>, vector<16xf32>,
        tpu.vector_store %arg16[%swap3A_408, %swap3A_409], %max3A_407 {strides = array<i32>} : memref<128x64xf32, #tpu.memory_space<vmem>>, vector<16xf32>,
      }
      %scan3A_167 = arith.constant 128 : i32
      %mul3A_168 = arith.constant 128 : i32
      %mul3A_169 = arith.muli %add3A_150, %mul3A_168 : i32
      %dma_start3A_170 = tpu.memref_slice %arg7[%mul3A_169] : memref<10240xi32, #tpu.memory_space<vmem>> -> memref<128xi32, #tpu.memory_space<vmem>>
      %dma_start3A_171 = arith.constant 0 : i32
      %dma_start3A_172 = arith.constant 0 : i32
      %dma_start3A_173 = tpu.memref_slice %arg34[%dma_start3A_171, %dma_start3A_172] : memref<10112x64xf32, #tpu.memory_space<vmem_shared>> -> memref<10112x64xf32, #tpu.memory_space<vmem_shared>>
      tpu.enqueue_indirect_dma source(%arg16 : memref<128x64xf32, #tpu.memory_space<vmem>>) target(%dma_start3A_173 : memref<10112x64xf32, #tpu.memory_space<vmem_shared>>) offsets(%dma_start3A_170 : memref<128xi32, #tpu.memory_space<vmem>>) semaphore(%arg30 : memref<!tpu.dma_semaphore, #tpu.memory_space<semaphore_mem>>) {add = true}
      %gt3A = arith.constant 0 : i32
      %gt3A_174 = arith.cmpi sgt, %while3A_145, %gt3A : i32
      %convert_element_type3A = arith.extui %gt3A_174 : i1 to i32
      %cond3A = arith.constant 0 : i32
      %cond3A_175 = arith.cmpi ne, %convert_element_type3A, %cond3A : i32
      scf.if %cond3A_175 {
        %dma_wait3A_316 = arith.constant 0 : i32
        %dma_wait3A_317 = tpu.memref_slice %arg7[%dma_wait3A_316] : memref<10240xi32, #tpu.memory_space<vmem>> -> memref<128xi32, #tpu.memory_space<vmem>>
        %dma_wait3A_318 = arith.constant 0 : i32
        %dma_wait3A_319 = arith.constant 0 : i32
        %dma_wait3A_320 = tpu.memref_slice %arg34[%dma_wait3A_318, %dma_wait3A_319] : memref<10112x64xf32, #tpu.memory_space<vmem_shared>> -> memref<10112x64xf32, #tpu.memory_space<vmem_shared>>
        tpu.wait_indirect_dma semaphore(%arg32 : memref<!tpu.dma_semaphore, #tpu.memory_space<semaphore_mem>>) src(%arg18 : memref<128x64xf32, #tpu.memory_space<vmem>>) dst(%dma_wait3A_320 : memref<10112x64xf32, #tpu.memory_space<vmem_shared>>)
      } else {
      }
      %add3A_176 = arith.constant 2 : i32
      %add3A_177 = arith.addi %add3A_150, %add3A_176 : i32
      %add3A_178 = arith.addi %min3A_3, %add3A_177 : i32
      %mul3A_179 = arith.constant 128 : i32
      %mul3A_180 = arith.muli %add3A_178, %mul3A_179 : i32
      %dma_start3A_181 = arith.constant 64 : i32
      %dma_start3A_182 = tpu.memref_slice %arg3[%mul3A_180, %dma_start3A_181] : memref<320000x128xbf16, #tpu.memory_space<hbm>> -> memref<128x64xbf16, #tpu.memory_space<hbm>>
      %dma_start3A_183 = arith.constant 64 : i32
      %dma_start3A_184 = tpu.memref_slice %arg3[%mul3A_180, %dma_start3A_183] : memref<320000x128xbf16, #tpu.memory_space<hbm>> -> memref<128x64xbf16, #tpu.memory_space<hbm>>
      tpu.enqueue_dma source(%dma_start3A_184 : memref<128x64xbf16, #tpu.memory_space<hbm>>) target(%arg10 : memref<128x64xbf16, #tpu.memory_space<vmem>>) target_semaphore(%arg24 : memref<!tpu.dma_semaphore, #tpu.memory_space<semaphore_mem>>)
      %mul3A_185 = arith.constant 128 : i32
      %mul3A_186 = arith.muli %add3A_177, %mul3A_185 : i32
      %dma_start3A_187 = tpu.memref_slice %arg6[%mul3A_186] : memref<10240xi32, #tpu.memory_space<vmem>> -> memref<128xi32, #tpu.memory_space<vmem>>
      %dma_start3A_188 = arith.constant 0 : i32
      %dma_start3A_189 = arith.constant 0 : i32
      %dma_start3A_190 = tpu.memref_slice %arg2[%dma_start3A_188, %dma_start3A_189] : memref<10000x64xbf16, #tpu.memory_space<hbm>> -> memref<10000x64xbf16, #tpu.memory_space<hbm>>
      tpu.enqueue_indirect_dma source(%dma_start3A_190 : memref<10000x64xbf16, #tpu.memory_space<hbm>>) target(%arg14 : memref<128x64xbf16, #tpu.memory_space<vmem>>) offsets(%dma_start3A_187 : memref<128xi32, #tpu.memory_space<vmem>>) semaphore(%arg28 : memref<!tpu.dma_semaphore, #tpu.memory_space<semaphore_mem>>)
      %mul3A_191 = arith.constant 4 : i32
      %mul3A_192 = arith.muli %while3A_145, %mul3A_191 : i32
      %add3A_193 = arith.addi %sub3A, %mul3A_192 : i32
      %add3A_194 = arith.constant 1 : i32
      %add3A_195 = arith.addi %add3A_193, %add3A_194 : i32
      %dma_wait3A_196 = arith.constant 0 : i32
      %dma_wait3A_197 = arith.constant 64 : i32
      %dma_wait3A_198 = tpu.memref_slice %arg3[%dma_wait3A_196, %dma_wait3A_197] : memref<320000x128xbf16, #tpu.memory_space<hbm>> -> memref<128x64xbf16, #tpu.memory_space<hbm>>
      %dma_wait3A_199 = arith.constant 0 : i32
      %dma_wait3A_200 = arith.constant 64 : i32
      %dma_wait3A_201 = tpu.memref_slice %arg3[%dma_wait3A_199, %dma_wait3A_200] : memref<320000x128xbf16, #tpu.memory_space<hbm>> -> memref<128x64xbf16, #tpu.memory_space<hbm>>
      tpu.wait_dma2 semaphore(%arg23 : memref<!tpu.dma_semaphore, #tpu.memory_space<semaphore_mem>>) src(%dma_wait3A_201 : memref<128x64xbf16, #tpu.memory_space<hbm>>) dst(%arg9 : memref<128x64xbf16, #tpu.memory_space<vmem>>)
      %dma_wait3A_202 = arith.constant 0 : i32
      %dma_wait3A_203 = tpu.memref_slice %arg6[%dma_wait3A_202] : memref<10240xi32, #tpu.memory_space<vmem>> -> memref<128xi32, #tpu.memory_space<vmem>>
      %dma_wait3A_204 = arith.constant 0 : i32
      %dma_wait3A_205 = arith.constant 0 : i32
      %dma_wait3A_206 = tpu.memref_slice %arg2[%dma_wait3A_204, %dma_wait3A_205] : memref<10000x64xbf16, #tpu.memory_space<hbm>> -> memref<10000x64xbf16, #tpu.memory_space<hbm>>
      tpu.wait_indirect_dma semaphore(%arg27 : memref<!tpu.dma_semaphore, #tpu.memory_space<semaphore_mem>>) src(%dma_wait3A_206 : memref<10000x64xbf16, #tpu.memory_space<hbm>>) dst(%arg13 : memref<128x64xbf16, #tpu.memory_space<vmem>>)
      %scan3A_207 = arith.constant 0 : i32
      %scan3A_208 = arith.constant 0 : i32
      %scan3A_209 = arith.constant 128 : i32
      %scan3A_210 = arith.addi %scan3A_208, %scan3A_209 : i32
      %scan3A_211 = arith.constant 2 : i32
      scf.for %scan3A_316 = %scan3A_208 to %scan3A_210 step %scan3A_211  : i32 {
        %get3A = arith.index_cast %scan3A_316 : i32 to index
        %get3A_317 = arith.constant 0 : index
        %get3A_318 = tpu.vector_load %arg9[%get3A, %get3A_317] {strides = array<i32>} : memref<128x64xbf16, #tpu.memory_space<vmem>>, vector<32xbf16>,
        %get3A_319 = arith.index_cast %scan3A_316 : i32 to index
        %get3A_320 = arith.constant 0 : index
        %get3A_321 = tpu.vector_load %arg13[%get3A_319, %get3A_320] {strides = array<i32>} : memref<128x64xbf16, #tpu.memory_space<vmem>>, vector<32xbf16>,
        %unpack3A = tpu.unpack_subelements %get3A_318, 0 {pack_format = #tpu.pack_format<interleaved>} : vector<32xbf16> -> vector<16xf32>
        %unpack3A_322 = tpu.unpack_subelements %get3A_318, 1 {pack_format = #tpu.pack_format<interleaved>} : vector<32xbf16> -> vector<16xf32>
        %unpack3A_323 = tpu.unpack_subelements %get3A_321, 0 {pack_format = #tpu.pack_format<interleaved>} : vector<32xbf16> -> vector<16xf32>
        %unpack3A_324 = tpu.unpack_subelements %get3A_321, 1 {pack_format = #tpu.pack_format<interleaved>} : vector<32xbf16> -> vector<16xf32>
        %add3A_325 = arith.addf %unpack3A_323, %unpack3A : vector<16xf32>
        %max3A = arith.constant 0.000000e+00 : f32
        %max3A_326 = vector.broadcast %max3A : f32 to vector<16xf32>
        %max3A_327 = arith.maximumf %add3A_325, %max3A_326 : vector<16xf32>
        %swap3A = arith.index_cast %scan3A_316 : i32 to index
        %swap3A_328 = arith.constant 0 : index
        %swap3A_329 = tpu.vector_load %arg17[%swap3A, %swap3A_328] {strides = array<i32>} : memref<128x64xf32, #tpu.memory_space<vmem>>, vector<16xf32>,
        tpu.vector_store %arg17[%swap3A, %swap3A_328], %max3A_327 {strides = array<i32>} : memref<128x64xf32, #tpu.memory_space<vmem>>, vector<16xf32>,
        %add3A_330 = arith.addf %unpack3A_324, %unpack3A_322 : vector<16xf32>
        %max3A_331 = arith.constant 0.000000e+00 : f32
        %max3A_332 = vector.broadcast %max3A_331 : f32 to vector<16xf32>
        %max3A_333 = arith.maximumf %add3A_330, %max3A_332 : vector<16xf32>
        %swap3A_334 = arith.index_cast %scan3A_316 : i32 to index
        %swap3A_335 = arith.constant 16 : index
        %swap3A_336 = tpu.vector_load %arg17[%swap3A_334, %swap3A_335] {strides = array<i32>} : memref<128x64xf32, #tpu.memory_space<vmem>>, vector<16xf32>,
        tpu.vector_store %arg17[%swap3A_334, %swap3A_335], %max3A_333 {strides = array<i32>} : memref<128x64xf32, #tpu.memory_space<vmem>>, vector<16xf32>,
        %get3A_337 = arith.index_cast %scan3A_316 : i32 to index
        %get3A_338 = arith.constant 32 : index
        %get3A_339 = tpu.vector_load %arg9[%get3A_337, %get3A_338] {strides = array<i32>} : memref<128x64xbf16, #tpu.memory_space<vmem>>, vector<32xbf16>,
        %get3A_340 = arith.index_cast %scan3A_316 : i32 to index
        %get3A_341 = arith.constant 32 : index
        %get3A_342 = tpu.vector_load %arg13[%get3A_340, %get3A_341] {strides = array<i32>} : memref<128x64xbf16, #tpu.memory_space<vmem>>, vector<32xbf16>,
        %unpack3A_343 = tpu.unpack_subelements %get3A_339, 0 {pack_format = #tpu.pack_format<interleaved>} : vector<32xbf16> -> vector<16xf32>
        %unpack3A_344 = tpu.unpack_subelements %get3A_339, 1 {pack_format = #tpu.pack_format<interleaved>} : vector<32xbf16> -> vector<16xf32>
        %unpack3A_345 = tpu.unpack_subelements %get3A_342, 0 {pack_format = #tpu.pack_format<interleaved>} : vector<32xbf16> -> vector<16xf32>
        %unpack3A_346 = tpu.unpack_subelements %get3A_342, 1 {pack_format = #tpu.pack_format<interleaved>} : vector<32xbf16> -> vector<16xf32>
        %add3A_347 = arith.addf %unpack3A_345, %unpack3A_343 : vector<16xf32>
        %max3A_348 = arith.constant 0.000000e+00 : f32
        %max3A_349 = vector.broadcast %max3A_348 : f32 to vector<16xf32>
        %max3A_350 = arith.maximumf %add3A_347, %max3A_349 : vector<16xf32>
        %swap3A_351 = arith.index_cast %scan3A_316 : i32 to index
        %swap3A_352 = arith.constant 32 : index
        %swap3A_353 = tpu.vector_load %arg17[%swap3A_351, %swap3A_352] {strides = array<i32>} : memref<128x64xf32, #tpu.memory_space<vmem>>, vector<16xf32>,
        tpu.vector_store %arg17[%swap3A_351, %swap3A_352], %max3A_350 {strides = array<i32>} : memref<128x64xf32, #tpu.memory_space<vmem>>, vector<16xf32>,
        %add3A_354 = arith.addf %unpack3A_346, %unpack3A_344 : vector<16xf32>
        %max3A_355 = arith.constant 0.000000e+00 : f32
        %max3A_356 = vector.broadcast %max3A_355 : f32 to vector<16xf32>
        %max3A_357 = arith.maximumf %add3A_354, %max3A_356 : vector<16xf32>
        %swap3A_358 = arith.index_cast %scan3A_316 : i32 to index
        %swap3A_359 = arith.constant 48 : index
        %swap3A_360 = tpu.vector_load %arg17[%swap3A_358, %swap3A_359] {strides = array<i32>} : memref<128x64xf32, #tpu.memory_space<vmem>>, vector<16xf32>,
        tpu.vector_store %arg17[%swap3A_358, %swap3A_359], %max3A_357 {strides = array<i32>} : memref<128x64xf32, #tpu.memory_space<vmem>>, vector<16xf32>,
        %scan3A_361 = arith.constant 1 : i32
        %scan3A_362 = arith.addi %scan3A_316, %scan3A_361 : i32
        %get3A_363 = arith.index_cast %scan3A_362 : i32 to index
        %get3A_364 = arith.constant 0 : index
        %get3A_365 = tpu.vector_load %arg9[%get3A_363, %get3A_364] {strides = array<i32>} : memref<128x64xbf16, #tpu.memory_space<vmem>>, vector<32xbf16>,
        %get3A_366 = arith.index_cast %scan3A_362 : i32 to index
        %get3A_367 = arith.constant 0 : index
        %get3A_368 = tpu.vector_load %arg13[%get3A_366, %get3A_367] {strides = array<i32>} : memref<128x64xbf16, #tpu.memory_space<vmem>>, vector<32xbf16>,
        %unpack3A_369 = tpu.unpack_subelements %get3A_365, 0 {pack_format = #tpu.pack_format<interleaved>} : vector<32xbf16> -> vector<16xf32>
        %unpack3A_370 = tpu.unpack_subelements %get3A_365, 1 {pack_format = #tpu.pack_format<interleaved>} : vector<32xbf16> -> vector<16xf32>
        %unpack3A_371 = tpu.unpack_subelements %get3A_368, 0 {pack_format = #tpu.pack_format<interleaved>} : vector<32xbf16> -> vector<16xf32>
        %unpack3A_372 = tpu.unpack_subelements %get3A_368, 1 {pack_format = #tpu.pack_format<interleaved>} : vector<32xbf16> -> vector<16xf32>
        %add3A_373 = arith.addf %unpack3A_371, %unpack3A_369 : vector<16xf32>
        %max3A_374 = arith.constant 0.000000e+00 : f32
        %max3A_375 = vector.broadcast %max3A_374 : f32 to vector<16xf32>
        %max3A_376 = arith.maximumf %add3A_373, %max3A_375 : vector<16xf32>
        %swap3A_377 = arith.index_cast %scan3A_362 : i32 to index
        %swap3A_378 = arith.constant 0 : index
        %swap3A_379 = tpu.vector_load %arg17[%swap3A_377, %swap3A_378] {strides = array<i32>} : memref<128x64xf32, #tpu.memory_space<vmem>>, vector<16xf32>,
        tpu.vector_store %arg17[%swap3A_377, %swap3A_378], %max3A_376 {strides = array<i32>} : memref<128x64xf32, #tpu.memory_space<vmem>>, vector<16xf32>,
        %add3A_380 = arith.addf %unpack3A_372, %unpack3A_370 : vector<16xf32>
        %max3A_381 = arith.constant 0.000000e+00 : f32
        %max3A_382 = vector.broadcast %max3A_381 : f32 to vector<16xf32>
        %max3A_383 = arith.maximumf %add3A_380, %max3A_382 : vector<16xf32>
        %swap3A_384 = arith.index_cast %scan3A_362 : i32 to index
        %swap3A_385 = arith.constant 16 : index
        %swap3A_386 = tpu.vector_load %arg17[%swap3A_384, %swap3A_385] {strides = array<i32>} : memref<128x64xf32, #tpu.memory_space<vmem>>, vector<16xf32>,
        tpu.vector_store %arg17[%swap3A_384, %swap3A_385], %max3A_383 {strides = array<i32>} : memref<128x64xf32, #tpu.memory_space<vmem>>, vector<16xf32>,
        %get3A_387 = arith.index_cast %scan3A_362 : i32 to index
        %get3A_388 = arith.constant 32 : index
        %get3A_389 = tpu.vector_load %arg9[%get3A_387, %get3A_388] {strides = array<i32>} : memref<128x64xbf16, #tpu.memory_space<vmem>>, vector<32xbf16>,
        %get3A_390 = arith.index_cast %scan3A_362 : i32 to index
        %get3A_391 = arith.constant 32 : index
        %get3A_392 = tpu.vector_load %arg13[%get3A_390, %get3A_391] {strides = array<i32>} : memref<128x64xbf16, #tpu.memory_space<vmem>>, vector<32xbf16>,
        %unpack3A_393 = tpu.unpack_subelements %get3A_389, 0 {pack_format = #tpu.pack_format<interleaved>} : vector<32xbf16> -> vector<16xf32>
        %unpack3A_394 = tpu.unpack_subelements %get3A_389, 1 {pack_format = #tpu.pack_format<interleaved>} : vector<32xbf16> -> vector<16xf32>
        %unpack3A_395 = tpu.unpack_subelements %get3A_392, 0 {pack_format = #tpu.pack_format<interleaved>} : vector<32xbf16> -> vector<16xf32>
        %unpack3A_396 = tpu.unpack_subelements %get3A_392, 1 {pack_format = #tpu.pack_format<interleaved>} : vector<32xbf16> -> vector<16xf32>
        %add3A_397 = arith.addf %unpack3A_395, %unpack3A_393 : vector<16xf32>
        %max3A_398 = arith.constant 0.000000e+00 : f32
        %max3A_399 = vector.broadcast %max3A_398 : f32 to vector<16xf32>
        %max3A_400 = arith.maximumf %add3A_397, %max3A_399 : vector<16xf32>
        %swap3A_401 = arith.index_cast %scan3A_362 : i32 to index
        %swap3A_402 = arith.constant 32 : index
        %swap3A_403 = tpu.vector_load %arg17[%swap3A_401, %swap3A_402] {strides = array<i32>} : memref<128x64xf32, #tpu.memory_space<vmem>>, vector<16xf32>,
        tpu.vector_store %arg17[%swap3A_401, %swap3A_402], %max3A_400 {strides = array<i32>} : memref<128x64xf32, #tpu.memory_space<vmem>>, vector<16xf32>,
        %add3A_404 = arith.addf %unpack3A_396, %unpack3A_394 : vector<16xf32>
        %max3A_405 = arith.constant 0.000000e+00 : f32
        %max3A_406 = vector.broadcast %max3A_405 : f32 to vector<16xf32>
        %max3A_407 = arith.maximumf %add3A_404, %max3A_406 : vector<16xf32>
        %swap3A_408 = arith.index_cast %scan3A_362 : i32 to index
        %swap3A_409 = arith.constant 48 : index
        %swap3A_410 = tpu.vector_load %arg17[%swap3A_408, %swap3A_409] {strides = array<i32>} : memref<128x64xf32, #tpu.memory_space<vmem>>, vector<16xf32>,
        tpu.vector_store %arg17[%swap3A_408, %swap3A_409], %max3A_407 {strides = array<i32>} : memref<128x64xf32, #tpu.memory_space<vmem>>, vector<16xf32>,
      }
      %scan3A_212 = arith.constant 128 : i32
      %mul3A_213 = arith.constant 128 : i32
      %mul3A_214 = arith.muli %add3A_195, %mul3A_213 : i32
      %dma_start3A_215 = tpu.memref_slice %arg7[%mul3A_214] : memref<10240xi32, #tpu.memory_space<vmem>> -> memref<128xi32, #tpu.memory_space<vmem>>
      %dma_start3A_216 = arith.constant 0 : i32
      %dma_start3A_217 = arith.constant 0 : i32
      %dma_start3A_218 = tpu.memref_slice %arg34[%dma_start3A_216, %dma_start3A_217] : memref<10112x64xf32, #tpu.memory_space<vmem_shared>> -> memref<10112x64xf32, #tpu.memory_space<vmem_shared>>
      tpu.enqueue_indirect_dma source(%arg17 : memref<128x64xf32, #tpu.memory_space<vmem>>) target(%dma_start3A_218 : memref<10112x64xf32, #tpu.memory_space<vmem_shared>>) offsets(%dma_start3A_215 : memref<128xi32, #tpu.memory_space<vmem>>) semaphore(%arg31 : memref<!tpu.dma_semaphore, #tpu.memory_space<semaphore_mem>>) {add = true}
      %gt3A_219 = arith.constant 0 : i32
      %gt3A_220 = arith.cmpi sgt, %while3A_145, %gt3A_219 : i32
      %convert_element_type3A_221 = arith.extui %gt3A_220 : i1 to i32
      %cond3A_222 = arith.constant 0 : i32
      %cond3A_223 = arith.cmpi ne, %convert_element_type3A_221, %cond3A_222 : i32
      scf.if %cond3A_223 {
        %dma_wait3A_316 = arith.constant 0 : i32
        %dma_wait3A_317 = tpu.memref_slice %arg7[%dma_wait3A_316] : memref<10240xi32, #tpu.memory_space<vmem>> -> memref<128xi32, #tpu.memory_space<vmem>>
        %dma_wait3A_318 = arith.constant 0 : i32
        %dma_wait3A_319 = arith.constant 0 : i32
        %dma_wait3A_320 = tpu.memref_slice %arg34[%dma_wait3A_318, %dma_wait3A_319] : memref<10112x64xf32, #tpu.memory_space<vmem_shared>> -> memref<10112x64xf32, #tpu.memory_space<vmem_shared>>
        tpu.wait_indirect_dma semaphore(%arg33 : memref<!tpu.dma_semaphore, #tpu.memory_space<semaphore_mem>>) src(%arg19 : memref<128x64xf32, #tpu.memory_space<vmem>>) dst(%dma_wait3A_320 : memref<10112x64xf32, #tpu.memory_space<vmem_shared>>)
      } else {
      }
      %add3A_224 = arith.constant 2 : i32
      %add3A_225 = arith.addi %add3A_195, %add3A_224 : i32
      %add3A_226 = arith.addi %min3A_3, %add3A_225 : i32
      %mul3A_227 = arith.constant 128 : i32
      %mul3A_228 = arith.muli %add3A_226, %mul3A_227 : i32
      %dma_start3A_229 = arith.constant 64 : i32
      %dma_start3A_230 = tpu.memref_slice %arg3[%mul3A_228, %dma_start3A_229] : memref<320000x128xbf16, #tpu.memory_space<hbm>> -> memref<128x64xbf16, #tpu.memory_space<hbm>>
      %dma_start3A_231 = arith.constant 64 : i32
      %dma_start3A_232 = tpu.memref_slice %arg3[%mul3A_228, %dma_start3A_231] : memref<320000x128xbf16, #tpu.memory_space<hbm>> -> memref<128x64xbf16, #tpu.memory_space<hbm>>
      tpu.enqueue_dma source(%dma_start3A_232 : memref<128x64xbf16, #tpu.memory_space<hbm>>) target(%arg11 : memref<128x64xbf16, #tpu.memory_space<vmem>>) target_semaphore(%arg25 : memref<!tpu.dma_semaphore, #tpu.memory_space<semaphore_mem>>)
      %mul3A_233 = arith.constant 128 : i32
      %mul3A_234 = arith.muli %add3A_225, %mul3A_233 : i32
      %dma_start3A_235 = tpu.memref_slice %arg6[%mul3A_234] : memref<10240xi32, #tpu.memory_space<vmem>> -> memref<128xi32, #tpu.memory_space<vmem>>
      %dma_start3A_236 = arith.constant 0 : i32
      %dma_start3A_237 = arith.constant 0 : i32
      %dma_start3A_238 = tpu.memref_slice %arg2[%dma_start3A_236, %dma_start3A_237] : memref<10000x64xbf16, #tpu.memory_space<hbm>> -> memref<10000x64xbf16, #tpu.memory_space<hbm>>
      tpu.enqueue_indirect_dma source(%dma_start3A_238 : memref<10000x64xbf16, #tpu.memory_space<hbm>>) target(%arg15 : memref<128x64xbf16, #tpu.memory_space<vmem>>) offsets(%dma_start3A_235 : memref<128xi32, #tpu.memory_space<vmem>>) semaphore(%arg29 : memref<!tpu.dma_semaphore, #tpu.memory_space<semaphore_mem>>)
      %mul3A_239 = arith.constant 4 : i32
      %mul3A_240 = arith.muli %while3A_145, %mul3A_239 : i32
      %add3A_241 = arith.addi %sub3A, %mul3A_240 : i32
      %add3A_242 = arith.constant 2 : i32
      %add3A_243 = arith.addi %add3A_241, %add3A_242 : i32
      %dma_wait3A_244 = arith.constant 0 : i32
      %dma_wait3A_245 = arith.constant 64 : i32
      %dma_wait3A_246 = tpu.memref_slice %arg3[%dma_wait3A_244, %dma_wait3A_245] : memref<320000x128xbf16, #tpu.memory_space<hbm>> -> memref<128x64xbf16, #tpu.memory_space<hbm>>
      %dma_wait3A_247 = arith.constant 0 : i32
      %dma_wait3A_248 = arith.constant 64 : i32
      %dma_wait3A_249 = tpu.memref_slice %arg3[%dma_wait3A_247, %dma_wait3A_248] : memref<320000x128xbf16, #tpu.memory_space<hbm>> -> memref<128x64xbf16, #tpu.memory_space<hbm>>
      tpu.wait_dma2 semaphore(%arg24 : memref<!tpu.dma_semaphore, #tpu.memory_space<semaphore_mem>>) src(%dma_wait3A_249 : memref<128x64xbf16, #tpu.memory_space<hbm>>) dst(%arg10 : memref<128x64xbf16, #tpu.memory_space<vmem>>)
      %dma_wait3A_250 = arith.constant 0 : i32
      %dma_wait3A_251 = tpu.memref_slice %arg6[%dma_wait3A_250] : memref<10240xi32, #tpu.memory_space<vmem>> -> memref<128xi32, #tpu.memory_space<vmem>>
      %dma_wait3A_252 = arith.constant 0 : i32
      %dma_wait3A_253 = arith.constant 0 : i32
      %dma_wait3A_254 = tpu.memref_slice %arg2[%dma_wait3A_252, %dma_wait3A_253] : memref<10000x64xbf16, #tpu.memory_space<hbm>> -> memref<10000x64xbf16, #tpu.memory_space<hbm>>
      tpu.wait_indirect_dma semaphore(%arg28 : memref<!tpu.dma_semaphore, #tpu.memory_space<semaphore_mem>>) src(%dma_wait3A_254 : memref<10000x64xbf16, #tpu.memory_space<hbm>>) dst(%arg14 : memref<128x64xbf16, #tpu.memory_space<vmem>>)
      %scan3A_255 = arith.constant 0 : i32
      %scan3A_256 = arith.constant 0 : i32
      %scan3A_257 = arith.constant 128 : i32
      %scan3A_258 = arith.addi %scan3A_256, %scan3A_257 : i32
      %scan3A_259 = arith.constant 2 : i32
      scf.for %scan3A_316 = %scan3A_256 to %scan3A_258 step %scan3A_259  : i32 {
        %get3A = arith.index_cast %scan3A_316 : i32 to index
        %get3A_317 = arith.constant 0 : index
        %get3A_318 = tpu.vector_load %arg10[%get3A, %get3A_317] {strides = array<i32>} : memref<128x64xbf16, #tpu.memory_space<vmem>>, vector<32xbf16>,
        %get3A_319 = arith.index_cast %scan3A_316 : i32 to index
        %get3A_320 = arith.constant 0 : index
        %get3A_321 = tpu.vector_load %arg14[%get3A_319, %get3A_320] {strides = array<i32>} : memref<128x64xbf16, #tpu.memory_space<vmem>>, vector<32xbf16>,
        %unpack3A = tpu.unpack_subelements %get3A_318, 0 {pack_format = #tpu.pack_format<interleaved>} : vector<32xbf16> -> vector<16xf32>
        %unpack3A_322 = tpu.unpack_subelements %get3A_318, 1 {pack_format = #tpu.pack_format<interleaved>} : vector<32xbf16> -> vector<16xf32>
        %unpack3A_323 = tpu.unpack_subelements %get3A_321, 0 {pack_format = #tpu.pack_format<interleaved>} : vector<32xbf16> -> vector<16xf32>
        %unpack3A_324 = tpu.unpack_subelements %get3A_321, 1 {pack_format = #tpu.pack_format<interleaved>} : vector<32xbf16> -> vector<16xf32>
        %add3A_325 = arith.addf %unpack3A_323, %unpack3A : vector<16xf32>
        %max3A = arith.constant 0.000000e+00 : f32
        %max3A_326 = vector.broadcast %max3A : f32 to vector<16xf32>
        %max3A_327 = arith.maximumf %add3A_325, %max3A_326 : vector<16xf32>
        %swap3A = arith.index_cast %scan3A_316 : i32 to index
        %swap3A_328 = arith.constant 0 : index
        %swap3A_329 = tpu.vector_load %arg18[%swap3A, %swap3A_328] {strides = array<i32>} : memref<128x64xf32, #tpu.memory_space<vmem>>, vector<16xf32>,
        tpu.vector_store %arg18[%swap3A, %swap3A_328], %max3A_327 {strides = array<i32>} : memref<128x64xf32, #tpu.memory_space<vmem>>, vector<16xf32>,
        %add3A_330 = arith.addf %unpack3A_324, %unpack3A_322 : vector<16xf32>
        %max3A_331 = arith.constant 0.000000e+00 : f32
        %max3A_332 = vector.broadcast %max3A_331 : f32 to vector<16xf32>
        %max3A_333 = arith.maximumf %add3A_330, %max3A_332 : vector<16xf32>
        %swap3A_334 = arith.index_cast %scan3A_316 : i32 to index
        %swap3A_335 = arith.constant 16 : index
        %swap3A_336 = tpu.vector_load %arg18[%swap3A_334, %swap3A_335] {strides = array<i32>} : memref<128x64xf32, #tpu.memory_space<vmem>>, vector<16xf32>,
        tpu.vector_store %arg18[%swap3A_334, %swap3A_335], %max3A_333 {strides = array<i32>} : memref<128x64xf32, #tpu.memory_space<vmem>>, vector<16xf32>,
        %get3A_337 = arith.index_cast %scan3A_316 : i32 to index
        %get3A_338 = arith.constant 32 : index
        %get3A_339 = tpu.vector_load %arg10[%get3A_337, %get3A_338] {strides = array<i32>} : memref<128x64xbf16, #tpu.memory_space<vmem>>, vector<32xbf16>,
        %get3A_340 = arith.index_cast %scan3A_316 : i32 to index
        %get3A_341 = arith.constant 32 : index
        %get3A_342 = tpu.vector_load %arg14[%get3A_340, %get3A_341] {strides = array<i32>} : memref<128x64xbf16, #tpu.memory_space<vmem>>, vector<32xbf16>,
        %unpack3A_343 = tpu.unpack_subelements %get3A_339, 0 {pack_format = #tpu.pack_format<interleaved>} : vector<32xbf16> -> vector<16xf32>
        %unpack3A_344 = tpu.unpack_subelements %get3A_339, 1 {pack_format = #tpu.pack_format<interleaved>} : vector<32xbf16> -> vector<16xf32>
        %unpack3A_345 = tpu.unpack_subelements %get3A_342, 0 {pack_format = #tpu.pack_format<interleaved>} : vector<32xbf16> -> vector<16xf32>
        %unpack3A_346 = tpu.unpack_subelements %get3A_342, 1 {pack_format = #tpu.pack_format<interleaved>} : vector<32xbf16> -> vector<16xf32>
        %add3A_347 = arith.addf %unpack3A_345, %unpack3A_343 : vector<16xf32>
        %max3A_348 = arith.constant 0.000000e+00 : f32
        %max3A_349 = vector.broadcast %max3A_348 : f32 to vector<16xf32>
        %max3A_350 = arith.maximumf %add3A_347, %max3A_349 : vector<16xf32>
        %swap3A_351 = arith.index_cast %scan3A_316 : i32 to index
        %swap3A_352 = arith.constant 32 : index
        %swap3A_353 = tpu.vector_load %arg18[%swap3A_351, %swap3A_352] {strides = array<i32>} : memref<128x64xf32, #tpu.memory_space<vmem>>, vector<16xf32>,
        tpu.vector_store %arg18[%swap3A_351, %swap3A_352], %max3A_350 {strides = array<i32>} : memref<128x64xf32, #tpu.memory_space<vmem>>, vector<16xf32>,
        %add3A_354 = arith.addf %unpack3A_346, %unpack3A_344 : vector<16xf32>
        %max3A_355 = arith.constant 0.000000e+00 : f32
        %max3A_356 = vector.broadcast %max3A_355 : f32 to vector<16xf32>
        %max3A_357 = arith.maximumf %add3A_354, %max3A_356 : vector<16xf32>
        %swap3A_358 = arith.index_cast %scan3A_316 : i32 to index
        %swap3A_359 = arith.constant 48 : index
        %swap3A_360 = tpu.vector_load %arg18[%swap3A_358, %swap3A_359] {strides = array<i32>} : memref<128x64xf32, #tpu.memory_space<vmem>>, vector<16xf32>,
        tpu.vector_store %arg18[%swap3A_358, %swap3A_359], %max3A_357 {strides = array<i32>} : memref<128x64xf32, #tpu.memory_space<vmem>>, vector<16xf32>,
        %scan3A_361 = arith.constant 1 : i32
        %scan3A_362 = arith.addi %scan3A_316, %scan3A_361 : i32
        %get3A_363 = arith.index_cast %scan3A_362 : i32 to index
        %get3A_364 = arith.constant 0 : index
        %get3A_365 = tpu.vector_load %arg10[%get3A_363, %get3A_364] {strides = array<i32>} : memref<128x64xbf16, #tpu.memory_space<vmem>>, vector<32xbf16>,
        %get3A_366 = arith.index_cast %scan3A_362 : i32 to index
        %get3A_367 = arith.constant 0 : index
        %get3A_368 = tpu.vector_load %arg14[%get3A_366, %get3A_367] {strides = array<i32>} : memref<128x64xbf16, #tpu.memory_space<vmem>>, vector<32xbf16>,
        %unpack3A_369 = tpu.unpack_subelements %get3A_365, 0 {pack_format = #tpu.pack_format<interleaved>} : vector<32xbf16> -> vector<16xf32>
        %unpack3A_370 = tpu.unpack_subelements %get3A_365, 1 {pack_format = #tpu.pack_format<interleaved>} : vector<32xbf16> -> vector<16xf32>
        %unpack3A_371 = tpu.unpack_subelements %get3A_368, 0 {pack_format = #tpu.pack_format<interleaved>} : vector<32xbf16> -> vector<16xf32>
        %unpack3A_372 = tpu.unpack_subelements %get3A_368, 1 {pack_format = #tpu.pack_format<interleaved>} : vector<32xbf16> -> vector<16xf32>
        %add3A_373 = arith.addf %unpack3A_371, %unpack3A_369 : vector<16xf32>
        %max3A_374 = arith.constant 0.000000e+00 : f32
        %max3A_375 = vector.broadcast %max3A_374 : f32 to vector<16xf32>
        %max3A_376 = arith.maximumf %add3A_373, %max3A_375 : vector<16xf32>
        %swap3A_377 = arith.index_cast %scan3A_362 : i32 to index
        %swap3A_378 = arith.constant 0 : index
        %swap3A_379 = tpu.vector_load %arg18[%swap3A_377, %swap3A_378] {strides = array<i32>} : memref<128x64xf32, #tpu.memory_space<vmem>>, vector<16xf32>,
        tpu.vector_store %arg18[%swap3A_377, %swap3A_378], %max3A_376 {strides = array<i32>} : memref<128x64xf32, #tpu.memory_space<vmem>>, vector<16xf32>,
        %add3A_380 = arith.addf %unpack3A_372, %unpack3A_370 : vector<16xf32>
        %max3A_381 = arith.constant 0.000000e+00 : f32
        %max3A_382 = vector.broadcast %max3A_381 : f32 to vector<16xf32>
        %max3A_383 = arith.maximumf %add3A_380, %max3A_382 : vector<16xf32>
        %swap3A_384 = arith.index_cast %scan3A_362 : i32 to index
        %swap3A_385 = arith.constant 16 : index
        %swap3A_386 = tpu.vector_load %arg18[%swap3A_384, %swap3A_385] {strides = array<i32>} : memref<128x64xf32, #tpu.memory_space<vmem>>, vector<16xf32>,
        tpu.vector_store %arg18[%swap3A_384, %swap3A_385], %max3A_383 {strides = array<i32>} : memref<128x64xf32, #tpu.memory_space<vmem>>, vector<16xf32>,
        %get3A_387 = arith.index_cast %scan3A_362 : i32 to index
        %get3A_388 = arith.constant 32 : index
        %get3A_389 = tpu.vector_load %arg10[%get3A_387, %get3A_388] {strides = array<i32>} : memref<128x64xbf16, #tpu.memory_space<vmem>>, vector<32xbf16>,
        %get3A_390 = arith.index_cast %scan3A_362 : i32 to index
        %get3A_391 = arith.constant 32 : index
        %get3A_392 = tpu.vector_load %arg14[%get3A_390, %get3A_391] {strides = array<i32>} : memref<128x64xbf16, #tpu.memory_space<vmem>>, vector<32xbf16>,
        %unpack3A_393 = tpu.unpack_subelements %get3A_389, 0 {pack_format = #tpu.pack_format<interleaved>} : vector<32xbf16> -> vector<16xf32>
        %unpack3A_394 = tpu.unpack_subelements %get3A_389, 1 {pack_format = #tpu.pack_format<interleaved>} : vector<32xbf16> -> vector<16xf32>
        %unpack3A_395 = tpu.unpack_subelements %get3A_392, 0 {pack_format = #tpu.pack_format<interleaved>} : vector<32xbf16> -> vector<16xf32>
        %unpack3A_396 = tpu.unpack_subelements %get3A_392, 1 {pack_format = #tpu.pack_format<interleaved>} : vector<32xbf16> -> vector<16xf32>
        %add3A_397 = arith.addf %unpack3A_395, %unpack3A_393 : vector<16xf32>
        %max3A_398 = arith.constant 0.000000e+00 : f32
        %max3A_399 = vector.broadcast %max3A_398 : f32 to vector<16xf32>
        %max3A_400 = arith.maximumf %add3A_397, %max3A_399 : vector<16xf32>
        %swap3A_401 = arith.index_cast %scan3A_362 : i32 to index
        %swap3A_402 = arith.constant 32 : index
        %swap3A_403 = tpu.vector_load %arg18[%swap3A_401, %swap3A_402] {strides = array<i32>} : memref<128x64xf32, #tpu.memory_space<vmem>>, vector<16xf32>,
        tpu.vector_store %arg18[%swap3A_401, %swap3A_402], %max3A_400 {strides = array<i32>} : memref<128x64xf32, #tpu.memory_space<vmem>>, vector<16xf32>,
        %add3A_404 = arith.addf %unpack3A_396, %unpack3A_394 : vector<16xf32>
        %max3A_405 = arith.constant 0.000000e+00 : f32
        %max3A_406 = vector.broadcast %max3A_405 : f32 to vector<16xf32>
        %max3A_407 = arith.maximumf %add3A_404, %max3A_406 : vector<16xf32>
        %swap3A_408 = arith.index_cast %scan3A_362 : i32 to index
        %swap3A_409 = arith.constant 48 : index
        %swap3A_410 = tpu.vector_load %arg18[%swap3A_408, %swap3A_409] {strides = array<i32>} : memref<128x64xf32, #tpu.memory_space<vmem>>, vector<16xf32>,
        tpu.vector_store %arg18[%swap3A_408, %swap3A_409], %max3A_407 {strides = array<i32>} : memref<128x64xf32, #tpu.memory_space<vmem>>, vector<16xf32>,
      }
      %scan3A_260 = arith.constant 128 : i32
      %mul3A_261 = arith.constant 128 : i32
      %mul3A_262 = arith.muli %add3A_243, %mul3A_261 : i32
      %dma_start3A_263 = tpu.memref_slice %arg7[%mul3A_262] : memref<10240xi32, #tpu.memory_space<vmem>> -> memref<128xi32, #tpu.memory_space<vmem>>
      %dma_start3A_264 = arith.constant 0 : i32
      %dma_start3A_265 = arith.constant 0 : i32
      %dma_start3A_266 = tpu.memref_slice %arg34[%dma_start3A_264, %dma_start3A_265] : memref<10112x64xf32, #tpu.memory_space<vmem_shared>> -> memref<10112x64xf32, #tpu.memory_space<vmem_shared>>
      tpu.enqueue_indirect_dma source(%arg18 : memref<128x64xf32, #tpu.memory_space<vmem>>) target(%dma_start3A_266 : memref<10112x64xf32, #tpu.memory_space<vmem_shared>>) offsets(%dma_start3A_263 : memref<128xi32, #tpu.memory_space<vmem>>) semaphore(%arg32 : memref<!tpu.dma_semaphore, #tpu.memory_space<semaphore_mem>>) {add = true}
      %dma_wait3A_267 = arith.constant 0 : i32
      %dma_wait3A_268 = tpu.memref_slice %arg7[%dma_wait3A_267] : memref<10240xi32, #tpu.memory_space<vmem>> -> memref<128xi32, #tpu.memory_space<vmem>>
      %dma_wait3A_269 = arith.constant 0 : i32
      %dma_wait3A_270 = arith.constant 0 : i32
      %dma_wait3A_271 = tpu.memref_slice %arg34[%dma_wait3A_269, %dma_wait3A_270] : memref<10112x64xf32, #tpu.memory_space<vmem_shared>> -> memref<10112x64xf32, #tpu.memory_space<vmem_shared>>
      tpu.wait_indirect_dma semaphore(%arg30 : memref<!tpu.dma_semaphore, #tpu.memory_space<semaphore_mem>>) src(%arg16 : memref<128x64xf32, #tpu.memory_space<vmem>>) dst(%dma_wait3A_271 : memref<10112x64xf32, #tpu.memory_space<vmem_shared>>)
      %sub3A_272 = arith.constant 1 : i32
      %sub3A_273 = arith.subi %select_n3A, %sub3A_272 : i32
      %lt3A = arith.cmpi slt, %while3A_145, %sub3A_273 : i32
      %convert_element_type3A_274 = arith.extui %lt3A : i1 to i32
      %cond3A_275 = arith.constant 0 : i32
      %cond3A_276 = arith.cmpi ne, %convert_element_type3A_274, %cond3A_275 : i32
      scf.if %cond3A_276 {
        %add3A_316 = arith.constant 2 : i32
        %add3A_317 = arith.addi %add3A_243, %add3A_316 : i32
        %add3A_318 = arith.addi %min3A_3, %add3A_317 : i32
        %mul3A_319 = arith.constant 128 : i32
        %mul3A_320 = arith.muli %add3A_318, %mul3A_319 : i32
        %dma_start3A_321 = arith.constant 64 : i32
        %dma_start3A_322 = tpu.memref_slice %arg3[%mul3A_320, %dma_start3A_321] : memref<320000x128xbf16, #tpu.memory_space<hbm>> -> memref<128x64xbf16, #tpu.memory_space<hbm>>
        %dma_start3A_323 = arith.constant 64 : i32
        %dma_start3A_324 = tpu.memref_slice %arg3[%mul3A_320, %dma_start3A_323] : memref<320000x128xbf16, #tpu.memory_space<hbm>> -> memref<128x64xbf16, #tpu.memory_space<hbm>>
        tpu.enqueue_dma source(%dma_start3A_324 : memref<128x64xbf16, #tpu.memory_space<hbm>>) target(%arg8 : memref<128x64xbf16, #tpu.memory_space<vmem>>) target_semaphore(%arg22 : memref<!tpu.dma_semaphore, #tpu.memory_space<semaphore_mem>>)
        %mul3A_325 = arith.constant 128 : i32
        %mul3A_326 = arith.muli %add3A_317, %mul3A_325 : i32
        %dma_start3A_327 = tpu.memref_slice %arg6[%mul3A_326] : memref<10240xi32, #tpu.memory_space<vmem>> -> memref<128xi32, #tpu.memory_space<vmem>>
        %dma_start3A_328 = arith.constant 0 : i32
        %dma_start3A_329 = arith.constant 0 : i32
        %dma_start3A_330 = tpu.memref_slice %arg2[%dma_start3A_328, %dma_start3A_329] : memref<10000x64xbf16, #tpu.memory_space<hbm>> -> memref<10000x64xbf16, #tpu.memory_space<hbm>>
        tpu.enqueue_indirect_dma source(%dma_start3A_330 : memref<10000x64xbf16, #tpu.memory_space<hbm>>) target(%arg12 : memref<128x64xbf16, #tpu.memory_space<vmem>>) offsets(%dma_start3A_327 : memref<128xi32, #tpu.memory_space<vmem>>) semaphore(%arg26 : memref<!tpu.dma_semaphore, #tpu.memory_space<semaphore_mem>>)
      } else {
      }
      %mul3A_277 = arith.constant 4 : i32
      %mul3A_278 = arith.muli %while3A_145, %mul3A_277 : i32
      %add3A_279 = arith.addi %sub3A, %mul3A_278 : i32
      %add3A_280 = arith.constant 3 : i32
      %add3A_281 = arith.addi %add3A_279, %add3A_280 : i32
      %dma_wait3A_282 = arith.constant 0 : i32
      %dma_wait3A_283 = arith.constant 64 : i32
      %dma_wait3A_284 = tpu.memref_slice %arg3[%dma_wait3A_282, %dma_wait3A_283] : memref<320000x128xbf16, #tpu.memory_space<hbm>> -> memref<128x64xbf16, #tpu.memory_space<hbm>>
      %dma_wait3A_285 = arith.constant 0 : i32
      %dma_wait3A_286 = arith.constant 64 : i32
      %dma_wait3A_287 = tpu.memref_slice %arg3[%dma_wait3A_285, %dma_wait3A_286] : memref<320000x128xbf16, #tpu.memory_space<hbm>> -> memref<128x64xbf16, #tpu.memory_space<hbm>>
      tpu.wait_dma2 semaphore(%arg25 : memref<!tpu.dma_semaphore, #tpu.memory_space<semaphore_mem>>) src(%dma_wait3A_287 : memref<128x64xbf16, #tpu.memory_space<hbm>>) dst(%arg11 : memref<128x64xbf16, #tpu.memory_space<vmem>>)
      %dma_wait3A_288 = arith.constant 0 : i32
      %dma_wait3A_289 = tpu.memref_slice %arg6[%dma_wait3A_288] : memref<10240xi32, #tpu.memory_space<vmem>> -> memref<128xi32, #tpu.memory_space<vmem>>
      %dma_wait3A_290 = arith.constant 0 : i32
      %dma_wait3A_291 = arith.constant 0 : i32
      %dma_wait3A_292 = tpu.memref_slice %arg2[%dma_wait3A_290, %dma_wait3A_291] : memref<10000x64xbf16, #tpu.memory_space<hbm>> -> memref<10000x64xbf16, #tpu.memory_space<hbm>>
      tpu.wait_indirect_dma semaphore(%arg29 : memref<!tpu.dma_semaphore, #tpu.memory_space<semaphore_mem>>) src(%dma_wait3A_292 : memref<10000x64xbf16, #tpu.memory_space<hbm>>) dst(%arg15 : memref<128x64xbf16, #tpu.memory_space<vmem>>)
      %scan3A_293 = arith.constant 0 : i32
      %scan3A_294 = arith.constant 0 : i32
      %scan3A_295 = arith.constant 128 : i32
      %scan3A_296 = arith.addi %scan3A_294, %scan3A_295 : i32
      %scan3A_297 = arith.constant 2 : i32
      scf.for %scan3A_316 = %scan3A_294 to %scan3A_296 step %scan3A_297  : i32 {
        %get3A = arith.index_cast %scan3A_316 : i32 to index
        %get3A_317 = arith.constant 0 : index
        %get3A_318 = tpu.vector_load %arg11[%get3A, %get3A_317] {strides = array<i32>} : memref<128x64xbf16, #tpu.memory_space<vmem>>, vector<32xbf16>,
        %get3A_319 = arith.index_cast %scan3A_316 : i32 to index
        %get3A_320 = arith.constant 0 : index
        %get3A_321 = tpu.vector_load %arg15[%get3A_319, %get3A_320] {strides = array<i32>} : memref<128x64xbf16, #tpu.memory_space<vmem>>, vector<32xbf16>,
        %unpack3A = tpu.unpack_subelements %get3A_318, 0 {pack_format = #tpu.pack_format<interleaved>} : vector<32xbf16> -> vector<16xf32>
        %unpack3A_322 = tpu.unpack_subelements %get3A_318, 1 {pack_format = #tpu.pack_format<interleaved>} : vector<32xbf16> -> vector<16xf32>
        %unpack3A_323 = tpu.unpack_subelements %get3A_321, 0 {pack_format = #tpu.pack_format<interleaved>} : vector<32xbf16> -> vector<16xf32>
        %unpack3A_324 = tpu.unpack_subelements %get3A_321, 1 {pack_format = #tpu.pack_format<interleaved>} : vector<32xbf16> -> vector<16xf32>
        %add3A_325 = arith.addf %unpack3A_323, %unpack3A : vector<16xf32>
        %max3A = arith.constant 0.000000e+00 : f32
        %max3A_326 = vector.broadcast %max3A : f32 to vector<16xf32>
        %max3A_327 = arith.maximumf %add3A_325, %max3A_326 : vector<16xf32>
        %swap3A = arith.index_cast %scan3A_316 : i32 to index
        %swap3A_328 = arith.constant 0 : index
        %swap3A_329 = tpu.vector_load %arg19[%swap3A, %swap3A_328] {strides = array<i32>} : memref<128x64xf32, #tpu.memory_space<vmem>>, vector<16xf32>,
        tpu.vector_store %arg19[%swap3A, %swap3A_328], %max3A_327 {strides = array<i32>} : memref<128x64xf32, #tpu.memory_space<vmem>>, vector<16xf32>,
        %add3A_330 = arith.addf %unpack3A_324, %unpack3A_322 : vector<16xf32>
        %max3A_331 = arith.constant 0.000000e+00 : f32
        %max3A_332 = vector.broadcast %max3A_331 : f32 to vector<16xf32>
        %max3A_333 = arith.maximumf %add3A_330, %max3A_332 : vector<16xf32>
        %swap3A_334 = arith.index_cast %scan3A_316 : i32 to index
        %swap3A_335 = arith.constant 16 : index
        %swap3A_336 = tpu.vector_load %arg19[%swap3A_334, %swap3A_335] {strides = array<i32>} : memref<128x64xf32, #tpu.memory_space<vmem>>, vector<16xf32>,
        tpu.vector_store %arg19[%swap3A_334, %swap3A_335], %max3A_333 {strides = array<i32>} : memref<128x64xf32, #tpu.memory_space<vmem>>, vector<16xf32>,
        %get3A_337 = arith.index_cast %scan3A_316 : i32 to index
        %get3A_338 = arith.constant 32 : index
        %get3A_339 = tpu.vector_load %arg11[%get3A_337, %get3A_338] {strides = array<i32>} : memref<128x64xbf16, #tpu.memory_space<vmem>>, vector<32xbf16>,
        %get3A_340 = arith.index_cast %scan3A_316 : i32 to index
        %get3A_341 = arith.constant 32 : index
        %get3A_342 = tpu.vector_load %arg15[%get3A_340, %get3A_341] {strides = array<i32>} : memref<128x64xbf16, #tpu.memory_space<vmem>>, vector<32xbf16>,
        %unpack3A_343 = tpu.unpack_subelements %get3A_339, 0 {pack_format = #tpu.pack_format<interleaved>} : vector<32xbf16> -> vector<16xf32>
        %unpack3A_344 = tpu.unpack_subelements %get3A_339, 1 {pack_format = #tpu.pack_format<interleaved>} : vector<32xbf16> -> vector<16xf32>
        %unpack3A_345 = tpu.unpack_subelements %get3A_342, 0 {pack_format = #tpu.pack_format<interleaved>} : vector<32xbf16> -> vector<16xf32>
        %unpack3A_346 = tpu.unpack_subelements %get3A_342, 1 {pack_format = #tpu.pack_format<interleaved>} : vector<32xbf16> -> vector<16xf32>
        %add3A_347 = arith.addf %unpack3A_345, %unpack3A_343 : vector<16xf32>
        %max3A_348 = arith.constant 0.000000e+00 : f32
        %max3A_349 = vector.broadcast %max3A_348 : f32 to vector<16xf32>
        %max3A_350 = arith.maximumf %add3A_347, %max3A_349 : vector<16xf32>
        %swap3A_351 = arith.index_cast %scan3A_316 : i32 to index
        %swap3A_352 = arith.constant 32 : index
        %swap3A_353 = tpu.vector_load %arg19[%swap3A_351, %swap3A_352] {strides = array<i32>} : memref<128x64xf32, #tpu.memory_space<vmem>>, vector<16xf32>,
        tpu.vector_store %arg19[%swap3A_351, %swap3A_352], %max3A_350 {strides = array<i32>} : memref<128x64xf32, #tpu.memory_space<vmem>>, vector<16xf32>,
        %add3A_354 = arith.addf %unpack3A_346, %unpack3A_344 : vector<16xf32>
        %max3A_355 = arith.constant 0.000000e+00 : f32
        %max3A_356 = vector.broadcast %max3A_355 : f32 to vector<16xf32>
        %max3A_357 = arith.maximumf %add3A_354, %max3A_356 : vector<16xf32>
        %swap3A_358 = arith.index_cast %scan3A_316 : i32 to index
        %swap3A_359 = arith.constant 48 : index
        %swap3A_360 = tpu.vector_load %arg19[%swap3A_358, %swap3A_359] {strides = array<i32>} : memref<128x64xf32, #tpu.memory_space<vmem>>, vector<16xf32>,
        tpu.vector_store %arg19[%swap3A_358, %swap3A_359], %max3A_357 {strides = array<i32>} : memref<128x64xf32, #tpu.memory_space<vmem>>, vector<16xf32>,
        %scan3A_361 = arith.constant 1 : i32
        %scan3A_362 = arith.addi %scan3A_316, %scan3A_361 : i32
        %get3A_363 = arith.index_cast %scan3A_362 : i32 to index
        %get3A_364 = arith.constant 0 : index
        %get3A_365 = tpu.vector_load %arg11[%get3A_363, %get3A_364] {strides = array<i32>} : memref<128x64xbf16, #tpu.memory_space<vmem>>, vector<32xbf16>,
        %get3A_366 = arith.index_cast %scan3A_362 : i32 to index
        %get3A_367 = arith.constant 0 : index
        %get3A_368 = tpu.vector_load %arg15[%get3A_366, %get3A_367] {strides = array<i32>} : memref<128x64xbf16, #tpu.memory_space<vmem>>, vector<32xbf16>,
        %unpack3A_369 = tpu.unpack_subelements %get3A_365, 0 {pack_format = #tpu.pack_format<interleaved>} : vector<32xbf16> -> vector<16xf32>
        %unpack3A_370 = tpu.unpack_subelements %get3A_365, 1 {pack_format = #tpu.pack_format<interleaved>} : vector<32xbf16> -> vector<16xf32>
        %unpack3A_371 = tpu.unpack_subelements %get3A_368, 0 {pack_format = #tpu.pack_format<interleaved>} : vector<32xbf16> -> vector<16xf32>
        %unpack3A_372 = tpu.unpack_subelements %get3A_368, 1 {pack_format = #tpu.pack_format<interleaved>} : vector<32xbf16> -> vector<16xf32>
        %add3A_373 = arith.addf %unpack3A_371, %unpack3A_369 : vector<16xf32>
        %max3A_374 = arith.constant 0.000000e+00 : f32
        %max3A_375 = vector.broadcast %max3A_374 : f32 to vector<16xf32>
        %max3A_376 = arith.maximumf %add3A_373, %max3A_375 : vector<16xf32>
        %swap3A_377 = arith.index_cast %scan3A_362 : i32 to index
        %swap3A_378 = arith.constant 0 : index
        %swap3A_379 = tpu.vector_load %arg19[%swap3A_377, %swap3A_378] {strides = array<i32>} : memref<128x64xf32, #tpu.memory_space<vmem>>, vector<16xf32>,
        tpu.vector_store %arg19[%swap3A_377, %swap3A_378], %max3A_376 {strides = array<i32>} : memref<128x64xf32, #tpu.memory_space<vmem>>, vector<16xf32>,
        %add3A_380 = arith.addf %unpack3A_372, %unpack3A_370 : vector<16xf32>
        %max3A_381 = arith.constant 0.000000e+00 : f32
        %max3A_382 = vector.broadcast %max3A_381 : f32 to vector<16xf32>
        %max3A_383 = arith.maximumf %add3A_380, %max3A_382 : vector<16xf32>
        %swap3A_384 = arith.index_cast %scan3A_362 : i32 to index
        %swap3A_385 = arith.constant 16 : index
        %swap3A_386 = tpu.vector_load %arg19[%swap3A_384, %swap3A_385] {strides = array<i32>} : memref<128x64xf32, #tpu.memory_space<vmem>>, vector<16xf32>,
        tpu.vector_store %arg19[%swap3A_384, %swap3A_385], %max3A_383 {strides = array<i32>} : memref<128x64xf32, #tpu.memory_space<vmem>>, vector<16xf32>,
        %get3A_387 = arith.index_cast %scan3A_362 : i32 to index
        %get3A_388 = arith.constant 32 : index
        %get3A_389 = tpu.vector_load %arg11[%get3A_387, %get3A_388] {strides = array<i32>} : memref<128x64xbf16, #tpu.memory_space<vmem>>, vector<32xbf16>,
        %get3A_390 = arith.index_cast %scan3A_362 : i32 to index
        %get3A_391 = arith.constant 32 : index
        %get3A_392 = tpu.vector_load %arg15[%get3A_390, %get3A_391] {strides = array<i32>} : memref<128x64xbf16, #tpu.memory_space<vmem>>, vector<32xbf16>,
        %unpack3A_393 = tpu.unpack_subelements %get3A_389, 0 {pack_format = #tpu.pack_format<interleaved>} : vector<32xbf16> -> vector<16xf32>
        %unpack3A_394 = tpu.unpack_subelements %get3A_389, 1 {pack_format = #tpu.pack_format<interleaved>} : vector<32xbf16> -> vector<16xf32>
        %unpack3A_395 = tpu.unpack_subelements %get3A_392, 0 {pack_format = #tpu.pack_format<interleaved>} : vector<32xbf16> -> vector<16xf32>
        %unpack3A_396 = tpu.unpack_subelements %get3A_392, 1 {pack_format = #tpu.pack_format<interleaved>} : vector<32xbf16> -> vector<16xf32>
        %add3A_397 = arith.addf %unpack3A_395, %unpack3A_393 : vector<16xf32>
        %max3A_398 = arith.constant 0.000000e+00 : f32
        %max3A_399 = vector.broadcast %max3A_398 : f32 to vector<16xf32>
        %max3A_400 = arith.maximumf %add3A_397, %max3A_399 : vector<16xf32>
        %swap3A_401 = arith.index_cast %scan3A_362 : i32 to index
        %swap3A_402 = arith.constant 32 : index
        %swap3A_403 = tpu.vector_load %arg19[%swap3A_401, %swap3A_402] {strides = array<i32>} : memref<128x64xf32, #tpu.memory_space<vmem>>, vector<16xf32>,
        tpu.vector_store %arg19[%swap3A_401, %swap3A_402], %max3A_400 {strides = array<i32>} : memref<128x64xf32, #tpu.memory_space<vmem>>, vector<16xf32>,
        %add3A_404 = arith.addf %unpack3A_396, %unpack3A_394 : vector<16xf32>
        %max3A_405 = arith.constant 0.000000e+00 : f32
        %max3A_406 = vector.broadcast %max3A_405 : f32 to vector<16xf32>
        %max3A_407 = arith.maximumf %add3A_404, %max3A_406 : vector<16xf32>
        %swap3A_408 = arith.index_cast %scan3A_362 : i32 to index
        %swap3A_409 = arith.constant 48 : index
        %swap3A_410 = tpu.vector_load %arg19[%swap3A_408, %swap3A_409] {strides = array<i32>} : memref<128x64xf32, #tpu.memory_space<vmem>>, vector<16xf32>,
        tpu.vector_store %arg19[%swap3A_408, %swap3A_409], %max3A_407 {strides = array<i32>} : memref<128x64xf32, #tpu.memory_space<vmem>>, vector<16xf32>,
      }
      %scan3A_298 = arith.constant 128 : i32
      %mul3A_299 = arith.constant 128 : i32
      %mul3A_300 = arith.muli %add3A_281, %mul3A_299 : i32
      %dma_start3A_301 = tpu.memref_slice %arg7[%mul3A_300] : memref<10240xi32, #tpu.memory_space<vmem>> -> memref<128xi32, #tpu.memory_space<vmem>>
      %dma_start3A_302 = arith.constant 0 : i32
      %dma_start3A_303 = arith.constant 0 : i32
      %dma_start3A_304 = tpu.memref_slice %arg34[%dma_start3A_302, %dma_start3A_303] : memref<10112x64xf32, #tpu.memory_space<vmem_shared>> -> memref<10112x64xf32, #tpu.memory_space<vmem_shared>>
      tpu.enqueue_indirect_dma source(%arg19 : memref<128x64xf32, #tpu.memory_space<vmem>>) target(%dma_start3A_304 : memref<10112x64xf32, #tpu.memory_space<vmem_shared>>) offsets(%dma_start3A_301 : memref<128xi32, #tpu.memory_space<vmem>>) semaphore(%arg33 : memref<!tpu.dma_semaphore, #tpu.memory_space<semaphore_mem>>) {add = true}
      %dma_wait3A_305 = arith.constant 0 : i32
      %dma_wait3A_306 = tpu.memref_slice %arg7[%dma_wait3A_305] : memref<10240xi32, #tpu.memory_space<vmem>> -> memref<128xi32, #tpu.memory_space<vmem>>
      %dma_wait3A_307 = arith.constant 0 : i32
      %dma_wait3A_308 = arith.constant 0 : i32
      %dma_wait3A_309 = tpu.memref_slice %arg34[%dma_wait3A_307, %dma_wait3A_308] : memref<10112x64xf32, #tpu.memory_space<vmem_shared>> -> memref<10112x64xf32, #tpu.memory_space<vmem_shared>>
      tpu.wait_indirect_dma semaphore(%arg31 : memref<!tpu.dma_semaphore, #tpu.memory_space<semaphore_mem>>) src(%arg17 : memref<128x64xf32, #tpu.memory_space<vmem>>) dst(%dma_wait3A_309 : memref<10112x64xf32, #tpu.memory_space<vmem_shared>>)
      %sub3A_310 = arith.constant 1 : i32
      %sub3A_311 = arith.subi %select_n3A, %sub3A_310 : i32
      %lt3A_312 = arith.cmpi slt, %while3A_145, %sub3A_311 : i32
      %convert_element_type3A_313 = arith.extui %lt3A_312 : i1 to i32
      %cond3A_314 = arith.constant 0 : i32
      %cond3A_315 = arith.cmpi ne, %convert_element_type3A_313, %cond3A_314 : i32
      scf.if %cond3A_315 {
        %add3A_316 = arith.constant 2 : i32
        %add3A_317 = arith.addi %add3A_281, %add3A_316 : i32
        %add3A_318 = arith.addi %min3A_3, %add3A_317 : i32
        %mul3A_319 = arith.constant 128 : i32
        %mul3A_320 = arith.muli %add3A_318, %mul3A_319 : i32
        %dma_start3A_321 = arith.constant 64 : i32
        %dma_start3A_322 = tpu.memref_slice %arg3[%mul3A_320, %dma_start3A_321] : memref<320000x128xbf16, #tpu.memory_space<hbm>> -> memref<128x64xbf16, #tpu.memory_space<hbm>>
        %dma_start3A_323 = arith.constant 64 : i32
        %dma_start3A_324 = tpu.memref_slice %arg3[%mul3A_320, %dma_start3A_323] : memref<320000x128xbf16, #tpu.memory_space<hbm>> -> memref<128x64xbf16, #tpu.memory_space<hbm>>
        tpu.enqueue_dma source(%dma_start3A_324 : memref<128x64xbf16, #tpu.memory_space<hbm>>) target(%arg9 : memref<128x64xbf16, #tpu.memory_space<vmem>>) target_semaphore(%arg23 : memref<!tpu.dma_semaphore, #tpu.memory_space<semaphore_mem>>)
        %mul3A_325 = arith.constant 128 : i32
        %mul3A_326 = arith.muli %add3A_317, %mul3A_325 : i32
        %dma_start3A_327 = tpu.memref_slice %arg6[%mul3A_326] : memref<10240xi32, #tpu.memory_space<vmem>> -> memref<128xi32, #tpu.memory_space<vmem>>
        %dma_start3A_328 = arith.constant 0 : i32
        %dma_start3A_329 = arith.constant 0 : i32
        %dma_start3A_330 = tpu.memref_slice %arg2[%dma_start3A_328, %dma_start3A_329] : memref<10000x64xbf16, #tpu.memory_space<hbm>> -> memref<10000x64xbf16, #tpu.memory_space<hbm>>
        tpu.enqueue_indirect_dma source(%dma_start3A_330 : memref<10000x64xbf16, #tpu.memory_space<hbm>>) target(%arg13 : memref<128x64xbf16, #tpu.memory_space<vmem>>) offsets(%dma_start3A_327 : memref<128xi32, #tpu.memory_space<vmem>>) semaphore(%arg27 : memref<!tpu.dma_semaphore, #tpu.memory_space<semaphore_mem>>)
      } else {
      }
    }
    %while3A_126 = arith.constant 1 : i32
    scf.for %while3A_145 = %while3A_124 to %while3A_120 step %while3A_126  : i32 {
      %mul3A_146 = arith.constant 4 : i32
      %mul3A_147 = arith.muli %while3A_145, %mul3A_146 : i32
      %add3A_148 = arith.addi %sub3A, %mul3A_147 : i32
      %add3A_149 = arith.constant 0 : i32
      %add3A_150 = arith.addi %add3A_148, %add3A_149 : i32
      %dma_wait3A_151 = arith.constant 0 : i32
      %dma_wait3A_152 = arith.constant 64 : i32
      %dma_wait3A_153 = tpu.memref_slice %arg3[%dma_wait3A_151, %dma_wait3A_152] : memref<320000x128xbf16, #tpu.memory_space<hbm>> -> memref<128x64xbf16, #tpu.memory_space<hbm>>
      %dma_wait3A_154 = arith.constant 0 : i32
      %dma_wait3A_155 = arith.constant 64 : i32
      %dma_wait3A_156 = tpu.memref_slice %arg3[%dma_wait3A_154, %dma_wait3A_155] : memref<320000x128xbf16, #tpu.memory_space<hbm>> -> memref<128x64xbf16, #tpu.memory_space<hbm>>
      tpu.wait_dma2 semaphore(%arg22 : memref<!tpu.dma_semaphore, #tpu.memory_space<semaphore_mem>>) src(%dma_wait3A_156 : memref<128x64xbf16, #tpu.memory_space<hbm>>) dst(%arg8 : memref<128x64xbf16, #tpu.memory_space<vmem>>)
      %dma_wait3A_157 = arith.constant 0 : i32
      %dma_wait3A_158 = tpu.memref_slice %arg6[%dma_wait3A_157] : memref<10240xi32, #tpu.memory_space<vmem>> -> memref<128xi32, #tpu.memory_space<vmem>>
      %dma_wait3A_159 = arith.constant 0 : i32
      %dma_wait3A_160 = arith.constant 0 : i32
      %dma_wait3A_161 = tpu.memref_slice %arg2[%dma_wait3A_159, %dma_wait3A_160] : memref<10000x64xbf16, #tpu.memory_space<hbm>> -> memref<10000x64xbf16, #tpu.memory_space<hbm>>
      tpu.wait_indirect_dma semaphore(%arg26 : memref<!tpu.dma_semaphore, #tpu.memory_space<semaphore_mem>>) src(%dma_wait3A_161 : memref<10000x64xbf16, #tpu.memory_space<hbm>>) dst(%arg12 : memref<128x64xbf16, #tpu.memory_space<vmem>>)
      %scan3A_162 = arith.constant 0 : i32
      %scan3A_163 = arith.constant 0 : i32
      %scan3A_164 = arith.constant 128 : i32
      %scan3A_165 = arith.addi %scan3A_163, %scan3A_164 : i32
      %scan3A_166 = arith.constant 2 : i32
      scf.for %scan3A_316 = %scan3A_163 to %scan3A_165 step %scan3A_166  : i32 {
        %get3A = arith.index_cast %scan3A_316 : i32 to index
        %get3A_317 = arith.constant 0 : index
        %get3A_318 = tpu.vector_load %arg8[%get3A, %get3A_317] {strides = array<i32>} : memref<128x64xbf16, #tpu.memory_space<vmem>>, vector<32xbf16>,
        %get3A_319 = arith.index_cast %scan3A_316 : i32 to index
        %get3A_320 = arith.constant 0 : index
        %get3A_321 = tpu.vector_load %arg12[%get3A_319, %get3A_320] {strides = array<i32>} : memref<128x64xbf16, #tpu.memory_space<vmem>>, vector<32xbf16>,
        %unpack3A = tpu.unpack_subelements %get3A_318, 0 {pack_format = #tpu.pack_format<interleaved>} : vector<32xbf16> -> vector<16xf32>
        %unpack3A_322 = tpu.unpack_subelements %get3A_318, 1 {pack_format = #tpu.pack_format<interleaved>} : vector<32xbf16> -> vector<16xf32>
        %unpack3A_323 = tpu.unpack_subelements %get3A_321, 0 {pack_format = #tpu.pack_format<interleaved>} : vector<32xbf16> -> vector<16xf32>
        %unpack3A_324 = tpu.unpack_subelements %get3A_321, 1 {pack_format = #tpu.pack_format<interleaved>} : vector<32xbf16> -> vector<16xf32>
        %add3A_325 = arith.addf %unpack3A_323, %unpack3A : vector<16xf32>
        %max3A = arith.constant 0.000000e+00 : f32
        %max3A_326 = vector.broadcast %max3A : f32 to vector<16xf32>
        %max3A_327 = arith.maximumf %add3A_325, %max3A_326 : vector<16xf32>
        %swap3A = arith.index_cast %scan3A_316 : i32 to index
        %swap3A_328 = arith.constant 0 : index
        %swap3A_329 = tpu.vector_load %arg16[%swap3A, %swap3A_328] {strides = array<i32>} : memref<128x64xf32, #tpu.memory_space<vmem>>, vector<16xf32>,
        tpu.vector_store %arg16[%swap3A, %swap3A_328], %max3A_327 {strides = array<i32>} : memref<128x64xf32, #tpu.memory_space<vmem>>, vector<16xf32>,
        %add3A_330 = arith.addf %unpack3A_324, %unpack3A_322 : vector<16xf32>
        %max3A_331 = arith.constant 0.000000e+00 : f32
        %max3A_332 = vector.broadcast %max3A_331 : f32 to vector<16xf32>
        %max3A_333 = arith.maximumf %add3A_330, %max3A_332 : vector<16xf32>
        %swap3A_334 = arith.index_cast %scan3A_316 : i32 to index
        %swap3A_335 = arith.constant 16 : index
        %swap3A_336 = tpu.vector_load %arg16[%swap3A_334, %swap3A_335] {strides = array<i32>} : memref<128x64xf32, #tpu.memory_space<vmem>>, vector<16xf32>,
        tpu.vector_store %arg16[%swap3A_334, %swap3A_335], %max3A_333 {strides = array<i32>} : memref<128x64xf32, #tpu.memory_space<vmem>>, vector<16xf32>,
        %get3A_337 = arith.index_cast %scan3A_316 : i32 to index
        %get3A_338 = arith.constant 32 : index
        %get3A_339 = tpu.vector_load %arg8[%get3A_337, %get3A_338] {strides = array<i32>} : memref<128x64xbf16, #tpu.memory_space<vmem>>, vector<32xbf16>,
        %get3A_340 = arith.index_cast %scan3A_316 : i32 to index
        %get3A_341 = arith.constant 32 : index
        %get3A_342 = tpu.vector_load %arg12[%get3A_340, %get3A_341] {strides = array<i32>} : memref<128x64xbf16, #tpu.memory_space<vmem>>, vector<32xbf16>,
        %unpack3A_343 = tpu.unpack_subelements %get3A_339, 0 {pack_format = #tpu.pack_format<interleaved>} : vector<32xbf16> -> vector<16xf32>
        %unpack3A_344 = tpu.unpack_subelements %get3A_339, 1 {pack_format = #tpu.pack_format<interleaved>} : vector<32xbf16> -> vector<16xf32>
        %unpack3A_345 = tpu.unpack_subelements %get3A_342, 0 {pack_format = #tpu.pack_format<interleaved>} : vector<32xbf16> -> vector<16xf32>
        %unpack3A_346 = tpu.unpack_subelements %get3A_342, 1 {pack_format = #tpu.pack_format<interleaved>} : vector<32xbf16> -> vector<16xf32>
        %add3A_347 = arith.addf %unpack3A_345, %unpack3A_343 : vector<16xf32>
        %max3A_348 = arith.constant 0.000000e+00 : f32
        %max3A_349 = vector.broadcast %max3A_348 : f32 to vector<16xf32>
        %max3A_350 = arith.maximumf %add3A_347, %max3A_349 : vector<16xf32>
        %swap3A_351 = arith.index_cast %scan3A_316 : i32 to index
        %swap3A_352 = arith.constant 32 : index
        %swap3A_353 = tpu.vector_load %arg16[%swap3A_351, %swap3A_352] {strides = array<i32>} : memref<128x64xf32, #tpu.memory_space<vmem>>, vector<16xf32>,
        tpu.vector_store %arg16[%swap3A_351, %swap3A_352], %max3A_350 {strides = array<i32>} : memref<128x64xf32, #tpu.memory_space<vmem>>, vector<16xf32>,
        %add3A_354 = arith.addf %unpack3A_346, %unpack3A_344 : vector<16xf32>
        %max3A_355 = arith.constant 0.000000e+00 : f32
        %max3A_356 = vector.broadcast %max3A_355 : f32 to vector<16xf32>
        %max3A_357 = arith.maximumf %add3A_354, %max3A_356 : vector<16xf32>
        %swap3A_358 = arith.index_cast %scan3A_316 : i32 to index
        %swap3A_359 = arith.constant 48 : index
        %swap3A_360 = tpu.vector_load %arg16[%swap3A_358, %swap3A_359] {strides = array<i32>} : memref<128x64xf32, #tpu.memory_space<vmem>>, vector<16xf32>,
        tpu.vector_store %arg16[%swap3A_358, %swap3A_359], %max3A_357 {strides = array<i32>} : memref<128x64xf32, #tpu.memory_space<vmem>>, vector<16xf32>,
        %scan3A_361 = arith.constant 1 : i32
        %scan3A_362 = arith.addi %scan3A_316, %scan3A_361 : i32
        %get3A_363 = arith.index_cast %scan3A_362 : i32 to index
        %get3A_364 = arith.constant 0 : index
        %get3A_365 = tpu.vector_load %arg8[%get3A_363, %get3A_364] {strides = array<i32>} : memref<128x64xbf16, #tpu.memory_space<vmem>>, vector<32xbf16>,
        %get3A_366 = arith.index_cast %scan3A_362 : i32 to index
        %get3A_367 = arith.constant 0 : index
        %get3A_368 = tpu.vector_load %arg12[%get3A_366, %get3A_367] {strides = array<i32>} : memref<128x64xbf16, #tpu.memory_space<vmem>>, vector<32xbf16>,
        %unpack3A_369 = tpu.unpack_subelements %get3A_365, 0 {pack_format = #tpu.pack_format<interleaved>} : vector<32xbf16> -> vector<16xf32>
        %unpack3A_370 = tpu.unpack_subelements %get3A_365, 1 {pack_format = #tpu.pack_format<interleaved>} : vector<32xbf16> -> vector<16xf32>
        %unpack3A_371 = tpu.unpack_subelements %get3A_368, 0 {pack_format = #tpu.pack_format<interleaved>} : vector<32xbf16> -> vector<16xf32>
        %unpack3A_372 = tpu.unpack_subelements %get3A_368, 1 {pack_format = #tpu.pack_format<interleaved>} : vector<32xbf16> -> vector<16xf32>
        %add3A_373 = arith.addf %unpack3A_371, %unpack3A_369 : vector<16xf32>
        %max3A_374 = arith.constant 0.000000e+00 : f32
        %max3A_375 = vector.broadcast %max3A_374 : f32 to vector<16xf32>
        %max3A_376 = arith.maximumf %add3A_373, %max3A_375 : vector<16xf32>
        %swap3A_377 = arith.index_cast %scan3A_362 : i32 to index
        %swap3A_378 = arith.constant 0 : index
        %swap3A_379 = tpu.vector_load %arg16[%swap3A_377, %swap3A_378] {strides = array<i32>} : memref<128x64xf32, #tpu.memory_space<vmem>>, vector<16xf32>,
        tpu.vector_store %arg16[%swap3A_377, %swap3A_378], %max3A_376 {strides = array<i32>} : memref<128x64xf32, #tpu.memory_space<vmem>>, vector<16xf32>,
        %add3A_380 = arith.addf %unpack3A_372, %unpack3A_370 : vector<16xf32>
        %max3A_381 = arith.constant 0.000000e+00 : f32
        %max3A_382 = vector.broadcast %max3A_381 : f32 to vector<16xf32>
        %max3A_383 = arith.maximumf %add3A_380, %max3A_382 : vector<16xf32>
        %swap3A_384 = arith.index_cast %scan3A_362 : i32 to index
        %swap3A_385 = arith.constant 16 : index
        %swap3A_386 = tpu.vector_load %arg16[%swap3A_384, %swap3A_385] {strides = array<i32>} : memref<128x64xf32, #tpu.memory_space<vmem>>, vector<16xf32>,
        tpu.vector_store %arg16[%swap3A_384, %swap3A_385], %max3A_383 {strides = array<i32>} : memref<128x64xf32, #tpu.memory_space<vmem>>, vector<16xf32>,
        %get3A_387 = arith.index_cast %scan3A_362 : i32 to index
        %get3A_388 = arith.constant 32 : index
        %get3A_389 = tpu.vector_load %arg8[%get3A_387, %get3A_388] {strides = array<i32>} : memref<128x64xbf16, #tpu.memory_space<vmem>>, vector<32xbf16>,
        %get3A_390 = arith.index_cast %scan3A_362 : i32 to index
        %get3A_391 = arith.constant 32 : index
        %get3A_392 = tpu.vector_load %arg12[%get3A_390, %get3A_391] {strides = array<i32>} : memref<128x64xbf16, #tpu.memory_space<vmem>>, vector<32xbf16>,
        %unpack3A_393 = tpu.unpack_subelements %get3A_389, 0 {pack_format = #tpu.pack_format<interleaved>} : vector<32xbf16> -> vector<16xf32>
        %unpack3A_394 = tpu.unpack_subelements %get3A_389, 1 {pack_format = #tpu.pack_format<interleaved>} : vector<32xbf16> -> vector<16xf32>
        %unpack3A_395 = tpu.unpack_subelements %get3A_392, 0 {pack_format = #tpu.pack_format<interleaved>} : vector<32xbf16> -> vector<16xf32>
        %unpack3A_396 = tpu.unpack_subelements %get3A_392, 1 {pack_format = #tpu.pack_format<interleaved>} : vector<32xbf16> -> vector<16xf32>
        %add3A_397 = arith.addf %unpack3A_395, %unpack3A_393 : vector<16xf32>
        %max3A_398 = arith.constant 0.000000e+00 : f32
        %max3A_399 = vector.broadcast %max3A_398 : f32 to vector<16xf32>
        %max3A_400 = arith.maximumf %add3A_397, %max3A_399 : vector<16xf32>
        %swap3A_401 = arith.index_cast %scan3A_362 : i32 to index
        %swap3A_402 = arith.constant 32 : index
        %swap3A_403 = tpu.vector_load %arg16[%swap3A_401, %swap3A_402] {strides = array<i32>} : memref<128x64xf32, #tpu.memory_space<vmem>>, vector<16xf32>,
        tpu.vector_store %arg16[%swap3A_401, %swap3A_402], %max3A_400 {strides = array<i32>} : memref<128x64xf32, #tpu.memory_space<vmem>>, vector<16xf32>,
        %add3A_404 = arith.addf %unpack3A_396, %unpack3A_394 : vector<16xf32>
        %max3A_405 = arith.constant 0.000000e+00 : f32
        %max3A_406 = vector.broadcast %max3A_405 : f32 to vector<16xf32>
        %max3A_407 = arith.maximumf %add3A_404, %max3A_406 : vector<16xf32>
        %swap3A_408 = arith.index_cast %scan3A_362 : i32 to index
        %swap3A_409 = arith.constant 48 : index
        %swap3A_410 = tpu.vector_load %arg16[%swap3A_408, %swap3A_409] {strides = array<i32>} : memref<128x64xf32, #tpu.memory_space<vmem>>, vector<16xf32>,
        tpu.vector_store %arg16[%swap3A_408, %swap3A_409], %max3A_407 {strides = array<i32>} : memref<128x64xf32, #tpu.memory_space<vmem>>, vector<16xf32>,
      }
      %scan3A_167 = arith.constant 128 : i32
      %mul3A_168 = arith.constant 128 : i32
      %mul3A_169 = arith.muli %add3A_150, %mul3A_168 : i32
      %dma_start3A_170 = tpu.memref_slice %arg7[%mul3A_169] : memref<10240xi32, #tpu.memory_space<vmem>> -> memref<128xi32, #tpu.memory_space<vmem>>
      %dma_start3A_171 = arith.constant 0 : i32
      %dma_start3A_172 = arith.constant 0 : i32
      %dma_start3A_173 = tpu.memref_slice %arg34[%dma_start3A_171, %dma_start3A_172] : memref<10112x64xf32, #tpu.memory_space<vmem_shared>> -> memref<10112x64xf32, #tpu.memory_space<vmem_shared>>
      tpu.enqueue_indirect_dma source(%arg16 : memref<128x64xf32, #tpu.memory_space<vmem>>) target(%dma_start3A_173 : memref<10112x64xf32, #tpu.memory_space<vmem_shared>>) offsets(%dma_start3A_170 : memref<128xi32, #tpu.memory_space<vmem>>) semaphore(%arg30 : memref<!tpu.dma_semaphore, #tpu.memory_space<semaphore_mem>>) {add = true}
      %gt3A = arith.constant 0 : i32
      %gt3A_174 = arith.cmpi sgt, %while3A_145, %gt3A : i32
      %convert_element_type3A = arith.extui %gt3A_174 : i1 to i32
      %cond3A = arith.constant 0 : i32
      %cond3A_175 = arith.cmpi ne, %convert_element_type3A, %cond3A : i32
      scf.if %cond3A_175 {
        %dma_wait3A_316 = arith.constant 0 : i32
        %dma_wait3A_317 = tpu.memref_slice %arg7[%dma_wait3A_316] : memref<10240xi32, #tpu.memory_space<vmem>> -> memref<128xi32, #tpu.memory_space<vmem>>
        %dma_wait3A_318 = arith.constant 0 : i32
        %dma_wait3A_319 = arith.constant 0 : i32
        %dma_wait3A_320 = tpu.memref_slice %arg34[%dma_wait3A_318, %dma_wait3A_319] : memref<10112x64xf32, #tpu.memory_space<vmem_shared>> -> memref<10112x64xf32, #tpu.memory_space<vmem_shared>>
        tpu.wait_indirect_dma semaphore(%arg32 : memref<!tpu.dma_semaphore, #tpu.memory_space<semaphore_mem>>) src(%arg18 : memref<128x64xf32, #tpu.memory_space<vmem>>) dst(%dma_wait3A_320 : memref<10112x64xf32, #tpu.memory_space<vmem_shared>>)
      } else {
      }
      %add3A_176 = arith.constant 2 : i32
      %add3A_177 = arith.addi %add3A_150, %add3A_176 : i32
      %add3A_178 = arith.addi %min3A_3, %add3A_177 : i32
      %mul3A_179 = arith.constant 128 : i32
      %mul3A_180 = arith.muli %add3A_178, %mul3A_179 : i32
      %dma_start3A_181 = arith.constant 64 : i32
      %dma_start3A_182 = tpu.memref_slice %arg3[%mul3A_180, %dma_start3A_181] : memref<320000x128xbf16, #tpu.memory_space<hbm>> -> memref<128x64xbf16, #tpu.memory_space<hbm>>
      %dma_start3A_183 = arith.constant 64 : i32
      %dma_start3A_184 = tpu.memref_slice %arg3[%mul3A_180, %dma_start3A_183] : memref<320000x128xbf16, #tpu.memory_space<hbm>> -> memref<128x64xbf16, #tpu.memory_space<hbm>>
      tpu.enqueue_dma source(%dma_start3A_184 : memref<128x64xbf16, #tpu.memory_space<hbm>>) target(%arg10 : memref<128x64xbf16, #tpu.memory_space<vmem>>) target_semaphore(%arg24 : memref<!tpu.dma_semaphore, #tpu.memory_space<semaphore_mem>>)
      %mul3A_185 = arith.constant 128 : i32
      %mul3A_186 = arith.muli %add3A_177, %mul3A_185 : i32
      %dma_start3A_187 = tpu.memref_slice %arg6[%mul3A_186] : memref<10240xi32, #tpu.memory_space<vmem>> -> memref<128xi32, #tpu.memory_space<vmem>>
      %dma_start3A_188 = arith.constant 0 : i32
      %dma_start3A_189 = arith.constant 0 : i32
      %dma_start3A_190 = tpu.memref_slice %arg2[%dma_start3A_188, %dma_start3A_189] : memref<10000x64xbf16, #tpu.memory_space<hbm>> -> memref<10000x64xbf16, #tpu.memory_space<hbm>>
      tpu.enqueue_indirect_dma source(%dma_start3A_190 : memref<10000x64xbf16, #tpu.memory_space<hbm>>) target(%arg14 : memref<128x64xbf16, #tpu.memory_space<vmem>>) offsets(%dma_start3A_187 : memref<128xi32, #tpu.memory_space<vmem>>) semaphore(%arg28 : memref<!tpu.dma_semaphore, #tpu.memory_space<semaphore_mem>>)
      %mul3A_191 = arith.constant 4 : i32
      %mul3A_192 = arith.muli %while3A_145, %mul3A_191 : i32
      %add3A_193 = arith.addi %sub3A, %mul3A_192 : i32
      %add3A_194 = arith.constant 1 : i32
      %add3A_195 = arith.addi %add3A_193, %add3A_194 : i32
      %dma_wait3A_196 = arith.constant 0 : i32
      %dma_wait3A_197 = arith.constant 64 : i32
      %dma_wait3A_198 = tpu.memref_slice %arg3[%dma_wait3A_196, %dma_wait3A_197] : memref<320000x128xbf16, #tpu.memory_space<hbm>> -> memref<128x64xbf16, #tpu.memory_space<hbm>>
      %dma_wait3A_199 = arith.constant 0 : i32
      %dma_wait3A_200 = arith.constant 64 : i32
      %dma_wait3A_201 = tpu.memref_slice %arg3[%dma_wait3A_199, %dma_wait3A_200] : memref<320000x128xbf16, #tpu.memory_space<hbm>> -> memref<128x64xbf16, #tpu.memory_space<hbm>>
      tpu.wait_dma2 semaphore(%arg23 : memref<!tpu.dma_semaphore, #tpu.memory_space<semaphore_mem>>) src(%dma_wait3A_201 : memref<128x64xbf16, #tpu.memory_space<hbm>>) dst(%arg9 : memref<128x64xbf16, #tpu.memory_space<vmem>>)
      %dma_wait3A_202 = arith.constant 0 : i32
      %dma_wait3A_203 = tpu.memref_slice %arg6[%dma_wait3A_202] : memref<10240xi32, #tpu.memory_space<vmem>> -> memref<128xi32, #tpu.memory_space<vmem>>
      %dma_wait3A_204 = arith.constant 0 : i32
      %dma_wait3A_205 = arith.constant 0 : i32
      %dma_wait3A_206 = tpu.memref_slice %arg2[%dma_wait3A_204, %dma_wait3A_205] : memref<10000x64xbf16, #tpu.memory_space<hbm>> -> memref<10000x64xbf16, #tpu.memory_space<hbm>>
      tpu.wait_indirect_dma semaphore(%arg27 : memref<!tpu.dma_semaphore, #tpu.memory_space<semaphore_mem>>) src(%dma_wait3A_206 : memref<10000x64xbf16, #tpu.memory_space<hbm>>) dst(%arg13 : memref<128x64xbf16, #tpu.memory_space<vmem>>)
      %scan3A_207 = arith.constant 0 : i32
      %scan3A_208 = arith.constant 0 : i32
      %scan3A_209 = arith.constant 128 : i32
      %scan3A_210 = arith.addi %scan3A_208, %scan3A_209 : i32
      %scan3A_211 = arith.constant 2 : i32
      scf.for %scan3A_316 = %scan3A_208 to %scan3A_210 step %scan3A_211  : i32 {
        %get3A = arith.index_cast %scan3A_316 : i32 to index
        %get3A_317 = arith.constant 0 : index
        %get3A_318 = tpu.vector_load %arg9[%get3A, %get3A_317] {strides = array<i32>} : memref<128x64xbf16, #tpu.memory_space<vmem>>, vector<32xbf16>,
        %get3A_319 = arith.index_cast %scan3A_316 : i32 to index
        %get3A_320 = arith.constant 0 : index
        %get3A_321 = tpu.vector_load %arg13[%get3A_319, %get3A_320] {strides = array<i32>} : memref<128x64xbf16, #tpu.memory_space<vmem>>, vector<32xbf16>,
        %unpack3A = tpu.unpack_subelements %get3A_318, 0 {pack_format = #tpu.pack_format<interleaved>} : vector<32xbf16> -> vector<16xf32>
        %unpack3A_322 = tpu.unpack_subelements %get3A_318, 1 {pack_format = #tpu.pack_format<interleaved>} : vector<32xbf16> -> vector<16xf32>
        %unpack3A_323 = tpu.unpack_subelements %get3A_321, 0 {pack_format = #tpu.pack_format<interleaved>} : vector<32xbf16> -> vector<16xf32>
        %unpack3A_324 = tpu.unpack_subelements %get3A_321, 1 {pack_format = #tpu.pack_format<interleaved>} : vector<32xbf16> -> vector<16xf32>
        %add3A_325 = arith.addf %unpack3A_323, %unpack3A : vector<16xf32>
        %max3A = arith.constant 0.000000e+00 : f32
        %max3A_326 = vector.broadcast %max3A : f32 to vector<16xf32>
        %max3A_327 = arith.maximumf %add3A_325, %max3A_326 : vector<16xf32>
        %swap3A = arith.index_cast %scan3A_316 : i32 to index
        %swap3A_328 = arith.constant 0 : index
        %swap3A_329 = tpu.vector_load %arg17[%swap3A, %swap3A_328] {strides = array<i32>} : memref<128x64xf32, #tpu.memory_space<vmem>>, vector<16xf32>,
        tpu.vector_store %arg17[%swap3A, %swap3A_328], %max3A_327 {strides = array<i32>} : memref<128x64xf32, #tpu.memory_space<vmem>>, vector<16xf32>,
        %add3A_330 = arith.addf %unpack3A_324, %unpack3A_322 : vector<16xf32>
        %max3A_331 = arith.constant 0.000000e+00 : f32
        %max3A_332 = vector.broadcast %max3A_331 : f32 to vector<16xf32>
        %max3A_333 = arith.maximumf %add3A_330, %max3A_332 : vector<16xf32>
        %swap3A_334 = arith.index_cast %scan3A_316 : i32 to index
        %swap3A_335 = arith.constant 16 : index
        %swap3A_336 = tpu.vector_load %arg17[%swap3A_334, %swap3A_335] {strides = array<i32>} : memref<128x64xf32, #tpu.memory_space<vmem>>, vector<16xf32>,
        tpu.vector_store %arg17[%swap3A_334, %swap3A_335], %max3A_333 {strides = array<i32>} : memref<128x64xf32, #tpu.memory_space<vmem>>, vector<16xf32>,
        %get3A_337 = arith.index_cast %scan3A_316 : i32 to index
        %get3A_338 = arith.constant 32 : index
        %get3A_339 = tpu.vector_load %arg9[%get3A_337, %get3A_338] {strides = array<i32>} : memref<128x64xbf16, #tpu.memory_space<vmem>>, vector<32xbf16>,
        %get3A_340 = arith.index_cast %scan3A_316 : i32 to index
        %get3A_341 = arith.constant 32 : index
        %get3A_342 = tpu.vector_load %arg13[%get3A_340, %get3A_341] {strides = array<i32>} : memref<128x64xbf16, #tpu.memory_space<vmem>>, vector<32xbf16>,
        %unpack3A_343 = tpu.unpack_subelements %get3A_339, 0 {pack_format = #tpu.pack_format<interleaved>} : vector<32xbf16> -> vector<16xf32>
        %unpack3A_344 = tpu.unpack_subelements %get3A_339, 1 {pack_format = #tpu.pack_format<interleaved>} : vector<32xbf16> -> vector<16xf32>
        %unpack3A_345 = tpu.unpack_subelements %get3A_342, 0 {pack_format = #tpu.pack_format<interleaved>} : vector<32xbf16> -> vector<16xf32>
        %unpack3A_346 = tpu.unpack_subelements %get3A_342, 1 {pack_format = #tpu.pack_format<interleaved>} : vector<32xbf16> -> vector<16xf32>
        %add3A_347 = arith.addf %unpack3A_345, %unpack3A_343 : vector<16xf32>
        %max3A_348 = arith.constant 0.000000e+00 : f32
        %max3A_349 = vector.broadcast %max3A_348 : f32 to vector<16xf32>
        %max3A_350 = arith.maximumf %add3A_347, %max3A_349 : vector<16xf32>
        %swap3A_351 = arith.index_cast %scan3A_316 : i32 to index
        %swap3A_352 = arith.constant 32 : index
        %swap3A_353 = tpu.vector_load %arg17[%swap3A_351, %swap3A_352] {strides = array<i32>} : memref<128x64xf32, #tpu.memory_space<vmem>>, vector<16xf32>,
        tpu.vector_store %arg17[%swap3A_351, %swap3A_352], %max3A_350 {strides = array<i32>} : memref<128x64xf32, #tpu.memory_space<vmem>>, vector<16xf32>,
        %add3A_354 = arith.addf %unpack3A_346, %unpack3A_344 : vector<16xf32>
        %max3A_355 = arith.constant 0.000000e+00 : f32
        %max3A_356 = vector.broadcast %max3A_355 : f32 to vector<16xf32>
        %max3A_357 = arith.maximumf %add3A_354, %max3A_356 : vector<16xf32>
        %swap3A_358 = arith.index_cast %scan3A_316 : i32 to index
        %swap3A_359 = arith.constant 48 : index
        %swap3A_360 = tpu.vector_load %arg17[%swap3A_358, %swap3A_359] {strides = array<i32>} : memref<128x64xf32, #tpu.memory_space<vmem>>, vector<16xf32>,
        tpu.vector_store %arg17[%swap3A_358, %swap3A_359], %max3A_357 {strides = array<i32>} : memref<128x64xf32, #tpu.memory_space<vmem>>, vector<16xf32>,
        %scan3A_361 = arith.constant 1 : i32
        %scan3A_362 = arith.addi %scan3A_316, %scan3A_361 : i32
        %get3A_363 = arith.index_cast %scan3A_362 : i32 to index
        %get3A_364 = arith.constant 0 : index
        %get3A_365 = tpu.vector_load %arg9[%get3A_363, %get3A_364] {strides = array<i32>} : memref<128x64xbf16, #tpu.memory_space<vmem>>, vector<32xbf16>,
        %get3A_366 = arith.index_cast %scan3A_362 : i32 to index
        %get3A_367 = arith.constant 0 : index
        %get3A_368 = tpu.vector_load %arg13[%get3A_366, %get3A_367] {strides = array<i32>} : memref<128x64xbf16, #tpu.memory_space<vmem>>, vector<32xbf16>,
        %unpack3A_369 = tpu.unpack_subelements %get3A_365, 0 {pack_format = #tpu.pack_format<interleaved>} : vector<32xbf16> -> vector<16xf32>
        %unpack3A_370 = tpu.unpack_subelements %get3A_365, 1 {pack_format = #tpu.pack_format<interleaved>} : vector<32xbf16> -> vector<16xf32>
        %unpack3A_371 = tpu.unpack_subelements %get3A_368, 0 {pack_format = #tpu.pack_format<interleaved>} : vector<32xbf16> -> vector<16xf32>
        %unpack3A_372 = tpu.unpack_subelements %get3A_368, 1 {pack_format = #tpu.pack_format<interleaved>} : vector<32xbf16> -> vector<16xf32>
        %add3A_373 = arith.addf %unpack3A_371, %unpack3A_369 : vector<16xf32>
        %max3A_374 = arith.constant 0.000000e+00 : f32
        %max3A_375 = vector.broadcast %max3A_374 : f32 to vector<16xf32>
        %max3A_376 = arith.maximumf %add3A_373, %max3A_375 : vector<16xf32>
        %swap3A_377 = arith.index_cast %scan3A_362 : i32 to index
        %swap3A_378 = arith.constant 0 : index
        %swap3A_379 = tpu.vector_load %arg17[%swap3A_377, %swap3A_378] {strides = array<i32>} : memref<128x64xf32, #tpu.memory_space<vmem>>, vector<16xf32>,
        tpu.vector_store %arg17[%swap3A_377, %swap3A_378], %max3A_376 {strides = array<i32>} : memref<128x64xf32, #tpu.memory_space<vmem>>, vector<16xf32>,
        %add3A_380 = arith.addf %unpack3A_372, %unpack3A_370 : vector<16xf32>
        %max3A_381 = arith.constant 0.000000e+00 : f32
        %max3A_382 = vector.broadcast %max3A_381 : f32 to vector<16xf32>
        %max3A_383 = arith.maximumf %add3A_380, %max3A_382 : vector<16xf32>
        %swap3A_384 = arith.index_cast %scan3A_362 : i32 to index
        %swap3A_385 = arith.constant 16 : index
        %swap3A_386 = tpu.vector_load %arg17[%swap3A_384, %swap3A_385] {strides = array<i32>} : memref<128x64xf32, #tpu.memory_space<vmem>>, vector<16xf32>,
        tpu.vector_store %arg17[%swap3A_384, %swap3A_385], %max3A_383 {strides = array<i32>} : memref<128x64xf32, #tpu.memory_space<vmem>>, vector<16xf32>,
        %get3A_387 = arith.index_cast %scan3A_362 : i32 to index
        %get3A_388 = arith.constant 32 : index
        %get3A_389 = tpu.vector_load %arg9[%get3A_387, %get3A_388] {strides = array<i32>} : memref<128x64xbf16, #tpu.memory_space<vmem>>, vector<32xbf16>,
        %get3A_390 = arith.index_cast %scan3A_362 : i32 to index
        %get3A_391 = arith.constant 32 : index
        %get3A_392 = tpu.vector_load %arg13[%get3A_390, %get3A_391] {strides = array<i32>} : memref<128x64xbf16, #tpu.memory_space<vmem>>, vector<32xbf16>,
        %unpack3A_393 = tpu.unpack_subelements %get3A_389, 0 {pack_format = #tpu.pack_format<interleaved>} : vector<32xbf16> -> vector<16xf32>
        %unpack3A_394 = tpu.unpack_subelements %get3A_389, 1 {pack_format = #tpu.pack_format<interleaved>} : vector<32xbf16> -> vector<16xf32>
        %unpack3A_395 = tpu.unpack_subelements %get3A_392, 0 {pack_format = #tpu.pack_format<interleaved>} : vector<32xbf16> -> vector<16xf32>
        %unpack3A_396 = tpu.unpack_subelements %get3A_392, 1 {pack_format = #tpu.pack_format<interleaved>} : vector<32xbf16> -> vector<16xf32>
        %add3A_397 = arith.addf %unpack3A_395, %unpack3A_393 : vector<16xf32>
        %max3A_398 = arith.constant 0.000000e+00 : f32
        %max3A_399 = vector.broadcast %max3A_398 : f32 to vector<16xf32>
        %max3A_400 = arith.maximumf %add3A_397, %max3A_399 : vector<16xf32>
        %swap3A_401 = arith.index_cast %scan3A_362 : i32 to index
        %swap3A_402 = arith.constant 32 : index
        %swap3A_403 = tpu.vector_load %arg17[%swap3A_401, %swap3A_402] {strides = array<i32>} : memref<128x64xf32, #tpu.memory_space<vmem>>, vector<16xf32>,
        tpu.vector_store %arg17[%swap3A_401, %swap3A_402], %max3A_400 {strides = array<i32>} : memref<128x64xf32, #tpu.memory_space<vmem>>, vector<16xf32>,
        %add3A_404 = arith.addf %unpack3A_396, %unpack3A_394 : vector<16xf32>
        %max3A_405 = arith.constant 0.000000e+00 : f32
        %max3A_406 = vector.broadcast %max3A_405 : f32 to vector<16xf32>
        %max3A_407 = arith.maximumf %add3A_404, %max3A_406 : vector<16xf32>
        %swap3A_408 = arith.index_cast %scan3A_362 : i32 to index
        %swap3A_409 = arith.constant 48 : index
        %swap3A_410 = tpu.vector_load %arg17[%swap3A_408, %swap3A_409] {strides = array<i32>} : memref<128x64xf32, #tpu.memory_space<vmem>>, vector<16xf32>,
        tpu.vector_store %arg17[%swap3A_408, %swap3A_409], %max3A_407 {strides = array<i32>} : memref<128x64xf32, #tpu.memory_space<vmem>>, vector<16xf32>,
      }
      %scan3A_212 = arith.constant 128 : i32
      %mul3A_213 = arith.constant 128 : i32
      %mul3A_214 = arith.muli %add3A_195, %mul3A_213 : i32
      %dma_start3A_215 = tpu.memref_slice %arg7[%mul3A_214] : memref<10240xi32, #tpu.memory_space<vmem>> -> memref<128xi32, #tpu.memory_space<vmem>>
      %dma_start3A_216 = arith.constant 0 : i32
      %dma_start3A_217 = arith.constant 0 : i32
      %dma_start3A_218 = tpu.memref_slice %arg34[%dma_start3A_216, %dma_start3A_217] : memref<10112x64xf32, #tpu.memory_space<vmem_shared>> -> memref<10112x64xf32, #tpu.memory_space<vmem_shared>>
      tpu.enqueue_indirect_dma source(%arg17 : memref<128x64xf32, #tpu.memory_space<vmem>>) target(%dma_start3A_218 : memref<10112x64xf32, #tpu.memory_space<vmem_shared>>) offsets(%dma_start3A_215 : memref<128xi32, #tpu.memory_space<vmem>>) semaphore(%arg31 : memref<!tpu.dma_semaphore, #tpu.memory_space<semaphore_mem>>) {add = true}
      %gt3A_219 = arith.constant 0 : i32
      %gt3A_220 = arith.cmpi sgt, %while3A_145, %gt3A_219 : i32
      %convert_element_type3A_221 = arith.extui %gt3A_220 : i1 to i32
      %cond3A_222 = arith.constant 0 : i32
      %cond3A_223 = arith.cmpi ne, %convert_element_type3A_221, %cond3A_222 : i32
      scf.if %cond3A_223 {
        %dma_wait3A_316 = arith.constant 0 : i32
        %dma_wait3A_317 = tpu.memref_slice %arg7[%dma_wait3A_316] : memref<10240xi32, #tpu.memory_space<vmem>> -> memref<128xi32, #tpu.memory_space<vmem>>
        %dma_wait3A_318 = arith.constant 0 : i32
        %dma_wait3A_319 = arith.constant 0 : i32
        %dma_wait3A_320 = tpu.memref_slice %arg34[%dma_wait3A_318, %dma_wait3A_319] : memref<10112x64xf32, #tpu.memory_space<vmem_shared>> -> memref<10112x64xf32, #tpu.memory_space<vmem_shared>>
        tpu.wait_indirect_dma semaphore(%arg33 : memref<!tpu.dma_semaphore, #tpu.memory_space<semaphore_mem>>) src(%arg19 : memref<128x64xf32, #tpu.memory_space<vmem>>) dst(%dma_wait3A_320 : memref<10112x64xf32, #tpu.memory_space<vmem_shared>>)
      } else {
      }
      %add3A_224 = arith.constant 2 : i32
      %add3A_225 = arith.addi %add3A_195, %add3A_224 : i32
      %add3A_226 = arith.addi %min3A_3, %add3A_225 : i32
      %mul3A_227 = arith.constant 128 : i32
      %mul3A_228 = arith.muli %add3A_226, %mul3A_227 : i32
      %dma_start3A_229 = arith.constant 64 : i32
      %dma_start3A_230 = tpu.memref_slice %arg3[%mul3A_228, %dma_start3A_229] : memref<320000x128xbf16, #tpu.memory_space<hbm>> -> memref<128x64xbf16, #tpu.memory_space<hbm>>
      %dma_start3A_231 = arith.constant 64 : i32
      %dma_start3A_232 = tpu.memref_slice %arg3[%mul3A_228, %dma_start3A_231] : memref<320000x128xbf16, #tpu.memory_space<hbm>> -> memref<128x64xbf16, #tpu.memory_space<hbm>>
      tpu.enqueue_dma source(%dma_start3A_232 : memref<128x64xbf16, #tpu.memory_space<hbm>>) target(%arg11 : memref<128x64xbf16, #tpu.memory_space<vmem>>) target_semaphore(%arg25 : memref<!tpu.dma_semaphore, #tpu.memory_space<semaphore_mem>>)
      %mul3A_233 = arith.constant 128 : i32
      %mul3A_234 = arith.muli %add3A_225, %mul3A_233 : i32
      %dma_start3A_235 = tpu.memref_slice %arg6[%mul3A_234] : memref<10240xi32, #tpu.memory_space<vmem>> -> memref<128xi32, #tpu.memory_space<vmem>>
      %dma_start3A_236 = arith.constant 0 : i32
      %dma_start3A_237 = arith.constant 0 : i32
      %dma_start3A_238 = tpu.memref_slice %arg2[%dma_start3A_236, %dma_start3A_237] : memref<10000x64xbf16, #tpu.memory_space<hbm>> -> memref<10000x64xbf16, #tpu.memory_space<hbm>>
      tpu.enqueue_indirect_dma source(%dma_start3A_238 : memref<10000x64xbf16, #tpu.memory_space<hbm>>) target(%arg15 : memref<128x64xbf16, #tpu.memory_space<vmem>>) offsets(%dma_start3A_235 : memref<128xi32, #tpu.memory_space<vmem>>) semaphore(%arg29 : memref<!tpu.dma_semaphore, #tpu.memory_space<semaphore_mem>>)
      %mul3A_239 = arith.constant 4 : i32
      %mul3A_240 = arith.muli %while3A_145, %mul3A_239 : i32
      %add3A_241 = arith.addi %sub3A, %mul3A_240 : i32
      %add3A_242 = arith.constant 2 : i32
      %add3A_243 = arith.addi %add3A_241, %add3A_242 : i32
      %dma_wait3A_244 = arith.constant 0 : i32
      %dma_wait3A_245 = arith.constant 64 : i32
      %dma_wait3A_246 = tpu.memref_slice %arg3[%dma_wait3A_244, %dma_wait3A_245] : memref<320000x128xbf16, #tpu.memory_space<hbm>> -> memref<128x64xbf16, #tpu.memory_space<hbm>>
      %dma_wait3A_247 = arith.constant 0 : i32
      %dma_wait3A_248 = arith.constant 64 : i32
      %dma_wait3A_249 = tpu.memref_slice %arg3[%dma_wait3A_247, %dma_wait3A_248] : memref<320000x128xbf16, #tpu.memory_space<hbm>> -> memref<128x64xbf16, #tpu.memory_space<hbm>>
      tpu.wait_dma2 semaphore(%arg24 : memref<!tpu.dma_semaphore, #tpu.memory_space<semaphore_mem>>) src(%dma_wait3A_249 : memref<128x64xbf16, #tpu.memory_space<hbm>>) dst(%arg10 : memref<128x64xbf16, #tpu.memory_space<vmem>>)
      %dma_wait3A_250 = arith.constant 0 : i32
      %dma_wait3A_251 = tpu.memref_slice %arg6[%dma_wait3A_250] : memref<10240xi32, #tpu.memory_space<vmem>> -> memref<128xi32, #tpu.memory_space<vmem>>
      %dma_wait3A_252 = arith.constant 0 : i32
      %dma_wait3A_253 = arith.constant 0 : i32
      %dma_wait3A_254 = tpu.memref_slice %arg2[%dma_wait3A_252, %dma_wait3A_253] : memref<10000x64xbf16, #tpu.memory_space<hbm>> -> memref<10000x64xbf16, #tpu.memory_space<hbm>>
      tpu.wait_indirect_dma semaphore(%arg28 : memref<!tpu.dma_semaphore, #tpu.memory_space<semaphore_mem>>) src(%dma_wait3A_254 : memref<10000x64xbf16, #tpu.memory_space<hbm>>) dst(%arg14 : memref<128x64xbf16, #tpu.memory_space<vmem>>)
      %scan3A_255 = arith.constant 0 : i32
      %scan3A_256 = arith.constant 0 : i32
      %scan3A_257 = arith.constant 128 : i32
      %scan3A_258 = arith.addi %scan3A_256, %scan3A_257 : i32
      %scan3A_259 = arith.constant 2 : i32
      scf.for %scan3A_316 = %scan3A_256 to %scan3A_258 step %scan3A_259  : i32 {
        %get3A = arith.index_cast %scan3A_316 : i32 to index
        %get3A_317 = arith.constant 0 : index
        %get3A_318 = tpu.vector_load %arg10[%get3A, %get3A_317] {strides = array<i32>} : memref<128x64xbf16, #tpu.memory_space<vmem>>, vector<32xbf16>,
        %get3A_319 = arith.index_cast %scan3A_316 : i32 to index
        %get3A_320 = arith.constant 0 : index
        %get3A_321 = tpu.vector_load %arg14[%get3A_319, %get3A_320] {strides = array<i32>} : memref<128x64xbf16, #tpu.memory_space<vmem>>, vector<32xbf16>,
        %unpack3A = tpu.unpack_subelements %get3A_318, 0 {pack_format = #tpu.pack_format<interleaved>} : vector<32xbf16> -> vector<16xf32>
        %unpack3A_322 = tpu.unpack_subelements %get3A_318, 1 {pack_format = #tpu.pack_format<interleaved>} : vector<32xbf16> -> vector<16xf32>
        %unpack3A_323 = tpu.unpack_subelements %get3A_321, 0 {pack_format = #tpu.pack_format<interleaved>} : vector<32xbf16> -> vector<16xf32>
        %unpack3A_324 = tpu.unpack_subelements %get3A_321, 1 {pack_format = #tpu.pack_format<interleaved>} : vector<32xbf16> -> vector<16xf32>
        %add3A_325 = arith.addf %unpack3A_323, %unpack3A : vector<16xf32>
        %max3A = arith.constant 0.000000e+00 : f32
        %max3A_326 = vector.broadcast %max3A : f32 to vector<16xf32>
        %max3A_327 = arith.maximumf %add3A_325, %max3A_326 : vector<16xf32>
        %swap3A = arith.index_cast %scan3A_316 : i32 to index
        %swap3A_328 = arith.constant 0 : index
        %swap3A_329 = tpu.vector_load %arg18[%swap3A, %swap3A_328] {strides = array<i32>} : memref<128x64xf32, #tpu.memory_space<vmem>>, vector<16xf32>,
        tpu.vector_store %arg18[%swap3A, %swap3A_328], %max3A_327 {strides = array<i32>} : memref<128x64xf32, #tpu.memory_space<vmem>>, vector<16xf32>,
        %add3A_330 = arith.addf %unpack3A_324, %unpack3A_322 : vector<16xf32>
        %max3A_331 = arith.constant 0.000000e+00 : f32
        %max3A_332 = vector.broadcast %max3A_331 : f32 to vector<16xf32>
        %max3A_333 = arith.maximumf %add3A_330, %max3A_332 : vector<16xf32>
        %swap3A_334 = arith.index_cast %scan3A_316 : i32 to index
        %swap3A_335 = arith.constant 16 : index
        %swap3A_336 = tpu.vector_load %arg18[%swap3A_334, %swap3A_335] {strides = array<i32>} : memref<128x64xf32, #tpu.memory_space<vmem>>, vector<16xf32>,
        tpu.vector_store %arg18[%swap3A_334, %swap3A_335], %max3A_333 {strides = array<i32>} : memref<128x64xf32, #tpu.memory_space<vmem>>, vector<16xf32>,
        %get3A_337 = arith.index_cast %scan3A_316 : i32 to index
        %get3A_338 = arith.constant 32 : index
        %get3A_339 = tpu.vector_load %arg10[%get3A_337, %get3A_338] {strides = array<i32>} : memref<128x64xbf16, #tpu.memory_space<vmem>>, vector<32xbf16>,
        %get3A_340 = arith.index_cast %scan3A_316 : i32 to index
        %get3A_341 = arith.constant 32 : index
        %get3A_342 = tpu.vector_load %arg14[%get3A_340, %get3A_341] {strides = array<i32>} : memref<128x64xbf16, #tpu.memory_space<vmem>>, vector<32xbf16>,
        %unpack3A_343 = tpu.unpack_subelements %get3A_339, 0 {pack_format = #tpu.pack_format<interleaved>} : vector<32xbf16> -> vector<16xf32>
        %unpack3A_344 = tpu.unpack_subelements %get3A_339, 1 {pack_format = #tpu.pack_format<interleaved>} : vector<32xbf16> -> vector<16xf32>
        %unpack3A_345 = tpu.unpack_subelements %get3A_342, 0 {pack_format = #tpu.pack_format<interleaved>} : vector<32xbf16> -> vector<16xf32>
        %unpack3A_346 = tpu.unpack_subelements %get3A_342, 1 {pack_format = #tpu.pack_format<interleaved>} : vector<32xbf16> -> vector<16xf32>
        %add3A_347 = arith.addf %unpack3A_345, %unpack3A_343 : vector<16xf32>
        %max3A_348 = arith.constant 0.000000e+00 : f32
        %max3A_349 = vector.broadcast %max3A_348 : f32 to vector<16xf32>
        %max3A_350 = arith.maximumf %add3A_347, %max3A_349 : vector<16xf32>
        %swap3A_351 = arith.index_cast %scan3A_316 : i32 to index
        %swap3A_352 = arith.constant 32 : index
        %swap3A_353 = tpu.vector_load %arg18[%swap3A_351, %swap3A_352] {strides = array<i32>} : memref<128x64xf32, #tpu.memory_space<vmem>>, vector<16xf32>,
        tpu.vector_store %arg18[%swap3A_351, %swap3A_352], %max3A_350 {strides = array<i32>} : memref<128x64xf32, #tpu.memory_space<vmem>>, vector<16xf32>,
        %add3A_354 = arith.addf %unpack3A_346, %unpack3A_344 : vector<16xf32>
        %max3A_355 = arith.constant 0.000000e+00 : f32
        %max3A_356 = vector.broadcast %max3A_355 : f32 to vector<16xf32>
        %max3A_357 = arith.maximumf %add3A_354, %max3A_356 : vector<16xf32>
        %swap3A_358 = arith.index_cast %scan3A_316 : i32 to index
        %swap3A_359 = arith.constant 48 : index
        %swap3A_360 = tpu.vector_load %arg18[%swap3A_358, %swap3A_359] {strides = array<i32>} : memref<128x64xf32, #tpu.memory_space<vmem>>, vector<16xf32>,
        tpu.vector_store %arg18[%swap3A_358, %swap3A_359], %max3A_357 {strides = array<i32>} : memref<128x64xf32, #tpu.memory_space<vmem>>, vector<16xf32>,
        %scan3A_361 = arith.constant 1 : i32
        %scan3A_362 = arith.addi %scan3A_316, %scan3A_361 : i32
        %get3A_363 = arith.index_cast %scan3A_362 : i32 to index
        %get3A_364 = arith.constant 0 : index
        %get3A_365 = tpu.vector_load %arg10[%get3A_363, %get3A_364] {strides = array<i32>} : memref<128x64xbf16, #tpu.memory_space<vmem>>, vector<32xbf16>,
        %get3A_366 = arith.index_cast %scan3A_362 : i32 to index
        %get3A_367 = arith.constant 0 : index
        %get3A_368 = tpu.vector_load %arg14[%get3A_366, %get3A_367] {strides = array<i32>} : memref<128x64xbf16, #tpu.memory_space<vmem>>, vector<32xbf16>,
        %unpack3A_369 = tpu.unpack_subelements %get3A_365, 0 {pack_format = #tpu.pack_format<interleaved>} : vector<32xbf16> -> vector<16xf32>
        %unpack3A_370 = tpu.unpack_subelements %get3A_365, 1 {pack_format = #tpu.pack_format<interleaved>} : vector<32xbf16> -> vector<16xf32>
        %unpack3A_371 = tpu.unpack_subelements %get3A_368, 0 {pack_format = #tpu.pack_format<interleaved>} : vector<32xbf16> -> vector<16xf32>
        %unpack3A_372 = tpu.unpack_subelements %get3A_368, 1 {pack_format = #tpu.pack_format<interleaved>} : vector<32xbf16> -> vector<16xf32>
        %add3A_373 = arith.addf %unpack3A_371, %unpack3A_369 : vector<16xf32>
        %max3A_374 = arith.constant 0.000000e+00 : f32
        %max3A_375 = vector.broadcast %max3A_374 : f32 to vector<16xf32>
        %max3A_376 = arith.maximumf %add3A_373, %max3A_375 : vector<16xf32>
        %swap3A_377 = arith.index_cast %scan3A_362 : i32 to index
        %swap3A_378 = arith.constant 0 : index
        %swap3A_379 = tpu.vector_load %arg18[%swap3A_377, %swap3A_378] {strides = array<i32>} : memref<128x64xf32, #tpu.memory_space<vmem>>, vector<16xf32>,
        tpu.vector_store %arg18[%swap3A_377, %swap3A_378], %max3A_376 {strides = array<i32>} : memref<128x64xf32, #tpu.memory_space<vmem>>, vector<16xf32>,
        %add3A_380 = arith.addf %unpack3A_372, %unpack3A_370 : vector<16xf32>
        %max3A_381 = arith.constant 0.000000e+00 : f32
        %max3A_382 = vector.broadcast %max3A_381 : f32 to vector<16xf32>
        %max3A_383 = arith.maximumf %add3A_380, %max3A_382 : vector<16xf32>
        %swap3A_384 = arith.index_cast %scan3A_362 : i32 to index
        %swap3A_385 = arith.constant 16 : index
        %swap3A_386 = tpu.vector_load %arg18[%swap3A_384, %swap3A_385] {strides = array<i32>} : memref<128x64xf32, #tpu.memory_space<vmem>>, vector<16xf32>,
        tpu.vector_store %arg18[%swap3A_384, %swap3A_385], %max3A_383 {strides = array<i32>} : memref<128x64xf32, #tpu.memory_space<vmem>>, vector<16xf32>,
        %get3A_387 = arith.index_cast %scan3A_362 : i32 to index
        %get3A_388 = arith.constant 32 : index
        %get3A_389 = tpu.vector_load %arg10[%get3A_387, %get3A_388] {strides = array<i32>} : memref<128x64xbf16, #tpu.memory_space<vmem>>, vector<32xbf16>,
        %get3A_390 = arith.index_cast %scan3A_362 : i32 to index
        %get3A_391 = arith.constant 32 : index
        %get3A_392 = tpu.vector_load %arg14[%get3A_390, %get3A_391] {strides = array<i32>} : memref<128x64xbf16, #tpu.memory_space<vmem>>, vector<32xbf16>,
        %unpack3A_393 = tpu.unpack_subelements %get3A_389, 0 {pack_format = #tpu.pack_format<interleaved>} : vector<32xbf16> -> vector<16xf32>
        %unpack3A_394 = tpu.unpack_subelements %get3A_389, 1 {pack_format = #tpu.pack_format<interleaved>} : vector<32xbf16> -> vector<16xf32>
        %unpack3A_395 = tpu.unpack_subelements %get3A_392, 0 {pack_format = #tpu.pack_format<interleaved>} : vector<32xbf16> -> vector<16xf32>
        %unpack3A_396 = tpu.unpack_subelements %get3A_392, 1 {pack_format = #tpu.pack_format<interleaved>} : vector<32xbf16> -> vector<16xf32>
        %add3A_397 = arith.addf %unpack3A_395, %unpack3A_393 : vector<16xf32>
        %max3A_398 = arith.constant 0.000000e+00 : f32
        %max3A_399 = vector.broadcast %max3A_398 : f32 to vector<16xf32>
        %max3A_400 = arith.maximumf %add3A_397, %max3A_399 : vector<16xf32>
        %swap3A_401 = arith.index_cast %scan3A_362 : i32 to index
        %swap3A_402 = arith.constant 32 : index
        %swap3A_403 = tpu.vector_load %arg18[%swap3A_401, %swap3A_402] {strides = array<i32>} : memref<128x64xf32, #tpu.memory_space<vmem>>, vector<16xf32>,
        tpu.vector_store %arg18[%swap3A_401, %swap3A_402], %max3A_400 {strides = array<i32>} : memref<128x64xf32, #tpu.memory_space<vmem>>, vector<16xf32>,
        %add3A_404 = arith.addf %unpack3A_396, %unpack3A_394 : vector<16xf32>
        %max3A_405 = arith.constant 0.000000e+00 : f32
        %max3A_406 = vector.broadcast %max3A_405 : f32 to vector<16xf32>
        %max3A_407 = arith.maximumf %add3A_404, %max3A_406 : vector<16xf32>
        %swap3A_408 = arith.index_cast %scan3A_362 : i32 to index
        %swap3A_409 = arith.constant 48 : index
        %swap3A_410 = tpu.vector_load %arg18[%swap3A_408, %swap3A_409] {strides = array<i32>} : memref<128x64xf32, #tpu.memory_space<vmem>>, vector<16xf32>,
        tpu.vector_store %arg18[%swap3A_408, %swap3A_409], %max3A_407 {strides = array<i32>} : memref<128x64xf32, #tpu.memory_space<vmem>>, vector<16xf32>,
      }
      %scan3A_260 = arith.constant 128 : i32
      %mul3A_261 = arith.constant 128 : i32
      %mul3A_262 = arith.muli %add3A_243, %mul3A_261 : i32
      %dma_start3A_263 = tpu.memref_slice %arg7[%mul3A_262] : memref<10240xi32, #tpu.memory_space<vmem>> -> memref<128xi32, #tpu.memory_space<vmem>>
      %dma_start3A_264 = arith.constant 0 : i32
      %dma_start3A_265 = arith.constant 0 : i32
      %dma_start3A_266 = tpu.memref_slice %arg34[%dma_start3A_264, %dma_start3A_265] : memref<10112x64xf32, #tpu.memory_space<vmem_shared>> -> memref<10112x64xf32, #tpu.memory_space<vmem_shared>>
      tpu.enqueue_indirect_dma source(%arg18 : memref<128x64xf32, #tpu.memory_space<vmem>>) target(%dma_start3A_266 : memref<10112x64xf32, #tpu.memory_space<vmem_shared>>) offsets(%dma_start3A_263 : memref<128xi32, #tpu.memory_space<vmem>>) semaphore(%arg32 : memref<!tpu.dma_semaphore, #tpu.memory_space<semaphore_mem>>) {add = true}
      %dma_wait3A_267 = arith.constant 0 : i32
      %dma_wait3A_268 = tpu.memref_slice %arg7[%dma_wait3A_267] : memref<10240xi32, #tpu.memory_space<vmem>> -> memref<128xi32, #tpu.memory_space<vmem>>
      %dma_wait3A_269 = arith.constant 0 : i32
      %dma_wait3A_270 = arith.constant 0 : i32
      %dma_wait3A_271 = tpu.memref_slice %arg34[%dma_wait3A_269, %dma_wait3A_270] : memref<10112x64xf32, #tpu.memory_space<vmem_shared>> -> memref<10112x64xf32, #tpu.memory_space<vmem_shared>>
      tpu.wait_indirect_dma semaphore(%arg30 : memref<!tpu.dma_semaphore, #tpu.memory_space<semaphore_mem>>) src(%arg16 : memref<128x64xf32, #tpu.memory_space<vmem>>) dst(%dma_wait3A_271 : memref<10112x64xf32, #tpu.memory_space<vmem_shared>>)
      %sub3A_272 = arith.constant 1 : i32
      %sub3A_273 = arith.subi %select_n3A, %sub3A_272 : i32
      %lt3A = arith.cmpi slt, %while3A_145, %sub3A_273 : i32
      %convert_element_type3A_274 = arith.extui %lt3A : i1 to i32
      %cond3A_275 = arith.constant 0 : i32
      %cond3A_276 = arith.cmpi ne, %convert_element_type3A_274, %cond3A_275 : i32
      scf.if %cond3A_276 {
        %add3A_316 = arith.constant 2 : i32
        %add3A_317 = arith.addi %add3A_243, %add3A_316 : i32
        %add3A_318 = arith.addi %min3A_3, %add3A_317 : i32
        %mul3A_319 = arith.constant 128 : i32
        %mul3A_320 = arith.muli %add3A_318, %mul3A_319 : i32
        %dma_start3A_321 = arith.constant 64 : i32
        %dma_start3A_322 = tpu.memref_slice %arg3[%mul3A_320, %dma_start3A_321] : memref<320000x128xbf16, #tpu.memory_space<hbm>> -> memref<128x64xbf16, #tpu.memory_space<hbm>>
        %dma_start3A_323 = arith.constant 64 : i32
        %dma_start3A_324 = tpu.memref_slice %arg3[%mul3A_320, %dma_start3A_323] : memref<320000x128xbf16, #tpu.memory_space<hbm>> -> memref<128x64xbf16, #tpu.memory_space<hbm>>
        tpu.enqueue_dma source(%dma_start3A_324 : memref<128x64xbf16, #tpu.memory_space<hbm>>) target(%arg8 : memref<128x64xbf16, #tpu.memory_space<vmem>>) target_semaphore(%arg22 : memref<!tpu.dma_semaphore, #tpu.memory_space<semaphore_mem>>)
        %mul3A_325 = arith.constant 128 : i32
        %mul3A_326 = arith.muli %add3A_317, %mul3A_325 : i32
        %dma_start3A_327 = tpu.memref_slice %arg6[%mul3A_326] : memref<10240xi32, #tpu.memory_space<vmem>> -> memref<128xi32, #tpu.memory_space<vmem>>
        %dma_start3A_328 = arith.constant 0 : i32
        %dma_start3A_329 = arith.constant 0 : i32
        %dma_start3A_330 = tpu.memref_slice %arg2[%dma_start3A_328, %dma_start3A_329] : memref<10000x64xbf16, #tpu.memory_space<hbm>> -> memref<10000x64xbf16, #tpu.memory_space<hbm>>
        tpu.enqueue_indirect_dma source(%dma_start3A_330 : memref<10000x64xbf16, #tpu.memory_space<hbm>>) target(%arg12 : memref<128x64xbf16, #tpu.memory_space<vmem>>) offsets(%dma_start3A_327 : memref<128xi32, #tpu.memory_space<vmem>>) semaphore(%arg26 : memref<!tpu.dma_semaphore, #tpu.memory_space<semaphore_mem>>)
      } else {
      }
      %mul3A_277 = arith.constant 4 : i32
      %mul3A_278 = arith.muli %while3A_145, %mul3A_277 : i32
      %add3A_279 = arith.addi %sub3A, %mul3A_278 : i32
      %add3A_280 = arith.constant 3 : i32
      %add3A_281 = arith.addi %add3A_279, %add3A_280 : i32
      %dma_wait3A_282 = arith.constant 0 : i32
      %dma_wait3A_283 = arith.constant 64 : i32
      %dma_wait3A_284 = tpu.memref_slice %arg3[%dma_wait3A_282, %dma_wait3A_283] : memref<320000x128xbf16, #tpu.memory_space<hbm>> -> memref<128x64xbf16, #tpu.memory_space<hbm>>
      %dma_wait3A_285 = arith.constant 0 : i32
      %dma_wait3A_286 = arith.constant 64 : i32
      %dma_wait3A_287 = tpu.memref_slice %arg3[%dma_wait3A_285, %dma_wait3A_286] : memref<320000x128xbf16, #tpu.memory_space<hbm>> -> memref<128x64xbf16, #tpu.memory_space<hbm>>
      tpu.wait_dma2 semaphore(%arg25 : memref<!tpu.dma_semaphore, #tpu.memory_space<semaphore_mem>>) src(%dma_wait3A_287 : memref<128x64xbf16, #tpu.memory_space<hbm>>) dst(%arg11 : memref<128x64xbf16, #tpu.memory_space<vmem>>)
      %dma_wait3A_288 = arith.constant 0 : i32
      %dma_wait3A_289 = tpu.memref_slice %arg6[%dma_wait3A_288] : memref<10240xi32, #tpu.memory_space<vmem>> -> memref<128xi32, #tpu.memory_space<vmem>>
      %dma_wait3A_290 = arith.constant 0 : i32
      %dma_wait3A_291 = arith.constant 0 : i32
      %dma_wait3A_292 = tpu.memref_slice %arg2[%dma_wait3A_290, %dma_wait3A_291] : memref<10000x64xbf16, #tpu.memory_space<hbm>> -> memref<10000x64xbf16, #tpu.memory_space<hbm>>
      tpu.wait_indirect_dma semaphore(%arg29 : memref<!tpu.dma_semaphore, #tpu.memory_space<semaphore_mem>>) src(%dma_wait3A_292 : memref<10000x64xbf16, #tpu.memory_space<hbm>>) dst(%arg15 : memref<128x64xbf16, #tpu.memory_space<vmem>>)
      %scan3A_293 = arith.constant 0 : i32
      %scan3A_294 = arith.constant 0 : i32
      %scan3A_295 = arith.constant 128 : i32
      %scan3A_296 = arith.addi %scan3A_294, %scan3A_295 : i32
      %scan3A_297 = arith.constant 2 : i32
      scf.for %scan3A_316 = %scan3A_294 to %scan3A_296 step %scan3A_297  : i32 {
        %get3A = arith.index_cast %scan3A_316 : i32 to index
        %get3A_317 = arith.constant 0 : index
        %get3A_318 = tpu.vector_load %arg11[%get3A, %get3A_317] {strides = array<i32>} : memref<128x64xbf16, #tpu.memory_space<vmem>>, vector<32xbf16>,
        %get3A_319 = arith.index_cast %scan3A_316 : i32 to index
        %get3A_320 = arith.constant 0 : index
        %get3A_321 = tpu.vector_load %arg15[%get3A_319, %get3A_320] {strides = array<i32>} : memref<128x64xbf16, #tpu.memory_space<vmem>>, vector<32xbf16>,
        %unpack3A = tpu.unpack_subelements %get3A_318, 0 {pack_format = #tpu.pack_format<interleaved>} : vector<32xbf16> -> vector<16xf32>
        %unpack3A_322 = tpu.unpack_subelements %get3A_318, 1 {pack_format = #tpu.pack_format<interleaved>} : vector<32xbf16> -> vector<16xf32>
        %unpack3A_323 = tpu.unpack_subelements %get3A_321, 0 {pack_format = #tpu.pack_format<interleaved>} : vector<32xbf16> -> vector<16xf32>
        %unpack3A_324 = tpu.unpack_subelements %get3A_321, 1 {pack_format = #tpu.pack_format<interleaved>} : vector<32xbf16> -> vector<16xf32>
        %add3A_325 = arith.addf %unpack3A_323, %unpack3A : vector<16xf32>
        %max3A = arith.constant 0.000000e+00 : f32
        %max3A_326 = vector.broadcast %max3A : f32 to vector<16xf32>
        %max3A_327 = arith.maximumf %add3A_325, %max3A_326 : vector<16xf32>
        %swap3A = arith.index_cast %scan3A_316 : i32 to index
        %swap3A_328 = arith.constant 0 : index
        %swap3A_329 = tpu.vector_load %arg19[%swap3A, %swap3A_328] {strides = array<i32>} : memref<128x64xf32, #tpu.memory_space<vmem>>, vector<16xf32>,
        tpu.vector_store %arg19[%swap3A, %swap3A_328], %max3A_327 {strides = array<i32>} : memref<128x64xf32, #tpu.memory_space<vmem>>, vector<16xf32>,
        %add3A_330 = arith.addf %unpack3A_324, %unpack3A_322 : vector<16xf32>
        %max3A_331 = arith.constant 0.000000e+00 : f32
        %max3A_332 = vector.broadcast %max3A_331 : f32 to vector<16xf32>
        %max3A_333 = arith.maximumf %add3A_330, %max3A_332 : vector<16xf32>
        %swap3A_334 = arith.index_cast %scan3A_316 : i32 to index
        %swap3A_335 = arith.constant 16 : index
        %swap3A_336 = tpu.vector_load %arg19[%swap3A_334, %swap3A_335] {strides = array<i32>} : memref<128x64xf32, #tpu.memory_space<vmem>>, vector<16xf32>,
        tpu.vector_store %arg19[%swap3A_334, %swap3A_335], %max3A_333 {strides = array<i32>} : memref<128x64xf32, #tpu.memory_space<vmem>>, vector<16xf32>,
        %get3A_337 = arith.index_cast %scan3A_316 : i32 to index
        %get3A_338 = arith.constant 32 : index
        %get3A_339 = tpu.vector_load %arg11[%get3A_337, %get3A_338] {strides = array<i32>} : memref<128x64xbf16, #tpu.memory_space<vmem>>, vector<32xbf16>,
        %get3A_340 = arith.index_cast %scan3A_316 : i32 to index
        %get3A_341 = arith.constant 32 : index
        %get3A_342 = tpu.vector_load %arg15[%get3A_340, %get3A_341] {strides = array<i32>} : memref<128x64xbf16, #tpu.memory_space<vmem>>, vector<32xbf16>,
        %unpack3A_343 = tpu.unpack_subelements %get3A_339, 0 {pack_format = #tpu.pack_format<interleaved>} : vector<32xbf16> -> vector<16xf32>
        %unpack3A_344 = tpu.unpack_subelements %get3A_339, 1 {pack_format = #tpu.pack_format<interleaved>} : vector<32xbf16> -> vector<16xf32>
        %unpack3A_345 = tpu.unpack_subelements %get3A_342, 0 {pack_format = #tpu.pack_format<interleaved>} : vector<32xbf16> -> vector<16xf32>
        %unpack3A_346 = tpu.unpack_subelements %get3A_342, 1 {pack_format = #tpu.pack_format<interleaved>} : vector<32xbf16> -> vector<16xf32>
        %add3A_347 = arith.addf %unpack3A_345, %unpack3A_343 : vector<16xf32>
        %max3A_348 = arith.constant 0.000000e+00 : f32
        %max3A_349 = vector.broadcast %max3A_348 : f32 to vector<16xf32>
        %max3A_350 = arith.maximumf %add3A_347, %max3A_349 : vector<16xf32>
        %swap3A_351 = arith.index_cast %scan3A_316 : i32 to index
        %swap3A_352 = arith.constant 32 : index
        %swap3A_353 = tpu.vector_load %arg19[%swap3A_351, %swap3A_352] {strides = array<i32>} : memref<128x64xf32, #tpu.memory_space<vmem>>, vector<16xf32>,
        tpu.vector_store %arg19[%swap3A_351, %swap3A_352], %max3A_350 {strides = array<i32>} : memref<128x64xf32, #tpu.memory_space<vmem>>, vector<16xf32>,
        %add3A_354 = arith.addf %unpack3A_346, %unpack3A_344 : vector<16xf32>
        %max3A_355 = arith.constant 0.000000e+00 : f32
        %max3A_356 = vector.broadcast %max3A_355 : f32 to vector<16xf32>
        %max3A_357 = arith.maximumf %add3A_354, %max3A_356 : vector<16xf32>
        %swap3A_358 = arith.index_cast %scan3A_316 : i32 to index
        %swap3A_359 = arith.constant 48 : index
        %swap3A_360 = tpu.vector_load %arg19[%swap3A_358, %swap3A_359] {strides = array<i32>} : memref<128x64xf32, #tpu.memory_space<vmem>>, vector<16xf32>,
        tpu.vector_store %arg19[%swap3A_358, %swap3A_359], %max3A_357 {strides = array<i32>} : memref<128x64xf32, #tpu.memory_space<vmem>>, vector<16xf32>,
        %scan3A_361 = arith.constant 1 : i32
        %scan3A_362 = arith.addi %scan3A_316, %scan3A_361 : i32
        %get3A_363 = arith.index_cast %scan3A_362 : i32 to index
        %get3A_364 = arith.constant 0 : index
        %get3A_365 = tpu.vector_load %arg11[%get3A_363, %get3A_364] {strides = array<i32>} : memref<128x64xbf16, #tpu.memory_space<vmem>>, vector<32xbf16>,
        %get3A_366 = arith.index_cast %scan3A_362 : i32 to index
        %get3A_367 = arith.constant 0 : index
        %get3A_368 = tpu.vector_load %arg15[%get3A_366, %get3A_367] {strides = array<i32>} : memref<128x64xbf16, #tpu.memory_space<vmem>>, vector<32xbf16>,
        %unpack3A_369 = tpu.unpack_subelements %get3A_365, 0 {pack_format = #tpu.pack_format<interleaved>} : vector<32xbf16> -> vector<16xf32>
        %unpack3A_370 = tpu.unpack_subelements %get3A_365, 1 {pack_format = #tpu.pack_format<interleaved>} : vector<32xbf16> -> vector<16xf32>
        %unpack3A_371 = tpu.unpack_subelements %get3A_368, 0 {pack_format = #tpu.pack_format<interleaved>} : vector<32xbf16> -> vector<16xf32>
        %unpack3A_372 = tpu.unpack_subelements %get3A_368, 1 {pack_format = #tpu.pack_format<interleaved>} : vector<32xbf16> -> vector<16xf32>
        %add3A_373 = arith.addf %unpack3A_371, %unpack3A_369 : vector<16xf32>
        %max3A_374 = arith.constant 0.000000e+00 : f32
        %max3A_375 = vector.broadcast %max3A_374 : f32 to vector<16xf32>
        %max3A_376 = arith.maximumf %add3A_373, %max3A_375 : vector<16xf32>
        %swap3A_377 = arith.index_cast %scan3A_362 : i32 to index
        %swap3A_378 = arith.constant 0 : index
        %swap3A_379 = tpu.vector_load %arg19[%swap3A_377, %swap3A_378] {strides = array<i32>} : memref<128x64xf32, #tpu.memory_space<vmem>>, vector<16xf32>,
        tpu.vector_store %arg19[%swap3A_377, %swap3A_378], %max3A_376 {strides = array<i32>} : memref<128x64xf32, #tpu.memory_space<vmem>>, vector<16xf32>,
        %add3A_380 = arith.addf %unpack3A_372, %unpack3A_370 : vector<16xf32>
        %max3A_381 = arith.constant 0.000000e+00 : f32
        %max3A_382 = vector.broadcast %max3A_381 : f32 to vector<16xf32>
        %max3A_383 = arith.maximumf %add3A_380, %max3A_382 : vector<16xf32>
        %swap3A_384 = arith.index_cast %scan3A_362 : i32 to index
        %swap3A_385 = arith.constant 16 : index
        %swap3A_386 = tpu.vector_load %arg19[%swap3A_384, %swap3A_385] {strides = array<i32>} : memref<128x64xf32, #tpu.memory_space<vmem>>, vector<16xf32>,
        tpu.vector_store %arg19[%swap3A_384, %swap3A_385], %max3A_383 {strides = array<i32>} : memref<128x64xf32, #tpu.memory_space<vmem>>, vector<16xf32>,
        %get3A_387 = arith.index_cast %scan3A_362 : i32 to index
        %get3A_388 = arith.constant 32 : index
        %get3A_389 = tpu.vector_load %arg11[%get3A_387, %get3A_388] {strides = array<i32>} : memref<128x64xbf16, #tpu.memory_space<vmem>>, vector<32xbf16>,
        %get3A_390 = arith.index_cast %scan3A_362 : i32 to index
        %get3A_391 = arith.constant 32 : index
        %get3A_392 = tpu.vector_load %arg15[%get3A_390, %get3A_391] {strides = array<i32>} : memref<128x64xbf16, #tpu.memory_space<vmem>>, vector<32xbf16>,
        %unpack3A_393 = tpu.unpack_subelements %get3A_389, 0 {pack_format = #tpu.pack_format<interleaved>} : vector<32xbf16> -> vector<16xf32>
        %unpack3A_394 = tpu.unpack_subelements %get3A_389, 1 {pack_format = #tpu.pack_format<interleaved>} : vector<32xbf16> -> vector<16xf32>
        %unpack3A_395 = tpu.unpack_subelements %get3A_392, 0 {pack_format = #tpu.pack_format<interleaved>} : vector<32xbf16> -> vector<16xf32>
        %unpack3A_396 = tpu.unpack_subelements %get3A_392, 1 {pack_format = #tpu.pack_format<interleaved>} : vector<32xbf16> -> vector<16xf32>
        %add3A_397 = arith.addf %unpack3A_395, %unpack3A_393 : vector<16xf32>
        %max3A_398 = arith.constant 0.000000e+00 : f32
        %max3A_399 = vector.broadcast %max3A_398 : f32 to vector<16xf32>
        %max3A_400 = arith.maximumf %add3A_397, %max3A_399 : vector<16xf32>
        %swap3A_401 = arith.index_cast %scan3A_362 : i32 to index
        %swap3A_402 = arith.constant 32 : index
        %swap3A_403 = tpu.vector_load %arg19[%swap3A_401, %swap3A_402] {strides = array<i32>} : memref<128x64xf32, #tpu.memory_space<vmem>>, vector<16xf32>,
        tpu.vector_store %arg19[%swap3A_401, %swap3A_402], %max3A_400 {strides = array<i32>} : memref<128x64xf32, #tpu.memory_space<vmem>>, vector<16xf32>,
        %add3A_404 = arith.addf %unpack3A_396, %unpack3A_394 : vector<16xf32>
        %max3A_405 = arith.constant 0.000000e+00 : f32
        %max3A_406 = vector.broadcast %max3A_405 : f32 to vector<16xf32>
        %max3A_407 = arith.maximumf %add3A_404, %max3A_406 : vector<16xf32>
        %swap3A_408 = arith.index_cast %scan3A_362 : i32 to index
        %swap3A_409 = arith.constant 48 : index
        %swap3A_410 = tpu.vector_load %arg19[%swap3A_408, %swap3A_409] {strides = array<i32>} : memref<128x64xf32, #tpu.memory_space<vmem>>, vector<16xf32>,
        tpu.vector_store %arg19[%swap3A_408, %swap3A_409], %max3A_407 {strides = array<i32>} : memref<128x64xf32, #tpu.memory_space<vmem>>, vector<16xf32>,
      }
      %scan3A_298 = arith.constant 128 : i32
      %mul3A_299 = arith.constant 128 : i32
      %mul3A_300 = arith.muli %add3A_281, %mul3A_299 : i32
      %dma_start3A_301 = tpu.memref_slice %arg7[%mul3A_300] : memref<10240xi32, #tpu.memory_space<vmem>> -> memref<128xi32, #tpu.memory_space<vmem>>
      %dma_start3A_302 = arith.constant 0 : i32
      %dma_start3A_303 = arith.constant 0 : i32
      %dma_start3A_304 = tpu.memref_slice %arg34[%dma_start3A_302, %dma_start3A_303] : memref<10112x64xf32, #tpu.memory_space<vmem_shared>> -> memref<10112x64xf32, #tpu.memory_space<vmem_shared>>
      tpu.enqueue_indirect_dma source(%arg19 : memref<128x64xf32, #tpu.memory_space<vmem>>) target(%dma_start3A_304 : memref<10112x64xf32, #tpu.memory_space<vmem_shared>>) offsets(%dma_start3A_301 : memref<128xi32, #tpu.memory_space<vmem>>) semaphore(%arg33 : memref<!tpu.dma_semaphore, #tpu.memory_space<semaphore_mem>>) {add = true}
      %dma_wait3A_305 = arith.constant 0 : i32
      %dma_wait3A_306 = tpu.memref_slice %arg7[%dma_wait3A_305] : memref<10240xi32, #tpu.memory_space<vmem>> -> memref<128xi32, #tpu.memory_space<vmem>>
      %dma_wait3A_307 = arith.constant 0 : i32
      %dma_wait3A_308 = arith.constant 0 : i32
      %dma_wait3A_309 = tpu.memref_slice %arg34[%dma_wait3A_307, %dma_wait3A_308] : memref<10112x64xf32, #tpu.memory_space<vmem_shared>> -> memref<10112x64xf32, #tpu.memory_space<vmem_shared>>
      tpu.wait_indirect_dma semaphore(%arg31 : memref<!tpu.dma_semaphore, #tpu.memory_space<semaphore_mem>>) src(%arg17 : memref<128x64xf32, #tpu.memory_space<vmem>>) dst(%dma_wait3A_309 : memref<10112x64xf32, #tpu.memory_space<vmem_shared>>)
      %sub3A_310 = arith.constant 1 : i32
      %sub3A_311 = arith.subi %select_n3A, %sub3A_310 : i32
      %lt3A_312 = arith.cmpi slt, %while3A_145, %sub3A_311 : i32
      %convert_element_type3A_313 = arith.extui %lt3A_312 : i1 to i32
      %cond3A_314 = arith.constant 0 : i32
      %cond3A_315 = arith.cmpi ne, %convert_element_type3A_313, %cond3A_314 : i32
      scf.if %cond3A_315 {
        %add3A_316 = arith.constant 2 : i32
        %add3A_317 = arith.addi %add3A_281, %add3A_316 : i32
        %add3A_318 = arith.addi %min3A_3, %add3A_317 : i32
        %mul3A_319 = arith.constant 128 : i32
        %mul3A_320 = arith.muli %add3A_318, %mul3A_319 : i32
        %dma_start3A_321 = arith.constant 64 : i32
        %dma_start3A_322 = tpu.memref_slice %arg3[%mul3A_320, %dma_start3A_321] : memref<320000x128xbf16, #tpu.memory_space<hbm>> -> memref<128x64xbf16, #tpu.memory_space<hbm>>
        %dma_start3A_323 = arith.constant 64 : i32
        %dma_start3A_324 = tpu.memref_slice %arg3[%mul3A_320, %dma_start3A_323] : memref<320000x128xbf16, #tpu.memory_space<hbm>> -> memref<128x64xbf16, #tpu.memory_space<hbm>>
        tpu.enqueue_dma source(%dma_start3A_324 : memref<128x64xbf16, #tpu.memory_space<hbm>>) target(%arg9 : memref<128x64xbf16, #tpu.memory_space<vmem>>) target_semaphore(%arg23 : memref<!tpu.dma_semaphore, #tpu.memory_space<semaphore_mem>>)
        %mul3A_325 = arith.constant 128 : i32
        %mul3A_326 = arith.muli %add3A_317, %mul3A_325 : i32
        %dma_start3A_327 = tpu.memref_slice %arg6[%mul3A_326] : memref<10240xi32, #tpu.memory_space<vmem>> -> memref<128xi32, #tpu.memory_space<vmem>>
        %dma_start3A_328 = arith.constant 0 : i32
        %dma_start3A_329 = arith.constant 0 : i32
        %dma_start3A_330 = tpu.memref_slice %arg2[%dma_start3A_328, %dma_start3A_329] : memref<10000x64xbf16, #tpu.memory_space<hbm>> -> memref<10000x64xbf16, #tpu.memory_space<hbm>>
        tpu.enqueue_indirect_dma source(%dma_start3A_330 : memref<10000x64xbf16, #tpu.memory_space<hbm>>) target(%arg13 : memref<128x64xbf16, #tpu.memory_space<vmem>>) offsets(%dma_start3A_327 : memref<128xi32, #tpu.memory_space<vmem>>) semaphore(%arg27 : memref<!tpu.dma_semaphore, #tpu.memory_space<semaphore_mem>>)
      } else {
      }
    }
    %dma_wait3A_127 = arith.constant 0 : i32
    %dma_wait3A_128 = tpu.memref_slice %arg7[%dma_wait3A_127] : memref<10240xi32, #tpu.memory_space<vmem>> -> memref<128xi32, #tpu.memory_space<vmem>>
    %dma_wait3A_129 = arith.constant 0 : i32
    %dma_wait3A_130 = arith.constant 0 : i32
    %dma_wait3A_131 = tpu.memref_slice %arg34[%dma_wait3A_129, %dma_wait3A_130] : memref<10112x64xf32, #tpu.memory_space<vmem_shared>> -> memref<10112x64xf32, #tpu.memory_space<vmem_shared>>
    tpu.wait_indirect_dma semaphore(%arg32 : memref<!tpu.dma_semaphore, #tpu.memory_space<semaphore_mem>>) src(%arg18 : memref<128x64xf32, #tpu.memory_space<vmem>>) dst(%dma_wait3A_131 : memref<10112x64xf32, #tpu.memory_space<vmem_shared>>)
    %dma_wait3A_132 = arith.constant 0 : i32
    %dma_wait3A_133 = tpu.memref_slice %arg7[%dma_wait3A_132] : memref<10240xi32, #tpu.memory_space<vmem>> -> memref<128xi32, #tpu.memory_space<vmem>>
    %dma_wait3A_134 = arith.constant 0 : i32
    %dma_wait3A_135 = arith.constant 0 : i32
    %dma_wait3A_136 = tpu.memref_slice %arg34[%dma_wait3A_134, %dma_wait3A_135] : memref<10112x64xf32, #tpu.memory_space<vmem_shared>> -> memref<10112x64xf32, #tpu.memory_space<vmem_shared>>
    tpu.wait_indirect_dma semaphore(%arg33 : memref<!tpu.dma_semaphore, #tpu.memory_space<semaphore_mem>>) src(%arg19 : memref<128x64xf32, #tpu.memory_space<vmem>>) dst(%dma_wait3A_136 : memref<10112x64xf32, #tpu.memory_space<vmem_shared>>)
    %barrier3A_137 = arith.constant 0 : index
    tpu.barrier barrier_id(%barrier3A_137)
    %mul3A_138 = arith.constant 632 : i32
    %mul3A_139 = arith.muli %arg1, %mul3A_138 : i32
    %mul3A_140 = arith.constant 10112 : i32
    %mul3A_141 = arith.muli %arg0, %mul3A_140 : i32
    %mul3A_142 = arith.constant 632 : i32
    %mul3A_143 = arith.muli %arg1, %mul3A_142 : i32
    %add3A_144 = arith.addi %mul3A_141, %mul3A_143 : i32
    "tpu.region"() ({
      %run_scoped3A = tpu.sem_alloc : memref<!tpu.dma_semaphore, #tpu.memory_space<semaphore_mem>>
      %dma_start3A_145 = arith.constant 0 : i32
      %dma_start3A_146 = tpu.memref_slice %arg5[%add3A_144, %dma_start3A_145] : memref<20224x64xf32, #tpu.memory_space<hbm>> -> memref<632x64xf32, #tpu.memory_space<hbm>>
      %dma_start3A_147 = arith.constant 0 : i32
      %dma_start3A_148 = tpu.memref_slice %arg34[%mul3A_139, %dma_start3A_147] : memref<10112x64xf32, #tpu.memory_space<vmem_shared>> -> memref<632x64xf32, #tpu.memory_space<vmem_shared>>
      tpu.enqueue_dma source(%dma_start3A_148 : memref<632x64xf32, #tpu.memory_space<vmem_shared>>) target(%dma_start3A_146 : memref<632x64xf32, #tpu.memory_space<hbm>>) target_semaphore(%run_scoped3A : memref<!tpu.dma_semaphore, #tpu.memory_space<semaphore_mem>>)
      %dma_wait3A_149 = arith.constant 0 : i32
      %dma_wait3A_150 = tpu.memref_slice %arg5[%add3A_144, %dma_wait3A_149] : memref<20224x64xf32, #tpu.memory_space<hbm>> -> memref<632x64xf32, #tpu.memory_space<hbm>>
      %dma_wait3A_151 = arith.constant 0 : i32
      %dma_wait3A_152 = tpu.memref_slice %arg34[%mul3A_139, %dma_wait3A_151] : memref<10112x64xf32, #tpu.memory_space<vmem_shared>> -> memref<632x64xf32, #tpu.memory_space<vmem_shared>>
      tpu.wait_dma2 semaphore(%run_scoped3A : memref<!tpu.dma_semaphore, #tpu.memory_space<semaphore_mem>>) src(%dma_wait3A_152 : memref<632x64xf32, #tpu.memory_space<vmem_shared>>) dst(%dma_wait3A_150 : memref<632x64xf32, #tpu.memory_space<hbm>>)
      tpu.yield
    }) : () -> ()
    return
  }
}

module attributes {stable_mosaic.version = 14 : i64} {
  func.func @_edge_encode_body(%arg0: i32, %arg1: memref<2560x16xf32, #tpu.memory_space<vmem>>, %arg2: memref<16x64xf32, #tpu.memory_space<vmem>>, %arg3: memref<1x64xf32, #tpu.memory_space<vmem>>, %arg4: memref<64x64xf32, #tpu.memory_space<vmem>>, %arg5: memref<1x64xf32, #tpu.memory_space<vmem>>, %arg6: memref<64x64xf32, #tpu.memory_space<vmem>>, %arg7: memref<1x64xf32, #tpu.memory_space<vmem>>, %arg8: memref<2560x128xbf16, #tpu.memory_space<vmem>>) attributes {dimension_semantics = [#tpu.dimension_semantics<arbitrary>], iteration_bounds = array<i64: 125>, scalar_prefetch = 0 : i64, scratch_operands = 0 : i64, tpu.core_type = #tpu.core_type<tc>, window_params = [{transform_indices = @transform_0, window_bounds = array<i64: 2560, 16>}, {pipeline_mode = #tpu.pipeline_mode<synchronous>, transform_indices = @transform_1, window_bounds = array<i64: 16, 64>}, {pipeline_mode = #tpu.pipeline_mode<synchronous>, transform_indices = @transform_2, window_bounds = array<i64: 1, 64>}, {pipeline_mode = #tpu.pipeline_mode<synchronous>, transform_indices = @transform_3, window_bounds = array<i64: 64, 64>}, {pipeline_mode = #tpu.pipeline_mode<synchronous>, transform_indices = @transform_4, window_bounds = array<i64: 1, 64>}, {pipeline_mode = #tpu.pipeline_mode<synchronous>, transform_indices = @transform_5, window_bounds = array<i64: 64, 64>}, {pipeline_mode = #tpu.pipeline_mode<synchronous>, transform_indices = @transform_6, window_bounds = array<i64: 1, 64>}, {transform_indices = @transform_7, window_bounds = array<i64: 2560, 128>}]} {
    %get3A = arith.constant 0 : index
    %get3A_0 = arith.constant 0 : index
    %get3A_1 = vector.load %arg1[%get3A, %get3A_0] : memref<2560x16xf32, #tpu.memory_space<vmem>>, vector<2560x16xf32>
    %get3A_2 = arith.constant 0 : index
    %get3A_3 = arith.constant 0 : index
    %get3A_4 = vector.load %arg2[%get3A_2, %get3A_3] : memref<16x64xf32, #tpu.memory_space<vmem>>, vector<16x64xf32>
    %dot_general3A = arith.constant dense<0.000000e+00> : vector<2560x64xf32>
    %dot_general3A_5 = tpu.matmul %get3A_1, %get3A_4, %dot_general3A {dimension_numbers = #tpu.dot_dimension_numbers<[1], [0], [0], [1], [0, 0, 1, 1], [], []>, transpose_lhs_hint = false} : vector<2560x16xf32>, vector<16x64xf32>, vector<2560x64xf32> -> vector<2560x64xf32>
    %get3A_6 = arith.constant 0 : index
    %get3A_7 = arith.constant 0 : index
    %get3A_8 = vector.load %arg3[%get3A_6, %get3A_7] : memref<1x64xf32, #tpu.memory_space<vmem>>, vector<1x64xf32>
    %add3A = vector.broadcast %get3A_8 : vector<1x64xf32> to vector<2560x64xf32>
    %add3A_9 = arith.addf %dot_general3A_5, %add3A : vector<2560x64xf32>
    %gt3A = arith.constant 0.000000e+00 : f32
    %gt3A_10 = vector.broadcast %gt3A : f32 to vector<2560x64xf32>
    %gt3A_11 = arith.cmpf ogt, %add3A_9, %gt3A_10 : vector<2560x64xf32>
    %mul3A = arith.constant 2.000000e-01 : f32
    %mul3A_12 = vector.broadcast %mul3A : f32 to vector<2560x64xf32>
    %mul3A_13 = arith.mulf %mul3A_12, %add3A_9 : vector<2560x64xf32>
    %select_n3A = arith.select %gt3A_11, %add3A_9, %mul3A_13 : vector<2560x64xi1>, vector<2560x64xf32>
    %get3A_14 = arith.constant 0 : index
    %get3A_15 = arith.constant 0 : index
    %get3A_16 = vector.load %arg4[%get3A_14, %get3A_15] : memref<64x64xf32, #tpu.memory_space<vmem>>, vector<64x64xf32>
    %dot_general3A_17 = arith.constant dense<0.000000e+00> : vector<2560x64xf32>
    %dot_general3A_18 = tpu.matmul %select_n3A, %get3A_16, %dot_general3A_17 {dimension_numbers = #tpu.dot_dimension_numbers<[1], [0], [0], [1], [0, 0, 1, 1], [], []>, transpose_lhs_hint = false} : vector<2560x64xf32>, vector<64x64xf32>, vector<2560x64xf32> -> vector<2560x64xf32>
    %get3A_19 = arith.constant 0 : index
    %get3A_20 = arith.constant 0 : index
    %get3A_21 = vector.load %arg5[%get3A_19, %get3A_20] : memref<1x64xf32, #tpu.memory_space<vmem>>, vector<1x64xf32>
    %add3A_22 = vector.broadcast %get3A_21 : vector<1x64xf32> to vector<2560x64xf32>
    %add3A_23 = arith.addf %dot_general3A_18, %add3A_22 : vector<2560x64xf32>
    %get3A_24 = arith.constant 0 : index
    %get3A_25 = arith.constant 0 : index
    %get3A_26 = vector.load %arg6[%get3A_24, %get3A_25] : memref<64x64xf32, #tpu.memory_space<vmem>>, vector<64x64xf32>
    %dot_general3A_27 = arith.constant dense<0.000000e+00> : vector<2560x64xf32>
    %dot_general3A_28 = tpu.matmul %select_n3A, %get3A_26, %dot_general3A_27 {dimension_numbers = #tpu.dot_dimension_numbers<[1], [0], [0], [1], [0, 0, 1, 1], [], []>, transpose_lhs_hint = false} : vector<2560x64xf32>, vector<64x64xf32>, vector<2560x64xf32> -> vector<2560x64xf32>
    %get3A_29 = arith.constant 0 : index
    %get3A_30 = arith.constant 0 : index
    %get3A_31 = vector.load %arg7[%get3A_29, %get3A_30] : memref<1x64xf32, #tpu.memory_space<vmem>>, vector<1x64xf32>
    %add3A_32 = vector.broadcast %get3A_31 : vector<1x64xf32> to vector<2560x64xf32>
    %add3A_33 = arith.addf %dot_general3A_28, %add3A_32 : vector<2560x64xf32>
    %concatenate3A = tpu.concatenate %add3A_23, %add3A_33 in 1 : vector<2560x64xf32>, vector<2560x64xf32> -> vector<2560x128xf32>
    %convert_element_type3A = arith.truncf %concatenate3A : vector<2560x128xf32> to vector<2560x128xbf16>
    %swap3A = arith.constant 0 : index
    %swap3A_34 = arith.constant 0 : index
    %swap3A_35 = vector.load %arg8[%swap3A, %swap3A_34] : memref<2560x128xbf16, #tpu.memory_space<vmem>>, vector<2560x128xbf16>
    tpu.vector_store %arg8[%swap3A, %swap3A_34], %convert_element_type3A {strides = array<i32>} : memref<2560x128xbf16, #tpu.memory_space<vmem>>, vector<2560x128xbf16>,
    return
  }
  func.func @transform_0(%arg0: i32) -> (i32, i32) {
    %c0_i32 = arith.constant 0 : i32
    %c0_i32_0 = arith.constant 0 : i32
    return %arg0, %c0_i32 : i32, i32
  }
  func.func @transform_1(%arg0: i32) -> (i32, i32) {
    %c0_i32 = arith.constant 0 : i32
    %c0_i32_0 = arith.constant 0 : i32
    %c0_i32_1 = arith.constant 0 : i32
    return %c0_i32, %c0_i32_0 : i32, i32
  }
  func.func @transform_2(%arg0: i32) -> (i32, i32) {
    %c0_i32 = arith.constant 0 : i32
    %c0_i32_0 = arith.constant 0 : i32
    %c0_i32_1 = arith.constant 0 : i32
    return %c0_i32, %c0_i32_0 : i32, i32
  }
  func.func @transform_3(%arg0: i32) -> (i32, i32) {
    %c0_i32 = arith.constant 0 : i32
    %c0_i32_0 = arith.constant 0 : i32
    %c0_i32_1 = arith.constant 0 : i32
    return %c0_i32, %c0_i32_0 : i32, i32
  }
  func.func @transform_4(%arg0: i32) -> (i32, i32) {
    %c0_i32 = arith.constant 0 : i32
    %c0_i32_0 = arith.constant 0 : i32
    %c0_i32_1 = arith.constant 0 : i32
    return %c0_i32, %c0_i32_0 : i32, i32
  }
  func.func @transform_5(%arg0: i32) -> (i32, i32) {
    %c0_i32 = arith.constant 0 : i32
    %c0_i32_0 = arith.constant 0 : i32
    %c0_i32_1 = arith.constant 0 : i32
    return %c0_i32, %c0_i32_0 : i32, i32
  }
  func.func @transform_6(%arg0: i32) -> (i32, i32) {
    %c0_i32 = arith.constant 0 : i32
    %c0_i32_0 = arith.constant 0 : i32
    %c0_i32_1 = arith.constant 0 : i32
    return %c0_i32, %c0_i32_0 : i32, i32
  }
  func.func @transform_7(%arg0: i32) -> (i32, i32) {
    %c0_i32 = arith.constant 0 : i32
    %c0_i32_0 = arith.constant 0 : i32
    return %arg0, %c0_i32 : i32, i32
  }
}

module attributes {stable_mosaic.version = 14 : i64} {
  func.func @_node_encode_body(%arg0: i32, %arg1: memref<2000x128xf32, #tpu.memory_space<vmem>>, %arg2: memref<128x64xf32, #tpu.memory_space<vmem>>, %arg3: memref<1x64xf32, #tpu.memory_space<vmem>>, %arg4: memref<128x64xf32, #tpu.memory_space<vmem>>, %arg5: memref<1x64xf32, #tpu.memory_space<vmem>>, %arg6: memref<2000x64xf32, #tpu.memory_space<vmem>>, %arg7: memref<2000x64xbf16, #tpu.memory_space<vmem>>) attributes {dimension_semantics = [#tpu.dimension_semantics<arbitrary>], iteration_bounds = array<i64: 5>, scalar_prefetch = 0 : i64, scratch_operands = 0 : i64, tpu.core_type = #tpu.core_type<tc>, window_params = [{transform_indices = @transform_0, window_bounds = array<i64: 2000, 128>}, {pipeline_mode = #tpu.pipeline_mode<synchronous>, transform_indices = @transform_1, window_bounds = array<i64: 128, 64>}, {pipeline_mode = #tpu.pipeline_mode<synchronous>, transform_indices = @transform_2, window_bounds = array<i64: 1, 64>}, {pipeline_mode = #tpu.pipeline_mode<synchronous>, transform_indices = @transform_3, window_bounds = array<i64: 128, 64>}, {pipeline_mode = #tpu.pipeline_mode<synchronous>, transform_indices = @transform_4, window_bounds = array<i64: 1, 64>}, {transform_indices = @transform_5, window_bounds = array<i64: 2000, 64>}, {transform_indices = @transform_6, window_bounds = array<i64: 2000, 64>}]} {
    %get3A = arith.constant 0 : index
    %get3A_0 = arith.constant 0 : index
    %get3A_1 = vector.load %arg1[%get3A, %get3A_0] : memref<2000x128xf32, #tpu.memory_space<vmem>>, vector<2000x128xf32>
    %get3A_2 = arith.constant 0 : index
    %get3A_3 = arith.constant 0 : index
    %get3A_4 = vector.load %arg2[%get3A_2, %get3A_3] : memref<128x64xf32, #tpu.memory_space<vmem>>, vector<128x64xf32>
    %dot_general3A = arith.constant dense<0.000000e+00> : vector<2000x64xf32>
    %dot_general3A_5 = tpu.matmul %get3A_1, %get3A_4, %dot_general3A {dimension_numbers = #tpu.dot_dimension_numbers<[1], [0], [0], [1], [0, 0, 1, 1], [], []>, transpose_lhs_hint = false} : vector<2000x128xf32>, vector<128x64xf32>, vector<2000x64xf32> -> vector<2000x64xf32>
    %get3A_6 = arith.constant 0 : index
    %get3A_7 = arith.constant 0 : index
    %get3A_8 = vector.load %arg3[%get3A_6, %get3A_7] : memref<1x64xf32, #tpu.memory_space<vmem>>, vector<1x64xf32>
    %add3A = vector.broadcast %get3A_8 : vector<1x64xf32> to vector<2000x64xf32>
    %add3A_9 = arith.addf %dot_general3A_5, %add3A : vector<2000x64xf32>
    %gt3A = arith.constant 0.000000e+00 : f32
    %gt3A_10 = vector.broadcast %gt3A : f32 to vector<2000x64xf32>
    %gt3A_11 = arith.cmpf ogt, %add3A_9, %gt3A_10 : vector<2000x64xf32>
    %mul3A = arith.constant 2.000000e-01 : f32
    %mul3A_12 = vector.broadcast %mul3A : f32 to vector<2000x64xf32>
    %mul3A_13 = arith.mulf %mul3A_12, %add3A_9 : vector<2000x64xf32>
    %select_n3A = arith.select %gt3A_11, %add3A_9, %mul3A_13 : vector<2000x64xi1>, vector<2000x64xf32>
    %swap3A = arith.constant 0 : index
    %swap3A_14 = arith.constant 0 : index
    %swap3A_15 = vector.load %arg6[%swap3A, %swap3A_14] : memref<2000x64xf32, #tpu.memory_space<vmem>>, vector<2000x64xf32>
    tpu.vector_store %arg6[%swap3A, %swap3A_14], %select_n3A {strides = array<i32>} : memref<2000x64xf32, #tpu.memory_space<vmem>>, vector<2000x64xf32>,
    %get3A_16 = arith.constant 0 : index
    %get3A_17 = arith.constant 0 : index
    %get3A_18 = vector.load %arg4[%get3A_16, %get3A_17] : memref<128x64xf32, #tpu.memory_space<vmem>>, vector<128x64xf32>
    %dot_general3A_19 = arith.constant dense<0.000000e+00> : vector<2000x64xf32>
    %dot_general3A_20 = tpu.matmul %get3A_1, %get3A_18, %dot_general3A_19 {dimension_numbers = #tpu.dot_dimension_numbers<[1], [0], [0], [1], [0, 0, 1, 1], [], []>, transpose_lhs_hint = false} : vector<2000x128xf32>, vector<128x64xf32>, vector<2000x64xf32> -> vector<2000x64xf32>
    %get3A_21 = arith.constant 0 : index
    %get3A_22 = arith.constant 0 : index
    %get3A_23 = vector.load %arg5[%get3A_21, %get3A_22] : memref<1x64xf32, #tpu.memory_space<vmem>>, vector<1x64xf32>
    %add3A_24 = vector.broadcast %get3A_23 : vector<1x64xf32> to vector<2000x64xf32>
    %add3A_25 = arith.addf %dot_general3A_20, %add3A_24 : vector<2000x64xf32>
    %gt3A_26 = arith.constant 0.000000e+00 : f32
    %gt3A_27 = vector.broadcast %gt3A_26 : f32 to vector<2000x64xf32>
    %gt3A_28 = arith.cmpf ogt, %add3A_25, %gt3A_27 : vector<2000x64xf32>
    %mul3A_29 = arith.constant 2.000000e-01 : f32
    %mul3A_30 = vector.broadcast %mul3A_29 : f32 to vector<2000x64xf32>
    %mul3A_31 = arith.mulf %mul3A_30, %add3A_25 : vector<2000x64xf32>
    %select_n3A_32 = arith.select %gt3A_28, %add3A_25, %mul3A_31 : vector<2000x64xi1>, vector<2000x64xf32>
    %convert_element_type3A = arith.truncf %select_n3A_32 : vector<2000x64xf32> to vector<2000x64xbf16>
    %swap3A_33 = arith.constant 0 : index
    %swap3A_34 = arith.constant 0 : index
    %swap3A_35 = vector.load %arg7[%swap3A_33, %swap3A_34] : memref<2000x64xbf16, #tpu.memory_space<vmem>>, vector<2000x64xbf16>
    tpu.vector_store %arg7[%swap3A_33, %swap3A_34], %convert_element_type3A {strides = array<i32>} : memref<2000x64xbf16, #tpu.memory_space<vmem>>, vector<2000x64xbf16>,
    return
  }
  func.func @transform_0(%arg0: i32) -> (i32, i32) {
    %c0_i32 = arith.constant 0 : i32
    %c0_i32_0 = arith.constant 0 : i32
    return %arg0, %c0_i32 : i32, i32
  }
  func.func @transform_1(%arg0: i32) -> (i32, i32) {
    %c0_i32 = arith.constant 0 : i32
    %c0_i32_0 = arith.constant 0 : i32
    %c0_i32_1 = arith.constant 0 : i32
    return %c0_i32, %c0_i32_0 : i32, i32
  }
  func.func @transform_2(%arg0: i32) -> (i32, i32) {
    %c0_i32 = arith.constant 0 : i32
    %c0_i32_0 = arith.constant 0 : i32
    %c0_i32_1 = arith.constant 0 : i32
    return %c0_i32, %c0_i32_0 : i32, i32
  }
  func.func @transform_3(%arg0: i32) -> (i32, i32) {
    %c0_i32 = arith.constant 0 : i32
    %c0_i32_0 = arith.constant 0 : i32
    %c0_i32_1 = arith.constant 0 : i32
    return %c0_i32, %c0_i32_0 : i32, i32
  }
  func.func @transform_4(%arg0: i32) -> (i32, i32) {
    %c0_i32 = arith.constant 0 : i32
    %c0_i32_0 = arith.constant 0 : i32
    %c0_i32_1 = arith.constant 0 : i32
    return %c0_i32, %c0_i32_0 : i32, i32
  }
  func.func @transform_5(%arg0: i32) -> (i32, i32) {
    %c0_i32 = arith.constant 0 : i32
    %c0_i32_0 = arith.constant 0 : i32
    return %arg0, %c0_i32 : i32, i32
  }
  func.func @transform_6(%arg0: i32) -> (i32, i32) {
    %c0_i32 = arith.constant 0 : i32
    %c0_i32_0 = arith.constant 0 : i32
    return %arg0, %c0_i32 : i32, i32
  }
}

module attributes {stable_mosaic.version = 14 : i64} {
  func.func @_node_mlp_body(%arg0: i32, %arg1: memref<2000x64xf32, #tpu.memory_space<vmem>>, %arg2: memref<2000x64xf32, #tpu.memory_space<vmem>>, %arg3: memref<2000x64xf32, #tpu.memory_space<vmem>>, %arg4: memref<64x64xf32, #tpu.memory_space<vmem>>, %arg5: memref<1x64xf32, #tpu.memory_space<vmem>>, %arg6: memref<64x64xf32, #tpu.memory_space<vmem>>, %arg7: memref<1x64xf32, #tpu.memory_space<vmem>>, %arg8: memref<64x64xf32, #tpu.memory_space<vmem>>, %arg9: memref<1x64xf32, #tpu.memory_space<vmem>>, %arg10: memref<2000x64xf32, #tpu.memory_space<vmem>>, %arg11: memref<2000x64xbf16, #tpu.memory_space<vmem>>) attributes {dimension_semantics = [#tpu.dimension_semantics<arbitrary>], iteration_bounds = array<i64: 5>, scalar_prefetch = 0 : i64, scratch_operands = 0 : i64, tpu.core_type = #tpu.core_type<tc>, window_params = [{transform_indices = @transform_0, window_bounds = array<i64: 2000, 64>}, {transform_indices = @transform_1, window_bounds = array<i64: 2000, 64>}, {transform_indices = @transform_2, window_bounds = array<i64: 2000, 64>}, {pipeline_mode = #tpu.pipeline_mode<synchronous>, transform_indices = @transform_3, window_bounds = array<i64: 64, 64>}, {pipeline_mode = #tpu.pipeline_mode<synchronous>, transform_indices = @transform_4, window_bounds = array<i64: 1, 64>}, {pipeline_mode = #tpu.pipeline_mode<synchronous>, transform_indices = @transform_5, window_bounds = array<i64: 64, 64>}, {pipeline_mode = #tpu.pipeline_mode<synchronous>, transform_indices = @transform_6, window_bounds = array<i64: 1, 64>}, {pipeline_mode = #tpu.pipeline_mode<synchronous>, transform_indices = @transform_7, window_bounds = array<i64: 64, 64>}, {pipeline_mode = #tpu.pipeline_mode<synchronous>, transform_indices = @transform_8, window_bounds = array<i64: 1, 64>}, {transform_indices = @transform_9, window_bounds = array<i64: 2000, 64>}, {transform_indices = @transform_10, window_bounds = array<i64: 2000, 64>}]} {
    %get3A = arith.constant 0 : index
    %get3A_0 = arith.constant 0 : index
    %get3A_1 = vector.load %arg1[%get3A, %get3A_0] : memref<2000x64xf32, #tpu.memory_space<vmem>>, vector<2000x64xf32>
    %get3A_2 = arith.constant 0 : index
    %get3A_3 = arith.constant 0 : index
    %get3A_4 = vector.load %arg2[%get3A_2, %get3A_3] : memref<2000x64xf32, #tpu.memory_space<vmem>>, vector<2000x64xf32>
    %add3A = arith.addf %get3A_1, %get3A_4 : vector<2000x64xf32>
    %get3A_5 = arith.constant 0 : index
    %get3A_6 = arith.constant 0 : index
    %get3A_7 = vector.load %arg3[%get3A_5, %get3A_6] : memref<2000x64xf32, #tpu.memory_space<vmem>>, vector<2000x64xf32>
    %add3A_8 = arith.addf %add3A, %get3A_7 : vector<2000x64xf32>
    %get3A_9 = arith.constant 0 : index
    %get3A_10 = arith.constant 0 : index
    %get3A_11 = vector.load %arg4[%get3A_9, %get3A_10] : memref<64x64xf32, #tpu.memory_space<vmem>>, vector<64x64xf32>
    %dot_general3A = arith.constant dense<0.000000e+00> : vector<2000x64xf32>
    %dot_general3A_12 = tpu.matmul %add3A_8, %get3A_11, %dot_general3A {dimension_numbers = #tpu.dot_dimension_numbers<[1], [0], [0], [1], [0, 0, 1, 1], [], []>, transpose_lhs_hint = false} : vector<2000x64xf32>, vector<64x64xf32>, vector<2000x64xf32> -> vector<2000x64xf32>
    %get3A_13 = arith.constant 0 : index
    %get3A_14 = arith.constant 0 : index
    %get3A_15 = vector.load %arg5[%get3A_13, %get3A_14] : memref<1x64xf32, #tpu.memory_space<vmem>>, vector<1x64xf32>
    %add3A_16 = vector.broadcast %get3A_15 : vector<1x64xf32> to vector<2000x64xf32>
    %add3A_17 = arith.addf %dot_general3A_12, %add3A_16 : vector<2000x64xf32>
    %gt3A = arith.constant 0.000000e+00 : f32
    %gt3A_18 = vector.broadcast %gt3A : f32 to vector<2000x64xf32>
    %gt3A_19 = arith.cmpf ogt, %add3A_17, %gt3A_18 : vector<2000x64xf32>
    %mul3A = arith.constant 2.000000e-01 : f32
    %mul3A_20 = vector.broadcast %mul3A : f32 to vector<2000x64xf32>
    %mul3A_21 = arith.mulf %mul3A_20, %add3A_17 : vector<2000x64xf32>
    %select_n3A = arith.select %gt3A_19, %add3A_17, %mul3A_21 : vector<2000x64xi1>, vector<2000x64xf32>
    %get3A_22 = arith.constant 0 : index
    %get3A_23 = arith.constant 0 : index
    %get3A_24 = vector.load %arg6[%get3A_22, %get3A_23] : memref<64x64xf32, #tpu.memory_space<vmem>>, vector<64x64xf32>
    %dot_general3A_25 = arith.constant dense<0.000000e+00> : vector<2000x64xf32>
    %dot_general3A_26 = tpu.matmul %select_n3A, %get3A_24, %dot_general3A_25 {dimension_numbers = #tpu.dot_dimension_numbers<[1], [0], [0], [1], [0, 0, 1, 1], [], []>, transpose_lhs_hint = false} : vector<2000x64xf32>, vector<64x64xf32>, vector<2000x64xf32> -> vector<2000x64xf32>
    %get3A_27 = arith.constant 0 : index
    %get3A_28 = arith.constant 0 : index
    %get3A_29 = vector.load %arg7[%get3A_27, %get3A_28] : memref<1x64xf32, #tpu.memory_space<vmem>>, vector<1x64xf32>
    %add3A_30 = vector.broadcast %get3A_29 : vector<1x64xf32> to vector<2000x64xf32>
    %add3A_31 = arith.addf %dot_general3A_26, %add3A_30 : vector<2000x64xf32>
    %gt3A_32 = arith.constant 0.000000e+00 : f32
    %gt3A_33 = vector.broadcast %gt3A_32 : f32 to vector<2000x64xf32>
    %gt3A_34 = arith.cmpf ogt, %add3A_31, %gt3A_33 : vector<2000x64xf32>
    %mul3A_35 = arith.constant 2.000000e-01 : f32
    %mul3A_36 = vector.broadcast %mul3A_35 : f32 to vector<2000x64xf32>
    %mul3A_37 = arith.mulf %mul3A_36, %add3A_31 : vector<2000x64xf32>
    %select_n3A_38 = arith.select %gt3A_34, %add3A_31, %mul3A_37 : vector<2000x64xi1>, vector<2000x64xf32>
    %swap3A = arith.constant 0 : index
    %swap3A_39 = arith.constant 0 : index
    %swap3A_40 = vector.load %arg10[%swap3A, %swap3A_39] : memref<2000x64xf32, #tpu.memory_space<vmem>>, vector<2000x64xf32>
    tpu.vector_store %arg10[%swap3A, %swap3A_39], %select_n3A_38 {strides = array<i32>} : memref<2000x64xf32, #tpu.memory_space<vmem>>, vector<2000x64xf32>,
    %get3A_41 = arith.constant 0 : index
    %get3A_42 = arith.constant 0 : index
    %get3A_43 = vector.load %arg8[%get3A_41, %get3A_42] : memref<64x64xf32, #tpu.memory_space<vmem>>, vector<64x64xf32>
    %dot_general3A_44 = arith.constant dense<0.000000e+00> : vector<2000x64xf32>
    %dot_general3A_45 = tpu.matmul %select_n3A, %get3A_43, %dot_general3A_44 {dimension_numbers = #tpu.dot_dimension_numbers<[1], [0], [0], [1], [0, 0, 1, 1], [], []>, transpose_lhs_hint = false} : vector<2000x64xf32>, vector<64x64xf32>, vector<2000x64xf32> -> vector<2000x64xf32>
    %get3A_46 = arith.constant 0 : index
    %get3A_47 = arith.constant 0 : index
    %get3A_48 = vector.load %arg9[%get3A_46, %get3A_47] : memref<1x64xf32, #tpu.memory_space<vmem>>, vector<1x64xf32>
    %add3A_49 = vector.broadcast %get3A_48 : vector<1x64xf32> to vector<2000x64xf32>
    %add3A_50 = arith.addf %dot_general3A_45, %add3A_49 : vector<2000x64xf32>
    %gt3A_51 = arith.constant 0.000000e+00 : f32
    %gt3A_52 = vector.broadcast %gt3A_51 : f32 to vector<2000x64xf32>
    %gt3A_53 = arith.cmpf ogt, %add3A_50, %gt3A_52 : vector<2000x64xf32>
    %mul3A_54 = arith.constant 2.000000e-01 : f32
    %mul3A_55 = vector.broadcast %mul3A_54 : f32 to vector<2000x64xf32>
    %mul3A_56 = arith.mulf %mul3A_55, %add3A_50 : vector<2000x64xf32>
    %select_n3A_57 = arith.select %gt3A_53, %add3A_50, %mul3A_56 : vector<2000x64xi1>, vector<2000x64xf32>
    %convert_element_type3A = arith.truncf %select_n3A_57 : vector<2000x64xf32> to vector<2000x64xbf16>
    %swap3A_58 = arith.constant 0 : index
    %swap3A_59 = arith.constant 0 : index
    %swap3A_60 = vector.load %arg11[%swap3A_58, %swap3A_59] : memref<2000x64xbf16, #tpu.memory_space<vmem>>, vector<2000x64xbf16>
    tpu.vector_store %arg11[%swap3A_58, %swap3A_59], %convert_element_type3A {strides = array<i32>} : memref<2000x64xbf16, #tpu.memory_space<vmem>>, vector<2000x64xbf16>,
    return
  }
  func.func @transform_0(%arg0: i32) -> (i32, i32) {
    %c0_i32 = arith.constant 0 : i32
    %c0_i32_0 = arith.constant 0 : i32
    return %arg0, %c0_i32 : i32, i32
  }
  func.func @transform_1(%arg0: i32) -> (i32, i32) {
    %c0_i32 = arith.constant 0 : i32
    %c0_i32_0 = arith.constant 0 : i32
    return %arg0, %c0_i32 : i32, i32
  }
  func.func @transform_2(%arg0: i32) -> (i32, i32) {
    %c0_i32 = arith.constant 0 : i32
    %c0_i32_0 = arith.constant 0 : i32
    return %arg0, %c0_i32 : i32, i32
  }
  func.func @transform_3(%arg0: i32) -> (i32, i32) {
    %c0_i32 = arith.constant 0 : i32
    %c0_i32_0 = arith.constant 0 : i32
    %c0_i32_1 = arith.constant 0 : i32
    return %c0_i32, %c0_i32_0 : i32, i32
  }
  func.func @transform_4(%arg0: i32) -> (i32, i32) {
    %c0_i32 = arith.constant 0 : i32
    %c0_i32_0 = arith.constant 0 : i32
    %c0_i32_1 = arith.constant 0 : i32
    return %c0_i32, %c0_i32_0 : i32, i32
  }
  func.func @transform_5(%arg0: i32) -> (i32, i32) {
    %c0_i32 = arith.constant 0 : i32
    %c0_i32_0 = arith.constant 0 : i32
    %c0_i32_1 = arith.constant 0 : i32
    return %c0_i32, %c0_i32_0 : i32, i32
  }
  func.func @transform_6(%arg0: i32) -> (i32, i32) {
    %c0_i32 = arith.constant 0 : i32
    %c0_i32_0 = arith.constant 0 : i32
    %c0_i32_1 = arith.constant 0 : i32
    return %c0_i32, %c0_i32_0 : i32, i32
  }
  func.func @transform_7(%arg0: i32) -> (i32, i32) {
    %c0_i32 = arith.constant 0 : i32
    %c0_i32_0 = arith.constant 0 : i32
    %c0_i32_1 = arith.constant 0 : i32
    return %c0_i32, %c0_i32_0 : i32, i32
  }
  func.func @transform_8(%arg0: i32) -> (i32, i32) {
    %c0_i32 = arith.constant 0 : i32
    %c0_i32_0 = arith.constant 0 : i32
    %c0_i32_1 = arith.constant 0 : i32
    return %c0_i32, %c0_i32_0 : i32, i32
  }
  func.func @transform_9(%arg0: i32) -> (i32, i32) {
    %c0_i32 = arith.constant 0 : i32
    %c0_i32_0 = arith.constant 0 : i32
    return %arg0, %c0_i32 : i32, i32
  }
  func.func @transform_10(%arg0: i32) -> (i32, i32) {
    %c0_i32 = arith.constant 0 : i32
    %c0_i32_0 = arith.constant 0 : i32
    return %arg0, %c0_i32 : i32, i32
  }
}

module attributes {stable_mosaic.version = 14 : i64} {
  func.func @_node_mlp_out_body(%arg0: i32, %arg1: memref<2000x64xf32, #tpu.memory_space<vmem>>, %arg2: memref<2000x64xf32, #tpu.memory_space<vmem>>, %arg3: memref<2000x64xf32, #tpu.memory_space<vmem>>, %arg4: memref<64x64xf32, #tpu.memory_space<vmem>>, %arg5: memref<1x64xf32, #tpu.memory_space<vmem>>, %arg6: memref<64x64xf32, #tpu.memory_space<vmem>>, %arg7: memref<1x64xf32, #tpu.memory_space<vmem>>, %arg8: memref<64x128xf32, #tpu.memory_space<vmem>>, %arg9: memref<1x128xf32, #tpu.memory_space<vmem>>, %arg10: memref<2000x128xf32, #tpu.memory_space<vmem>>) attributes {dimension_semantics = [#tpu.dimension_semantics<arbitrary>], iteration_bounds = array<i64: 5>, scalar_prefetch = 0 : i64, scratch_operands = 0 : i64, tpu.core_type = #tpu.core_type<tc>, window_params = [{transform_indices = @transform_0, window_bounds = array<i64: 2000, 64>}, {transform_indices = @transform_1, window_bounds = array<i64: 2000, 64>}, {transform_indices = @transform_2, window_bounds = array<i64: 2000, 64>}, {pipeline_mode = #tpu.pipeline_mode<synchronous>, transform_indices = @transform_3, window_bounds = array<i64: 64, 64>}, {pipeline_mode = #tpu.pipeline_mode<synchronous>, transform_indices = @transform_4, window_bounds = array<i64: 1, 64>}, {pipeline_mode = #tpu.pipeline_mode<synchronous>, transform_indices = @transform_5, window_bounds = array<i64: 64, 64>}, {pipeline_mode = #tpu.pipeline_mode<synchronous>, transform_indices = @transform_6, window_bounds = array<i64: 1, 64>}, {pipeline_mode = #tpu.pipeline_mode<synchronous>, transform_indices = @transform_7, window_bounds = array<i64: 64, 128>}, {pipeline_mode = #tpu.pipeline_mode<synchronous>, transform_indices = @transform_8, window_bounds = array<i64: 1, 128>}, {transform_indices = @transform_9, window_bounds = array<i64: 2000, 128>}]} {
    %get3A = arith.constant 0 : index
    %get3A_0 = arith.constant 0 : index
    %get3A_1 = vector.load %arg1[%get3A, %get3A_0] : memref<2000x64xf32, #tpu.memory_space<vmem>>, vector<2000x64xf32>
    %get3A_2 = arith.constant 0 : index
    %get3A_3 = arith.constant 0 : index
    %get3A_4 = vector.load %arg2[%get3A_2, %get3A_3] : memref<2000x64xf32, #tpu.memory_space<vmem>>, vector<2000x64xf32>
    %add3A = arith.addf %get3A_1, %get3A_4 : vector<2000x64xf32>
    %get3A_5 = arith.constant 0 : index
    %get3A_6 = arith.constant 0 : index
    %get3A_7 = vector.load %arg3[%get3A_5, %get3A_6] : memref<2000x64xf32, #tpu.memory_space<vmem>>, vector<2000x64xf32>
    %add3A_8 = arith.addf %add3A, %get3A_7 : vector<2000x64xf32>
    %get3A_9 = arith.constant 0 : index
    %get3A_10 = arith.constant 0 : index
    %get3A_11 = vector.load %arg4[%get3A_9, %get3A_10] : memref<64x64xf32, #tpu.memory_space<vmem>>, vector<64x64xf32>
    %dot_general3A = arith.constant dense<0.000000e+00> : vector<2000x64xf32>
    %dot_general3A_12 = tpu.matmul %add3A_8, %get3A_11, %dot_general3A {dimension_numbers = #tpu.dot_dimension_numbers<[1], [0], [0], [1], [0, 0, 1, 1], [], []>, transpose_lhs_hint = false} : vector<2000x64xf32>, vector<64x64xf32>, vector<2000x64xf32> -> vector<2000x64xf32>
    %get3A_13 = arith.constant 0 : index
    %get3A_14 = arith.constant 0 : index
    %get3A_15 = vector.load %arg5[%get3A_13, %get3A_14] : memref<1x64xf32, #tpu.memory_space<vmem>>, vector<1x64xf32>
    %add3A_16 = vector.broadcast %get3A_15 : vector<1x64xf32> to vector<2000x64xf32>
    %add3A_17 = arith.addf %dot_general3A_12, %add3A_16 : vector<2000x64xf32>
    %gt3A = arith.constant 0.000000e+00 : f32
    %gt3A_18 = vector.broadcast %gt3A : f32 to vector<2000x64xf32>
    %gt3A_19 = arith.cmpf ogt, %add3A_17, %gt3A_18 : vector<2000x64xf32>
    %mul3A = arith.constant 2.000000e-01 : f32
    %mul3A_20 = vector.broadcast %mul3A : f32 to vector<2000x64xf32>
    %mul3A_21 = arith.mulf %mul3A_20, %add3A_17 : vector<2000x64xf32>
    %select_n3A = arith.select %gt3A_19, %add3A_17, %mul3A_21 : vector<2000x64xi1>, vector<2000x64xf32>
    %get3A_22 = arith.constant 0 : index
    %get3A_23 = arith.constant 0 : index
    %get3A_24 = vector.load %arg6[%get3A_22, %get3A_23] : memref<64x64xf32, #tpu.memory_space<vmem>>, vector<64x64xf32>
    %dot_general3A_25 = arith.constant dense<0.000000e+00> : vector<2000x64xf32>
    %dot_general3A_26 = tpu.matmul %select_n3A, %get3A_24, %dot_general3A_25 {dimension_numbers = #tpu.dot_dimension_numbers<[1], [0], [0], [1], [0, 0, 1, 1], [], []>, transpose_lhs_hint = false} : vector<2000x64xf32>, vector<64x64xf32>, vector<2000x64xf32> -> vector<2000x64xf32>
    %get3A_27 = arith.constant 0 : index
    %get3A_28 = arith.constant 0 : index
    %get3A_29 = vector.load %arg7[%get3A_27, %get3A_28] : memref<1x64xf32, #tpu.memory_space<vmem>>, vector<1x64xf32>
    %add3A_30 = vector.broadcast %get3A_29 : vector<1x64xf32> to vector<2000x64xf32>
    %add3A_31 = arith.addf %dot_general3A_26, %add3A_30 : vector<2000x64xf32>
    %gt3A_32 = arith.constant 0.000000e+00 : f32
    %gt3A_33 = vector.broadcast %gt3A_32 : f32 to vector<2000x64xf32>
    %gt3A_34 = arith.cmpf ogt, %add3A_31, %gt3A_33 : vector<2000x64xf32>
    %mul3A_35 = arith.constant 2.000000e-01 : f32
    %mul3A_36 = vector.broadcast %mul3A_35 : f32 to vector<2000x64xf32>
    %mul3A_37 = arith.mulf %mul3A_36, %add3A_31 : vector<2000x64xf32>
    %select_n3A_38 = arith.select %gt3A_34, %add3A_31, %mul3A_37 : vector<2000x64xi1>, vector<2000x64xf32>
    %get3A_39 = arith.constant 0 : index
    %get3A_40 = arith.constant 0 : index
    %get3A_41 = vector.load %arg8[%get3A_39, %get3A_40] : memref<64x128xf32, #tpu.memory_space<vmem>>, vector<64x128xf32>
    %dot_general3A_42 = arith.constant dense<0.000000e+00> : vector<2000x128xf32>
    %dot_general3A_43 = tpu.matmul %select_n3A_38, %get3A_41, %dot_general3A_42 {dimension_numbers = #tpu.dot_dimension_numbers<[1], [0], [0], [1], [0, 0, 1, 1], [], []>, transpose_lhs_hint = false} : vector<2000x64xf32>, vector<64x128xf32>, vector<2000x128xf32> -> vector<2000x128xf32>
    %get3A_44 = arith.constant 0 : index
    %get3A_45 = arith.constant 0 : index
    %get3A_46 = vector.load %arg9[%get3A_44, %get3A_45] : memref<1x128xf32, #tpu.memory_space<vmem>>, vector<1x128xf32>
    %add3A_47 = vector.broadcast %get3A_46 : vector<1x128xf32> to vector<2000x128xf32>
    %add3A_48 = arith.addf %dot_general3A_43, %add3A_47 : vector<2000x128xf32>
    %swap3A = arith.constant 0 : index
    %swap3A_49 = arith.constant 0 : index
    %swap3A_50 = vector.load %arg10[%swap3A, %swap3A_49] : memref<2000x128xf32, #tpu.memory_space<vmem>>, vector<2000x128xf32>
    tpu.vector_store %arg10[%swap3A, %swap3A_49], %add3A_48 {strides = array<i32>} : memref<2000x128xf32, #tpu.memory_space<vmem>>, vector<2000x128xf32>,
    return
  }
  func.func @transform_0(%arg0: i32) -> (i32, i32) {
    %c0_i32 = arith.constant 0 : i32
    %c0_i32_0 = arith.constant 0 : i32
    return %arg0, %c0_i32 : i32, i32
  }
  func.func @transform_1(%arg0: i32) -> (i32, i32) {
    %c0_i32 = arith.constant 0 : i32
    %c0_i32_0 = arith.constant 0 : i32
    return %arg0, %c0_i32 : i32, i32
  }
  func.func @transform_2(%arg0: i32) -> (i32, i32) {
    %c0_i32 = arith.constant 0 : i32
    %c0_i32_0 = arith.constant 0 : i32
    return %arg0, %c0_i32 : i32, i32
  }
  func.func @transform_3(%arg0: i32) -> (i32, i32) {
    %c0_i32 = arith.constant 0 : i32
    %c0_i32_0 = arith.constant 0 : i32
    %c0_i32_1 = arith.constant 0 : i32
    return %c0_i32, %c0_i32_0 : i32, i32
  }
  func.func @transform_4(%arg0: i32) -> (i32, i32) {
    %c0_i32 = arith.constant 0 : i32
    %c0_i32_0 = arith.constant 0 : i32
    %c0_i32_1 = arith.constant 0 : i32
    return %c0_i32, %c0_i32_0 : i32, i32
  }
  func.func @transform_5(%arg0: i32) -> (i32, i32) {
    %c0_i32 = arith.constant 0 : i32
    %c0_i32_0 = arith.constant 0 : i32
    %c0_i32_1 = arith.constant 0 : i32
    return %c0_i32, %c0_i32_0 : i32, i32
  }
  func.func @transform_6(%arg0: i32) -> (i32, i32) {
    %c0_i32 = arith.constant 0 : i32
    %c0_i32_0 = arith.constant 0 : i32
    %c0_i32_1 = arith.constant 0 : i32
    return %c0_i32, %c0_i32_0 : i32, i32
  }
  func.func @transform_7(%arg0: i32) -> (i32, i32) {
    %c0_i32 = arith.constant 0 : i32
    %c0_i32_0 = arith.constant 0 : i32
    %c0_i32_1 = arith.constant 0 : i32
    return %c0_i32, %c0_i32_0 : i32, i32
  }
  func.func @transform_8(%arg0: i32) -> (i32, i32) {
    %c0_i32 = arith.constant 0 : i32
    %c0_i32_0 = arith.constant 0 : i32
    %c0_i32_1 = arith.constant 0 : i32
    return %c0_i32, %c0_i32_0 : i32, i32
  }
  func.func @transform_9(%arg0: i32) -> (i32, i32) {
    %c0_i32 = arith.constant 0 : i32
    %c0_i32_0 = arith.constant 0 : i32
    return %arg0, %c0_i32 : i32, i32
  }
}

</mosaic_0001>

<sc_bundles>
// kernel: kernel.11.cloned.1.call-start
scs
__scs_entry_jumppad:
0x0: {  	(pc) =	sbr.rel $0x88, $3  }
0x1: {  	(tag) =	ssettag $0x0;
	lr =	simm.s32 $0x1  }
0x2: {  	[smem:$0x3F8C] =	sst lr;
	_ =	strace $0xD0000000  }
0x3: {  	_ = 	snop  }
0x4: {  	_ = 	snop  }
0x5: {  	_ = 	snop  }
0x6: {  	_ = 	snop  }
0x7: {  	_ = 	snop  }
__scs_overlays_trampoline_lowered:
0x8: {  	[smem:$0x3F9B] =	sst s0  }
0x9: {  	[smem:$0x3F9C] =	sst s1  }
0xa: {  	[smem:$0x3F9D] =	sst s2  }
0xb: {  	[smem:$0x3F9E] =	sst s3  }
0xc: {  	[smem:$0x3F9F] =	sst s4  }
0xd: {  	[smem:$0x3FA0] =	sst s5  }
0xe: {  	[smem:$0x3FA1] =	sst s6  }
0xf: {  	[smem:$0x3FA2] =	sst s7  }
0x10: {  	[smem:$0x3FA3] =	sst s8  }
0x11: {  	[smem:$0x3FA4] =	sst s9;
	s0 =	simm.s32 @!p0 $0x0  }
0x12: {  	s1 =	sld [smem:$0x3F8A];
	s0 =	simm.s32 @p0 $0x1  }
0x13: {  	[smem:$0x3FA5] =	sst s0;
	s0 =	simm.s32 @!p1 $0x0  }
0x14: {  	s2 =	sld [smem:$0x3F89];
	s0 =	simm.s32 @p1 $0x1  }
0x15: {  	[smem:$0x3FA6] =	sst s0;
	s0 =	simm.s32 @!p2 $0x0  }
0x16: {  	s3 =	sld [smem:$0x3FDB];
	s0 =	simm.s32 @p2 $0x1  }
0x17: {  	s4 =	simm.s32 $0x1BF5;
	[smem:$0x3FA8] =	sst s0  }
0x18: {  	s0 =	sld [smem:$0x3F8B];
	_ =	swait.ge [sflag:s4], $0x0  }
0x19: {  	s7 =	sld [smem:$0x3F8C]  }
0x1a: {  	s8 =	sadd.s32 $0xFFFFE003, lr  }
0x1b: {  	s9 =	sadd.s32 $0xFFFFFEF7, lr;
	s5 =	simm.s32 $0xFFFFFFFF;
	p2 =	slt.u32 s8, $0xFFFFF086  }
0x1c: {  	p1 =	slt.u32 s9, $0xF7A;
	s5 =	simm.s32 @!p2 $0x0  }
0x1d: {  	s5 =	simm.s32 @p1 $0x1;
	p0 =	seq.s32 s7, s2  }
0x1e: {  	s7 =	smul.u32 @!p0 $0xF7A, s2;
	p2 =	seq.s32 @!p0 s5, $0x0  }
0x1f: {  	s9 =	smul.u32 $0xF7A, s1;
	s8 =	simm.s32 @!p0 $0x1BF5;
	p2 =	por !p2, p0  }
0x20: {  	[sflag:s8] =	ssyncset.s32 @!p0 $0xFFFFF086;
	s6 =	sadd.s32 @!p0 s3, s7;
	s7 =	simm.s32 @!p0 $0x108  }
0x21: {  	s3 =	sadd.s32 s3, s9;
	s6 =	sadd.s32 @!p0 $0x88, s6;
	s7 =	simm.s32 @p2 $0x1082  }
0x22: {  	[simem:s7], [sflag:s8] =	dma.local @!p0 [hbm:s6], $0xF7A  }
0x23: {  	s9 =	sor.u32 $0xD0000000, s2;
	s6 =	simm.s32 $0x108;
	_ =	swait.ge @!p0 [sflag:s8], $0x0  }
0x24: {  	s3 =	sadd.s32 $0x88, s3;
	s6 =	simm.s32 @!p1 $0x1082;
	[sflag:s4] =	ssyncset.s32 $0xFFFFF086  }
0x25: {  	[simem:s6], [sflag:s4] =	dma.local [hbm:s3], $0xF7A  }
0x26: {  	[smem:$0x3F8C] =	sst s1;
	(tag) =	ssettag s2;
	_ =	strace s9  }
0x27: {  	s1 =	sld [smem:$0x3F9C]  }
0x28: {  	s2 =	sld [smem:$0x3F9D]  }
0x29: {  	s4 =	sld [smem:$0x3F9F]  }
0x2a: {  	p0 =	seq.s32 s5, $0x0;
	s5 =	sld [smem:$0x3FA0]  }
0x2b: {  	s6 =	sld [smem:$0x3FA1]  }
0x2c: {  	s7 =	sld [smem:$0x3FA2]  }
0x2d: {  	s3 =	simm.s32 $0x108;
	s8 =	sld [smem:$0x3FA3]  }
0x2e: {  	s3 =	simm.s32 @!p0 $0x1082;
	s9 =	sld [smem:$0x3FA4]  }
0x2f: {  	lr =	sadd.s32 s0, s3;
	s0 =	sld [smem:$0x3F9B]  }
0x30: {  	s3 =	sld [smem:$0x3F9E]  }
0x31: {  	[smem:$0x3FA7] =	sst s10  }
0x32: {  	s10 =	sld [smem:$0x3FA5];
	_ =	sdelay $0x3  }
0x33: {  	p0 =	seq.s32 s10, $0x1;
	s10 =	sld [smem:$0x3FA7];
	_ =	sdelay $0x3  }
0x34: {  	[smem:$0x3FA7] =	sst s10  }
0x35: {  	s10 =	sld [smem:$0x3FA6];
	_ =	sdelay $0x3  }
0x36: {  	p1 =	seq.s32 s10, $0x1;
	s10 =	sld [smem:$0x3FA7];
	_ =	sdelay $0x3  }
0x37: {  	[smem:$0x3FA7] =	sst s10  }
0x38: {  	s10 =	sld [smem:$0x3FA8]  }
0x39: {  	_ = 	snop;
	(pc) =	sbr.ind lr, $3  }
0x3a: {  	_ = 	snop  }
0x3b: {  	_ = 	snop  }
0x3c: {  	p2 =	seq.s32 s10, $0x1;
	s10 =	sld [smem:$0x3FA7]  }
0x3d: {  	_ =	shalt  }
0x3e: {  	_ =	shalt  }
0x3f: {  	_ =	shalt  }
0x40: {  	_ =	shalt  }
0x41: {  	_ =	shalt  }
0x42: {  	_ =	shalt  }
0x43: {  	_ =	shalt  }
0x44: {  	_ =	shalt  }
0x45: {  	_ =	shalt  }
0x46: {  	_ =	shalt  }
0x47: {  	_ =	shalt  }
0x48: {  	_ =	shalt  }
0x49: {  	_ =	shalt  }
0x4a: {  	_ =	shalt  }
0x4b: {  	_ =	shalt  }
0x4c: {  	_ =	shalt  }
0x4d: {  	_ =	shalt  }
0x4e: {  	_ =	shalt  }
0x4f: {  	_ =	shalt  }
0x50: {  	_ =	shalt  }
0x51: {  	_ =	shalt  }
0x52: {  	_ =	shalt  }
0x53: {  	_ =	shalt  }
0x54: {  	_ =	shalt  }
0x55: {  	_ =	shalt  }
0x56: {  	_ =	shalt  }
0x57: {  	_ =	shalt  }
0x58: {  	_ =	shalt  }
0x59: {  	_ =	shalt  }
0x5a: {  	_ =	shalt  }
0x5b: {  	_ =	shalt  }
0x5c: {  	_ =	shalt  }
0x5d: {  	_ =	shalt  }
0x5e: {  	_ =	shalt  }
0x5f: {  	_ =	shalt  }
0x60: {  	_ =	shalt  }
0x61: {  	_ =	shalt  }
0x62: {  	_ =	shalt  }
0x63: {  	_ =	shalt  }
0x64: {  	_ =	shalt  }
0x65: {  	_ =	shalt  }
0x66: {  	_ =	shalt  }
0x67: {  	_ =	shalt  }
0x68: {  	_ =	shalt  }
0x69: {  	_ =	shalt  }
0x6a: {  	_ =	shalt  }
0x6b: {  	_ =	shalt  }
0x6c: {  	_ =	shalt  }
0x6d: {  	_ =	shalt  }
0x6e: {  	_ =	shalt  }
0x6f: {  	_ =	shalt  }
0x70: {  	_ =	shalt  }
0x71: {  	_ =	shalt  }
0x72: {  	_ =	shalt  }
0x73: {  	_ =	shalt  }
0x74: {  	_ =	shalt  }
0x75: {  	_ =	shalt  }
0x76: {  	_ =	shalt  }
0x77: {  	_ =	shalt  }
0x78: {  	_ =	shalt  }
0x79: {  	_ =	shalt  }
0x7a: {  	_ =	shalt  }
0x7b: {  	_ =	shalt  }
0x7c: {  	_ =	shalt  }
0x7d: {  	_ =	shalt  }
0x7e: {  	_ =	shalt  }
0x7f: {  	_ =	shalt  }
0x80: {  	_ =	shalt  }
0x81: {  	_ =	shalt  }
0x82: {  	_ =	shalt  }
0x83: {  	_ =	shalt  }
0x84: {  	_ =	shalt  }
0x85: {  	_ =	shalt  }
0x86: {  	_ =	shalt  }
0x87: {  	_ =	shalt  }
.Lfunc_end0:
.L_simem_size_0:
called_computation.2_lowered:
.L_overlay_start_0:
0x88: {  	s2 =	sld [smem:$0x3FD9]  }
0x89: {  	s3 =	sld [smem:$0x3FFE];
	_ =	sdelay $0x1  }
0x8a: {  	s1 =	srdreg.scid  }
0x8b: {  	s0 =	sand.u32 $0x1, s1  }
0x8c: {  	s16 =	sshll.u32 s0, $0xA;
	s2 =	sadd.s32 s3, s2  }
0x8d: {  	s2 =	sadd.s32 s2, s16  }
0x8e: {  	[smem:$0x3FB3] =	sst s2  }
0x8f: {  	_ = 	snop  }
0x90: {  	(tm) =	ssettm $0x1  }
0x91: {  	s17 =	sld [smem:$0x3FFB];
	_ =	sdelay $0x3  }
0x92: {  	_ =	strace s17  }
0x93: {  	s2 =	sld [smem:$0x3FFC];
	_ =	sdelay $0x3  }
0x94: {  	_ =	strace s2  }
0x95: {  	s2 =	sld [smem:$0x3FFD];
	_ =	sdelay $0x3  }
0x96: {  	_ =	strace s2  }
0x97: {  	_ =	strace $0x8FFFFFFF  }
0x98: {  	s18 =	sld [smem:$0x3FDB];
	_ =	sdelay $0x1  }
0x99: {  	s19 =	simm.s32 $_scs_section_size  }
0x9a: {  	s4 =	simm.s32 $_size__tile_overlayer_lowered;
	s5 =	simm.s32 $_tile_overlayer_lowered  }
0x9b: {  	s22 =	simm.s32 $0x1BFF;
	s21 =	sshll.u32 s5, $0x1;
	s2 =	sadd.s32 s19, s18  }
0x9c: {  	s6 =	simm.s32 $0x0;
	s20 =	sshll.u32 s4, $0x1;
	s4 =	sadd.s32 s21, s2  }
0x9d: {  	[timem:s6], [sflag:s22] =	dma.local [hbm:s4], s20  }
0x9e: {  	_ =	swait.ge [sflag:s22], s20  }
0x9f: {  	s3 =	ssub.s32 $0x0, s20;
	[sflag:s22] =	ssyncset.done $0x0  }
0xa0: {  	[sflag:s22] =	ssyncadd.s32 s3;
	_ =	sdelay $0x1  }
0xa1: {  	s23 =	simm.s32 $0x1B8B  }
0xa2: {  	_ =	swait.ge [sflag:s23], $0x1  }
0xa3: {  	[sflag:s23] =	ssyncset.done $0x0  }
0xa4: {  	s25 =	simm.s32 $0x1B8E;
	s24 =	sld [smem:$0x3FFE];
	[sflag:s23] =	ssyncadd.s32 $0xFFFFFFFF  }
0xa5: {  	s26 =	simm.s32 $execute0_lowered;
	[smem:$0x3FD2] =	sst s25  }
0xa6: {  	s4 =	sshll.u32 s26, $0x1;
	_ =	strace $0x8000004C;
	[dreg:$0x1] =	wrdreg $0xFFFFFFFF  }
0xa7: {  	s28 =	simm.s32 $_size_execute0_lowered;
	s2 =	sadd.s32 s2, s4;
	[dreg:$0x0] =	wrdreg $0x0  }
0xa8: {  	s4 =	sshll.u32 s28, $0x1;
	[dreg:$0x2] =	wrdreg s2  }
0xa9: {  	[dreg:$0x3] =	wrdreg s4  }
0xaa: {  	[dreg:$0x4] =	wrdreg $0xC0  }
0xab: {  	_ =	task [dreg:s6], $0x5FFFF  }
0xac: {  	[dreg:$0x1] =	wrdreg $0xFFFFFFFF  }
0xad: {  	[dreg:$0x0] =	wrdreg $0x60  }
0xae: {  	[dreg:$0x2] =	wrdreg s24  }
0xaf: {  	[dreg:$0x3] =	wrdreg $0x150000  }
0xb0: {  	[dreg:$0x4] =	wrdreg $0x9  }
0xb1: {  	_ =	task.clear_ibuf [dreg:s6], $0x5FFFF;
	_ =	strace $0x9000004C  }
0xb2: {  	s29 =	simm.s32 $0x9;
	_ =	strace $0x8000004E  }
0xb3: {  	_ =	swait.ge [sflag:s29], $0x1  }
0xb4: {  	[sflag:s29] =	ssyncadd.s32 $0xFFFFFFFF  }
0xb5: {  	_ =	strace $0x9000004E  }
0xb6: {  	_ =	sfence  }
0xb7: {  	s30 =	sld [smem:$0x0];
	_ =	sdelay $0x2  }
0xb8: {  	s31 =	sshll.u32 s1, $0xD;
	s1 =	sshrl.u32 s1, $0x2  }
0xb9: {  	s3 =	sand.u32 $0x4000, s31;
	s1 =	sadd.s32 s1, s30  }
0xba: {  	s0 =	sor.u32 s3, s0;
	s1 =	sshll.u32 s1, $0x11  }
0xbb: {  	s0 =	sor.u32 s1, s0  }
0xbc: {  	s0 =	sadd.s32 $0x8F2B, s0  }
0xbd: {  	[sflag:s0] =	ssyncadd.remote.s32 $0x1  }
0xbe: {  	_ =	sfence.sel $0xFFFF  }
0xbf: {  	[dreg:$0x0] =	wrdreg $0xFFFFFFFF;
	(pc) =	sbr.abs _section_cstart, $3  }
0xc0: {  	[dreg:$0x1] =	wrdreg $0xFFFFFFFF  }
0xc1: {  	_ =	task.clear_ibuf [dreg:s6], $0x2FFFF;
	_ =	strace $0x9FFFFFFF  }
0xc2: {  	(tm) =	ssettm $0x7FFFFFFF  }
0xc3: {  	_ =	shalt  }
tec
execute0_lowered:
.L_overlay_start_1:
0x0: {  	(tag) =	ssettag $0x1  }
0x1: {  	s0 =	srdreg.scid  }
0x2: {  	s10 =	stileid.u32;
	s3 =	rddreg [dreg:$0x0]  }
0x3: {  	s2 =	rddreg [dreg:$0x1];
	s4 =	simm.s32 $0x0;
	s29 =	simm.s32 $0x20  }
0x4: {  	s30 =	simm.s32 $0x40;
	s31 =	simm.s32 $0x3;
	s0 =	sand.u32 $0x1, s0  }
0x5: {  	s7 =	smul.u32 $0x13C0, s10;
	[smem:$0x7FF] =	sst s4;
	s5 =	sadd.s32 $0x274800, s3  }
0x6: {  	s1 =	sshll.u32 s0, $0x4;
	s8 =	smul.u32 $0x13C00, s0;
	s0 =	ssub.s32 $0x2, s0  }
0x7: {  	s13 =	smul.u32 $0x27800, s10;
	_ =	strace $0x8000004D;
	s15 =	sshrl.u32 s0, $0x1  }
0x8: {  	s1 =	sor.u32 s10, s1;
	s10 =	simm.s32 $0x4;
	s0 =	ssub.s32 s0, s15  }
0x9: {  	s7 =	sadd.s32 s7, s8;
	s8 =	sshrl.u32 s13, $0x2;
	s0 =	smax.u32 s0, $0x1  }
0xa: {  	s6 =	smul.u32 $0x50, s1;
	s12 =	sadd.s32 s8, s2;
	[dreg:$0xf] =	wrdreg s0  }
0xb: {  	s1 =	smul.u32 $0x14000, s1;
	s18 =	sadd.s32 $0x2000, s12;
	[dreg:$0x4] =	wrdreg s12  }
0xc: {  	s7 =	sadd.s32 s7, s3;
	s19 =	sadd.s32 $0x4000, s12;
	[dreg:$0x6] =	wrdreg s18  }
0xd: {  	s4 =	smin.u32 s6, $0x974;
	s21 =	sadd.s32 $0x6000, s12;
	[dreg:$0x7] =	wrdreg s19  }
0xe: {  	s23 =	sadd.s32 $0x8000, s12;
	s28 =	sadd.s32 $0x27E600, s7;
	[dreg:$0x8] =	wrdreg s21  }
0xf: {  	s9 =	sshll.u32 s4, $0x4;
	s6 =	ssub.s32 s6, s4;
	[dreg:$0x9] =	wrdreg s23  }
0x10: {  	[dreg:$0xe] =	wrdreg s28;
	s23 =	simm.s32 $0x7;
	s18 =	simm.s32 $0x11000  }
0x11: {  	s19 =	simm.s32 $0xB;
	s21 =	simm.s32 $0x6;
	s14 =	sadd.s32 s9, s3  }
0x12: {  	s16 =	ssub.s32 $0x50, s6;
	s20 =	sor.u32 $0x1, s6;
	s25 =	sshll.u32 s6, $0x9  }
0x13: {  	s11 =	sadd.s32 $0x4EF600, s14;
	s9 =	sshra.s32 s16, $0x2;
	s17 =	sadd.s32 $0x4F9240, s14  }
0x14: {  	s14 =	sadd.s32 $0x3804, s3;
	s22 =	sadd.s32 s4, s20;
	s8 =	sshll.u32 s20, $0x9  }
0x15: {  	s3 =	sshra.s32 s25, $0x2;
	s16 =	simm.s32 $0x5;
	[dreg:$0x3] =	wrdreg s11  }
0x16: {  	[dreg:$0x5] =	wrdreg s17;
	s1 =	sadd.s32 s1, s14;
	s24 =	sshll.u32 s22, $0xA  }
0x17: {  	[dreg:$0xb] =	wrdreg s3;
	s26 =	sshra.s32 s8, $0x2;
	s20 =	sadd.s32 $0xFFFFFFFF, s9  }
.Ltmp0:
0x18: {  	p0 =	slt.s32 s9, $0x1;
	s8 =	simm.s32 $0xF;
	(pc) =	sbr.rel .LBB2_1-.Ltmp0, $4  }
0x19: {  	s11 =	simm.s32 $0x8;
	s17 =	simm.s32 $0x9;
	s22 =	simm.s32 $0xA  }
0x1a: {  	s3 =	simm.s32 $0x0;
	[dreg:$0xa] =	wrdreg s1;
	s1 =	sand.u32 $0xFFFF400, s24  }
0x1b: {  	[dreg:$0xd] =	wrdreg s26;
	s24 =	simm.s32 $0x13000;
	s1 =	sadd.s32 s1, s14  }
0x1c: {  	v0 =	vimm.f32 $0.0e+00;
	s26 =	simm.s32 $0xC;
	[dreg:$0xc] =	wrdreg s1;
	s1 =	simm.s32 $0x80  }
.LBB2_13:
0x1d: {  	s0 =	simm.s32 $0xD  }
0x1e: {  	_ =	swait.ge [sflag:s0], $0x2000  }
0x1f: {  	[sflag:s0] =	ssyncset.done $0x0  }
0x20: {  	s13 =	simm.s32 $0xE;
	[sflag:s0] =	ssyncadd.s32 $0xFFFFE000  }
0x21: {  	_ =	swait.ge [sflag:s13], $0x2000  }
0x22: {  	[sflag:s13] =	ssyncset.done $0x0  }
0x23: {  	[sflag:s13] =	ssyncadd.s32 $0xFFFFE000  }
0x24: {  	s15 =	stileid.u32;
	[bflag:$0x0] =	sbarrier.arrive $0xFFFF  }
0x25: {  	s8 =	simm.s32 $0xF;
	s0 =	sshll.u32 s15, $0x6;
	s12 =	rddreg [dreg:$0x4]  }
0x26: {  	s0 =	sor.u32 $0x1C0F, s0;
	s7 =	rddreg [dreg:$0xe];
	s3 =	sshrl.u32 s12, $0x3  }
0x27: {  	[hbm:s7], [sflag:s0] =	dma.local [spmem:s3], $0x13C0  }
0x28: {  	_ =	swait.ge [sflag:s8], $0x13C0  }
0x29: {  	s25 =	rddreg [dreg:$0x10]  }
0x2a: {  	s28 =	rddreg [dreg:$0xf];
	s3 =	sadd.s32 $0x1, s25  }
0x2b: {  	p1 =	sne.s32 s3, s28  }
.Ltmp1:
0x2c: {  	_ = 	snop;
	(pc) =	sbr.rel @!p1 .LBB2_14-.Ltmp1, $3  }
0x2d: {  	_ =	sdelay $0x1  }
0x2e: {  	[sflag:s8] =	ssyncset.done $0x0  }
0x2f: {  	[sflag:s8] =	ssyncadd.s32 $0xFFFFEC40  }
.LBB2_1:
0x30: {  	s0 =	simm.s32 $0x0;
	s25 =	rddreg [dreg:$0x3]  }
0x31: {  	[tilespmem:s0], [sflag:$0x1] =	stream.linear.gather [hbm4b:s25+s0], $0x2800, $0x38;
	[tilespmem:$0x1EE00] =	vst v63  }
0x32: {  	s28 =	rddreg [dreg:$0x5];
	s7 =	simm.s32 $0x2800  }
0x33: {  	[tilespmem:s7], [sflag:$0x2] =	stream.linear.gather [hbm4b:s28+s0], $0x2800, $0x38;
	[tilespmem:$0x1EE00] =	vst v63  }
0x34: {  	s0 =	simm.s32 $0x13040  }
0x35: {  	[tilespmem:s0+$0xFFFFFFC0] =	vst v0  }
0x36: {  	[tilespmem:s0+$0x30] =	vst v0  }
0x37: {  	[tilespmem:s0+$0x20] =	vst v0  }
0x38: {  	[tilespmem:s0+$0x10] =	vst v0  }
0x39: {  	[tilespmem:s0+$0x0] =	vst v0  }
0x3a: {  	[tilespmem:s0+$0xFFFFFFF0] =	vst v0  }
0x3b: {  	[dreg:$0x10] =	wrdreg s3;
	s3 =	simm.s32 $0x0;
	[tilespmem:s0+$0xFFFFFFE0] =	vst v0  }
.LBB2_2:
0x3c: {  	s3 =	sadd.s32 $0x2, s3;
	[tilespmem:s0+$0xFFFFFFD0] =	vst v0;
	s0 =	sadd.s32 $0x80, s0  }
0x3d: {  	[tilespmem:s0+$0xFFFFFFC0] =	vst v0;
	p1 =	slt.u32 s3, $0x7E  }
0x3e: {  	[tilespmem:s0+$0x30] =	vst v0  }
.Ltmp2:
0x3f: {  	[tilespmem:s0+$0x20] =	vst v0;
	(pc) =	sbr.rel @p1 .LBB2_2-.Ltmp2, $4  }
0x40: {  	[tilespmem:s0+$0x10] =	vst v0  }
0x41: {  	[tilespmem:s0+$0x0] =	vst v0  }
0x42: {  	[tilespmem:s0+$0xFFFFFFF0] =	vst v0  }
0x43: {  	[tilespmem:s0+$0xFFFFFFE0] =	vst v0  }
0x44: {  	[tilespmem:s0+$0xFFFFFFD0] =	vst v0  }
0x45: {  	[spmem:s12] =	stream.linear.scatter [tilespmem:s24], [sflag:$0xF], $0x2000, $0x38;
	[tilespmem:$0x1EE00] =	vst v63  }
0x46: {  	_ =	swait.ge [sflag:s8], $0x2000  }
0x47: {  	[sflag:s8] =	ssyncset.done $0x0  }
0x48: {  	s12 =	rddreg [dreg:$0x6];
	[sflag:s8] =	ssyncadd.s32 $0xFFFFE000  }
0x49: {  	[spmem:s12] =	stream.linear.scatter [tilespmem:s24], [sflag:$0xF], $0x2000, $0x38;
	[tilespmem:$0x1EE00] =	vst v63  }
0x4a: {  	_ =	swait.ge [sflag:s8], $0x2000  }
0x4b: {  	[sflag:s8] =	ssyncset.done $0x0  }
0x4c: {  	s13 =	rddreg [dreg:$0x7];
	[sflag:s8] =	ssyncadd.s32 $0xFFFFE000  }
0x4d: {  	[spmem:s13] =	stream.linear.scatter [tilespmem:s24], [sflag:$0xF], $0x2000, $0x38;
	[tilespmem:$0x1EE00] =	vst v63  }
0x4e: {  	_ =	swait.ge [sflag:s8], $0x2000  }
0x4f: {  	[sflag:s8] =	ssyncset.done $0x0  }
0x50: {  	s15 =	rddreg [dreg:$0x8];
	[sflag:s8] =	ssyncadd.s32 $0xFFFFE000  }
0x51: {  	[spmem:s15] =	stream.linear.scatter [tilespmem:s24], [sflag:$0xF], $0x2000, $0x38;
	[tilespmem:$0x1EE00] =	vst v63  }
0x52: {  	_ =	swait.ge [sflag:s8], $0x2000  }
0x53: {  	[sflag:s8] =	ssyncset.done $0x0  }
0x54: {  	s25 =	rddreg [dreg:$0x9];
	[sflag:s8] =	ssyncadd.s32 $0xFFFFE000  }
0x55: {  	[spmem:s25] =	stream.linear.scatter [tilespmem:s24], [sflag:$0xF], $0x1E00, $0x38;
	[tilespmem:$0x1EE00] =	vst v63  }
0x56: {  	_ =	swait.ge [sflag:s8], $0x1E00  }
0x57: {  	[sflag:s8] =	ssyncset.done $0x0  }
0x58: {  	s28 =	simm.s32 $0x1;
	[sflag:s8] =	ssyncadd.s32 $0xFFFFE200  }
0x59: {  	_ =	swait.ge [sflag:s28], $0x2800  }
0x5a: {  	[sflag:s28] =	ssyncset.done $0x0  }
0x5b: {  	s3 =	simm.s32 $0x2;
	[sflag:s28] =	ssyncadd.s32 $0xFFFFD800  }
0x5c: {  	_ =	swait.ge [sflag:s3], $0x2800  }
0x5d: {  	[sflag:s3] =	ssyncset.done $0x0  }
0x5e: {  	[sflag:s3] =	ssyncadd.s32 $0xFFFFD800  }
0x5f: {  	[bflag:$0x0] =	sbarrier.arrive $0xFFFF  }
0x60: {  	s3 =	simm.s32 $0x5000;
	s7 =	rddreg [dreg:$0xa]  }
0x61: {  	[tilespmem:s3], [sflag:$0x3] =	stream.strided.gather [hbm4b:s7+s29], $0x1000, s30, s29, $0x38;
	[tilespmem:$0x1EE00] =	vst v63  }
0x62: {  	s12 =	simm.s32 $0x9000;
	s8 =	rddreg [dreg:$0xb]  }
0x63: {  	[tilespmem:s12], [sflag:$0x7] =	stream.indirect.gather [hbm4b:s5+s1], $0x20, s8, s1, $0xb8;
	[tilespmem:$0x1EE00] =	vst v63  }
.Ltmp3:
0x64: {  	_ = 	snop;
	(pc) =	sbr.rel @p0 .LBB2_13-.Ltmp3, $4  }
0x65: {  	s15 =	simm.s32 $0x6000;
	s13 =	rddreg [dreg:$0xc]  }
0x66: {  	[tilespmem:s15], [sflag:$0x4] =	stream.strided.gather [hbm4b:s13+s29], $0x1000, s30, s29, $0x38;
	[tilespmem:$0x1EE00] =	vst v63  }
0x67: {  	s28 =	simm.s32 $0xA000;
	s25 =	rddreg [dreg:$0xd];
	s8 =	simm.s32 $0x0  }
0x68: {  	[tilespmem:s28], [sflag:$0x8] =	stream.indirect.gather [hbm4b:s5+s1], $0x20, s25, s1, $0xb8;
	[tilespmem:$0x1EE00] =	vst v63  }
.LBB2_4:
0x69: {  	_ =	swait.ge [sflag:s31], $0x1000  }
0x6a: {  	[sflag:s31] =	ssyncset.done $0x0  }
0x6b: {  	[sflag:s31] =	ssyncadd.s32 $0xFFFFF000  }
0x6c: {  	_ =	swait.ge [sflag:s23], $0x1000  }
0x6d: {  	[sflag:s23] =	ssyncset.done $0x0  }
0x6e: {  	s7 =	simm.s32 $0x5020;
	[sflag:s23] =	ssyncadd.s32 $0xFFFFF000  }
0x6f: {  	s0 =	simm.s32 $0x9020;
	v1 =	vld [tilespmem:s7+$0xFFFFFFE0]  }
0x70: {  	v2 =	vld [tilespmem:s0+$0xFFFFFFE0];
	_ =	sdelay $0x4  }
0x71: {  	v3 =	vunpack.i.l.bf16.f32 v1;
	v4 =	vunpack.i.l.bf16.f32 v2  }
0x72: {  	v1 =	vunpack.i.u.bf16.f32 v1;
	v2 =	vunpack.i.u.bf16.f32 v2;
	v3 =	vadd.f32 v4, v3  }
0x73: {  	v1 =	vadd.f32 v2, v1  }
0x74: {  	s3 =	simm.s32 $0xD040;
	v2 =	vmax.f32 v3, $0.0e+00  }
0x75: {  	v1 =	vmax.f32 v1, $0.0e+00;
	[tilespmem:s3+$0xFFFFFFC0] =	vst v2  }
0x76: {  	[tilespmem:s3+$0xFFFFFFD0] =	vst v1  }
0x77: {  	v1 =	vld [tilespmem:s7+$0xFFFFFFF0]  }
0x78: {  	v2 =	vld [tilespmem:s0+$0xFFFFFFF0];
	_ =	sdelay $0x4  }
0x79: {  	v3 =	vunpack.i.l.bf16.f32 v1;
	v62 =	vunpack.i.l.bf16.f32 v2  }
0x7a: {  	v1 =	vunpack.i.u.bf16.f32 v1;
	v2 =	vunpack.i.u.bf16.f32 v2;
	v3 =	vadd.f32 v62, v3  }
0x7b: {  	v1 =	vadd.f32 v2, v1  }
0x7c: {  	v2 =	vmax.f32 v3, $0.0e+00  }
0x7d: {  	v1 =	vmax.f32 v1, $0.0e+00;
	[tilespmem:s3+$0xFFFFFFE0] =	vst v2  }
0x7e: {  	[tilespmem:s3+$0xFFFFFFF0] =	vst v1  }
0x7f: {  	v1 =	vld [tilespmem:s7+$0x0]  }
0x80: {  	v2 =	vld [tilespmem:s0+$0x0];
	_ =	sdelay $0x4  }
0x81: {  	v3 =	vunpack.i.l.bf16.f32 v1;
	v63 =	vunpack.i.l.bf16.f32 v2  }
0x82: {  	v1 =	vunpack.i.u.bf16.f32 v1;
	v2 =	vunpack.i.u.bf16.f32 v2;
	v3 =	vadd.f32 v63, v3  }
0x83: {  	v1 =	vadd.f32 v2, v1  }
0x84: {  	v2 =	vmax.f32 v3, $0.0e+00  }
0x85: {  	v1 =	vmax.f32 v1, $0.0e+00;
	[tilespmem:s3+$0x0] =	vst v2  }
0x86: {  	[tilespmem:s3+$0x10] =	vst v1  }
0x87: {  	v1 =	vld [tilespmem:s7+$0x10]  }
0x88: {  	v2 =	vld [tilespmem:s0+$0x10];
	_ =	sdelay $0x1  }
0x89: {  	s12 =	simm.s32 $0x0;
	s13 =	simm.s32 $0x5060;
	s7 =	simm.s32 $0xD040  }
.LBB2_5:
0x8a: {  	s12 =	sadd.s32 $0x2, s12;
	s3 =	sadd.s32 $0x80, s3;
	s0 =	sadd.s32 $0x40, s0  }
0x8b: {  	p1 =	slt.u32 s12, $0x7E;
	v3 =	vunpack.i.u.bf16.f32 v1;
	v1 =	vunpack.i.l.bf16.f32 v1  }
0x8c: {  	v4 =	vunpack.i.u.bf16.f32 v2;
	v2 =	vunpack.i.l.bf16.f32 v2  }
0x8d: {  	v1 =	vadd.f32 v2, v1;
	v2 =	vadd.f32 v4, v3;
	_ =	sdelay $0x1  }
0x8e: {  	v1 =	vmax.f32 v1, $0.0e+00;
	v2 =	vmax.f32 v2, $0.0e+00  }
0x8f: {  	[tilespmem:s7+$0x20] =	vst v1  }
0x90: {  	[tilespmem:s7+$0x30] =	vst v2;
	s7 =	smov.u32 s3  }
0x91: {  	v1 =	vld [tilespmem:s13+$0xFFFFFFE0]  }
0x92: {  	v2 =	vld [tilespmem:s0+$0xFFFFFFE0];
	_ =	sdelay $0x3  }
0x93: {  	v3 =	vunpack.i.l.bf16.f32 v1  }
0x94: {  	v1 =	vunpack.i.u.bf16.f32 v1;
	v4 =	vunpack.i.u.bf16.f32 v2;
	v2 =	vunpack.i.l.bf16.f32 v2  }
0x95: {  	v2 =	vadd.f32 v2, v3;
	v1 =	vadd.f32 v4, v1;
	_ =	sdelay $0x1  }
0x96: {  	v2 =	vmax.f32 v2, $0.0e+00;
	v1 =	vmax.f32 v1, $0.0e+00  }
0x97: {  	[tilespmem:s3+$0xFFFFFFC0] =	vst v2  }
0x98: {  	[tilespmem:s3+$0xFFFFFFD0] =	vst v1  }
0x99: {  	v1 =	vld [tilespmem:s13+$0xFFFFFFF0]  }
0x9a: {  	v2 =	vld [tilespmem:s0+$0xFFFFFFF0];
	_ =	sdelay $0x3  }
0x9b: {  	v3 =	vunpack.i.u.bf16.f32 v1;
	v1 =	vunpack.i.l.bf16.f32 v1  }
0x9c: {  	v4 =	vunpack.i.u.bf16.f32 v2;
	v2 =	vunpack.i.l.bf16.f32 v2  }
0x9d: {  	v1 =	vadd.f32 v2, v1;
	v2 =	vadd.f32 v4, v3;
	_ =	sdelay $0x1  }
0x9e: {  	v1 =	vmax.f32 v1, $0.0e+00;
	v2 =	vmax.f32 v2, $0.0e+00  }
0x9f: {  	[tilespmem:s3+$0xFFFFFFE0] =	vst v1  }
0xa0: {  	[tilespmem:s3+$0xFFFFFFF0] =	vst v2  }
0xa1: {  	v1 =	vld [tilespmem:s13+$0x0]  }
0xa2: {  	v2 =	vld [tilespmem:s0+$0x0];
	_ =	sdelay $0x3  }
0xa3: {  	v3 =	vunpack.i.u.bf16.f32 v1;
	v1 =	vunpack.i.l.bf16.f32 v1  }
0xa4: {  	v4 =	vunpack.i.u.bf16.f32 v2;
	v2 =	vunpack.i.l.bf16.f32 v2  }
0xa5: {  	v1 =	vadd.f32 v2, v1;
	v2 =	vadd.f32 v4, v3;
	_ =	sdelay $0x1  }
0xa6: {  	v1 =	vmax.f32 v1, $0.0e+00;
	v2 =	vmax.f32 v2, $0.0e+00  }
0xa7: {  	[tilespmem:s3+$0x0] =	vst v1  }
.Ltmp4:
0xa8: {  	[tilespmem:s3+$0x10] =	vst v2;
	(pc) =	sbr.rel @p1 .LBB2_5-.Ltmp4, $3  }
0xa9: {  	v1 =	vld [tilespmem:s13+$0x10]  }
0xaa: {  	v2 =	vld [tilespmem:s0+$0x10];
	_ =	sdelay $0x1  }
0xab: {  	s13 =	sadd.s32 $0x40, s13  }
0xac: {  	_ =	sdelay $0x1  }
0xad: {  	v3 =	vunpack.i.l.bf16.f32 v1;
	v4 =	vunpack.i.l.bf16.f32 v2  }
0xae: {  	s0 =	sshll.u32 s8, $0x2;
	v1 =	vunpack.i.u.bf16.f32 v1;
	v2 =	vunpack.i.u.bf16.f32 v2;
	v3 =	vadd.f32 v4, v3  }
0xaf: {  	s28 =	sadd.s32 s6, s0;
	v1 =	vadd.f32 v2, v1  }
0xb0: {  	s0 =	sshll.u32 s28, $0x9;
	v2 =	vmax.f32 v3, $0.0e+00  }
0xb1: {  	s25 =	sshra.s32 s0, $0x2;
	v1 =	vmax.f32 v1, $0.0e+00;
	[tilespmem:s7+$0x20] =	vst v2  }
0xb2: {  	s3 =	simm.s32 $0xD000;
	s0 =	sadd.s32 $0x2800, s25;
	[tilespmem:s7+$0x30] =	vst v1  }
0xb3: {  	[spmem:s2] =	stream.indirect.scatter.add.f32 [tilespmem:s3], [sflag:$0xB], $0x40, s0, s1, $0xb8;
	[tilespmem:$0x1EE00] =	vst v63  }
0xb4: {  	p1 =	seq.s32 s8, $0x0;
	s0 =	sor.u32 $0x2, s28  }
0xb5: {  	s3 =	simm.s32 @!p1 $0xD;
	s15 =	sadd.s32 s4, s0  }
0xb6: {  	_ =	swait.ge @!p1 [sflag:s3], $0x2000;
	s7 =	sshll.u32 s15, $0xA  }
0xb7: {  	[sflag:s3] =	ssyncset.done @!p1 $0x0;
	s7 =	sand.u32 $0xFFFFC00, s7  }
0xb8: {  	s13 =	simm.s32 $0x7000;
	[sflag:s3] =	ssyncadd.s32 @!p1 $0xFFFFE000;
	s12 =	sadd.s32 s7, s14  }
0xb9: {  	[tilespmem:s13], [sflag:$0x5] =	stream.strided.gather [hbm4b:s12+s29], $0x1000, s30, s29, $0x38;
	[tilespmem:$0x1EE00] =	vst v63  }
0xba: {  	s0 =	sshll.u32 s0, $0x7;
	s15 =	simm.s32 $0xB000  }
0xbb: {  	[tilespmem:s15], [sflag:$0x9] =	stream.indirect.gather [hbm4b:s5+s1], $0x20, s0, s1, $0xb8;
	[tilespmem:$0x1EE00] =	vst v63  }
0xbc: {  	_ =	swait.ge [sflag:s10], $0x1000  }
0xbd: {  	[sflag:s10] =	ssyncset.done $0x0  }
0xbe: {  	[sflag:s10] =	ssyncadd.s32 $0xFFFFF000  }
0xbf: {  	_ =	swait.ge [sflag:s11], $0x1000  }
0xc0: {  	[sflag:s11] =	ssyncset.done $0x0  }
0xc1: {  	s12 =	simm.s32 $0x6020;
	[sflag:s11] =	ssyncadd.s32 $0xFFFFF000  }
0xc2: {  	s3 =	simm.s32 $0xA020;
	v1 =	vld [tilespmem:s12+$0xFFFFFFE0]  }
0xc3: {  	v2 =	vld [tilespmem:s3+$0xFFFFFFE0];
	_ =	sdelay $0x4  }
0xc4: {  	v3 =	vunpack.i.l.bf16.f32 v1;
	v61 =	vunpack.i.l.bf16.f32 v2  }
0xc5: {  	v1 =	vunpack.i.u.bf16.f32 v1;
	v2 =	vunpack.i.u.bf16.f32 v2;
	v3 =	vadd.f32 v61, v3  }
0xc6: {  	v1 =	vadd.f32 v2, v1  }
0xc7: {  	s7 =	simm.s32 $0xF040;
	v2 =	vmax.f32 v3, $0.0e+00  }
0xc8: {  	v1 =	vmax.f32 v1, $0.0e+00;
	[tilespmem:s7+$0xFFFFFFC0] =	vst v2  }
0xc9: {  	[tilespmem:s7+$0xFFFFFFD0] =	vst v1  }
0xca: {  	v1 =	vld [tilespmem:s12+$0xFFFFFFF0]  }
0xcb: {  	v2 =	vld [tilespmem:s3+$0xFFFFFFF0];
	_ =	sdelay $0x4  }
0xcc: {  	v3 =	vunpack.i.l.bf16.f32 v1;
	v62 =	vunpack.i.l.bf16.f32 v2  }
0xcd: {  	v1 =	vunpack.i.u.bf16.f32 v1;
	v2 =	vunpack.i.u.bf16.f32 v2;
	v3 =	vadd.f32 v62, v3  }
0xce: {  	v1 =	vadd.f32 v2, v1  }
0xcf: {  	v2 =	vmax.f32 v3, $0.0e+00  }
0xd0: {  	v1 =	vmax.f32 v1, $0.0e+00;
	[tilespmem:s7+$0xFFFFFFE0] =	vst v2  }
0xd1: {  	[tilespmem:s7+$0xFFFFFFF0] =	vst v1  }
0xd2: {  	v1 =	vld [tilespmem:s12+$0x0]  }
0xd3: {  	v2 =	vld [tilespmem:s3+$0x0];
	_ =	sdelay $0x4  }
0xd4: {  	v3 =	vunpack.i.l.bf16.f32 v1;
	v63 =	vunpack.i.l.bf16.f32 v2  }
0xd5: {  	v1 =	vunpack.i.u.bf16.f32 v1;
	v2 =	vunpack.i.u.bf16.f32 v2;
	v3 =	vadd.f32 v63, v3  }
0xd6: {  	v1 =	vadd.f32 v2, v1  }
0xd7: {  	v2 =	vmax.f32 v3, $0.0e+00  }
0xd8: {  	v1 =	vmax.f32 v1, $0.0e+00;
	[tilespmem:s7+$0x0] =	vst v2  }
0xd9: {  	[tilespmem:s7+$0x10] =	vst v1  }
0xda: {  	v1 =	vld [tilespmem:s12+$0x10]  }
0xdb: {  	v2 =	vld [tilespmem:s3+$0x10];
	_ =	sdelay $0x1  }
0xdc: {  	s13 =	simm.s32 $0x0;
	s15 =	simm.s32 $0x6060;
	s12 =	simm.s32 $0xF040  }
.LBB2_7:
0xdd: {  	s13 =	sadd.s32 $0x2, s13;
	s7 =	sadd.s32 $0x80, s7;
	s3 =	sadd.s32 $0x40, s3  }
0xde: {  	p2 =	slt.u32 s13, $0x7E;
	v3 =	vunpack.i.u.bf16.f32 v1;
	v1 =	vunpack.i.l.bf16.f32 v1  }
0xdf: {  	v4 =	vunpack.i.u.bf16.f32 v2;
	v2 =	vunpack.i.l.bf16.f32 v2  }
0xe0: {  	v1 =	vadd.f32 v2, v1;
	v2 =	vadd.f32 v4, v3;
	_ =	sdelay $0x1  }
0xe1: {  	v1 =	vmax.f32 v1, $0.0e+00;
	v2 =	vmax.f32 v2, $0.0e+00  }
0xe2: {  	[tilespmem:s12+$0x20] =	vst v1  }
0xe3: {  	[tilespmem:s12+$0x30] =	vst v2;
	s12 =	smov.u32 s7  }
0xe4: {  	v1 =	vld [tilespmem:s15+$0xFFFFFFE0]  }
0xe5: {  	v2 =	vld [tilespmem:s3+$0xFFFFFFE0];
	_ =	sdelay $0x3  }
0xe6: {  	v3 =	vunpack.i.l.bf16.f32 v1  }
0xe7: {  	v1 =	vunpack.i.u.bf16.f32 v1;
	v4 =	vunpack.i.u.bf16.f32 v2;
	v2 =	vunpack.i.l.bf16.f32 v2  }
0xe8: {  	v2 =	vadd.f32 v2, v3;
	v1 =	vadd.f32 v4, v1;
	_ =	sdelay $0x1  }
0xe9: {  	v2 =	vmax.f32 v2, $0.0e+00;
	v1 =	vmax.f32 v1, $0.0e+00  }
0xea: {  	[tilespmem:s7+$0xFFFFFFC0] =	vst v2  }
0xeb: {  	[tilespmem:s7+$0xFFFFFFD0] =	vst v1  }
0xec: {  	v1 =	vld [tilespmem:s15+$0xFFFFFFF0]  }
0xed: {  	v2 =	vld [tilespmem:s3+$0xFFFFFFF0];
	_ =	sdelay $0x3  }
0xee: {  	v3 =	vunpack.i.u.bf16.f32 v1;
	v1 =	vunpack.i.l.bf16.f32 v1  }
0xef: {  	v4 =	vunpack.i.u.bf16.f32 v2;
	v2 =	vunpack.i.l.bf16.f32 v2  }
0xf0: {  	v1 =	vadd.f32 v2, v1;
	v2 =	vadd.f32 v4, v3;
	_ =	sdelay $0x1  }
0xf1: {  	v1 =	vmax.f32 v1, $0.0e+00;
	v2 =	vmax.f32 v2, $0.0e+00  }
0xf2: {  	[tilespmem:s7+$0xFFFFFFE0] =	vst v1  }
0xf3: {  	[tilespmem:s7+$0xFFFFFFF0] =	vst v2  }
0xf4: {  	v1 =	vld [tilespmem:s15+$0x0]  }
0xf5: {  	v2 =	vld [tilespmem:s3+$0x0];
	_ =	sdelay $0x3  }
0xf6: {  	v3 =	vunpack.i.u.bf16.f32 v1;
	v1 =	vunpack.i.l.bf16.f32 v1  }
0xf7: {  	v4 =	vunpack.i.u.bf16.f32 v2;
	v2 =	vunpack.i.l.bf16.f32 v2  }
0xf8: {  	v1 =	vadd.f32 v2, v1;
	v2 =	vadd.f32 v4, v3;
	_ =	sdelay $0x1  }
0xf9: {  	v1 =	vmax.f32 v1, $0.0e+00;
	v2 =	vmax.f32 v2, $0.0e+00  }
0xfa: {  	[tilespmem:s7+$0x0] =	vst v1  }
.Ltmp5:
0xfb: {  	[tilespmem:s7+$0x10] =	vst v2;
	(pc) =	sbr.rel @p2 .LBB2_7-.Ltmp5, $3  }
0xfc: {  	v1 =	vld [tilespmem:s15+$0x10]  }
0xfd: {  	v2 =	vld [tilespmem:s3+$0x10];
	_ =	sdelay $0x1  }
0xfe: {  	s15 =	sadd.s32 $0x40, s15  }
0xff: {  	_ =	sdelay $0x1  }
0x100: {  	v3 =	vunpack.i.l.bf16.f32 v1;
	v4 =	vunpack.i.l.bf16.f32 v2  }
0x101: {  	v1 =	vunpack.i.u.bf16.f32 v1;
	v2 =	vunpack.i.u.bf16.f32 v2;
	v3 =	vadd.f32 v4, v3  }
0x102: {  	v1 =	vadd.f32 v2, v1  }
0x103: {  	v2 =	vmax.f32 v3, $0.0e+00  }
0x104: {  	v1 =	vmax.f32 v1, $0.0e+00;
	[tilespmem:s12+$0x20] =	vst v2  }
0x105: {  	s3 =	sadd.s32 $0x2880, s25;
	s7 =	simm.s32 $0xF000;
	[tilespmem:s12+$0x30] =	vst v1  }
0x106: {  	[spmem:s2] =	stream.indirect.scatter.add.f32 [tilespmem:s7], [sflag:$0xC], $0x40, s3, s1, $0xb8;
	[tilespmem:$0x1EE00] =	vst v63  }
0x107: {  	s3 =	sor.u32 $0x3, s28  }
0x108: {  	s7 =	simm.s32 @!p1 $0xE;
	s13 =	sadd.s32 s4, s3  }
0x109: {  	_ =	swait.ge @!p1 [sflag:s7], $0x2000;
	s12 =	sshll.u32 s13, $0xA  }
0x10a: {  	[sflag:s7] =	ssyncset.done @!p1 $0x0;
	s12 =	sand.u32 $0xFFFFC00, s12  }
0x10b: {  	s25 =	simm.s32 $0x8000;
	[sflag:s7] =	ssyncadd.s32 @!p1 $0xFFFFE000;
	s15 =	sadd.s32 s12, s14  }
0x10c: {  	[tilespmem:s25], [sflag:$0x6] =	stream.strided.gather [hbm4b:s15+s29], $0x1000, s30, s29, $0x38;
	[tilespmem:$0x1EE00] =	vst v63  }
0x10d: {  	s13 =	simm.s32 $0xC000;
	s25 =	sshll.u32 s3, $0x7  }
0x10e: {  	[tilespmem:s13], [sflag:$0xA] =	stream.indirect.gather [hbm4b:s5+s1], $0x20, s25, s1, $0xb8;
	[tilespmem:$0x1EE00] =	vst v63  }
0x10f: {  	_ =	swait.ge [sflag:s16], $0x1000  }
0x110: {  	[sflag:s16] =	ssyncset.done $0x0  }
0x111: {  	[sflag:s16] =	ssyncadd.s32 $0xFFFFF000  }
0x112: {  	_ =	swait.ge [sflag:s17], $0x1000  }
0x113: {  	[sflag:s17] =	ssyncset.done $0x0  }
0x114: {  	s15 =	simm.s32 $0x7020;
	[sflag:s17] =	ssyncadd.s32 $0xFFFFF000  }
0x115: {  	s3 =	simm.s32 $0xB020;
	v1 =	vld [tilespmem:s15+$0xFFFFFFE0]  }
0x116: {  	v2 =	vld [tilespmem:s3+$0xFFFFFFE0];
	_ =	sdelay $0x4  }
0x117: {  	v3 =	vunpack.i.l.bf16.f32 v1;
	v61 =	vunpack.i.l.bf16.f32 v2  }
0x118: {  	v1 =	vunpack.i.u.bf16.f32 v1;
	v2 =	vunpack.i.u.bf16.f32 v2;
	v3 =	vadd.f32 v61, v3  }
0x119: {  	v1 =	vadd.f32 v2, v1  }
0x11a: {  	s7 =	simm.s32 $0x11040;
	v2 =	vmax.f32 v3, $0.0e+00  }
0x11b: {  	v1 =	vmax.f32 v1, $0.0e+00;
	[tilespmem:s7+$0xFFFFFFC0] =	vst v2  }
0x11c: {  	[tilespmem:s7+$0xFFFFFFD0] =	vst v1  }
0x11d: {  	v1 =	vld [tilespmem:s15+$0xFFFFFFF0]  }
0x11e: {  	v2 =	vld [tilespmem:s3+$0xFFFFFFF0];
	_ =	sdelay $0x4  }
0x11f: {  	v3 =	vunpack.i.l.bf16.f32 v1;
	v62 =	vunpack.i.l.bf16.f32 v2  }
0x120: {  	v1 =	vunpack.i.u.bf16.f32 v1;
	v2 =	vunpack.i.u.bf16.f32 v2;
	v3 =	vadd.f32 v62, v3  }
0x121: {  	v1 =	vadd.f32 v2, v1  }
0x122: {  	v2 =	vmax.f32 v3, $0.0e+00  }
0x123: {  	v1 =	vmax.f32 v1, $0.0e+00;
	[tilespmem:s7+$0xFFFFFFE0] =	vst v2  }
0x124: {  	[tilespmem:s7+$0xFFFFFFF0] =	vst v1  }
0x125: {  	v1 =	vld [tilespmem:s15+$0x0]  }
0x126: {  	v2 =	vld [tilespmem:s3+$0x0];
	_ =	sdelay $0x4  }
0x127: {  	v3 =	vunpack.i.l.bf16.f32 v1;
	v63 =	vunpack.i.l.bf16.f32 v2  }
0x128: {  	v1 =	vunpack.i.u.bf16.f32 v1;
	v2 =	vunpack.i.u.bf16.f32 v2;
	v3 =	vadd.f32 v63, v3  }
0x129: {  	v1 =	vadd.f32 v2, v1  }
0x12a: {  	v2 =	vmax.f32 v3, $0.0e+00  }
0x12b: {  	v1 =	vmax.f32 v1, $0.0e+00;
	[tilespmem:s7+$0x0] =	vst v2  }
0x12c: {  	[tilespmem:s7+$0x10] =	vst v1  }
0x12d: {  	v1 =	vld [tilespmem:s15+$0x10]  }
0x12e: {  	v2 =	vld [tilespmem:s3+$0x10];
	_ =	sdelay $0x1  }
0x12f: {  	s12 =	simm.s32 $0x11040;
	s13 =	simm.s32 $0x0;
	s15 =	simm.s32 $0x7060  }
.LBB2_9:
0x130: {  	s13 =	sadd.s32 $0x2, s13;
	s7 =	sadd.s32 $0x80, s7;
	s3 =	sadd.s32 $0x40, s3  }
0x131: {  	p1 =	slt.u32 s13, $0x7E;
	v3 =	vunpack.i.u.bf16.f32 v1;
	v1 =	vunpack.i.l.bf16.f32 v1  }
0x132: {  	v4 =	vunpack.i.u.bf16.f32 v2;
	v2 =	vunpack.i.l.bf16.f32 v2  }
0x133: {  	v1 =	vadd.f32 v2, v1;
	v2 =	vadd.f32 v4, v3;
	_ =	sdelay $0x1  }
0x134: {  	v1 =	vmax.f32 v1, $0.0e+00;
	v2 =	vmax.f32 v2, $0.0e+00  }
0x135: {  	[tilespmem:s12+$0x20] =	vst v1  }
0x136: {  	[tilespmem:s12+$0x30] =	vst v2;
	s12 =	smov.u32 s7  }
0x137: {  	v1 =	vld [tilespmem:s15+$0xFFFFFFE0]  }
0x138: {  	v2 =	vld [tilespmem:s3+$0xFFFFFFE0];
	_ =	sdelay $0x3  }
0x139: {  	v3 =	vunpack.i.l.bf16.f32 v1  }
0x13a: {  	v1 =	vunpack.i.u.bf16.f32 v1;
	v4 =	vunpack.i.u.bf16.f32 v2;
	v2 =	vunpack.i.l.bf16.f32 v2  }
0x13b: {  	v2 =	vadd.f32 v2, v3;
	v1 =	vadd.f32 v4, v1;
	_ =	sdelay $0x1  }
0x13c: {  	v2 =	vmax.f32 v2, $0.0e+00;
	v1 =	vmax.f32 v1, $0.0e+00  }
0x13d: {  	[tilespmem:s7+$0xFFFFFFC0] =	vst v2  }
0x13e: {  	[tilespmem:s7+$0xFFFFFFD0] =	vst v1  }
0x13f: {  	v1 =	vld [tilespmem:s15+$0xFFFFFFF0]  }
0x140: {  	v2 =	vld [tilespmem:s3+$0xFFFFFFF0];
	_ =	sdelay $0x3  }
0x141: {  	v3 =	vunpack.i.u.bf16.f32 v1;
	v1 =	vunpack.i.l.bf16.f32 v1  }
0x142: {  	v4 =	vunpack.i.u.bf16.f32 v2;
	v2 =	vunpack.i.l.bf16.f32 v2  }
0x143: {  	v1 =	vadd.f32 v2, v1;
	v2 =	vadd.f32 v4, v3;
	_ =	sdelay $0x1  }
0x144: {  	v1 =	vmax.f32 v1, $0.0e+00;
	v2 =	vmax.f32 v2, $0.0e+00  }
0x145: {  	[tilespmem:s7+$0xFFFFFFE0] =	vst v1  }
0x146: {  	[tilespmem:s7+$0xFFFFFFF0] =	vst v2  }
0x147: {  	v1 =	vld [tilespmem:s15+$0x0]  }
0x148: {  	v2 =	vld [tilespmem:s3+$0x0];
	_ =	sdelay $0x3  }
0x149: {  	v3 =	vunpack.i.u.bf16.f32 v1;
	v1 =	vunpack.i.l.bf16.f32 v1  }
0x14a: {  	v4 =	vunpack.i.u.bf16.f32 v2;
	v2 =	vunpack.i.l.bf16.f32 v2  }
0x14b: {  	v1 =	vadd.f32 v2, v1;
	v2 =	vadd.f32 v4, v3;
	_ =	sdelay $0x1  }
0x14c: {  	v1 =	vmax.f32 v1, $0.0e+00;
	v2 =	vmax.f32 v2, $0.0e+00  }
0x14d: {  	[tilespmem:s7+$0x0] =	vst v1  }
.Ltmp6:
0x14e: {  	[tilespmem:s7+$0x10] =	vst v2;
	(pc) =	sbr.rel @p1 .LBB2_9-.Ltmp6, $3  }
0x14f: {  	v1 =	vld [tilespmem:s15+$0x10]  }
0x150: {  	v2 =	vld [tilespmem:s3+$0x10];
	_ =	sdelay $0x1  }
0x151: {  	s15 =	sadd.s32 $0x40, s15  }
0x152: {  	_ =	sdelay $0x1  }
0x153: {  	v3 =	vunpack.i.l.bf16.f32 v1;
	v4 =	vunpack.i.l.bf16.f32 v2  }
0x154: {  	v1 =	vunpack.i.u.bf16.f32 v1;
	v2 =	vunpack.i.u.bf16.f32 v2;
	v3 =	vadd.f32 v4, v3  }
0x155: {  	v1 =	vadd.f32 v2, v1  }
0x156: {  	v2 =	vmax.f32 v3, $0.0e+00  }
0x157: {  	v1 =	vmax.f32 v1, $0.0e+00;
	[tilespmem:s12+$0x20] =	vst v2  }
0x158: {  	s0 =	sadd.s32 $0x2800, s0;
	p1 =	sge.s32 s8, s20;
	[tilespmem:s12+$0x30] =	vst v1  }
0x159: {  	[spmem:s2] =	stream.indirect.scatter.add.f32 [tilespmem:s18], [sflag:$0xD], $0x40, s0, s1, $0xb8;
	[tilespmem:$0x1EE00] =	vst v63  }
0x15a: {  	s0 =	sadd.s32 @!p1 $0x4, s28  }
0x15b: {  	s7 =	simm.s32 @!p1 $0x20;
	s3 =	sadd.s32 @!p1 s4, s0  }
0x15c: {  	s13 =	simm.s32 @!p1 $0x5000;
	_ =	swait.ge [sflag:s19], $0x2000;
	s3 =	sshll.u32 @!p1 s3, $0xA  }
0x15d: {  	s12 =	simm.s32 @!p1 $0x40;
	[sflag:s19] =	ssyncset.done $0x0;
	s3 =	sand.u32 @!p1 $0xFFFFC00, s3  }
0x15e: {  	s0 =	sshll.u32 @!p1 s0, $0x9;
	[sflag:s19] =	ssyncadd.s32 $0xFFFFE000;
	s3 =	sadd.s32 @!p1 s3, s14  }
0x15f: {  	[tilespmem:s13], [sflag:$0x3] =	stream.strided.gather @!p1 [hbm4b:s3+s7], $0x1000, s12, s7, $0x38;
	[tilespmem:$0x1EE00] =	vst v63  }
0x160: {  	s0 =	sshra.s32 @!p1 s0, $0x2;
	s3 =	simm.s32 @!p1 $0x80;
	s7 =	simm.s32 @!p1 $0x9000  }
0x161: {  	[tilespmem:s7], [sflag:$0x7] =	stream.indirect.gather @!p1 [hbm4b:s5+s3], $0x20, s0, s3, $0xb8;
	[tilespmem:$0x1EE00] =	vst v63  }
0x162: {  	_ =	swait.ge [sflag:s21], $0x1000  }
0x163: {  	[sflag:s21] =	ssyncset.done $0x0  }
0x164: {  	[sflag:s21] =	ssyncadd.s32 $0xFFFFF000  }
0x165: {  	_ =	swait.ge [sflag:s22], $0x1000  }
0x166: {  	[sflag:s22] =	ssyncset.done $0x0  }
0x167: {  	s15 =	simm.s32 $0x8020;
	[sflag:s22] =	ssyncadd.s32 $0xFFFFF000  }
0x168: {  	s0 =	simm.s32 $0xC020;
	v1 =	vld [tilespmem:s15+$0xFFFFFFE0]  }
0x169: {  	v2 =	vld [tilespmem:s0+$0xFFFFFFE0];
	_ =	sdelay $0x4  }
0x16a: {  	v3 =	vunpack.i.l.bf16.f32 v1;
	v61 =	vunpack.i.l.bf16.f32 v2  }
0x16b: {  	v1 =	vunpack.i.u.bf16.f32 v1;
	v2 =	vunpack.i.u.bf16.f32 v2;
	v3 =	vadd.f32 v61, v3  }
0x16c: {  	v1 =	vadd.f32 v2, v1  }
0x16d: {  	s3 =	simm.s32 $0x13040;
	v2 =	vmax.f32 v3, $0.0e+00  }
0x16e: {  	v1 =	vmax.f32 v1, $0.0e+00;
	[tilespmem:s3+$0xFFFFFFC0] =	vst v2  }
0x16f: {  	[tilespmem:s3+$0xFFFFFFD0] =	vst v1  }
0x170: {  	v1 =	vld [tilespmem:s15+$0xFFFFFFF0]  }
0x171: {  	v2 =	vld [tilespmem:s0+$0xFFFFFFF0];
	_ =	sdelay $0x4  }
0x172: {  	v3 =	vunpack.i.l.bf16.f32 v1;
	v62 =	vunpack.i.l.bf16.f32 v2  }
0x173: {  	v1 =	vunpack.i.u.bf16.f32 v1;
	v2 =	vunpack.i.u.bf16.f32 v2;
	v3 =	vadd.f32 v62, v3  }
0x174: {  	v1 =	vadd.f32 v2, v1  }
0x175: {  	v2 =	vmax.f32 v3, $0.0e+00  }
0x176: {  	v1 =	vmax.f32 v1, $0.0e+00;
	[tilespmem:s3+$0xFFFFFFE0] =	vst v2  }
0x177: {  	[tilespmem:s3+$0xFFFFFFF0] =	vst v1  }
0x178: {  	v1 =	vld [tilespmem:s15+$0x0]  }
0x179: {  	v2 =	vld [tilespmem:s0+$0x0];
	_ =	sdelay $0x4  }
0x17a: {  	v3 =	vunpack.i.l.bf16.f32 v1;
	v63 =	vunpack.i.l.bf16.f32 v2  }
0x17b: {  	v1 =	vunpack.i.u.bf16.f32 v1;
	v2 =	vunpack.i.u.bf16.f32 v2;
	v3 =	vadd.f32 v63, v3  }
0x17c: {  	v1 =	vadd.f32 v2, v1  }
0x17d: {  	v2 =	vmax.f32 v3, $0.0e+00  }
0x17e: {  	v1 =	vmax.f32 v1, $0.0e+00;
	[tilespmem:s3+$0x0] =	vst v2  }
0x17f: {  	[tilespmem:s3+$0x10] =	vst v1  }
0x180: {  	v1 =	vld [tilespmem:s15+$0x10]  }
0x181: {  	v2 =	vld [tilespmem:s0+$0x10];
	_ =	sdelay $0x1  }
0x182: {  	s12 =	simm.s32 $0x0;
	s13 =	simm.s32 $0x8060;
	s7 =	simm.s32 $0x13040  }
.LBB2_11:
0x183: {  	s12 =	sadd.s32 $0x2, s12;
	s3 =	sadd.s32 $0x80, s3;
	s0 =	sadd.s32 $0x40, s0  }
0x184: {  	p2 =	slt.u32 s12, $0x7E;
	v3 =	vunpack.i.u.bf16.f32 v1;
	v1 =	vunpack.i.l.bf16.f32 v1  }
0x185: {  	v4 =	vunpack.i.u.bf16.f32 v2;
	v2 =	vunpack.i.l.bf16.f32 v2  }
0x186: {  	v1 =	vadd.f32 v2, v1;
	v2 =	vadd.f32 v4, v3;
	_ =	sdelay $0x1  }
0x187: {  	v1 =	vmax.f32 v1, $0.0e+00;
	v2 =	vmax.f32 v2, $0.0e+00  }
0x188: {  	[tilespmem:s7+$0x20] =	vst v1  }
0x189: {  	[tilespmem:s7+$0x30] =	vst v2;
	s7 =	smov.u32 s3  }
0x18a: {  	v1 =	vld [tilespmem:s13+$0xFFFFFFE0]  }
0x18b: {  	v2 =	vld [tilespmem:s0+$0xFFFFFFE0];
	_ =	sdelay $0x3  }
0x18c: {  	v3 =	vunpack.i.l.bf16.f32 v1  }
0x18d: {  	v1 =	vunpack.i.u.bf16.f32 v1;
	v4 =	vunpack.i.u.bf16.f32 v2;
	v2 =	vunpack.i.l.bf16.f32 v2  }
0x18e: {  	v2 =	vadd.f32 v2, v3;
	v1 =	vadd.f32 v4, v1;
	_ =	sdelay $0x1  }
0x18f: {  	v2 =	vmax.f32 v2, $0.0e+00;
	v1 =	vmax.f32 v1, $0.0e+00  }
0x190: {  	[tilespmem:s3+$0xFFFFFFC0] =	vst v2  }
0x191: {  	[tilespmem:s3+$0xFFFFFFD0] =	vst v1  }
0x192: {  	v1 =	vld [tilespmem:s13+$0xFFFFFFF0]  }
0x193: {  	v2 =	vld [tilespmem:s0+$0xFFFFFFF0];
	_ =	sdelay $0x3  }
0x194: {  	v3 =	vunpack.i.u.bf16.f32 v1;
	v1 =	vunpack.i.l.bf16.f32 v1  }
0x195: {  	v4 =	vunpack.i.u.bf16.f32 v2;
	v2 =	vunpack.i.l.bf16.f32 v2  }
0x196: {  	v1 =	vadd.f32 v2, v1;
	v2 =	vadd.f32 v4, v3;
	_ =	sdelay $0x1  }
0x197: {  	v1 =	vmax.f32 v1, $0.0e+00;
	v2 =	vmax.f32 v2, $0.0e+00  }
0x198: {  	[tilespmem:s3+$0xFFFFFFE0] =	vst v1  }
0x199: {  	[tilespmem:s3+$0xFFFFFFF0] =	vst v2  }
0x19a: {  	v1 =	vld [tilespmem:s13+$0x0]  }
0x19b: {  	v2 =	vld [tilespmem:s0+$0x0];
	_ =	sdelay $0x3  }
0x19c: {  	v3 =	vunpack.i.u.bf16.f32 v1;
	v1 =	vunpack.i.l.bf16.f32 v1  }
0x19d: {  	v4 =	vunpack.i.u.bf16.f32 v2;
	v2 =	vunpack.i.l.bf16.f32 v2  }
0x19e: {  	v1 =	vadd.f32 v2, v1;
	v2 =	vadd.f32 v4, v3;
	_ =	sdelay $0x1  }
0x19f: {  	v1 =	vmax.f32 v1, $0.0e+00;
	v2 =	vmax.f32 v2, $0.0e+00  }
0x1a0: {  	[tilespmem:s3+$0x0] =	vst v1  }
.Ltmp7:
0x1a1: {  	[tilespmem:s3+$0x10] =	vst v2;
	(pc) =	sbr.rel @p2 .LBB2_11-.Ltmp7, $3  }
0x1a2: {  	v1 =	vld [tilespmem:s13+$0x10]  }
0x1a3: {  	v2 =	vld [tilespmem:s0+$0x10];
	_ =	sdelay $0x1  }
0x1a4: {  	s13 =	sadd.s32 $0x40, s13  }
0x1a5: {  	_ =	sdelay $0x1  }
0x1a6: {  	v3 =	vunpack.i.l.bf16.f32 v1;
	v4 =	vunpack.i.l.bf16.f32 v2  }
0x1a7: {  	v1 =	vunpack.i.u.bf16.f32 v1;
	v2 =	vunpack.i.u.bf16.f32 v2;
	v3 =	vadd.f32 v4, v3  }
0x1a8: {  	v1 =	vadd.f32 v2, v1  }
0x1a9: {  	v2 =	vmax.f32 v3, $0.0e+00  }
0x1aa: {  	v1 =	vmax.f32 v1, $0.0e+00;
	[tilespmem:s7+$0x20] =	vst v2  }
0x1ab: {  	s0 =	sadd.s32 $0x2800, s25;
	[tilespmem:s7+$0x30] =	vst v1  }
0x1ac: {  	[spmem:s2] =	stream.indirect.scatter.add.f32 [tilespmem:s24], [sflag:$0xE], $0x40, s0, s1, $0xb8;
	[tilespmem:$0x1EE00] =	vst v63  }
0x1ad: {  	s0 =	sadd.s32 @!p1 $0x5, s28  }
0x1ae: {  	s12 =	simm.s32 @!p1 $0x40;
	s13 =	simm.s32 @!p1 $0x6000;
	s3 =	sadd.s32 @!p1 s4, s0  }
0x1af: {  	s8 =	sadd.s32 $0x1, s8;
	_ =	swait.ge [sflag:s26], $0x2000;
	s3 =	sshll.u32 @!p1 s3, $0xA  }
0x1b0: {  	s7 =	simm.s32 @!p1 $0x20;
	[sflag:s26] =	ssyncset.done $0x0;
	s3 =	sand.u32 @!p1 $0xFFFFC00, s3  }
0x1b1: {  	s0 =	sshll.u32 @!p1 s0, $0x9;
	[sflag:s26] =	ssyncadd.s32 $0xFFFFE000;
	s3 =	sadd.s32 @!p1 s3, s14  }
0x1b2: {  	[tilespmem:s13], [sflag:$0x4] =	stream.strided.gather @!p1 [hbm4b:s3+s7], $0x1000, s12, s7, $0x38;
	[tilespmem:$0x1EE00] =	vst v63  }
0x1b3: {  	s0 =	sshra.s32 @!p1 s0, $0x2;
	s3 =	simm.s32 @!p1 $0x80;
	s7 =	simm.s32 @!p1 $0xA000  }
0x1b4: {  	[tilespmem:s7], [sflag:$0x8] =	stream.indirect.gather @!p1 [hbm4b:s5+s3], $0x20, s0, s3, $0xb8;
	[tilespmem:$0x1EE00] =	vst v63  }
0x1b5: {  	p1 =	sne.s32 s8, s9  }
.Ltmp8:
0x1b6: {  	_ = 	snop;
	(pc) =	sbr.rel @p1 .LBB2_4-.Ltmp8, $4  }
.Ltmp9:
0x1b7: {  	_ = 	snop;
	(pc) =	sbr.rel @!p1 .LBB2_13-.Ltmp9, $4  }
0x1b8: {  	_ = 	snop  }
0x1b9: {  	_ = 	snop  }
0x1ba: {  	_ = 	snop  }
0x1bb: {  	_ = 	snop  }
.LBB2_14:
0x1bc: {  	_ =	sfence.sel $0x180000  }
0x1bd: {  	[bflag:$0x0] =	sbarrier.arrive $0xFFFF  }
0x1be: {  	_ =	strace $0x9000004D  }
0x1bf: {  	s0 =	stileid.u32;
	[bflag:$0x2] =	sbarrier.arrive $0xFFFF  }
0x1c0: {  	p0 =	sne.s32 s0, $0x0;
	s0 =	rddreg [dreg:$0x2]  }
0x1c1: {  	s0 =	sadd.s32 @!p0 $0x100000, s0  }
0x1c2: {  	[sflag:s0] =	ssyncadd.tile.s32 @!p0 $0x1;
	_ =	shalt  }
.Lfunc_end2:
_tile_overlayer_lowered:
.L_overlay_start_2:
0x1c3: {  	(tag) =	ssettag $0x2  }
0x1c4: {  	s0 =	rddreg [dreg:$0x0];
	s2 =	stileid.u32  }
0x1c5: {  	s1 =	rddreg [dreg:$0x1];
	p0 =	sne.s32 s2, $0x0  }
0x1c6: {  	s3 =	rddreg [dreg:$0x2];
	[bflag:$0x3] =	sbarrier.arrive $0xFFFF;
	s2 =	simm.s32 @!p0 $0x1C0F  }
0x1c7: {  	[timem:s3], [sflag:s2] =	dma.local @!p0 [hbm:s0], s1  }
0x1c8: {  	s0 =	simm.s32 @!p0 $0xF  }
0x1c9: {  	_ =	swait.ge @!p0 [sflag:s0], s1  }
0x1ca: {  	s1 =	ssub.s32 @!p0 $0x0, s1;
	[sflag:s0] =	ssyncset.done @!p0 $0x0  }
0x1cb: {  	[sflag:s0] =	ssyncadd.s32 @!p0 s1  }
0x1cc: {  	[bflag:$0x3] =	sbarrier.arrive $0xFFFF  }
0x1cd: {  	_ =	shalt  }

// kernel: kernel.8.cloned.1.call-start
scs
__scs_entry_jumppad:
0x0: {  	(pc) =	sbr.rel $0x88, $3  }
0x1: {  	(tag) =	ssettag $0x0;
	lr =	simm.s32 $0x1  }
0x2: {  	[smem:$0x3F8C] =	sst lr;
	_ =	strace $0xD0000000  }
0x3: {  	_ = 	snop  }
0x4: {  	_ = 	snop  }
0x5: {  	_ = 	snop  }
0x6: {  	_ = 	snop  }
0x7: {  	_ = 	snop  }
__scs_overlays_trampoline_lowered:
0x8: {  	[smem:$0x3F9B] =	sst s0  }
0x9: {  	[smem:$0x3F9C] =	sst s1  }
0xa: {  	[smem:$0x3F9D] =	sst s2  }
0xb: {  	[smem:$0x3F9E] =	sst s3  }
0xc: {  	[smem:$0x3F9F] =	sst s4  }
0xd: {  	[smem:$0x3FA0] =	sst s5  }
0xe: {  	[smem:$0x3FA1] =	sst s6  }
0xf: {  	[smem:$0x3FA2] =	sst s7  }
0x10: {  	[smem:$0x3FA3] =	sst s8  }
0x11: {  	[smem:$0x3FA4] =	sst s9;
	s0 =	simm.s32 @!p0 $0x0  }
0x12: {  	s1 =	sld [smem:$0x3F8A];
	s0 =	simm.s32 @p0 $0x1  }
0x13: {  	[smem:$0x3FA5] =	sst s0;
	s0 =	simm.s32 @!p1 $0x0  }
0x14: {  	s2 =	sld [smem:$0x3F89];
	s0 =	simm.s32 @p1 $0x1  }
0x15: {  	[smem:$0x3FA6] =	sst s0;
	s0 =	simm.s32 @!p2 $0x0  }
0x16: {  	s3 =	sld [smem:$0x3FDB];
	s0 =	simm.s32 @p2 $0x1  }
0x17: {  	s4 =	simm.s32 $0x1BF5;
	[smem:$0x3FA8] =	sst s0  }
0x18: {  	s0 =	sld [smem:$0x3F8B];
	_ =	swait.ge [sflag:s4], $0x0  }
0x19: {  	s7 =	sld [smem:$0x3F8C]  }
0x1a: {  	s8 =	sadd.s32 $0xFFFFE003, lr  }
0x1b: {  	s9 =	sadd.s32 $0xFFFFFEF7, lr;
	s5 =	simm.s32 $0xFFFFFFFF;
	p2 =	slt.u32 s8, $0xFFFFF086  }
0x1c: {  	p1 =	slt.u32 s9, $0xF7A;
	s5 =	simm.s32 @!p2 $0x0  }
0x1d: {  	s5 =	simm.s32 @p1 $0x1;
	p0 =	seq.s32 s7, s2  }
0x1e: {  	s7 =	smul.u32 @!p0 $0xF7A, s2;
	p2 =	seq.s32 @!p0 s5, $0x0  }
0x1f: {  	s9 =	smul.u32 $0xF7A, s1;
	s8 =	simm.s32 @!p0 $0x1BF5;
	p2 =	por !p2, p0  }
0x20: {  	[sflag:s8] =	ssyncset.s32 @!p0 $0xFFFFF086;
	s6 =	sadd.s32 @!p0 s3, s7;
	s7 =	simm.s32 @!p0 $0x108  }
0x21: {  	s3 =	sadd.s32 s3, s9;
	s6 =	sadd.s32 @!p0 $0x88, s6;
	s7 =	simm.s32 @p2 $0x1082  }
0x22: {  	[simem:s7], [sflag:s8] =	dma.local @!p0 [hbm:s6], $0xF7A  }
0x23: {  	s9 =	sor.u32 $0xD0000000, s2;
	s6 =	simm.s32 $0x108;
	_ =	swait.ge @!p0 [sflag:s8], $0x0  }
0x24: {  	s3 =	sadd.s32 $0x88, s3;
	s6 =	simm.s32 @!p1 $0x1082;
	[sflag:s4] =	ssyncset.s32 $0xFFFFF086  }
0x25: {  	[simem:s6], [sflag:s4] =	dma.local [hbm:s3], $0xF7A  }
0x26: {  	[smem:$0x3F8C] =	sst s1;
	(tag) =	ssettag s2;
	_ =	strace s9  }
0x27: {  	s1 =	sld [smem:$0x3F9C]  }
0x28: {  	s2 =	sld [smem:$0x3F9D]  }
0x29: {  	s4 =	sld [smem:$0x3F9F]  }
0x2a: {  	p0 =	seq.s32 s5, $0x0;
	s5 =	sld [smem:$0x3FA0]  }
0x2b: {  	s6 =	sld [smem:$0x3FA1]  }
0x2c: {  	s7 =	sld [smem:$0x3FA2]  }
0x2d: {  	s3 =	simm.s32 $0x108;
	s8 =	sld [smem:$0x3FA3]  }
0x2e: {  	s3 =	simm.s32 @!p0 $0x1082;
	s9 =	sld [smem:$0x3FA4]  }
0x2f: {  	lr =	sadd.s32 s0, s3;
	s0 =	sld [smem:$0x3F9B]  }
0x30: {  	s3 =	sld [smem:$0x3F9E]  }
0x31: {  	[smem:$0x3FA7] =	sst s10  }
0x32: {  	s10 =	sld [smem:$0x3FA5];
	_ =	sdelay $0x3  }
0x33: {  	p0 =	seq.s32 s10, $0x1;
	s10 =	sld [smem:$0x3FA7];
	_ =	sdelay $0x3  }
0x34: {  	[smem:$0x3FA7] =	sst s10  }
0x35: {  	s10 =	sld [smem:$0x3FA6];
	_ =	sdelay $0x3  }
0x36: {  	p1 =	seq.s32 s10, $0x1;
	s10 =	sld [smem:$0x3FA7];
	_ =	sdelay $0x3  }
0x37: {  	[smem:$0x3FA7] =	sst s10  }
0x38: {  	s10 =	sld [smem:$0x3FA8]  }
0x39: {  	_ = 	snop;
	(pc) =	sbr.ind lr, $3  }
0x3a: {  	_ = 	snop  }
0x3b: {  	_ = 	snop  }
0x3c: {  	p2 =	seq.s32 s10, $0x1;
	s10 =	sld [smem:$0x3FA7]  }
0x3d: {  	_ =	shalt  }
0x3e: {  	_ =	shalt  }
0x3f: {  	_ =	shalt  }
0x40: {  	_ =	shalt  }
0x41: {  	_ =	shalt  }
0x42: {  	_ =	shalt  }
0x43: {  	_ =	shalt  }
0x44: {  	_ =	shalt  }
0x45: {  	_ =	shalt  }
0x46: {  	_ =	shalt  }
0x47: {  	_ =	shalt  }
0x48: {  	_ =	shalt  }
0x49: {  	_ =	shalt  }
0x4a: {  	_ =	shalt  }
0x4b: {  	_ =	shalt  }
0x4c: {  	_ =	shalt  }
0x4d: {  	_ =	shalt  }
0x4e: {  	_ =	shalt  }
0x4f: {  	_ =	shalt  }
0x50: {  	_ =	shalt  }
0x51: {  	_ =	shalt  }
0x52: {  	_ =	shalt  }
0x53: {  	_ =	shalt  }
0x54: {  	_ =	shalt  }
0x55: {  	_ =	shalt  }
0x56: {  	_ =	shalt  }
0x57: {  	_ =	shalt  }
0x58: {  	_ =	shalt  }
0x59: {  	_ =	shalt  }
0x5a: {  	_ =	shalt  }
0x5b: {  	_ =	shalt  }
0x5c: {  	_ =	shalt  }
0x5d: {  	_ =	shalt  }
0x5e: {  	_ =	shalt  }
0x5f: {  	_ =	shalt  }
0x60: {  	_ =	shalt  }
0x61: {  	_ =	shalt  }
0x62: {  	_ =	shalt  }
0x63: {  	_ =	shalt  }
0x64: {  	_ =	shalt  }
0x65: {  	_ =	shalt  }
0x66: {  	_ =	shalt  }
0x67: {  	_ =	shalt  }
0x68: {  	_ =	shalt  }
0x69: {  	_ =	shalt  }
0x6a: {  	_ =	shalt  }
0x6b: {  	_ =	shalt  }
0x6c: {  	_ =	shalt  }
0x6d: {  	_ =	shalt  }
0x6e: {  	_ =	shalt  }
0x6f: {  	_ =	shalt  }
0x70: {  	_ =	shalt  }
0x71: {  	_ =	shalt  }
0x72: {  	_ =	shalt  }
0x73: {  	_ =	shalt  }
0x74: {  	_ =	shalt  }
0x75: {  	_ =	shalt  }
0x76: {  	_ =	shalt  }
0x77: {  	_ =	shalt  }
0x78: {  	_ =	shalt  }
0x79: {  	_ =	shalt  }
0x7a: {  	_ =	shalt  }
0x7b: {  	_ =	shalt  }
0x7c: {  	_ =	shalt  }
0x7d: {  	_ =	shalt  }
0x7e: {  	_ =	shalt  }
0x7f: {  	_ =	shalt  }
0x80: {  	_ =	shalt  }
0x81: {  	_ =	shalt  }
0x82: {  	_ =	shalt  }
0x83: {  	_ =	shalt  }
0x84: {  	_ =	shalt  }
0x85: {  	_ =	shalt  }
0x86: {  	_ =	shalt  }
0x87: {  	_ =	shalt  }
.Lfunc_end0:
.L_simem_size_0:
called_computation.1_lowered:
.L_overlay_start_0:
0x88: {  	s2 =	sld [smem:$0x3FD9]  }
0x89: {  	s3 =	sld [smem:$0x3FFE];
	_ =	sdelay $0x1  }
0x8a: {  	s1 =	srdreg.scid  }
0x8b: {  	s0 =	sand.u32 $0x1, s1  }
0x8c: {  	s16 =	sshll.u32 s0, $0xA;
	s2 =	sadd.s32 s3, s2  }
0x8d: {  	s2 =	sadd.s32 s2, s16  }
0x8e: {  	[smem:$0x3FB3] =	sst s2  }
0x8f: {  	_ = 	snop  }
0x90: {  	(tm) =	ssettm $0x1  }
0x91: {  	s17 =	sld [smem:$0x3FFB];
	_ =	sdelay $0x3  }
0x92: {  	_ =	strace s17  }
0x93: {  	s2 =	sld [smem:$0x3FFC];
	_ =	sdelay $0x3  }
0x94: {  	_ =	strace s2  }
0x95: {  	s2 =	sld [smem:$0x3FFD];
	_ =	sdelay $0x3  }
0x96: {  	_ =	strace s2  }
0x97: {  	_ =	strace $0x8FFFFFFF  }
0x98: {  	s18 =	sld [smem:$0x3FDB];
	_ =	sdelay $0x1  }
0x99: {  	s19 =	simm.s32 $_scs_section_size  }
0x9a: {  	s4 =	simm.s32 $_size__tile_overlayer_lowered;
	s5 =	simm.s32 $_tile_overlayer_lowered  }
0x9b: {  	s22 =	simm.s32 $0x1BFF;
	s21 =	sshll.u32 s5, $0x1;
	s2 =	sadd.s32 s19, s18  }
0x9c: {  	s6 =	simm.s32 $0x0;
	s20 =	sshll.u32 s4, $0x1;
	s4 =	sadd.s32 s21, s2  }
0x9d: {  	[timem:s6], [sflag:s22] =	dma.local [hbm:s4], s20  }
0x9e: {  	_ =	swait.ge [sflag:s22], s20  }
0x9f: {  	s3 =	ssub.s32 $0x0, s20;
	[sflag:s22] =	ssyncset.done $0x0  }
0xa0: {  	[sflag:s22] =	ssyncadd.s32 s3;
	_ =	sdelay $0x1  }
0xa1: {  	s23 =	simm.s32 $0x1B8B  }
0xa2: {  	_ =	swait.ge [sflag:s23], $0x1  }
0xa3: {  	[sflag:s23] =	ssyncset.done $0x0  }
0xa4: {  	s25 =	simm.s32 $0x1B8E;
	s24 =	sld [smem:$0x3FFE];
	[sflag:s23] =	ssyncadd.s32 $0xFFFFFFFF  }
0xa5: {  	s26 =	simm.s32 $execute0_lowered;
	[smem:$0x3FD2] =	sst s25  }
0xa6: {  	s4 =	sshll.u32 s26, $0x1;
	_ =	strace $0x80000049;
	[dreg:$0x1] =	wrdreg $0xFFFFFFFF  }
0xa7: {  	s28 =	simm.s32 $_size_execute0_lowered;
	s2 =	sadd.s32 s2, s4;
	[dreg:$0x0] =	wrdreg $0x0  }
0xa8: {  	s4 =	sshll.u32 s28, $0x1;
	[dreg:$0x2] =	wrdreg s2  }
0xa9: {  	[dreg:$0x3] =	wrdreg s4  }
0xaa: {  	[dreg:$0x4] =	wrdreg $0xC0  }
0xab: {  	_ =	task [dreg:s6], $0x5FFFF  }
0xac: {  	[dreg:$0x1] =	wrdreg $0xFFFFFFFF  }
0xad: {  	[dreg:$0x0] =	wrdreg $0x60  }
0xae: {  	[dreg:$0x2] =	wrdreg s24  }
0xaf: {  	[dreg:$0x3] =	wrdreg $0x150000  }
0xb0: {  	[dreg:$0x4] =	wrdreg $0x9  }
0xb1: {  	_ =	task.clear_ibuf [dreg:s6], $0x5FFFF;
	_ =	strace $0x90000049  }
0xb2: {  	s29 =	simm.s32 $0x9;
	_ =	strace $0x8000004B  }
0xb3: {  	_ =	swait.ge [sflag:s29], $0x1  }
0xb4: {  	[sflag:s29] =	ssyncadd.s32 $0xFFFFFFFF  }
0xb5: {  	_ =	strace $0x9000004B  }
0xb6: {  	_ =	sfence  }
0xb7: {  	s30 =	sld [smem:$0x0];
	_ =	sdelay $0x2  }
0xb8: {  	s31 =	sshll.u32 s1, $0xD;
	s1 =	sshrl.u32 s1, $0x2  }
0xb9: {  	s3 =	sand.u32 $0x4000, s31;
	s1 =	sadd.s32 s1, s30  }
0xba: {  	s0 =	sor.u32 s3, s0;
	s1 =	sshll.u32 s1, $0x11  }
0xbb: {  	s0 =	sor.u32 s1, s0  }
0xbc: {  	s0 =	sadd.s32 $0x8F2B, s0  }
0xbd: {  	[sflag:s0] =	ssyncadd.remote.s32 $0x1  }
0xbe: {  	_ =	sfence.sel $0xFFFF  }
0xbf: {  	[dreg:$0x0] =	wrdreg $0xFFFFFFFF;
	(pc) =	sbr.abs _section_cstart, $3  }
0xc0: {  	[dreg:$0x1] =	wrdreg $0xFFFFFFFF  }
0xc1: {  	_ =	task.clear_ibuf [dreg:s6], $0x2FFFF;
	_ =	strace $0x9FFFFFFF  }
0xc2: {  	(tm) =	ssettm $0x7FFFFFFF  }
0xc3: {  	_ =	shalt  }
tec
execute0_lowered:
.L_overlay_start_1:
0x0: {  	(tag) =	ssettag $0x1  }
0x1: {  	s0 =	srdreg.scid  }
0x2: {  	s11 =	stileid.u32;
	s3 =	rddreg [dreg:$0x0]  }
0x3: {  	s2 =	rddreg [dreg:$0x1];
	s4 =	simm.s32 $0x0;
	s13 =	simm.s32 $0xF  }
0x4: {  	s29 =	simm.s32 $0x20;
	s30 =	simm.s32 $0x40;
	s31 =	simm.s32 $0x3  }
0x5: {  	s0 =	sand.u32 $0x1, s0;
	s8 =	smul.u32 $0x13C0, s11;
	[smem:$0x7FF] =	sst s4  }
0x6: {  	s1 =	sshll.u32 s0, $0x4;
	s9 =	smul.u32 $0x13C00, s0;
	s0 =	ssub.s32 $0x2, s0  }
0x7: {  	s5 =	sadd.s32 $0x4E5800, s3;
	s16 =	smul.u32 $0x27800, s11;
	s17 =	sshrl.u32 s0, $0x1  }
0x8: {  	s6 =	sadd.s32 $0x3800, s3;
	_ =	strace $0x8000004A;
	s0 =	ssub.s32 s0, s17  }
0x9: {  	s8 =	sadd.s32 s8, s9;
	s9 =	sshrl.u32 s16, $0x2;
	s0 =	smax.u32 s0, $0x1  }
0xa: {  	s1 =	sor.u32 s11, s1;
	s11 =	sadd.s32 s9, s2;
	[dreg:$0xf] =	wrdreg s0  }
0xb: {  	s7 =	smul.u32 $0x50, s1;
	s9 =	sadd.s32 $0x2000, s11;
	[dreg:$0x5] =	wrdreg s11  }
0xc: {  	s1 =	smul.u32 $0x14000, s1;
	s21 =	sadd.s32 $0x4000, s11;
	[dreg:$0x6] =	wrdreg s9  }
0xd: {  	s16 =	simm.s32 $0x5;
	s22 =	sadd.s32 $0x6000, s11;
	[dreg:$0x7] =	wrdreg s21  }
0xe: {  	s17 =	simm.s32 $0x9;
	s12 =	sadd.s32 $0x8000, s11;
	[dreg:$0x8] =	wrdreg s22  }
0xf: {  	s4 =	smin.u32 s7, $0x974;
	s1 =	sadd.s32 s6, s1;
	[dreg:$0x9] =	wrdreg s12  }
0x10: {  	s10 =	sshll.u32 s4, $0x4;
	s7 =	ssub.s32 s7, s4;
	[dreg:$0xa] =	wrdreg s1  }
0x11: {  	s12 =	simm.s32 $0x8;
	s21 =	simm.s32 $0x6;
	s22 =	simm.s32 $0xA  }
0x12: {  	s10 =	sadd.s32 s10, s3;
	s3 =	sadd.s32 s8, s3;
	s18 =	ssub.s32 $0x50, s7  }
0x13: {  	s20 =	sor.u32 $0x1, s7;
	s25 =	sshll.u32 s7, $0x9;
	s8 =	sshra.s32 s18, $0x2  }
0x14: {  	s19 =	sadd.s32 $0x4EF600, s10;
	s10 =	sadd.s32 $0x4F9240, s10;
	s23 =	sadd.s32 s4, s20  }
0x15: {  	s9 =	sshll.u32 s20, $0x9;
	s28 =	sadd.s32 $0x274800, s3;
	[dreg:$0x3] =	wrdreg s19  }
0x16: {  	s18 =	simm.s32 $0x11000;
	s3 =	simm.s32 $0x0;
	[dreg:$0x4] =	wrdreg s10  }
0x17: {  	s24 =	sshll.u32 s23, $0xA;
	s10 =	sshra.s32 s25, $0x2;
	s26 =	sshra.s32 s9, $0x2  }
.Ltmp0:
0x18: {  	s20 =	sadd.s32 $0xFFFFFFFF, s8;
	[dreg:$0xe] =	wrdreg s28;
	(pc) =	sbr.rel .LBB2_1-.Ltmp0, $4  }
0x19: {  	p0 =	slt.s32 s8, $0x1;
	s23 =	simm.s32 $0x7;
	[dreg:$0xb] =	wrdreg s10  }
0x1a: {  	s19 =	simm.s32 $0xB;
	s1 =	sand.u32 $0xFFFF400, s24;
	[dreg:$0xd] =	wrdreg s26  }
0x1b: {  	s24 =	simm.s32 $0x13000;
	s10 =	simm.s32 $0x4;
	s1 =	sadd.s32 s6, s1  }
0x1c: {  	v0 =	vimm.f32 $0.0e+00;
	s26 =	simm.s32 $0xC;
	[dreg:$0xc] =	wrdreg s1;
	s1 =	simm.s32 $0x80  }
.LBB2_13:
0x1d: {  	s0 =	simm.s32 $0xD  }
0x1e: {  	_ =	swait.ge [sflag:s0], $0x2000  }
0x1f: {  	[sflag:s0] =	ssyncset.done $0x0  }
0x20: {  	s14 =	simm.s32 $0xE;
	[sflag:s0] =	ssyncadd.s32 $0xFFFFE000  }
0x21: {  	_ =	swait.ge [sflag:s14], $0x2000  }
0x22: {  	[sflag:s14] =	ssyncset.done $0x0  }
0x23: {  	[sflag:s14] =	ssyncadd.s32 $0xFFFFE000  }
0x24: {  	s15 =	stileid.u32;
	[bflag:$0x0] =	sbarrier.arrive $0xFFFF  }
0x25: {  	s13 =	simm.s32 $0xF;
	s0 =	sshll.u32 s15, $0x6;
	s11 =	rddreg [dreg:$0x5]  }
0x26: {  	s0 =	sor.u32 $0x1C0F, s0;
	s9 =	rddreg [dreg:$0xe];
	s3 =	sshrl.u32 s11, $0x3  }
0x27: {  	[hbm:s9], [sflag:s0] =	dma.local [spmem:s3], $0x13C0  }
0x28: {  	_ =	swait.ge [sflag:s13], $0x13C0  }
0x29: {  	s25 =	rddreg [dreg:$0x10]  }
0x2a: {  	s28 =	rddreg [dreg:$0xf];
	s3 =	sadd.s32 $0x1, s25  }
0x2b: {  	p1 =	sne.s32 s3, s28  }
.Ltmp1:
0x2c: {  	_ = 	snop;
	(pc) =	sbr.rel @!p1 .LBB2_14-.Ltmp1, $3  }
0x2d: {  	_ =	sdelay $0x1  }
0x2e: {  	[sflag:s13] =	ssyncset.done $0x0  }
0x2f: {  	[sflag:s13] =	ssyncadd.s32 $0xFFFFEC40  }
.LBB2_1:
0x30: {  	s0 =	simm.s32 $0x0;
	s25 =	rddreg [dreg:$0x3]  }
0x31: {  	[tilespmem:s0], [sflag:$0x1] =	stream.linear.gather [hbm4b:s25+s0], $0x2800, $0x38;
	[tilespmem:$0x1EE00] =	vst v63  }
0x32: {  	s28 =	rddreg [dreg:$0x4];
	s9 =	simm.s32 $0x2800  }
0x33: {  	[tilespmem:s9], [sflag:$0x2] =	stream.linear.gather [hbm4b:s28+s0], $0x2800, $0x38;
	[tilespmem:$0x1EE00] =	vst v63  }
0x34: {  	s0 =	simm.s32 $0x13040  }
0x35: {  	[tilespmem:s0+$0xFFFFFFC0] =	vst v0  }
0x36: {  	[tilespmem:s0+$0x30] =	vst v0  }
0x37: {  	[tilespmem:s0+$0x20] =	vst v0  }
0x38: {  	[tilespmem:s0+$0x10] =	vst v0  }
0x39: {  	[tilespmem:s0+$0x0] =	vst v0  }
0x3a: {  	[tilespmem:s0+$0xFFFFFFF0] =	vst v0  }
0x3b: {  	[dreg:$0x10] =	wrdreg s3;
	s3 =	simm.s32 $0x0;
	[tilespmem:s0+$0xFFFFFFE0] =	vst v0  }
.LBB2_2:
0x3c: {  	s3 =	sadd.s32 $0x2, s3;
	[tilespmem:s0+$0xFFFFFFD0] =	vst v0;
	s0 =	sadd.s32 $0x80, s0  }
0x3d: {  	[tilespmem:s0+$0xFFFFFFC0] =	vst v0;
	p1 =	slt.u32 s3, $0x7E  }
0x3e: {  	[tilespmem:s0+$0x30] =	vst v0  }
.Ltmp2:
0x3f: {  	[tilespmem:s0+$0x20] =	vst v0;
	(pc) =	sbr.rel @p1 .LBB2_2-.Ltmp2, $4  }
0x40: {  	[tilespmem:s0+$0x10] =	vst v0  }
0x41: {  	[tilespmem:s0+$0x0] =	vst v0  }
0x42: {  	[tilespmem:s0+$0xFFFFFFF0] =	vst v0  }
0x43: {  	[tilespmem:s0+$0xFFFFFFE0] =	vst v0  }
0x44: {  	[tilespmem:s0+$0xFFFFFFD0] =	vst v0  }
0x45: {  	[spmem:s11] =	stream.linear.scatter [tilespmem:s24], [sflag:$0xF], $0x2000, $0x38;
	[tilespmem:$0x1EE00] =	vst v63  }
0x46: {  	_ =	swait.ge [sflag:s13], $0x2000  }
0x47: {  	[sflag:s13] =	ssyncset.done $0x0  }
0x48: {  	s11 =	rddreg [dreg:$0x6];
	[sflag:s13] =	ssyncadd.s32 $0xFFFFE000  }
0x49: {  	[spmem:s11] =	stream.linear.scatter [tilespmem:s24], [sflag:$0xF], $0x2000, $0x38;
	[tilespmem:$0x1EE00] =	vst v63  }
0x4a: {  	_ =	swait.ge [sflag:s13], $0x2000  }
0x4b: {  	[sflag:s13] =	ssyncset.done $0x0  }
0x4c: {  	s14 =	rddreg [dreg:$0x7];
	[sflag:s13] =	ssyncadd.s32 $0xFFFFE000  }
0x4d: {  	[spmem:s14] =	stream.linear.scatter [tilespmem:s24], [sflag:$0xF], $0x2000, $0x38;
	[tilespmem:$0x1EE00] =	vst v63  }
0x4e: {  	_ =	swait.ge [sflag:s13], $0x2000  }
0x4f: {  	[sflag:s13] =	ssyncset.done $0x0  }
0x50: {  	s15 =	rddreg [dreg:$0x8];
	[sflag:s13] =	ssyncadd.s32 $0xFFFFE000  }
0x51: {  	[spmem:s15] =	stream.linear.scatter [tilespmem:s24], [sflag:$0xF], $0x2000, $0x38;
	[tilespmem:$0x1EE00] =	vst v63  }
0x52: {  	_ =	swait.ge [sflag:s13], $0x2000  }
0x53: {  	[sflag:s13] =	ssyncset.done $0x0  }
0x54: {  	s25 =	rddreg [dreg:$0x9];
	[sflag:s13] =	ssyncadd.s32 $0xFFFFE000  }
0x55: {  	[spmem:s25] =	stream.linear.scatter [tilespmem:s24], [sflag:$0xF], $0x1E00, $0x38;
	[tilespmem:$0x1EE00] =	vst v63  }
0x56: {  	_ =	swait.ge [sflag:s13], $0x1E00  }
0x57: {  	[sflag:s13] =	ssyncset.done $0x0  }
0x58: {  	s28 =	simm.s32 $0x1;
	[sflag:s13] =	ssyncadd.s32 $0xFFFFE200  }
0x59: {  	_ =	swait.ge [sflag:s28], $0x2800  }
0x5a: {  	[sflag:s28] =	ssyncset.done $0x0  }
0x5b: {  	s3 =	simm.s32 $0x2;
	[sflag:s28] =	ssyncadd.s32 $0xFFFFD800  }
0x5c: {  	_ =	swait.ge [sflag:s3], $0x2800  }
0x5d: {  	[sflag:s3] =	ssyncset.done $0x0  }
0x5e: {  	[sflag:s3] =	ssyncadd.s32 $0xFFFFD800  }
0x5f: {  	[bflag:$0x0] =	sbarrier.arrive $0xFFFF  }
0x60: {  	s3 =	simm.s32 $0x5000;
	s9 =	rddreg [dreg:$0xa]  }
0x61: {  	[tilespmem:s3], [sflag:$0x3] =	stream.strided.gather [hbm4b:s9+s29], $0x1000, s30, s29, $0x38;
	[tilespmem:$0x1EE00] =	vst v63  }
0x62: {  	s13 =	simm.s32 $0x9000;
	s11 =	rddreg [dreg:$0xb]  }
0x63: {  	[tilespmem:s13], [sflag:$0x7] =	stream.indirect.gather [hbm4b:s5+s1], $0x20, s11, s1, $0xb8;
	[tilespmem:$0x1EE00] =	vst v63  }
.Ltmp3:
0x64: {  	_ = 	snop;
	(pc) =	sbr.rel @p0 .LBB2_13-.Ltmp3, $4  }
0x65: {  	s15 =	simm.s32 $0x6000;
	s14 =	rddreg [dreg:$0xc]  }
0x66: {  	[tilespmem:s15], [sflag:$0x4] =	stream.strided.gather [hbm4b:s14+s29], $0x1000, s30, s29, $0x38;
	[tilespmem:$0x1EE00] =	vst v63  }
0x67: {  	s28 =	simm.s32 $0xA000;
	s25 =	rddreg [dreg:$0xd];
	s11 =	simm.s32 $0x0  }
0x68: {  	[tilespmem:s28], [sflag:$0x8] =	stream.indirect.gather [hbm4b:s5+s1], $0x20, s25, s1, $0xb8;
	[tilespmem:$0x1EE00] =	vst v63  }
.LBB2_4:
0x69: {  	_ =	swait.ge [sflag:s31], $0x1000  }
0x6a: {  	[sflag:s31] =	ssyncset.done $0x0  }
0x6b: {  	[sflag:s31] =	ssyncadd.s32 $0xFFFFF000  }
0x6c: {  	_ =	swait.ge [sflag:s23], $0x1000  }
0x6d: {  	[sflag:s23] =	ssyncset.done $0x0  }
0x6e: {  	s9 =	simm.s32 $0x5020;
	[sflag:s23] =	ssyncadd.s32 $0xFFFFF000  }
0x6f: {  	s0 =	simm.s32 $0x9020;
	v1 =	vld [tilespmem:s9+$0xFFFFFFE0]  }
0x70: {  	v2 =	vld [tilespmem:s0+$0xFFFFFFE0];
	_ =	sdelay $0x4  }
0x71: {  	v3 =	vunpack.i.l.bf16.f32 v1;
	v4 =	vunpack.i.l.bf16.f32 v2  }
0x72: {  	v1 =	vunpack.i.u.bf16.f32 v1;
	v2 =	vunpack.i.u.bf16.f32 v2;
	v3 =	vadd.f32 v4, v3  }
0x73: {  	v1 =	vadd.f32 v2, v1  }
0x74: {  	s3 =	simm.s32 $0xD040;
	v2 =	vmax.f32 v3, $0.0e+00  }
0x75: {  	v1 =	vmax.f32 v1, $0.0e+00;
	[tilespmem:s3+$0xFFFFFFC0] =	vst v2  }
0x76: {  	[tilespmem:s3+$0xFFFFFFD0] =	vst v1  }
0x77: {  	v1 =	vld [tilespmem:s9+$0xFFFFFFF0]  }
0x78: {  	v2 =	vld [tilespmem:s0+$0xFFFFFFF0];
	_ =	sdelay $0x4  }
0x79: {  	v3 =	vunpack.i.l.bf16.f32 v1;
	v62 =	vunpack.i.l.bf16.f32 v2  }
0x7a: {  	v1 =	vunpack.i.u.bf16.f32 v1;
	v2 =	vunpack.i.u.bf16.f32 v2;
	v3 =	vadd.f32 v62, v3  }
0x7b: {  	v1 =	vadd.f32 v2, v1  }
0x7c: {  	v2 =	vmax.f32 v3, $0.0e+00  }
0x7d: {  	v1 =	vmax.f32 v1, $0.0e+00;
	[tilespmem:s3+$0xFFFFFFE0] =	vst v2  }
0x7e: {  	[tilespmem:s3+$0xFFFFFFF0] =	vst v1  }
0x7f: {  	v1 =	vld [tilespmem:s9+$0x0]  }
0x80: {  	v2 =	vld [tilespmem:s0+$0x0];
	_ =	sdelay $0x4  }
0x81: {  	v3 =	vunpack.i.l.bf16.f32 v1;
	v63 =	vunpack.i.l.bf16.f32 v2  }
0x82: {  	v1 =	vunpack.i.u.bf16.f32 v1;
	v2 =	vunpack.i.u.bf16.f32 v2;
	v3 =	vadd.f32 v63, v3  }
0x83: {  	v1 =	vadd.f32 v2, v1  }
0x84: {  	v2 =	vmax.f32 v3, $0.0e+00  }
0x85: {  	v1 =	vmax.f32 v1, $0.0e+00;
	[tilespmem:s3+$0x0] =	vst v2  }
0x86: {  	[tilespmem:s3+$0x10] =	vst v1  }
0x87: {  	v1 =	vld [tilespmem:s9+$0x10]  }
0x88: {  	v2 =	vld [tilespmem:s0+$0x10];
	_ =	sdelay $0x1  }
0x89: {  	s13 =	simm.s32 $0x0;
	s14 =	simm.s32 $0x5060;
	s9 =	simm.s32 $0xD040  }
.LBB2_5:
0x8a: {  	s13 =	sadd.s32 $0x2, s13;
	s3 =	sadd.s32 $0x80, s3;
	s0 =	sadd.s32 $0x40, s0  }
0x8b: {  	p1 =	slt.u32 s13, $0x7E;
	v3 =	vunpack.i.u.bf16.f32 v1;
	v1 =	vunpack.i.l.bf16.f32 v1  }
0x8c: {  	v4 =	vunpack.i.u.bf16.f32 v2;
	v2 =	vunpack.i.l.bf16.f32 v2  }
0x8d: {  	v1 =	vadd.f32 v2, v1;
	v2 =	vadd.f32 v4, v3;
	_ =	sdelay $0x1  }
0x8e: {  	v1 =	vmax.f32 v1, $0.0e+00;
	v2 =	vmax.f32 v2, $0.0e+00  }
0x8f: {  	[tilespmem:s9+$0x20] =	vst v1  }
0x90: {  	[tilespmem:s9+$0x30] =	vst v2;
	s9 =	smov.u32 s3  }
0x91: {  	v1 =	vld [tilespmem:s14+$0xFFFFFFE0]  }
0x92: {  	v2 =	vld [tilespmem:s0+$0xFFFFFFE0];
	_ =	sdelay $0x3  }
0x93: {  	v3 =	vunpack.i.l.bf16.f32 v1  }
0x94: {  	v1 =	vunpack.i.u.bf16.f32 v1;
	v4 =	vunpack.i.u.bf16.f32 v2;
	v2 =	vunpack.i.l.bf16.f32 v2  }
0x95: {  	v2 =	vadd.f32 v2, v3;
	v1 =	vadd.f32 v4, v1;
	_ =	sdelay $0x1  }
0x96: {  	v2 =	vmax.f32 v2, $0.0e+00;
	v1 =	vmax.f32 v1, $0.0e+00  }
0x97: {  	[tilespmem:s3+$0xFFFFFFC0] =	vst v2  }
0x98: {  	[tilespmem:s3+$0xFFFFFFD0] =	vst v1  }
0x99: {  	v1 =	vld [tilespmem:s14+$0xFFFFFFF0]  }
0x9a: {  	v2 =	vld [tilespmem:s0+$0xFFFFFFF0];
	_ =	sdelay $0x3  }
0x9b: {  	v3 =	vunpack.i.u.bf16.f32 v1;
	v1 =	vunpack.i.l.bf16.f32 v1  }
0x9c: {  	v4 =	vunpack.i.u.bf16.f32 v2;
	v2 =	vunpack.i.l.bf16.f32 v2  }
0x9d: {  	v1 =	vadd.f32 v2, v1;
	v2 =	vadd.f32 v4, v3;
	_ =	sdelay $0x1  }
0x9e: {  	v1 =	vmax.f32 v1, $0.0e+00;
	v2 =	vmax.f32 v2, $0.0e+00  }
0x9f: {  	[tilespmem:s3+$0xFFFFFFE0] =	vst v1  }
0xa0: {  	[tilespmem:s3+$0xFFFFFFF0] =	vst v2  }
0xa1: {  	v1 =	vld [tilespmem:s14+$0x0]  }
0xa2: {  	v2 =	vld [tilespmem:s0+$0x0];
	_ =	sdelay $0x3  }
0xa3: {  	v3 =	vunpack.i.u.bf16.f32 v1;
	v1 =	vunpack.i.l.bf16.f32 v1  }
0xa4: {  	v4 =	vunpack.i.u.bf16.f32 v2;
	v2 =	vunpack.i.l.bf16.f32 v2  }
0xa5: {  	v1 =	vadd.f32 v2, v1;
	v2 =	vadd.f32 v4, v3;
	_ =	sdelay $0x1  }
0xa6: {  	v1 =	vmax.f32 v1, $0.0e+00;
	v2 =	vmax.f32 v2, $0.0e+00  }
0xa7: {  	[tilespmem:s3+$0x0] =	vst v1  }
.Ltmp4:
0xa8: {  	[tilespmem:s3+$0x10] =	vst v2;
	(pc) =	sbr.rel @p1 .LBB2_5-.Ltmp4, $3  }
0xa9: {  	v1 =	vld [tilespmem:s14+$0x10]  }
0xaa: {  	v2 =	vld [tilespmem:s0+$0x10];
	_ =	sdelay $0x1  }
0xab: {  	s14 =	sadd.s32 $0x40, s14  }
0xac: {  	_ =	sdelay $0x1  }
0xad: {  	v3 =	vunpack.i.l.bf16.f32 v1;
	v4 =	vunpack.i.l.bf16.f32 v2  }
0xae: {  	s0 =	sshll.u32 s11, $0x2;
	v1 =	vunpack.i.u.bf16.f32 v1;
	v2 =	vunpack.i.u.bf16.f32 v2;
	v3 =	vadd.f32 v4, v3  }
0xaf: {  	s28 =	sadd.s32 s7, s0;
	v1 =	vadd.f32 v2, v1  }
0xb0: {  	s0 =	sshll.u32 s28, $0x9;
	v2 =	vmax.f32 v3, $0.0e+00  }
0xb1: {  	s25 =	sshra.s32 s0, $0x2;
	v1 =	vmax.f32 v1, $0.0e+00;
	[tilespmem:s9+$0x20] =	vst v2  }
0xb2: {  	s3 =	simm.s32 $0xD000;
	s0 =	sadd.s32 $0x2800, s25;
	[tilespmem:s9+$0x30] =	vst v1  }
0xb3: {  	[spmem:s2] =	stream.indirect.scatter.add.f32 [tilespmem:s3], [sflag:$0xB], $0x40, s0, s1, $0xb8;
	[tilespmem:$0x1EE00] =	vst v63  }
0xb4: {  	p1 =	seq.s32 s11, $0x0;
	s0 =	sor.u32 $0x2, s28  }
0xb5: {  	s3 =	simm.s32 @!p1 $0xD;
	s15 =	sadd.s32 s4, s0  }
0xb6: {  	_ =	swait.ge @!p1 [sflag:s3], $0x2000;
	s9 =	sshll.u32 s15, $0xA  }
0xb7: {  	[sflag:s3] =	ssyncset.done @!p1 $0x0;
	s9 =	sand.u32 $0xFFFFC00, s9  }
0xb8: {  	s14 =	simm.s32 $0x7000;
	[sflag:s3] =	ssyncadd.s32 @!p1 $0xFFFFE000;
	s13 =	sadd.s32 s6, s9  }
0xb9: {  	[tilespmem:s14], [sflag:$0x5] =	stream.strided.gather [hbm4b:s13+s29], $0x1000, s30, s29, $0x38;
	[tilespmem:$0x1EE00] =	vst v63  }
0xba: {  	s0 =	sshll.u32 s0, $0x7;
	s15 =	simm.s32 $0xB000  }
0xbb: {  	[tilespmem:s15], [sflag:$0x9] =	stream.indirect.gather [hbm4b:s5+s1], $0x20, s0, s1, $0xb8;
	[tilespmem:$0x1EE00] =	vst v63  }
0xbc: {  	_ =	swait.ge [sflag:s10], $0x1000  }
0xbd: {  	[sflag:s10] =	ssyncset.done $0x0  }
0xbe: {  	[sflag:s10] =	ssyncadd.s32 $0xFFFFF000  }
0xbf: {  	_ =	swait.ge [sflag:s12], $0x1000  }
0xc0: {  	[sflag:s12] =	ssyncset.done $0x0  }
0xc1: {  	s13 =	simm.s32 $0x6020;
	[sflag:s12] =	ssyncadd.s32 $0xFFFFF000  }
0xc2: {  	s3 =	simm.s32 $0xA020;
	v1 =	vld [tilespmem:s13+$0xFFFFFFE0]  }
0xc3: {  	v2 =	vld [tilespmem:s3+$0xFFFFFFE0];
	_ =	sdelay $0x4  }
0xc4: {  	v3 =	vunpack.i.l.bf16.f32 v1;
	v61 =	vunpack.i.l.bf16.f32 v2  }
0xc5: {  	v1 =	vunpack.i.u.bf16.f32 v1;
	v2 =	vunpack.i.u.bf16.f32 v2;
	v3 =	vadd.f32 v61, v3  }
0xc6: {  	v1 =	vadd.f32 v2, v1  }
0xc7: {  	s9 =	simm.s32 $0xF040;
	v2 =	vmax.f32 v3, $0.0e+00  }
0xc8: {  	v1 =	vmax.f32 v1, $0.0e+00;
	[tilespmem:s9+$0xFFFFFFC0] =	vst v2  }
0xc9: {  	[tilespmem:s9+$0xFFFFFFD0] =	vst v1  }
0xca: {  	v1 =	vld [tilespmem:s13+$0xFFFFFFF0]  }
0xcb: {  	v2 =	vld [tilespmem:s3+$0xFFFFFFF0];
	_ =	sdelay $0x4  }
0xcc: {  	v3 =	vunpack.i.l.bf16.f32 v1;
	v62 =	vunpack.i.l.bf16.f32 v2  }
0xcd: {  	v1 =	vunpack.i.u.bf16.f32 v1;
	v2 =	vunpack.i.u.bf16.f32 v2;
	v3 =	vadd.f32 v62, v3  }
0xce: {  	v1 =	vadd.f32 v2, v1  }
0xcf: {  	v2 =	vmax.f32 v3, $0.0e+00  }
0xd0: {  	v1 =	vmax.f32 v1, $0.0e+00;
	[tilespmem:s9+$0xFFFFFFE0] =	vst v2  }
0xd1: {  	[tilespmem:s9+$0xFFFFFFF0] =	vst v1  }
0xd2: {  	v1 =	vld [tilespmem:s13+$0x0]  }
0xd3: {  	v2 =	vld [tilespmem:s3+$0x0];
	_ =	sdelay $0x4  }
0xd4: {  	v3 =	vunpack.i.l.bf16.f32 v1;
	v63 =	vunpack.i.l.bf16.f32 v2  }
0xd5: {  	v1 =	vunpack.i.u.bf16.f32 v1;
	v2 =	vunpack.i.u.bf16.f32 v2;
	v3 =	vadd.f32 v63, v3  }
0xd6: {  	v1 =	vadd.f32 v2, v1  }
0xd7: {  	v2 =	vmax.f32 v3, $0.0e+00  }
0xd8: {  	v1 =	vmax.f32 v1, $0.0e+00;
	[tilespmem:s9+$0x0] =	vst v2  }
0xd9: {  	[tilespmem:s9+$0x10] =	vst v1  }
0xda: {  	v1 =	vld [tilespmem:s13+$0x10]  }
0xdb: {  	v2 =	vld [tilespmem:s3+$0x10];
	_ =	sdelay $0x1  }
0xdc: {  	s14 =	simm.s32 $0x0;
	s15 =	simm.s32 $0x6060;
	s13 =	simm.s32 $0xF040  }
.LBB2_7:
0xdd: {  	s14 =	sadd.s32 $0x2, s14;
	s9 =	sadd.s32 $0x80, s9;
	s3 =	sadd.s32 $0x40, s3  }
0xde: {  	p2 =	slt.u32 s14, $0x7E;
	v3 =	vunpack.i.u.bf16.f32 v1;
	v1 =	vunpack.i.l.bf16.f32 v1  }
0xdf: {  	v4 =	vunpack.i.u.bf16.f32 v2;
	v2 =	vunpack.i.l.bf16.f32 v2  }
0xe0: {  	v1 =	vadd.f32 v2, v1;
	v2 =	vadd.f32 v4, v3;
	_ =	sdelay $0x1  }
0xe1: {  	v1 =	vmax.f32 v1, $0.0e+00;
	v2 =	vmax.f32 v2, $0.0e+00  }
0xe2: {  	[tilespmem:s13+$0x20] =	vst v1  }
0xe3: {  	[tilespmem:s13+$0x30] =	vst v2;
	s13 =	smov.u32 s9  }
0xe4: {  	v1 =	vld [tilespmem:s15+$0xFFFFFFE0]  }
0xe5: {  	v2 =	vld [tilespmem:s3+$0xFFFFFFE0];
	_ =	sdelay $0x3  }
0xe6: {  	v3 =	vunpack.i.l.bf16.f32 v1  }
0xe7: {  	v1 =	vunpack.i.u.bf16.f32 v1;
	v4 =	vunpack.i.u.bf16.f32 v2;
	v2 =	vunpack.i.l.bf16.f32 v2  }
0xe8: {  	v2 =	vadd.f32 v2, v3;
	v1 =	vadd.f32 v4, v1;
	_ =	sdelay $0x1  }
0xe9: {  	v2 =	vmax.f32 v2, $0.0e+00;
	v1 =	vmax.f32 v1, $0.0e+00  }
0xea: {  	[tilespmem:s9+$0xFFFFFFC0] =	vst v2  }
0xeb: {  	[tilespmem:s9+$0xFFFFFFD0] =	vst v1  }
0xec: {  	v1 =	vld [tilespmem:s15+$0xFFFFFFF0]  }
0xed: {  	v2 =	vld [tilespmem:s3+$0xFFFFFFF0];
	_ =	sdelay $0x3  }
0xee: {  	v3 =	vunpack.i.u.bf16.f32 v1;
	v1 =	vunpack.i.l.bf16.f32 v1  }
0xef: {  	v4 =	vunpack.i.u.bf16.f32 v2;
	v2 =	vunpack.i.l.bf16.f32 v2  }
0xf0: {  	v1 =	vadd.f32 v2, v1;
	v2 =	vadd.f32 v4, v3;
	_ =	sdelay $0x1  }
0xf1: {  	v1 =	vmax.f32 v1, $0.0e+00;
	v2 =	vmax.f32 v2, $0.0e+00  }
0xf2: {  	[tilespmem:s9+$0xFFFFFFE0] =	vst v1  }
0xf3: {  	[tilespmem:s9+$0xFFFFFFF0] =	vst v2  }
0xf4: {  	v1 =	vld [tilespmem:s15+$0x0]  }
0xf5: {  	v2 =	vld [tilespmem:s3+$0x0];
	_ =	sdelay $0x3  }
0xf6: {  	v3 =	vunpack.i.u.bf16.f32 v1;
	v1 =	vunpack.i.l.bf16.f32 v1  }
0xf7: {  	v4 =	vunpack.i.u.bf16.f32 v2;
	v2 =	vunpack.i.l.bf16.f32 v2  }
0xf8: {  	v1 =	vadd.f32 v2, v1;
	v2 =	vadd.f32 v4, v3;
	_ =	sdelay $0x1  }
0xf9: {  	v1 =	vmax.f32 v1, $0.0e+00;
	v2 =	vmax.f32 v2, $0.0e+00  }
0xfa: {  	[tilespmem:s9+$0x0] =	vst v1  }
.Ltmp5:
0xfb: {  	[tilespmem:s9+$0x10] =	vst v2;
	(pc) =	sbr.rel @p2 .LBB2_7-.Ltmp5, $3  }
0xfc: {  	v1 =	vld [tilespmem:s15+$0x10]  }
0xfd: {  	v2 =	vld [tilespmem:s3+$0x10];
	_ =	sdelay $0x1  }
0xfe: {  	s15 =	sadd.s32 $0x40, s15  }
0xff: {  	_ =	sdelay $0x1  }
0x100: {  	v3 =	vunpack.i.l.bf16.f32 v1;
	v4 =	vunpack.i.l.bf16.f32 v2  }
0x101: {  	v1 =	vunpack.i.u.bf16.f32 v1;
	v2 =	vunpack.i.u.bf16.f32 v2;
	v3 =	vadd.f32 v4, v3  }
0x102: {  	v1 =	vadd.f32 v2, v1  }
0x103: {  	v2 =	vmax.f32 v3, $0.0e+00  }
0x104: {  	v1 =	vmax.f32 v1, $0.0e+00;
	[tilespmem:s13+$0x20] =	vst v2  }
0x105: {  	s3 =	sadd.s32 $0x2880, s25;
	s9 =	simm.s32 $0xF000;
	[tilespmem:s13+$0x30] =	vst v1  }
0x106: {  	[spmem:s2] =	stream.indirect.scatter.add.f32 [tilespmem:s9], [sflag:$0xC], $0x40, s3, s1, $0xb8;
	[tilespmem:$0x1EE00] =	vst v63  }
0x107: {  	s3 =	sor.u32 $0x3, s28  }
0x108: {  	s9 =	simm.s32 @!p1 $0xE;
	s14 =	sadd.s32 s4, s3  }
0x109: {  	_ =	swait.ge @!p1 [sflag:s9], $0x2000;
	s13 =	sshll.u32 s14, $0xA  }
0x10a: {  	[sflag:s9] =	ssyncset.done @!p1 $0x0;
	s13 =	sand.u32 $0xFFFFC00, s13  }
0x10b: {  	s25 =	simm.s32 $0x8000;
	[sflag:s9] =	ssyncadd.s32 @!p1 $0xFFFFE000;
	s15 =	sadd.s32 s6, s13  }
0x10c: {  	[tilespmem:s25], [sflag:$0x6] =	stream.strided.gather [hbm4b:s15+s29], $0x1000, s30, s29, $0x38;
	[tilespmem:$0x1EE00] =	vst v63  }
0x10d: {  	s14 =	simm.s32 $0xC000;
	s25 =	sshll.u32 s3, $0x7  }
0x10e: {  	[tilespmem:s14], [sflag:$0xA] =	stream.indirect.gather [hbm4b:s5+s1], $0x20, s25, s1, $0xb8;
	[tilespmem:$0x1EE00] =	vst v63  }
0x10f: {  	_ =	swait.ge [sflag:s16], $0x1000  }
0x110: {  	[sflag:s16] =	ssyncset.done $0x0  }
0x111: {  	[sflag:s16] =	ssyncadd.s32 $0xFFFFF000  }
0x112: {  	_ =	swait.ge [sflag:s17], $0x1000  }
0x113: {  	[sflag:s17] =	ssyncset.done $0x0  }
0x114: {  	s15 =	simm.s32 $0x7020;
	[sflag:s17] =	ssyncadd.s32 $0xFFFFF000  }
0x115: {  	s3 =	simm.s32 $0xB020;
	v1 =	vld [tilespmem:s15+$0xFFFFFFE0]  }
0x116: {  	v2 =	vld [tilespmem:s3+$0xFFFFFFE0];
	_ =	sdelay $0x4  }
0x117: {  	v3 =	vunpack.i.l.bf16.f32 v1;
	v61 =	vunpack.i.l.bf16.f32 v2  }
0x118: {  	v1 =	vunpack.i.u.bf16.f32 v1;
	v2 =	vunpack.i.u.bf16.f32 v2;
	v3 =	vadd.f32 v61, v3  }
0x119: {  	v1 =	vadd.f32 v2, v1  }
0x11a: {  	s9 =	simm.s32 $0x11040;
	v2 =	vmax.f32 v3, $0.0e+00  }
0x11b: {  	v1 =	vmax.f32 v1, $0.0e+00;
	[tilespmem:s9+$0xFFFFFFC0] =	vst v2  }
0x11c: {  	[tilespmem:s9+$0xFFFFFFD0] =	vst v1  }
0x11d: {  	v1 =	vld [tilespmem:s15+$0xFFFFFFF0]  }
0x11e: {  	v2 =	vld [tilespmem:s3+$0xFFFFFFF0];
	_ =	sdelay $0x4  }
0x11f: {  	v3 =	vunpack.i.l.bf16.f32 v1;
	v62 =	vunpack.i.l.bf16.f32 v2  }
0x120: {  	v1 =	vunpack.i.u.bf16.f32 v1;
	v2 =	vunpack.i.u.bf16.f32 v2;
	v3 =	vadd.f32 v62, v3  }
0x121: {  	v1 =	vadd.f32 v2, v1  }
0x122: {  	v2 =	vmax.f32 v3, $0.0e+00  }
0x123: {  	v1 =	vmax.f32 v1, $0.0e+00;
	[tilespmem:s9+$0xFFFFFFE0] =	vst v2  }
0x124: {  	[tilespmem:s9+$0xFFFFFFF0] =	vst v1  }
0x125: {  	v1 =	vld [tilespmem:s15+$0x0]  }
0x126: {  	v2 =	vld [tilespmem:s3+$0x0];
	_ =	sdelay $0x4  }
0x127: {  	v3 =	vunpack.i.l.bf16.f32 v1;
	v63 =	vunpack.i.l.bf16.f32 v2  }
0x128: {  	v1 =	vunpack.i.u.bf16.f32 v1;
	v2 =	vunpack.i.u.bf16.f32 v2;
	v3 =	vadd.f32 v63, v3  }
0x129: {  	v1 =	vadd.f32 v2, v1  }
0x12a: {  	v2 =	vmax.f32 v3, $0.0e+00  }
0x12b: {  	v1 =	vmax.f32 v1, $0.0e+00;
	[tilespmem:s9+$0x0] =	vst v2  }
0x12c: {  	[tilespmem:s9+$0x10] =	vst v1  }
0x12d: {  	v1 =	vld [tilespmem:s15+$0x10]  }
0x12e: {  	v2 =	vld [tilespmem:s3+$0x10];
	_ =	sdelay $0x1  }
0x12f: {  	s13 =	simm.s32 $0x11040;
	s14 =	simm.s32 $0x0;
	s15 =	simm.s32 $0x7060  }
.LBB2_9:
0x130: {  	s14 =	sadd.s32 $0x2, s14;
	s9 =	sadd.s32 $0x80, s9;
	s3 =	sadd.s32 $0x40, s3  }
0x131: {  	p1 =	slt.u32 s14, $0x7E;
	v3 =	vunpack.i.u.bf16.f32 v1;
	v1 =	vunpack.i.l.bf16.f32 v1  }
0x132: {  	v4 =	vunpack.i.u.bf16.f32 v2;
	v2 =	vunpack.i.l.bf16.f32 v2  }
0x133: {  	v1 =	vadd.f32 v2, v1;
	v2 =	vadd.f32 v4, v3;
	_ =	sdelay $0x1  }
0x134: {  	v1 =	vmax.f32 v1, $0.0e+00;
	v2 =	vmax.f32 v2, $0.0e+00  }
0x135: {  	[tilespmem:s13+$0x20] =	vst v1  }
0x136: {  	[tilespmem:s13+$0x30] =	vst v2;
	s13 =	smov.u32 s9  }
0x137: {  	v1 =	vld [tilespmem:s15+$0xFFFFFFE0]  }
0x138: {  	v2 =	vld [tilespmem:s3+$0xFFFFFFE0];
	_ =	sdelay $0x3  }
0x139: {  	v3 =	vunpack.i.l.bf16.f32 v1  }
0x13a: {  	v1 =	vunpack.i.u.bf16.f32 v1;
	v4 =	vunpack.i.u.bf16.f32 v2;
	v2 =	vunpack.i.l.bf16.f32 v2  }
0x13b: {  	v2 =	vadd.f32 v2, v3;
	v1 =	vadd.f32 v4, v1;
	_ =	sdelay $0x1  }
0x13c: {  	v2 =	vmax.f32 v2, $0.0e+00;
	v1 =	vmax.f32 v1, $0.0e+00  }
0x13d: {  	[tilespmem:s9+$0xFFFFFFC0] =	vst v2  }
0x13e: {  	[tilespmem:s9+$0xFFFFFFD0] =	vst v1  }
0x13f: {  	v1 =	vld [tilespmem:s15+$0xFFFFFFF0]  }
0x140: {  	v2 =	vld [tilespmem:s3+$0xFFFFFFF0];
	_ =	sdelay $0x3  }
0x141: {  	v3 =	vunpack.i.u.bf16.f32 v1;
	v1 =	vunpack.i.l.bf16.f32 v1  }
0x142: {  	v4 =	vunpack.i.u.bf16.f32 v2;
	v2 =	vunpack.i.l.bf16.f32 v2  }
0x143: {  	v1 =	vadd.f32 v2, v1;
	v2 =	vadd.f32 v4, v3;
	_ =	sdelay $0x1  }
0x144: {  	v1 =	vmax.f32 v1, $0.0e+00;
	v2 =	vmax.f32 v2, $0.0e+00  }
0x145: {  	[tilespmem:s9+$0xFFFFFFE0] =	vst v1  }
0x146: {  	[tilespmem:s9+$0xFFFFFFF0] =	vst v2  }
0x147: {  	v1 =	vld [tilespmem:s15+$0x0]  }
0x148: {  	v2 =	vld [tilespmem:s3+$0x0];
	_ =	sdelay $0x3  }
0x149: {  	v3 =	vunpack.i.u.bf16.f32 v1;
	v1 =	vunpack.i.l.bf16.f32 v1  }
0x14a: {  	v4 =	vunpack.i.u.bf16.f32 v2;
	v2 =	vunpack.i.l.bf16.f32 v2  }
0x14b: {  	v1 =	vadd.f32 v2, v1;
	v2 =	vadd.f32 v4, v3;
	_ =	sdelay $0x1  }
0x14c: {  	v1 =	vmax.f32 v1, $0.0e+00;
	v2 =	vmax.f32 v2, $0.0e+00  }
0x14d: {  	[tilespmem:s9+$0x0] =	vst v1  }
.Ltmp6:
0x14e: {  	[tilespmem:s9+$0x10] =	vst v2;
	(pc) =	sbr.rel @p1 .LBB2_9-.Ltmp6, $3  }
0x14f: {  	v1 =	vld [tilespmem:s15+$0x10]  }
0x150: {  	v2 =	vld [tilespmem:s3+$0x10];
	_ =	sdelay $0x1  }
0x151: {  	s15 =	sadd.s32 $0x40, s15  }
0x152: {  	_ =	sdelay $0x1  }
0x153: {  	v3 =	vunpack.i.l.bf16.f32 v1;
	v4 =	vunpack.i.l.bf16.f32 v2  }
0x154: {  	v1 =	vunpack.i.u.bf16.f32 v1;
	v2 =	vunpack.i.u.bf16.f32 v2;
	v3 =	vadd.f32 v4, v3  }
0x155: {  	v1 =	vadd.f32 v2, v1  }
0x156: {  	v2 =	vmax.f32 v3, $0.0e+00  }
0x157: {  	v1 =	vmax.f32 v1, $0.0e+00;
	[tilespmem:s13+$0x20] =	vst v2  }
0x158: {  	s0 =	sadd.s32 $0x2800, s0;
	p1 =	sge.s32 s11, s20;
	[tilespmem:s13+$0x30] =	vst v1  }
0x159: {  	[spmem:s2] =	stream.indirect.scatter.add.f32 [tilespmem:s18], [sflag:$0xD], $0x40, s0, s1, $0xb8;
	[tilespmem:$0x1EE00] =	vst v63  }
0x15a: {  	s0 =	sadd.s32 @!p1 $0x4, s28  }
0x15b: {  	s9 =	simm.s32 @!p1 $0x20;
	s3 =	sadd.s32 @!p1 s4, s0  }
0x15c: {  	s14 =	simm.s32 @!p1 $0x5000;
	_ =	swait.ge [sflag:s19], $0x2000;
	s3 =	sshll.u32 @!p1 s3, $0xA  }
0x15d: {  	s13 =	simm.s32 @!p1 $0x40;
	[sflag:s19] =	ssyncset.done $0x0;
	s3 =	sand.u32 @!p1 $0xFFFFC00, s3  }
0x15e: {  	s0 =	sshll.u32 @!p1 s0, $0x9;
	[sflag:s19] =	ssyncadd.s32 $0xFFFFE000;
	s3 =	sadd.s32 @!p1 s6, s3  }
0x15f: {  	[tilespmem:s14], [sflag:$0x3] =	stream.strided.gather @!p1 [hbm4b:s3+s9], $0x1000, s13, s9, $0x38;
	[tilespmem:$0x1EE00] =	vst v63  }
0x160: {  	s0 =	sshra.s32 @!p1 s0, $0x2;
	s3 =	simm.s32 @!p1 $0x80;
	s9 =	simm.s32 @!p1 $0x9000  }
0x161: {  	[tilespmem:s9], [sflag:$0x7] =	stream.indirect.gather @!p1 [hbm4b:s5+s3], $0x20, s0, s3, $0xb8;
	[tilespmem:$0x1EE00] =	vst v63  }
0x162: {  	_ =	swait.ge [sflag:s21], $0x1000  }
0x163: {  	[sflag:s21] =	ssyncset.done $0x0  }
0x164: {  	[sflag:s21] =	ssyncadd.s32 $0xFFFFF000  }
0x165: {  	_ =	swait.ge [sflag:s22], $0x1000  }
0x166: {  	[sflag:s22] =	ssyncset.done $0x0  }
0x167: {  	s15 =	simm.s32 $0x8020;
	[sflag:s22] =	ssyncadd.s32 $0xFFFFF000  }
0x168: {  	s0 =	simm.s32 $0xC020;
	v1 =	vld [tilespmem:s15+$0xFFFFFFE0]  }
0x169: {  	v2 =	vld [tilespmem:s0+$0xFFFFFFE0];
	_ =	sdelay $0x4  }
0x16a: {  	v3 =	vunpack.i.l.bf16.f32 v1;
	v61 =	vunpack.i.l.bf16.f32 v2  }
0x16b: {  	v1 =	vunpack.i.u.bf16.f32 v1;
	v2 =	vunpack.i.u.bf16.f32 v2;
	v3 =	vadd.f32 v61, v3  }
0x16c: {  	v1 =	vadd.f32 v2, v1  }
0x16d: {  	s3 =	simm.s32 $0x13040;
	v2 =	vmax.f32 v3, $0.0e+00  }
0x16e: {  	v1 =	vmax.f32 v1, $0.0e+00;
	[tilespmem:s3+$0xFFFFFFC0] =	vst v2  }
0x16f: {  	[tilespmem:s3+$0xFFFFFFD0] =	vst v1  }
0x170: {  	v1 =	vld [tilespmem:s15+$0xFFFFFFF0]  }
0x171: {  	v2 =	vld [tilespmem:s0+$0xFFFFFFF0];
	_ =	sdelay $0x4  }
0x172: {  	v3 =	vunpack.i.l.bf16.f32 v1;
	v62 =	vunpack.i.l.bf16.f32 v2  }
0x173: {  	v1 =	vunpack.i.u.bf16.f32 v1;
	v2 =	vunpack.i.u.bf16.f32 v2;
	v3 =	vadd.f32 v62, v3  }
0x174: {  	v1 =	vadd.f32 v2, v1  }
0x175: {  	v2 =	vmax.f32 v3, $0.0e+00  }
0x176: {  	v1 =	vmax.f32 v1, $0.0e+00;
	[tilespmem:s3+$0xFFFFFFE0] =	vst v2  }
0x177: {  	[tilespmem:s3+$0xFFFFFFF0] =	vst v1  }
0x178: {  	v1 =	vld [tilespmem:s15+$0x0]  }
0x179: {  	v2 =	vld [tilespmem:s0+$0x0];
	_ =	sdelay $0x4  }
0x17a: {  	v3 =	vunpack.i.l.bf16.f32 v1;
	v63 =	vunpack.i.l.bf16.f32 v2  }
0x17b: {  	v1 =	vunpack.i.u.bf16.f32 v1;
	v2 =	vunpack.i.u.bf16.f32 v2;
	v3 =	vadd.f32 v63, v3  }
0x17c: {  	v1 =	vadd.f32 v2, v1  }
0x17d: {  	v2 =	vmax.f32 v3, $0.0e+00  }
0x17e: {  	v1 =	vmax.f32 v1, $0.0e+00;
	[tilespmem:s3+$0x0] =	vst v2  }
0x17f: {  	[tilespmem:s3+$0x10] =	vst v1  }
0x180: {  	v1 =	vld [tilespmem:s15+$0x10]  }
0x181: {  	v2 =	vld [tilespmem:s0+$0x10];
	_ =	sdelay $0x1  }
0x182: {  	s13 =	simm.s32 $0x0;
	s14 =	simm.s32 $0x8060;
	s9 =	simm.s32 $0x13040  }
.LBB2_11:
0x183: {  	s13 =	sadd.s32 $0x2, s13;
	s3 =	sadd.s32 $0x80, s3;
	s0 =	sadd.s32 $0x40, s0  }
0x184: {  	p2 =	slt.u32 s13, $0x7E;
	v3 =	vunpack.i.u.bf16.f32 v1;
	v1 =	vunpack.i.l.bf16.f32 v1  }
0x185: {  	v4 =	vunpack.i.u.bf16.f32 v2;
	v2 =	vunpack.i.l.bf16.f32 v2  }
0x186: {  	v1 =	vadd.f32 v2, v1;
	v2 =	vadd.f32 v4, v3;
	_ =	sdelay $0x1  }
0x187: {  	v1 =	vmax.f32 v1, $0.0e+00;
	v2 =	vmax.f32 v2, $0.0e+00  }
0x188: {  	[tilespmem:s9+$0x20] =	vst v1  }
0x189: {  	[tilespmem:s9+$0x30] =	vst v2;
	s9 =	smov.u32 s3  }
0x18a: {  	v1 =	vld [tilespmem:s14+$0xFFFFFFE0]  }
0x18b: {  	v2 =	vld [tilespmem:s0+$0xFFFFFFE0];
	_ =	sdelay $0x3  }
0x18c: {  	v3 =	vunpack.i.l.bf16.f32 v1  }
0x18d: {  	v1 =	vunpack.i.u.bf16.f32 v1;
	v4 =	vunpack.i.u.bf16.f32 v2;
	v2 =	vunpack.i.l.bf16.f32 v2  }
0x18e: {  	v2 =	vadd.f32 v2, v3;
	v1 =	vadd.f32 v4, v1;
	_ =	sdelay $0x1  }
0x18f: {  	v2 =	vmax.f32 v2, $0.0e+00;
	v1 =	vmax.f32 v1, $0.0e+00  }
0x190: {  	[tilespmem:s3+$0xFFFFFFC0] =	vst v2  }
0x191: {  	[tilespmem:s3+$0xFFFFFFD0] =	vst v1  }
0x192: {  	v1 =	vld [tilespmem:s14+$0xFFFFFFF0]  }
0x193: {  	v2 =	vld [tilespmem:s0+$0xFFFFFFF0];
	_ =	sdelay $0x3  }
0x194: {  	v3 =	vunpack.i.u.bf16.f32 v1;
	v1 =	vunpack.i.l.bf16.f32 v1  }
0x195: {  	v4 =	vunpack.i.u.bf16.f32 v2;
	v2 =	vunpack.i.l.bf16.f32 v2  }
0x196: {  	v1 =	vadd.f32 v2, v1;
	v2 =	vadd.f32 v4, v3;
	_ =	sdelay $0x1  }
0x197: {  	v1 =	vmax.f32 v1, $0.0e+00;
	v2 =	vmax.f32 v2, $0.0e+00  }
0x198: {  	[tilespmem:s3+$0xFFFFFFE0] =	vst v1  }
0x199: {  	[tilespmem:s3+$0xFFFFFFF0] =	vst v2  }
0x19a: {  	v1 =	vld [tilespmem:s14+$0x0]  }
0x19b: {  	v2 =	vld [tilespmem:s0+$0x0];
	_ =	sdelay $0x3  }
0x19c: {  	v3 =	vunpack.i.u.bf16.f32 v1;
	v1 =	vunpack.i.l.bf16.f32 v1  }
0x19d: {  	v4 =	vunpack.i.u.bf16.f32 v2;
	v2 =	vunpack.i.l.bf16.f32 v2  }
0x19e: {  	v1 =	vadd.f32 v2, v1;
	v2 =	vadd.f32 v4, v3;
	_ =	sdelay $0x1  }
0x19f: {  	v1 =	vmax.f32 v1, $0.0e+00;
	v2 =	vmax.f32 v2, $0.0e+00  }
0x1a0: {  	[tilespmem:s3+$0x0] =	vst v1  }
.Ltmp7:
0x1a1: {  	[tilespmem:s3+$0x10] =	vst v2;
	(pc) =	sbr.rel @p2 .LBB2_11-.Ltmp7, $3  }
0x1a2: {  	v1 =	vld [tilespmem:s14+$0x10]  }
0x1a3: {  	v2 =	vld [tilespmem:s0+$0x10];
	_ =	sdelay $0x1  }
0x1a4: {  	s14 =	sadd.s32 $0x40, s14  }
0x1a5: {  	_ =	sdelay $0x1  }
0x1a6: {  	v3 =	vunpack.i.l.bf16.f32 v1;
	v4 =	vunpack.i.l.bf16.f32 v2  }
0x1a7: {  	v1 =	vunpack.i.u.bf16.f32 v1;
	v2 =	vunpack.i.u.bf16.f32 v2;
	v3 =	vadd.f32 v4, v3  }
0x1a8: {  	v1 =	vadd.f32 v2, v1  }
0x1a9: {  	v2 =	vmax.f32 v3, $0.0e+00  }
0x1aa: {  	v1 =	vmax.f32 v1, $0.0e+00;
	[tilespmem:s9+$0x20] =	vst v2  }
0x1ab: {  	s0 =	sadd.s32 $0x2800, s25;
	[tilespmem:s9+$0x30] =	vst v1  }
0x1ac: {  	[spmem:s2] =	stream.indirect.scatter.add.f32 [tilespmem:s24], [sflag:$0xE], $0x40, s0, s1, $0xb8;
	[tilespmem:$0x1EE00] =	vst v63  }
0x1ad: {  	s0 =	sadd.s32 @!p1 $0x5, s28  }
0x1ae: {  	s13 =	simm.s32 @!p1 $0x40;
	s14 =	simm.s32 @!p1 $0x6000;
	s3 =	sadd.s32 @!p1 s4, s0  }
0x1af: {  	s11 =	sadd.s32 $0x1, s11;
	_ =	swait.ge [sflag:s26], $0x2000;
	s3 =	sshll.u32 @!p1 s3, $0xA  }
0x1b0: {  	s9 =	simm.s32 @!p1 $0x20;
	[sflag:s26] =	ssyncset.done $0x0;
	s3 =	sand.u32 @!p1 $0xFFFFC00, s3  }
0x1b1: {  	s0 =	sshll.u32 @!p1 s0, $0x9;
	[sflag:s26] =	ssyncadd.s32 $0xFFFFE000;
	s3 =	sadd.s32 @!p1 s6, s3  }
0x1b2: {  	[tilespmem:s14], [sflag:$0x4] =	stream.strided.gather @!p1 [hbm4b:s3+s9], $0x1000, s13, s9, $0x38;
	[tilespmem:$0x1EE00] =	vst v63  }
0x1b3: {  	s0 =	sshra.s32 @!p1 s0, $0x2;
	s3 =	simm.s32 @!p1 $0x80;
	s9 =	simm.s32 @!p1 $0xA000  }
0x1b4: {  	[tilespmem:s9], [sflag:$0x8] =	stream.indirect.gather @!p1 [hbm4b:s5+s3], $0x20, s0, s3, $0xb8;
	[tilespmem:$0x1EE00] =	vst v63  }
0x1b5: {  	p1 =	sne.s32 s11, s8  }
.Ltmp8:
0x1b6: {  	_ = 	snop;
	(pc) =	sbr.rel @p1 .LBB2_4-.Ltmp8, $4  }
.Ltmp9:
0x1b7: {  	_ = 	snop;
	(pc) =	sbr.rel @!p1 .LBB2_13-.Ltmp9, $4  }
0x1b8: {  	_ = 	snop  }
0x1b9: {  	_ = 	snop  }
0x1ba: {  	_ = 	snop  }
0x1bb: {  	_ = 	snop  }
.LBB2_14:
0x1bc: {  	_ =	sfence.sel $0x180000  }
0x1bd: {  	[bflag:$0x0] =	sbarrier.arrive $0xFFFF  }
0x1be: {  	_ =	strace $0x9000004A  }
0x1bf: {  	s0 =	stileid.u32;
	[bflag:$0x2] =	sbarrier.arrive $0xFFFF  }
0x1c0: {  	p0 =	sne.s32 s0, $0x0;
	s0 =	rddreg [dreg:$0x2]  }
0x1c1: {  	s0 =	sadd.s32 @!p0 $0x100000, s0  }
0x1c2: {  	[sflag:s0] =	ssyncadd.tile.s32 @!p0 $0x1;
	_ =	shalt  }
.Lfunc_end2:
_tile_overlayer_lowered:
.L_overlay_start_2:
0x1c3: {  	(tag) =	ssettag $0x2  }
0x1c4: {  	s0 =	rddreg [dreg:$0x0];
	s2 =	stileid.u32  }
0x1c5: {  	s1 =	rddreg [dreg:$0x1];
	p0 =	sne.s32 s2, $0x0  }
0x1c6: {  	s3 =	rddreg [dreg:$0x2];
	[bflag:$0x3] =	sbarrier.arrive $0xFFFF;
	s2 =	simm.s32 @!p0 $0x1C0F  }
0x1c7: {  	[timem:s3], [sflag:s2] =	dma.local @!p0 [hbm:s0], s1  }
0x1c8: {  	s0 =	simm.s32 @!p0 $0xF  }
0x1c9: {  	_ =	swait.ge @!p0 [sflag:s0], s1  }
0x1ca: {  	s1 =	ssub.s32 @!p0 $0x0, s1;
	[sflag:s0] =	ssyncset.done @!p0 $0x0  }
0x1cb: {  	[sflag:s0] =	ssyncadd.s32 @!p0 s1  }
0x1cc: {  	[bflag:$0x3] =	sbarrier.arrive $0xFFFF  }
0x1cd: {  	_ =	shalt  }

// kernel: sparse-core-data-format-call.cloned.1.call-start
scs
called_computation_lowered:
.L_overlay_start_0:
0x0: {  	s1 =	sld [smem:$0x3FD9]  }
0x1: {  	s2 =	sld [smem:$0x3FFE];
	_ =	sdelay $0x1  }
0x2: {  	s3 =	srdreg.scid  }
0x3: {  	s0 =	sand.u32 $0x1, s3  }
0x4: {  	s17 =	sshll.u32 s0, $0xA;
	s1 =	sadd.s32 s2, s1  }
0x5: {  	s1 =	sadd.s32 s1, s17  }
0x6: {  	[smem:$0x3FB3] =	sst s1  }
0x7: {  	_ = 	snop  }
0x8: {  	(tm) =	ssettm $0x1  }
0x9: {  	s18 =	sld [smem:$0x3FFB];
	_ =	sdelay $0x3  }
0xa: {  	_ =	strace s18  }
0xb: {  	s1 =	sld [smem:$0x3FFC];
	_ =	sdelay $0x3  }
0xc: {  	_ =	strace s1  }
0xd: {  	s1 =	sld [smem:$0x3FFD];
	_ =	sdelay $0x3  }
0xe: {  	_ =	strace s1  }
0xf: {  	_ =	strace $0x8FFFFFFF  }
0x10: {  	s19 =	sld [smem:$0x3FDB];
	_ =	sdelay $0x1  }
0x11: {  	s20 =	simm.s32 $_scs_section_size  }
0x12: {  	s4 =	simm.s32 $_size__tile_overlayer_lowered;
	s5 =	simm.s32 $_tile_overlayer_lowered  }
0x13: {  	s23 =	simm.s32 $0x1BFF;
	s22 =	sshll.u32 s5, $0x1;
	s1 =	sadd.s32 s20, s19  }
0x14: {  	s6 =	simm.s32 $0x0;
	s21 =	sshll.u32 s4, $0x1;
	s4 =	sadd.s32 s22, s1  }
0x15: {  	[timem:s6], [sflag:s23] =	dma.local [hbm:s4], s21  }
0x16: {  	_ =	swait.ge [sflag:s23], s21  }
0x17: {  	s2 =	ssub.s32 $0x0, s21;
	[sflag:s23] =	ssyncset.done $0x0  }
0x18: {  	[sflag:s23] =	ssyncadd.s32 s2;
	_ =	sdelay $0x1  }
0x19: {  	s24 =	simm.s32 $0x1B8B  }
0x1a: {  	_ =	swait.ge [sflag:s24], $0x1  }
0x1b: {  	[sflag:s24] =	ssyncset.done $0x0  }
0x1c: {  	s26 =	simm.s32 $0x1B8E;
	s25 =	sld [smem:$0x3FFE];
	[sflag:s24] =	ssyncadd.s32 $0xFFFFFFFF  }
0x1d: {  	s27 =	simm.s32 $execute0_lowered;
	[smem:$0x3FD2] =	sst s26  }
0x1e: {  	s4 =	sshll.u32 s27, $0x1;
	_ =	strace $0x80000046;
	[dreg:$0x1] =	wrdreg $0xFFFFFFFF  }
0x1f: {  	s28 =	simm.s32 $_size_execute0_lowered;
	s1 =	sadd.s32 s1, s4;
	[dreg:$0x0] =	wrdreg $0x0  }
0x20: {  	s4 =	sshll.u32 s28, $0x1;
	[dreg:$0x2] =	wrdreg s1  }
0x21: {  	[dreg:$0x3] =	wrdreg s4  }
0x22: {  	[dreg:$0x4] =	wrdreg $0xC0  }
0x23: {  	_ =	task [dreg:s6], $0x5FFFF  }
0x24: {  	[dreg:$0x1] =	wrdreg $0xFFFFFFFF  }
0x25: {  	[dreg:$0x0] =	wrdreg $0x60  }
0x26: {  	[dreg:$0x2] =	wrdreg s25  }
0x27: {  	[dreg:$0x3] =	wrdreg $0x9  }
0x28: {  	_ =	task.clear_ibuf [dreg:s6], $0x4FFFF;
	_ =	strace $0x90000046  }
0x29: {  	s29 =	simm.s32 $0x9;
	_ =	strace $0x80000048  }
0x2a: {  	_ =	swait.ge [sflag:s29], $0x1  }
0x2b: {  	[sflag:s29] =	ssyncadd.s32 $0xFFFFFFFF  }
0x2c: {  	_ =	strace $0x90000048  }
0x2d: {  	_ =	sfence  }
0x2e: {  	s30 =	sld [smem:$0x0];
	_ =	sdelay $0x2  }
0x2f: {  	s31 =	sshll.u32 s3, $0xD;
	s3 =	sshrl.u32 s3, $0x2  }
0x30: {  	s2 =	sand.u32 $0x4000, s31;
	s1 =	sadd.s32 s3, s30  }
0x31: {  	s0 =	sor.u32 s2, s0;
	s1 =	sshll.u32 s1, $0x11  }
0x32: {  	s0 =	sor.u32 s1, s0  }
0x33: {  	s0 =	sadd.s32 $0x8F2B, s0  }
0x34: {  	[sflag:s0] =	ssyncadd.remote.s32 $0x1  }
0x35: {  	_ =	sfence.sel $0xFFFF  }
0x36: {  	[dreg:$0x0] =	wrdreg $0xFFFFFFFF;
	(pc) =	sbr.abs _section_cstart, $3  }
0x37: {  	[dreg:$0x1] =	wrdreg $0xFFFFFFFF  }
0x38: {  	_ =	task.clear_ibuf [dreg:s6], $0x2FFFF;
	_ =	strace $0x9FFFFFFF  }
0x39: {  	(tm) =	ssettm $0x7FFFFFFF  }
tec
execute0_lowered:
.L_overlay_start_1:
0x0: {  	(tag) =	ssettag $0x1  }
0x1: {  	s0 =	srdreg.scid  }
0x2: {  	s1 =	sshll.u32 s0, $0x4  }
0x3: {  	s4 =	rddreg [dreg:$0x0];
	s0 =	stileid.u32;
	s1 =	sand.u32 $0x10, s1  }
0x4: {  	s7 =	simm.s32 $0x1;
	s8 =	simm.s32 $0x2;
	s2 =	sor.u32 s0, s1  }
0x5: {  	s9 =	simm.s32 $0x0;
	s12 =	simm.s32 $0x0;
	s2 =	sshll.u32 s2, $0x4  }
0x6: {  	s11 =	simm.s32 $0x0;
	s3 =	sadd.s32 $0x274800, s4;
	s6 =	ssub.s32 $0x4E20, s2  }
.Ltmp0:
0x7: {  	s4 =	sadd.s32 $0x3800, s4;
	s5 =	sand.u32 $0x1F0, s6;
	(pc) =	sbr.rel .LBB1_1-.Ltmp0, $4  }
0x8: {  	s1 =	rddreg [dreg:$0x1];
	_ =	strace $0x80000047;
	p0 =	sne.s32 s5, $0x0  }
0x9: {  	s6 =	sshrl.u32 s6, $0x9;
	s5 =	simm.s32 $0x1;
	s7 =	simm.s32 @!p0 $0x0  }
0xa: {  	s10 =	smov.u32 s2;
	[sflag:s5] =	ssyncpa.u1 $0x0;
	s6 =	sadd.s32 s7, s6  }
0xb: {  	[sflag:s8] =	ssyncpa.u1 $0x0;
	s8 =	simm.s32 $0x0;
	s7 =	sadd.s32 $0x1, s6  }
.LBB1_7:
0xc: {  	s14 =	sadd.s32 $0x200, s10  }
0xd: {  	p1 =	sgt.s32 s14, $0x4E1F  }
0xe: {  	s14 =	smov.u32 @p1 s2;
	p1 =	sne.s32 s11, s7  }
.Ltmp1:
0xf: {  	p0 =	slt.u32 s11, $0x2;
	(pc) =	sbr.rel @!p1 .LBB1_8-.Ltmp1, $4  }
0x10: {  	s13 =	simm.s32 @!p0 $0x2  }
0x11: {  	s15 =	sadd.s32 $0x1, s11;
	_ =	swait.ge @!p0 [sflag:s13], $0x4000  }
0x12: {  	s12 =	smov.u32 s10;
	s9 =	sadd.s32 $0x8000, s9;
	[sflag:s13] =	ssyncset.done @!p0 $0x0  }
0x13: {  	s11 =	smov.u32 s15;
	s10 =	smov.u32 s14;
	[sflag:s13] =	ssyncadd.s32 @!p0 $0xFFFFC000  }
.LBB1_1:
0x14: {  	p0 =	sge.u32 s11, s6  }
0x15: {  	s13 =	sxor.u32 @!p0 $0xFFFFFFFF, s11  }
0x16: {  	s31 =	sadd.s32 $0xFFFFFFFF, s11;
	s14 =	sshll.u32 @!p0 s10, $0x7;
	s13 =	sshll.u32 @!p0 s13, $0xE  }
0x17: {  	s15 =	simm.s32 @!p0 $0x0;
	s14 =	sadd.s32 @!p0 s3, s14;
	s13 =	sand.u32 @!p0 $0x4000, s13  }
0x18: {  	[tilespmem:s13], [sflag:$0x1] =	stream.linear.gather @!p0 [hbm4b:s14+s15], $0x4000, $0x38;
	[tilespmem:$0x10000] =	vst v63  }
0x19: {  	p0 =	sge.u32 s31, s6  }
.Ltmp2:
0x1a: {  	_ = 	snop;
	(pc) =	sbr.rel @p0 .LBB1_7-.Ltmp2, $1  }
0x1b: {  	_ =	sdelay $0x3  }
0x1c: {  	s13 =	sshrl.u32 s9, $0x1;
	_ =	swait.ge [sflag:s5], $0x4000  }
0x1d: {  	s15 =	sshll.u32 s11, $0xE;
	s16 =	simm.s32 $0x0;
	s14 =	sand.u32 $0x4000, s13  }
0x1e: {  	[sflag:s5] =	ssyncset.done $0x0;
	s15 =	sand.u32 $0x4000, s15;
	s13 =	sor.u32 $0x200, s14  }
0x1f: {  	s14 =	sor.u32 $0x8080, s14;
	[sflag:s5] =	ssyncadd.s32 $0xFFFFC000;
	s15 =	sor.u32 $0x8000, s15  }
.LBB1_3:
0x20: {  	v0 =	vld [tilespmem:s13+$0xFFFFFE70]  }
0x21: {  	v1 =	vld [tilespmem:s13+$0x70]  }
0x22: {  	v2 =	vld [tilespmem:s13+$0x0]  }
0x23: {  	v3 =	vld [tilespmem:s13+$0xFFFFFE10]  }
0x24: {  	v4 =	vld [tilespmem:s13+$0x10]  }
0x25: {  	v5 =	vld [tilespmem:s13+$0xFFFFFE20]  }
0x26: {  	v7 =	vld [tilespmem:s13+$0x20]  }
0x27: {  	v11 =	vld [tilespmem:s13+$0x30];
	v6 =	vunpack.i.l.s16.s32 v0;
	v8 =	vunpack.i.u.s16.s32 v0;
	v9 =	vunpack.i.u.s16.s32 v1  }
0x28: {  	v10 =	vunpack.i.l.s16.s32 v1;
	v0 =	vunpack.i.u.s16.s32 v2;
	v1 =	vunpack.i.l.s16.s32 v2;
	v2 =	vld [tilespmem:s13+$0xFFFFFE30]  }
0x29: {  	v8 =	vpack.i.b32.b16 v9, v8;
	v9 =	vunpack.i.u.s16.s32 v3;
	v3 =	vunpack.i.l.s16.s32 v3  }
0x2a: {  	v12 =	vld [tilespmem:s13+$0xFFFFFE40];
	v6 =	vpack.i.b32.b16 v10, v6;
	[tilespmem:s14+$0x70] =	vst v8;
	v8 =	vunpack.i.u.s16.s32 v4;
	v4 =	vunpack.i.l.s16.s32 v4  }
0x2b: {  	v13 =	vld [tilespmem:s13+$0x40];
	v10 =	vunpack.i.u.s16.s32 v5;
	v5 =	vunpack.i.l.s16.s32 v5;
	[tilespmem:s14+$0xFFFFFFF0] =	vst v6;
	v3 =	vpack.i.b32.b16 v4, v3  }
0x2c: {  	v6 =	vunpack.i.l.s16.s32 v7;
	v4 =	vld [tilespmem:s13+$0xFFFFFE50];
	[tilespmem:s14+$0xFFFFFF90] =	vst v3;
	v3 =	vpack.i.b32.b16 v8, v9;
	v8 =	vunpack.i.u.s16.s32 v7  }
0x2d: {  	v7 =	vunpack.i.l.s16.s32 v11;
	[tilespmem:s14+$0x10] =	vst v3;
	v3 =	vpack.i.b32.b16 v6, v5;
	v9 =	vunpack.i.u.s16.s32 v2;
	v6 =	vld [tilespmem:s13+$0x50]  }
0x2e: {  	v5 =	vunpack.i.l.s16.s32 v2;
	v2 =	vld [tilespmem:s13+$0xFFFFFE60];
	[tilespmem:s14+$0xFFFFFFA0] =	vst v3;
	v3 =	vpack.i.b32.b16 v8, v10;
	v10 =	vunpack.i.u.s16.s32 v11  }
0x2f: {  	s19 =	simm.s32 $0x0;
	v11 =	vpack.i.b32.b16 v7, v5;
	v7 =	vunpack.i.u.s16.s32 v12;
	v8 =	vunpack.i.l.s16.s32 v12;
	[tilespmem:s14+$0x20] =	vst v3;
	v3 =	vld [tilespmem:s13+$0x60]  }
0x30: {  	s20 =	sadd.s32 $0x80, s13;
	s18 =	smov.u32 s14;
	s17 =	smov.u32 s14;
	v5 =	vld [tilespmem:s13+$0xFFFFFE00];
	[tilespmem:s14+$0xFFFFFFB0] =	vst v11;
	v10 =	vpack.i.b32.b16 v10, v9;
	v9 =	vunpack.i.u.s16.s32 v13;
	v11 =	vunpack.i.l.s16.s32 v13  }
.LBB1_4:
0x31: {  	v12 =	vld [tilespmem:s20+$0xFFFFFE70];
	[tilespmem:s18+$0x30] =	vst v10;
	v8 =	vpack.i.b32.b16 v11, v8;
	v10 =	vunpack.i.u.s16.s32 v4;
	v4 =	vunpack.i.l.s16.s32 v4  }
0x32: {  	s19 =	sadd.s32 $0x2, s19;
	v7 =	vpack.i.b32.b16 v9, v7;
	v11 =	vld [tilespmem:s20+$0x70];
	[tilespmem:s18+$0xFFFFFFC0] =	vst v8;
	v8 =	vunpack.i.u.s16.s32 v6;
	v6 =	vunpack.i.l.s16.s32 v6  }
0x33: {  	p0 =	slt.u32 s19, $0x6;
	v9 =	vld [tilespmem:s20+$0x0];
	[tilespmem:s18+$0x40] =	vst v7;
	v4 =	vpack.i.b32.b16 v6, v4;
	v6 =	vunpack.i.u.s16.s32 v2;
	v2 =	vunpack.i.l.s16.s32 v2  }
0x34: {  	v7 =	vld [tilespmem:s20+$0xFFFFFE10];
	[tilespmem:s18+$0xFFFFFFD0] =	vst v4;
	v4 =	vpack.i.b32.b16 v8, v10;
	v8 =	vunpack.i.u.s16.s32 v3;
	v3 =	vunpack.i.l.s16.s32 v3  }
0x35: {  	v10 =	vld [tilespmem:s20+$0x10];
	v13 =	vunpack.i.u.s16.s32 v5;
	v5 =	vunpack.i.l.s16.s32 v5;
	[tilespmem:s18+$0x50] =	vst v4;
	v2 =	vpack.i.b32.b16 v3, v2  }
0x36: {  	v3 =	vld [tilespmem:s20+$0xFFFFFE20];
	v4 =	vunpack.i.l.s16.s32 v12;
	v1 =	vpack.i.b32.b16 v1, v5;
	v5 =	vpack.i.b32.b16 v0, v13;
	[tilespmem:s18+$0xFFFFFFE0] =	vst v2  }
0x37: {  	v12 =	vunpack.i.u.s16.s32 v12;
	v2 =	vld [tilespmem:s20+$0x20];
	v13 =	vunpack.i.u.s16.s32 v11;
	v11 =	vunpack.i.l.s16.s32 v11;
	[tilespmem:s18+$0xFFFFFF80] =	vst v1  }
0x38: {  	s18 =	sadd.s32 $0x100, s18;
	v0 =	vunpack.i.u.s16.s32 v9;
	v1 =	vunpack.i.l.s16.s32 v9;
	v9 =	vld [tilespmem:s20+$0xFFFFFE30];
	v12 =	vpack.i.b32.b16 v13, v12;
	[tilespmem:s17+$0x0] =	vst v5  }
0x39: {  	v6 =	vpack.i.b32.b16 v8, v6;
	v5 =	vunpack.i.u.s16.s32 v7;
	v7 =	vunpack.i.l.s16.s32 v7;
	v13 =	vld [tilespmem:s20+$0x30];
	[tilespmem:s18+$0x70] =	vst v12  }
0x3a: {  	v4 =	vpack.i.b32.b16 v11, v4;
	v8 =	vunpack.i.u.s16.s32 v10;
	v10 =	vunpack.i.l.s16.s32 v10;
	v12 =	vld [tilespmem:s20+$0xFFFFFE40];
	[tilespmem:s17+$0x60] =	vst v6;
	s17 =	smov.u32 s18  }
0x3b: {  	v6 =	vpack.i.b32.b16 v10, v7;
	v7 =	vunpack.i.u.s16.s32 v3;
	v3 =	vunpack.i.l.s16.s32 v3;
	v11 =	vld [tilespmem:s20+$0x40];
	[tilespmem:s18+$0xFFFFFFF0] =	vst v4  }
.Ltmp3:
0x3c: {  	v5 =	vpack.i.b32.b16 v8, v5;
	[tilespmem:s18+$0xFFFFFF90] =	vst v6;
	v8 =	vunpack.i.u.s16.s32 v2;
	v2 =	vunpack.i.l.s16.s32 v2;
	v4 =	vld [tilespmem:s20+$0xFFFFFE50];
	(pc) =	sbr.rel @p0 .LBB1_4-.Ltmp3, $4  }
0x3d: {  	[tilespmem:s18+$0x10] =	vst v5;
	v2 =	vpack.i.b32.b16 v2, v3;
	v10 =	vunpack.i.u.s16.s32 v9;
	v3 =	vunpack.i.l.s16.s32 v9;
	v6 =	vld [tilespmem:s20+$0x50]  }
0x3e: {  	v5 =	vpack.i.b32.b16 v8, v7;
	[tilespmem:s18+$0xFFFFFFA0] =	vst v2;
	v9 =	vunpack.i.u.s16.s32 v13;
	v7 =	vunpack.i.l.s16.s32 v13;
	v2 =	vld [tilespmem:s20+$0xFFFFFE60]  }
0x3f: {  	[tilespmem:s18+$0x20] =	vst v5;
	v13 =	vpack.i.b32.b16 v7, v3;
	v7 =	vunpack.i.u.s16.s32 v12;
	v8 =	vunpack.i.l.s16.s32 v12;
	v3 =	vld [tilespmem:s20+$0x60]  }
0x40: {  	v10 =	vpack.i.b32.b16 v9, v10;
	v5 =	vld [tilespmem:s20+$0xFFFFFE00];
	[tilespmem:s18+$0xFFFFFFB0] =	vst v13;
	v9 =	vunpack.i.u.s16.s32 v11;
	v11 =	vunpack.i.l.s16.s32 v11;
	s20 =	sadd.s32 $0x80, s20  }
0x41: {  	[tilespmem:s18+$0x30] =	vst v10;
	v8 =	vpack.i.b32.b16 v11, v8  }
0x42: {  	v51 =	vunpack.i.l.s16.s32 v4;
	v7 =	vpack.i.b32.b16 v9, v7;
	[tilespmem:s18+$0xFFFFFFC0] =	vst v8;
	v52 =	vunpack.i.l.s16.s32 v6  }
0x43: {  	v53 =	vunpack.i.u.s16.s32 v4;
	s16 =	sadd.s32 $0x1, s16;
	v54 =	vunpack.i.u.s16.s32 v6;
	[tilespmem:s18+$0x40] =	vst v7;
	v55 =	vpack.i.b32.b16 v52, v51  }
0x44: {  	p0 =	sne.s32 s16, $0x10;
	v56 =	vunpack.i.l.s16.s32 v2;
	v4 =	vpack.i.b32.b16 v54, v53;
	[tilespmem:s18+$0xFFFFFFD0] =	vst v55;
	v57 =	vunpack.i.l.s16.s32 v3  }
.Ltmp4:
0x45: {  	[tilespmem:s18+$0x50] =	vst v4;
	v58 =	vunpack.i.l.s16.s32 v5;
	v59 =	vpack.i.b32.b16 v57, v56;
	(pc) =	sbr.rel @p0 .LBB1_3-.Ltmp4, $4  }
0x46: {  	v61 =	vunpack.i.u.s16.s32 v2;
	v62 =	vunpack.i.u.s16.s32 v3;
	v1 =	vpack.i.b32.b16 v1, v58;
	[tilespmem:s18+$0xFFFFFFE0] =	vst v59  }
0x47: {  	v60 =	vunpack.i.u.s16.s32 v5;
	v63 =	vpack.i.b32.b16 v62, v61;
	[tilespmem:s18+$0xFFFFFF80] =	vst v1  }
0x48: {  	v0 =	vpack.i.b32.b16 v0, v60;
	[tilespmem:s17+$0x60] =	vst v63  }
0x49: {  	s13 =	sadd.s32 $0x400, s13;
	s14 =	sadd.s32 $0x400, s14;
	[tilespmem:s17+$0x0] =	vst v0  }
.Ltmp5:
0x4a: {  	(pc) =	sbr.rel .LBB1_7-.Ltmp5, $4  }
0x4b: {  	_ = 	snop  }
0x4c: {  	s12 =	sshll.u32 s12, $0x7  }
0x4d: {  	s12 =	sadd.s32 s4, s12  }
0x4e: {  	[hbm4b:s12+s8] =	stream.linear.scatter [tilespmem:s15], [sflag:$0x2], $0x4000, $0x38;
	[tilespmem:$0x10000] =	vst v63  }
.LBB1_8:
0x4f: {  	_ =	sfence.sel $0x180000  }
0x50: {  	s2 =	simm.s32 $0x1;
	[bflag:$0x0] =	sbarrier.arrive $0xFFFF  }
0x51: {  	s31 =	simm.s32 $0x2;
	[sflag:s2] =	ssyncpa.u1 $0x1  }
0x52: {  	[sflag:s31] =	ssyncpa.u1 $0x1  }
0x53: {  	p0 =	sne.s32 s0, $0x0;
	_ =	strace $0x90000047  }
0x54: {  	s0 =	sadd.s32 @!p0 $0x100000, s1;
	[bflag:$0x2] =	sbarrier.arrive $0xFFFF  }
0x55: {  	[sflag:s0] =	ssyncadd.tile.s32 @!p0 $0x1;
	_ =	shalt  }
.Lfunc_end1:
_tile_overlayer_lowered:
.L_overlay_start_2:
0x56: {  	(tag) =	ssettag $0x2  }
0x57: {  	s0 =	rddreg [dreg:$0x0];
	s2 =	stileid.u32  }
0x58: {  	s1 =	rddreg [dreg:$0x1];
	p0 =	sne.s32 s2, $0x0  }
0x59: {  	s3 =	rddreg [dreg:$0x2];
	[bflag:$0x3] =	sbarrier.arrive $0xFFFF;
	s2 =	simm.s32 @!p0 $0x1C01  }
0x5a: {  	[timem:s3], [sflag:s2] =	dma.local @!p0 [hbm:s0], s1  }
0x5b: {  	s0 =	simm.s32 @!p0 $0x1  }
0x5c: {  	_ =	swait.ge @!p0 [sflag:s0], s1  }
0x5d: {  	s1 =	ssub.s32 @!p0 $0x0, s1;
	[sflag:s0] =	ssyncset.done @!p0 $0x0  }
0x5e: {  	[sflag:s0] =	ssyncadd.s32 @!p0 s1  }
0x5f: {  	[bflag:$0x3] =	sbarrier.arrive $0xFFFF  }
0x60: {  	_ =	shalt  }

</sc_bundles>
